<compile_context>
chip_gen: v7x
topology: tpu7x:2x2x1
jax: 0.10.2.dev20260603
libtpu: 0.0.44.dev20260713+nightly
codegen_flags: <defaults>
</compile_context>

<pallas_src>
import functools
import math

import jax
import jax.numpy as jnp
from jax import lax
from jax.experimental import pallas as pl
from jax.experimental.pallas import tpu as pltpu
from jax.experimental.pallas import tpu_sc as plsc

VOCAB_SIZE = 1000000
D = 64
SCALE = math.sqrt(D)

NC = 2
NS = 16
NW = NC * NS

I, J = 4096, 200
IT, IL = I // 128, 128
JT, JS = J // 8, 8
G = IT * JT * JS
GPW = G // NW
PPW = GPW // 2

NR = 4


def _embed_body(idx_hbm, table_hbm, out_hbm,
                idx_v, r0, r1, r2, r3, rm0, rm1,
                semg0, semg1, semg2, semg3, sems0, sems1):
    rbufs = (r0, r1, r2, r3)
    rms = (rm0, rm1)
    gsems = (semg0, semg1, semg2, semg3)
    ssems = (sems0, sems1)

    wid = lax.axis_index("s") * NC + lax.axis_index("c")
    base_g = wid * GPW

    pltpu.sync_copy(idx_hbm.at[pl.ds(base_g * 128, GPW * 128)], idx_v)

    def start_gather(p, a):
        pltpu.async_copy(
            table_hbm.at[idx_v.at[pl.ds(p * 256, 256)]], rbufs[a], gsems[a])

    def wait_gather(a):
        pltpu.make_async_copy(
            table_hbm.at[pl.ds(0, 256)], rbufs[a], gsems[a]).wait()

    def wait_stores(s):
        pltpu.make_async_copy(
            rms[s].at[:, :, pl.ds(0, IL)],
            out_hbm.at[pl.ds(0, 8), 0], ssems[s]).wait()

    iota = lax.iota(jnp.int32, 16)

    start_gather(0, 0)
    start_gather(1, 1)
    start_gather(2, 2)

    @pl.loop(0, PPW, step=NR)
    def _(p0):
        for a in range(NR):
            p = p0 + a

            wait_gather(a)
            rb = rbufs[a]

            for s in range(2):
                rbh = rb.at[pl.ds(s * 128, 128)]
                rmx = rms[s]

                @pl.when(p >= 1)
                def _():
                    wait_stores(s)

                @plsc.parallel_loop(0, 128, unroll=8)
                def _(il):
                    colv = jnp.full((16,), il, jnp.int32)
                    vals = [rbh[il, pl.ds(q * 16, 16)] for q in range(4)]
                    for q in range(4):
                        dv = iota + q * 16
                        plsc.store_scatter(
                            rmx, [dv >> 3, dv & 7, colv], vals[q] * SCALE)

                g = base_g + 2 * p + s
                jt = g >> 8
                it = (g >> 3) & 31
                js = g & 7
                row_base = jt * 64 + js * 8
                pltpu.async_copy(
                    rmx.at[:, :, pl.ds(0, IL)],
                    out_hbm.at[pl.ds(row_base, 8), it], ssems[s])

            @pl.when(p + 3 < PPW)
            def _():
                start_gather(p + 3, (a + 3) % NR)

    wait_stores(0)
    wait_stores(1)


def kernel(x, table):
    assert x.shape == (I, J) and table.shape == (VOCAB_SIZE, D)
    xp = (x.astype(jnp.int32)
          .reshape(IT, IL, JT, JS)
          .transpose(2, 0, 3, 1)
          .reshape(-1))

    mesh = plsc.VectorSubcoreMesh(core_axis_name="c", subcore_axis_name="s")
    out4 = pl.kernel(
        _embed_body,
        out_type=jax.ShapeDtypeStruct((J * 8, IT, 8, IL), jnp.float32),
        mesh=mesh,
        compiler_params=pltpu.CompilerParams(
            use_tc_tiling_on_sc=False, needs_layout_passes=False),
        scratch_types=[
            pltpu.VMEM((GPW * 128,), jnp.int32),
            pltpu.VMEM((256, D), jnp.float32),
            pltpu.VMEM((256, D), jnp.float32),
            pltpu.VMEM((256, D), jnp.float32),
            pltpu.VMEM((256, D), jnp.float32),
            pltpu.VMEM((8, 8, 136), jnp.float32),
            pltpu.VMEM((8, 8, 136), jnp.float32),
            pltpu.SemaphoreType.DMA,
            pltpu.SemaphoreType.DMA,
            pltpu.SemaphoreType.DMA,
            pltpu.SemaphoreType.DMA,
            pltpu.SemaphoreType.DMA,
            pltpu.SemaphoreType.DMA,
        ],
    )(xp, table)
    return (out4.reshape(J, 8, IT, 8, IL)
            .transpose(2, 4, 0, 1, 3)
            .reshape(I, J, D))

# --- scband reference (transcript-rebuilt; emitter-appended) ---
"""Pipeline reference for scband-token-embedding-68702296867348 (READ-ONLY COPY).

The authoritative reference and input builder live on the scoring server;
editing this copy changes nothing except your own understanding.
"""

import jax, jax.numpy as jnp
import numpy as np
import math

VOCAB = 1000000
EMBED_DIM = 64

def setup_inputs(seed: int = 0) -> dict:
    key = jax.random.key(seed)
    k1, k2 = jax.random.split(key)
    x = jax.random.randint(k1, (4096, 200), 0, VOCAB, dtype=jnp.int64 if jax.config.jax_enable_x64 else jnp.int32)
    table = jax.random.normal(k2, (VOCAB, EMBED_DIM), dtype=jnp.float32)
    return {"x": x, "table": table}

def reference(x, table):
    # TokenEmbedding.forward: self.embed(x) * sqrt(embedding_dimension)
    emb = jnp.take(table, x, axis=0)
    return emb * math.sqrt(EMBED_DIM)

if __name__ == "__main__":
    import jax
    _d = setup_inputs()
    print(jax.jit(kernel)(*tuple(_d.values())))

</pallas_src>

<mosaic_0001>
#map = affine_map<(d0, d1) -> (0)>
#map1 = affine_map<(d0, d1) -> (0, 0)>
#map2 = affine_map<(d0, d1) -> (0, 0, 0, 0)>
module attributes {stable_mosaic.version = 14 : i64} {
  func.func @_embed_body(%arg0: i32, %arg1: i32, %arg2: memref<819200xi32, #tpu.memory_space<hbm>>, %arg3: memref<1000000x64xf32, #tpu.memory_space<hbm>>, %arg4: memref<1600x32x8x128xf32, #tpu.memory_space<hbm>>, %arg5: memref<25600xi32, #tpu.memory_space<vmem>>, %arg6: memref<256x64xf32, #tpu.memory_space<vmem>>, %arg7: memref<256x64xf32, #tpu.memory_space<vmem>>, %arg8: memref<256x64xf32, #tpu.memory_space<vmem>>, %arg9: memref<256x64xf32, #tpu.memory_space<vmem>>, %arg10: memref<8x8x136xf32, #tpu.memory_space<vmem>>, %arg11: memref<8x8x136xf32, #tpu.memory_space<vmem>>, %arg12: memref<!tpu.dma_semaphore, #tpu.memory_space<semaphore_mem>>, %arg13: memref<!tpu.dma_semaphore, #tpu.memory_space<semaphore_mem>>, %arg14: memref<!tpu.dma_semaphore, #tpu.memory_space<semaphore_mem>>, %arg15: memref<!tpu.dma_semaphore, #tpu.memory_space<semaphore_mem>>, %arg16: memref<!tpu.dma_semaphore, #tpu.memory_space<semaphore_mem>>, %arg17: memref<!tpu.dma_semaphore, #tpu.memory_space<semaphore_mem>>) attributes {dimension_semantics = [#tpu.dimension_semantics<core_parallel>, #tpu.dimension_semantics<subcore_parallel>], iteration_bounds = array<i64: 2, 16>, scalar_prefetch = 0 : i64, scratch_operands = 13 : i64, tpu.core_type = #tpu.core_type<sc_vector_subcore>, window_params = [{transform_indices = #map}, {transform_indices = #map1}, {transform_indices = #map2}]} {
    %mul3A = arith.constant 2 : i32
    %mul3A_0 = arith.muli %arg1, %mul3A : i32
    %add3A = arith.addi %mul3A_0, %arg0 : i32
    %mul3A_1 = arith.constant 200 : i32
    %mul3A_2 = arith.muli %add3A, %mul3A_1 : i32
    %mul3A_3 = arith.constant 128 : i32
    %mul3A_4 = arith.muli %mul3A_2, %mul3A_3 : i32
    "tpu.region"() ({
      %run_scoped3A = tpu.sem_alloc : memref<!tpu.dma_semaphore, #tpu.memory_space<semaphore_mem>>
      %dma_start3A_60 = tpu.memref_slice %arg2[%mul3A_4] : memref<819200xi32, #tpu.memory_space<hbm>> -> memref<25600xi32, #tpu.memory_space<hbm>>
      %dma_start3A_61 = tpu.memref_slice %arg2[%mul3A_4] : memref<819200xi32, #tpu.memory_space<hbm>> -> memref<25600xi32, #tpu.memory_space<hbm>>
      tpu.enqueue_dma source(%dma_start3A_61 : memref<25600xi32, #tpu.memory_space<hbm>>) target(%arg5 : memref<25600xi32, #tpu.memory_space<vmem>>) target_semaphore(%run_scoped3A : memref<!tpu.dma_semaphore, #tpu.memory_space<semaphore_mem>>)
      %dma_wait3A_62 = tpu.memref_slice %arg2[%mul3A_4] : memref<819200xi32, #tpu.memory_space<hbm>> -> memref<25600xi32, #tpu.memory_space<hbm>>
      %dma_wait3A_63 = tpu.memref_slice %arg2[%mul3A_4] : memref<819200xi32, #tpu.memory_space<hbm>> -> memref<25600xi32, #tpu.memory_space<hbm>>
      tpu.wait_dma2 semaphore(%run_scoped3A : memref<!tpu.dma_semaphore, #tpu.memory_space<semaphore_mem>>) src(%dma_wait3A_63 : memref<25600xi32, #tpu.memory_space<hbm>>) dst(%arg5 : memref<25600xi32, #tpu.memory_space<vmem>>)
      tpu.yield
    }) : () -> ()
    %iota3A = tpu.iota {dimensions = array<i32: 0>} : vector<16xi32>
    %dma_start3A = arith.constant 0 : i32
    %dma_start3A_5 = tpu.memref_slice %arg5[%dma_start3A] : memref<25600xi32, #tpu.memory_space<vmem>> -> memref<256xi32, #tpu.memory_space<vmem>>
    %dma_start3A_6 = arith.constant 0 : i32
    %dma_start3A_7 = arith.constant 0 : i32
    %dma_start3A_8 = tpu.memref_slice %arg3[%dma_start3A_6, %dma_start3A_7] : memref<1000000x64xf32, #tpu.memory_space<hbm>> -> memref<1000000x64xf32, #tpu.memory_space<hbm>>
    tpu.enqueue_indirect_dma source(%dma_start3A_8 : memref<1000000x64xf32, #tpu.memory_space<hbm>>) target(%arg6 : memref<256x64xf32, #tpu.memory_space<vmem>>) offsets(%dma_start3A_5 : memref<256xi32, #tpu.memory_space<vmem>>) semaphore(%arg12 : memref<!tpu.dma_semaphore, #tpu.memory_space<semaphore_mem>>)
    %dma_start3A_9 = arith.constant 256 : i32
    %dma_start3A_10 = tpu.memref_slice %arg5[%dma_start3A_9] : memref<25600xi32, #tpu.memory_space<vmem>> -> memref<256xi32, #tpu.memory_space<vmem>>
    %dma_start3A_11 = arith.constant 0 : i32
    %dma_start3A_12 = arith.constant 0 : i32
    %dma_start3A_13 = tpu.memref_slice %arg3[%dma_start3A_11, %dma_start3A_12] : memref<1000000x64xf32, #tpu.memory_space<hbm>> -> memref<1000000x64xf32, #tpu.memory_space<hbm>>
    tpu.enqueue_indirect_dma source(%dma_start3A_13 : memref<1000000x64xf32, #tpu.memory_space<hbm>>) target(%arg7 : memref<256x64xf32, #tpu.memory_space<vmem>>) offsets(%dma_start3A_10 : memref<256xi32, #tpu.memory_space<vmem>>) semaphore(%arg13 : memref<!tpu.dma_semaphore, #tpu.memory_space<semaphore_mem>>)
    %dma_start3A_14 = arith.constant 512 : i32
    %dma_start3A_15 = tpu.memref_slice %arg5[%dma_start3A_14] : memref<25600xi32, #tpu.memory_space<vmem>> -> memref<256xi32, #tpu.memory_space<vmem>>
    %dma_start3A_16 = arith.constant 0 : i32
    %dma_start3A_17 = arith.constant 0 : i32
    %dma_start3A_18 = tpu.memref_slice %arg3[%dma_start3A_16, %dma_start3A_17] : memref<1000000x64xf32, #tpu.memory_space<hbm>> -> memref<1000000x64xf32, #tpu.memory_space<hbm>>
    tpu.enqueue_indirect_dma source(%dma_start3A_18 : memref<1000000x64xf32, #tpu.memory_space<hbm>>) target(%arg8 : memref<256x64xf32, #tpu.memory_space<vmem>>) offsets(%dma_start3A_15 : memref<256xi32, #tpu.memory_space<vmem>>) semaphore(%arg14 : memref<!tpu.dma_semaphore, #tpu.memory_space<semaphore_mem>>)
    %scan3A = arith.constant 0 : i32
    %scan3A_19 = arith.constant 25 : i32
    %scan3A_20 = arith.addi %scan3A, %scan3A_19 : i32
    %scan3A_21 = arith.constant 1 : i32
    scf.for %scan3A_60 = %scan3A to %scan3A_20 step %scan3A_21  : i32 {
      %mul3A_61 = arith.constant 4 : i32
      %mul3A_62 = arith.muli %scan3A_60, %mul3A_61 : i32
      %add3A_63 = arith.constant 0 : i32
      %add3A_64 = arith.addi %add3A_63, %mul3A_62 : i32
      %add3A_65 = arith.constant 0 : i32
      %add3A_66 = arith.addi %add3A_64, %add3A_65 : i32
      %dma_wait3A_67 = arith.constant 0 : i32
      %dma_wait3A_68 = arith.constant 0 : i32
      %dma_wait3A_69 = tpu.memref_slice %arg3[%dma_wait3A_67, %dma_wait3A_68] : memref<1000000x64xf32, #tpu.memory_space<hbm>> -> memref<256x64xf32, #tpu.memory_space<hbm>>
      %dma_wait3A_70 = arith.constant 0 : i32
      %dma_wait3A_71 = arith.constant 0 : i32
      %dma_wait3A_72 = tpu.memref_slice %arg3[%dma_wait3A_70, %dma_wait3A_71] : memref<1000000x64xf32, #tpu.memory_space<hbm>> -> memref<256x64xf32, #tpu.memory_space<hbm>>
      tpu.wait_dma2 semaphore(%arg12 : memref<!tpu.dma_semaphore, #tpu.memory_space<semaphore_mem>>) src(%dma_wait3A_72 : memref<256x64xf32, #tpu.memory_space<hbm>>) dst(%arg6 : memref<256x64xf32, #tpu.memory_space<vmem>>)
      %ge3A = arith.constant 1 : i32
      %ge3A_73 = arith.cmpi sge, %add3A_66, %ge3A : i32
      %convert_element_type3A = arith.extui %ge3A_73 : i1 to i32
      %cond3A = arith.constant 0 : i32
      %cond3A_74 = arith.cmpi ne, %convert_element_type3A, %cond3A : i32
      scf.if %cond3A_74 {
        %dma_wait3A_454 = arith.constant 0 : i32
        %dma_wait3A_455 = arith.constant 0 : i32
        %dma_wait3A_456 = arith.constant 0 : i32
        %dma_wait3A_457 = arith.constant 0 : i32
        %dma_wait3A_458 = tpu.memref_slice %arg10[%dma_wait3A_455, %dma_wait3A_456, %dma_wait3A_457] : memref<8x8x136xf32, #tpu.memory_space<vmem>> -> memref<8x8x128xf32, #tpu.memory_space<vmem>>
        %dma_wait3A_459 = arith.constant 0 : i32
        %dma_wait3A_460 = arith.constant 0 : i32
        %dma_wait3A_461 = arith.constant 0 : i32
        %dma_wait3A_462 = tpu.memref_slice %arg4[%dma_wait3A_459, %dma_wait3A_454, %dma_wait3A_460, %dma_wait3A_461] : memref<1600x32x8x128xf32, #tpu.memory_space<hbm>> -> memref<8x1x8x128xf32, #tpu.memory_space<hbm>>
        %dma_wait3A_463 = tpu.memref_squeeze %dma_wait3A_462 : memref<8x1x8x128xf32, #tpu.memory_space<hbm>> -> memref<8x8x128xf32, #tpu.memory_space<hbm>>
        %dma_wait3A_464 = arith.constant 0 : i32
        %dma_wait3A_465 = arith.constant 0 : i32
        %dma_wait3A_466 = arith.constant 0 : i32
        %dma_wait3A_467 = tpu.memref_slice %arg4[%dma_wait3A_464, %dma_wait3A_454, %dma_wait3A_465, %dma_wait3A_466] : memref<1600x32x8x128xf32, #tpu.memory_space<hbm>> -> memref<8x1x8x128xf32, #tpu.memory_space<hbm>>
        %dma_wait3A_468 = tpu.memref_squeeze %dma_wait3A_467 : memref<8x1x8x128xf32, #tpu.memory_space<hbm>> -> memref<8x8x128xf32, #tpu.memory_space<hbm>>
        %dma_wait3A_469 = arith.constant 0 : i32
        %dma_wait3A_470 = arith.constant 0 : i32
        %dma_wait3A_471 = arith.constant 0 : i32
        %dma_wait3A_472 = tpu.memref_slice %arg10[%dma_wait3A_469, %dma_wait3A_470, %dma_wait3A_471] : memref<8x8x136xf32, #tpu.memory_space<vmem>> -> memref<8x8x128xf32, #tpu.memory_space<vmem>>
        tpu.wait_dma2 semaphore(%arg16 : memref<!tpu.dma_semaphore, #tpu.memory_space<semaphore_mem>>) src(%dma_wait3A_472 : memref<8x8x128xf32, #tpu.memory_space<vmem>>) dst(%dma_wait3A_468 : memref<8x8x128xf32, #tpu.memory_space<hbm>>)
      } else {
      }
      %parallel_loop3A = arith.constant 0 : i32
      %parallel_loop3A_75 = arith.constant 128 : i32
      %parallel_loop3A_76 = arith.constant 1 : i32
      scf.for %parallel_loop3A_454 = %parallel_loop3A to %parallel_loop3A_75 step %parallel_loop3A_76  : i32 {
        %parallel_loop3A_455 = vector.broadcast %parallel_loop3A_454 : i32 to vector<16xi32>
        %parallel_loop3A_456 = arith.constant 0 : i32
        %parallel_loop3A_457 = arith.constant 0 : i32
        %parallel_loop3A_458 = tpu.memref_slice %arg6[%parallel_loop3A_456, %parallel_loop3A_457] : memref<256x64xf32, #tpu.memory_space<vmem>> -> memref<128x64xf32, #tpu.memory_space<vmem>>
        %parallel_loop3A_459 = arith.index_cast %parallel_loop3A_454 : i32 to index
        %parallel_loop3A_460 = arith.constant 0 : index
        %parallel_loop3A_461 = tpu.vector_load %parallel_loop3A_458[%parallel_loop3A_459, %parallel_loop3A_460] {strides = array<i32>} : memref<128x64xf32, #tpu.memory_space<vmem>>, vector<16xf32>,
        %parallel_loop3A_462 = arith.constant 0 : i32
        %parallel_loop3A_463 = arith.constant 0 : i32
        %parallel_loop3A_464 = tpu.memref_slice %arg6[%parallel_loop3A_462, %parallel_loop3A_463] : memref<256x64xf32, #tpu.memory_space<vmem>> -> memref<128x64xf32, #tpu.memory_space<vmem>>
        %parallel_loop3A_465 = arith.index_cast %parallel_loop3A_454 : i32 to index
        %parallel_loop3A_466 = arith.constant 16 : index
        %parallel_loop3A_467 = tpu.vector_load %parallel_loop3A_464[%parallel_loop3A_465, %parallel_loop3A_466] {strides = array<i32>} : memref<128x64xf32, #tpu.memory_space<vmem>>, vector<16xf32>,
        %parallel_loop3A_468 = arith.constant 0 : i32
        %parallel_loop3A_469 = arith.constant 0 : i32
        %parallel_loop3A_470 = tpu.memref_slice %arg6[%parallel_loop3A_468, %parallel_loop3A_469] : memref<256x64xf32, #tpu.memory_space<vmem>> -> memref<128x64xf32, #tpu.memory_space<vmem>>
        %parallel_loop3A_471 = arith.index_cast %parallel_loop3A_454 : i32 to index
        %parallel_loop3A_472 = arith.constant 32 : index
        %parallel_loop3A_473 = tpu.vector_load %parallel_loop3A_470[%parallel_loop3A_471, %parallel_loop3A_472] {strides = array<i32>} : memref<128x64xf32, #tpu.memory_space<vmem>>, vector<16xf32>,
        %parallel_loop3A_474 = arith.constant 0 : i32
        %parallel_loop3A_475 = arith.constant 0 : i32
        %parallel_loop3A_476 = tpu.memref_slice %arg6[%parallel_loop3A_474, %parallel_loop3A_475] : memref<256x64xf32, #tpu.memory_space<vmem>> -> memref<128x64xf32, #tpu.memory_space<vmem>>
        %parallel_loop3A_477 = arith.index_cast %parallel_loop3A_454 : i32 to index
        %parallel_loop3A_478 = arith.constant 48 : index
        %parallel_loop3A_479 = tpu.vector_load %parallel_loop3A_476[%parallel_loop3A_477, %parallel_loop3A_478] {strides = array<i32>} : memref<128x64xf32, #tpu.memory_space<vmem>>, vector<16xf32>,
        %parallel_loop3A_480 = arith.constant 0 : i32
        %parallel_loop3A_481 = vector.broadcast %parallel_loop3A_480 : i32 to vector<16xi32>
        %parallel_loop3A_482 = arith.addi %iota3A, %parallel_loop3A_481 : vector<16xi32>
        %parallel_loop3A_483 = arith.constant 3 : i32
        %parallel_loop3A_484 = vector.broadcast %parallel_loop3A_483 : i32 to vector<16xi32>
        %parallel_loop3A_485 = arith.shrsi %parallel_loop3A_482, %parallel_loop3A_484 : vector<16xi32>
        %parallel_loop3A_486 = arith.constant 7 : i32
        %parallel_loop3A_487 = vector.broadcast %parallel_loop3A_486 : i32 to vector<16xi32>
        %parallel_loop3A_488 = arith.andi %parallel_loop3A_482, %parallel_loop3A_487 : vector<16xi32>
        %parallel_loop3A_489 = arith.constant 8.000000e+00 : f32
        %parallel_loop3A_490 = vector.broadcast %parallel_loop3A_489 : f32 to vector<16xf32>
        %parallel_loop3A_491 = arith.mulf %parallel_loop3A_461, %parallel_loop3A_490 : vector<16xf32>
        tpu.vector_store_idx %arg10[%parallel_loop3A_485, %parallel_loop3A_488, %parallel_loop3A_455], %parallel_loop3A_491 : memref<8x8x136xf32, #tpu.memory_space<vmem>>[vector<16xi32>, vector<16xi32>, vector<16xi32>], vector<16xf32>,
        %parallel_loop3A_492 = arith.constant 16 : i32
        %parallel_loop3A_493 = vector.broadcast %parallel_loop3A_492 : i32 to vector<16xi32>
        %parallel_loop3A_494 = arith.addi %iota3A, %parallel_loop3A_493 : vector<16xi32>
        %parallel_loop3A_495 = arith.constant 3 : i32
        %parallel_loop3A_496 = vector.broadcast %parallel_loop3A_495 : i32 to vector<16xi32>
        %parallel_loop3A_497 = arith.shrsi %parallel_loop3A_494, %parallel_loop3A_496 : vector<16xi32>
        %parallel_loop3A_498 = arith.constant 7 : i32
        %parallel_loop3A_499 = vector.broadcast %parallel_loop3A_498 : i32 to vector<16xi32>
        %parallel_loop3A_500 = arith.andi %parallel_loop3A_494, %parallel_loop3A_499 : vector<16xi32>
        %parallel_loop3A_501 = arith.constant 8.000000e+00 : f32
        %parallel_loop3A_502 = vector.broadcast %parallel_loop3A_501 : f32 to vector<16xf32>
        %parallel_loop3A_503 = arith.mulf %parallel_loop3A_467, %parallel_loop3A_502 : vector<16xf32>
        tpu.vector_store_idx %arg10[%parallel_loop3A_497, %parallel_loop3A_500, %parallel_loop3A_455], %parallel_loop3A_503 : memref<8x8x136xf32, #tpu.memory_space<vmem>>[vector<16xi32>, vector<16xi32>, vector<16xi32>], vector<16xf32>,
        %parallel_loop3A_504 = arith.constant 32 : i32
        %parallel_loop3A_505 = vector.broadcast %parallel_loop3A_504 : i32 to vector<16xi32>
        %parallel_loop3A_506 = arith.addi %iota3A, %parallel_loop3A_505 : vector<16xi32>
        %parallel_loop3A_507 = arith.constant 3 : i32
        %parallel_loop3A_508 = vector.broadcast %parallel_loop3A_507 : i32 to vector<16xi32>
        %parallel_loop3A_509 = arith.shrsi %parallel_loop3A_506, %parallel_loop3A_508 : vector<16xi32>
        %parallel_loop3A_510 = arith.constant 7 : i32
        %parallel_loop3A_511 = vector.broadcast %parallel_loop3A_510 : i32 to vector<16xi32>
        %parallel_loop3A_512 = arith.andi %parallel_loop3A_506, %parallel_loop3A_511 : vector<16xi32>
        %parallel_loop3A_513 = arith.constant 8.000000e+00 : f32
        %parallel_loop3A_514 = vector.broadcast %parallel_loop3A_513 : f32 to vector<16xf32>
        %parallel_loop3A_515 = arith.mulf %parallel_loop3A_473, %parallel_loop3A_514 : vector<16xf32>
        tpu.vector_store_idx %arg10[%parallel_loop3A_509, %parallel_loop3A_512, %parallel_loop3A_455], %parallel_loop3A_515 : memref<8x8x136xf32, #tpu.memory_space<vmem>>[vector<16xi32>, vector<16xi32>, vector<16xi32>], vector<16xf32>,
        %parallel_loop3A_516 = arith.constant 48 : i32
        %parallel_loop3A_517 = vector.broadcast %parallel_loop3A_516 : i32 to vector<16xi32>
        %parallel_loop3A_518 = arith.addi %iota3A, %parallel_loop3A_517 : vector<16xi32>
        %parallel_loop3A_519 = arith.constant 3 : i32
        %parallel_loop3A_520 = vector.broadcast %parallel_loop3A_519 : i32 to vector<16xi32>
        %parallel_loop3A_521 = arith.shrsi %parallel_loop3A_518, %parallel_loop3A_520 : vector<16xi32>
        %parallel_loop3A_522 = arith.constant 7 : i32
        %parallel_loop3A_523 = vector.broadcast %parallel_loop3A_522 : i32 to vector<16xi32>
        %parallel_loop3A_524 = arith.andi %parallel_loop3A_518, %parallel_loop3A_523 : vector<16xi32>
        %parallel_loop3A_525 = arith.constant 8.000000e+00 : f32
        %parallel_loop3A_526 = vector.broadcast %parallel_loop3A_525 : f32 to vector<16xf32>
        %parallel_loop3A_527 = arith.mulf %parallel_loop3A_479, %parallel_loop3A_526 : vector<16xf32>
        tpu.vector_store_idx %arg10[%parallel_loop3A_521, %parallel_loop3A_524, %parallel_loop3A_455], %parallel_loop3A_527 : memref<8x8x136xf32, #tpu.memory_space<vmem>>[vector<16xi32>, vector<16xi32>, vector<16xi32>], vector<16xf32>,
      } {sc.loop_unroll_factor = 8 : i64, sc.parallel_access}
      %mul3A_77 = arith.constant 2 : i32
      %mul3A_78 = arith.muli %mul3A_77, %add3A_66 : i32
      %add3A_79 = arith.addi %mul3A_2, %mul3A_78 : i32
      %add3A_80 = arith.constant 0 : i32
      %add3A_81 = arith.addi %add3A_79, %add3A_80 : i32
      %shift_right_arithmetic3A = arith.constant 8 : i32
      %shift_right_arithmetic3A_82 = arith.shrsi %add3A_81, %shift_right_arithmetic3A : i32
      %shift_right_arithmetic3A_83 = arith.constant 3 : i32
      %shift_right_arithmetic3A_84 = arith.shrsi %add3A_81, %shift_right_arithmetic3A_83 : i32
      %and3A = arith.constant 31 : i32
      %and3A_85 = arith.andi %shift_right_arithmetic3A_84, %and3A : i32
      %and3A_86 = arith.constant 7 : i32
      %and3A_87 = arith.andi %add3A_81, %and3A_86 : i32
      %mul3A_88 = arith.constant 64 : i32
      %mul3A_89 = arith.muli %shift_right_arithmetic3A_82, %mul3A_88 : i32
      %mul3A_90 = arith.constant 8 : i32
      %mul3A_91 = arith.muli %and3A_87, %mul3A_90 : i32
      %add3A_92 = arith.addi %mul3A_89, %mul3A_91 : i32
      %dma_start3A_93 = arith.constant 0 : i32
      %dma_start3A_94 = arith.constant 0 : i32
      %dma_start3A_95 = arith.constant 0 : i32
      %dma_start3A_96 = tpu.memref_slice %arg10[%dma_start3A_93, %dma_start3A_94, %dma_start3A_95] : memref<8x8x136xf32, #tpu.memory_space<vmem>> -> memref<8x8x128xf32, #tpu.memory_space<vmem>>
      %dma_start3A_97 = arith.constant 0 : i32
      %dma_start3A_98 = arith.constant 0 : i32
      %dma_start3A_99 = tpu.memref_slice %arg4[%add3A_92, %and3A_85, %dma_start3A_97, %dma_start3A_98] : memref<1600x32x8x128xf32, #tpu.memory_space<hbm>> -> memref<8x1x8x128xf32, #tpu.memory_space<hbm>>
      %dma_start3A_100 = tpu.memref_squeeze %dma_start3A_99 : memref<8x1x8x128xf32, #tpu.memory_space<hbm>> -> memref<8x8x128xf32, #tpu.memory_space<hbm>>
      %dma_start3A_101 = arith.constant 0 : i32
      %dma_start3A_102 = arith.constant 0 : i32
      %dma_start3A_103 = tpu.memref_slice %arg4[%add3A_92, %and3A_85, %dma_start3A_101, %dma_start3A_102] : memref<1600x32x8x128xf32, #tpu.memory_space<hbm>> -> memref<8x1x8x128xf32, #tpu.memory_space<hbm>>
      %dma_start3A_104 = tpu.memref_squeeze %dma_start3A_103 : memref<8x1x8x128xf32, #tpu.memory_space<hbm>> -> memref<8x8x128xf32, #tpu.memory_space<hbm>>
      %dma_start3A_105 = arith.constant 0 : i32
      %dma_start3A_106 = arith.constant 0 : i32
      %dma_start3A_107 = arith.constant 0 : i32
      %dma_start3A_108 = tpu.memref_slice %arg10[%dma_start3A_105, %dma_start3A_106, %dma_start3A_107] : memref<8x8x136xf32, #tpu.memory_space<vmem>> -> memref<8x8x128xf32, #tpu.memory_space<vmem>>
      tpu.enqueue_dma source(%dma_start3A_108 : memref<8x8x128xf32, #tpu.memory_space<vmem>>) target(%dma_start3A_104 : memref<8x8x128xf32, #tpu.memory_space<hbm>>) target_semaphore(%arg16 : memref<!tpu.dma_semaphore, #tpu.memory_space<semaphore_mem>>)
      %ge3A_109 = arith.constant 1 : i32
      %ge3A_110 = arith.cmpi sge, %add3A_66, %ge3A_109 : i32
      %convert_element_type3A_111 = arith.extui %ge3A_110 : i1 to i32
      %cond3A_112 = arith.constant 0 : i32
      %cond3A_113 = arith.cmpi ne, %convert_element_type3A_111, %cond3A_112 : i32
      scf.if %cond3A_113 {
        %dma_wait3A_454 = arith.constant 0 : i32
        %dma_wait3A_455 = arith.constant 0 : i32
        %dma_wait3A_456 = arith.constant 0 : i32
        %dma_wait3A_457 = arith.constant 0 : i32
        %dma_wait3A_458 = tpu.memref_slice %arg11[%dma_wait3A_455, %dma_wait3A_456, %dma_wait3A_457] : memref<8x8x136xf32, #tpu.memory_space<vmem>> -> memref<8x8x128xf32, #tpu.memory_space<vmem>>
        %dma_wait3A_459 = arith.constant 0 : i32
        %dma_wait3A_460 = arith.constant 0 : i32
        %dma_wait3A_461 = arith.constant 0 : i32
        %dma_wait3A_462 = tpu.memref_slice %arg4[%dma_wait3A_459, %dma_wait3A_454, %dma_wait3A_460, %dma_wait3A_461] : memref<1600x32x8x128xf32, #tpu.memory_space<hbm>> -> memref<8x1x8x128xf32, #tpu.memory_space<hbm>>
        %dma_wait3A_463 = tpu.memref_squeeze %dma_wait3A_462 : memref<8x1x8x128xf32, #tpu.memory_space<hbm>> -> memref<8x8x128xf32, #tpu.memory_space<hbm>>
        %dma_wait3A_464 = arith.constant 0 : i32
        %dma_wait3A_465 = arith.constant 0 : i32
        %dma_wait3A_466 = arith.constant 0 : i32
        %dma_wait3A_467 = tpu.memref_slice %arg4[%dma_wait3A_464, %dma_wait3A_454, %dma_wait3A_465, %dma_wait3A_466] : memref<1600x32x8x128xf32, #tpu.memory_space<hbm>> -> memref<8x1x8x128xf32, #tpu.memory_space<hbm>>
        %dma_wait3A_468 = tpu.memref_squeeze %dma_wait3A_467 : memref<8x1x8x128xf32, #tpu.memory_space<hbm>> -> memref<8x8x128xf32, #tpu.memory_space<hbm>>
        %dma_wait3A_469 = arith.constant 0 : i32
        %dma_wait3A_470 = arith.constant 0 : i32
        %dma_wait3A_471 = arith.constant 0 : i32
        %dma_wait3A_472 = tpu.memref_slice %arg11[%dma_wait3A_469, %dma_wait3A_470, %dma_wait3A_471] : memref<8x8x136xf32, #tpu.memory_space<vmem>> -> memref<8x8x128xf32, #tpu.memory_space<vmem>>
        tpu.wait_dma2 semaphore(%arg17 : memref<!tpu.dma_semaphore, #tpu.memory_space<semaphore_mem>>) src(%dma_wait3A_472 : memref<8x8x128xf32, #tpu.memory_space<vmem>>) dst(%dma_wait3A_468 : memref<8x8x128xf32, #tpu.memory_space<hbm>>)
      } else {
      }
      %parallel_loop3A_114 = arith.constant 0 : i32
      %parallel_loop3A_115 = arith.constant 128 : i32
      %parallel_loop3A_116 = arith.constant 1 : i32
      scf.for %parallel_loop3A_454 = %parallel_loop3A_114 to %parallel_loop3A_115 step %parallel_loop3A_116  : i32 {
        %parallel_loop3A_455 = vector.broadcast %parallel_loop3A_454 : i32 to vector<16xi32>
        %parallel_loop3A_456 = arith.constant 128 : i32
        %parallel_loop3A_457 = arith.constant 0 : i32
        %parallel_loop3A_458 = tpu.memref_slice %arg6[%parallel_loop3A_456, %parallel_loop3A_457] : memref<256x64xf32, #tpu.memory_space<vmem>> -> memref<128x64xf32, #tpu.memory_space<vmem>>
        %parallel_loop3A_459 = arith.index_cast %parallel_loop3A_454 : i32 to index
        %parallel_loop3A_460 = arith.constant 0 : index
        %parallel_loop3A_461 = tpu.vector_load %parallel_loop3A_458[%parallel_loop3A_459, %parallel_loop3A_460] {strides = array<i32>} : memref<128x64xf32, #tpu.memory_space<vmem>>, vector<16xf32>,
        %parallel_loop3A_462 = arith.constant 128 : i32
        %parallel_loop3A_463 = arith.constant 0 : i32
        %parallel_loop3A_464 = tpu.memref_slice %arg6[%parallel_loop3A_462, %parallel_loop3A_463] : memref<256x64xf32, #tpu.memory_space<vmem>> -> memref<128x64xf32, #tpu.memory_space<vmem>>
        %parallel_loop3A_465 = arith.index_cast %parallel_loop3A_454 : i32 to index
        %parallel_loop3A_466 = arith.constant 16 : index
        %parallel_loop3A_467 = tpu.vector_load %parallel_loop3A_464[%parallel_loop3A_465, %parallel_loop3A_466] {strides = array<i32>} : memref<128x64xf32, #tpu.memory_space<vmem>>, vector<16xf32>,
        %parallel_loop3A_468 = arith.constant 128 : i32
        %parallel_loop3A_469 = arith.constant 0 : i32
        %parallel_loop3A_470 = tpu.memref_slice %arg6[%parallel_loop3A_468, %parallel_loop3A_469] : memref<256x64xf32, #tpu.memory_space<vmem>> -> memref<128x64xf32, #tpu.memory_space<vmem>>
        %parallel_loop3A_471 = arith.index_cast %parallel_loop3A_454 : i32 to index
        %parallel_loop3A_472 = arith.constant 32 : index
        %parallel_loop3A_473 = tpu.vector_load %parallel_loop3A_470[%parallel_loop3A_471, %parallel_loop3A_472] {strides = array<i32>} : memref<128x64xf32, #tpu.memory_space<vmem>>, vector<16xf32>,
        %parallel_loop3A_474 = arith.constant 128 : i32
        %parallel_loop3A_475 = arith.constant 0 : i32
        %parallel_loop3A_476 = tpu.memref_slice %arg6[%parallel_loop3A_474, %parallel_loop3A_475] : memref<256x64xf32, #tpu.memory_space<vmem>> -> memref<128x64xf32, #tpu.memory_space<vmem>>
        %parallel_loop3A_477 = arith.index_cast %parallel_loop3A_454 : i32 to index
        %parallel_loop3A_478 = arith.constant 48 : index
        %parallel_loop3A_479 = tpu.vector_load %parallel_loop3A_476[%parallel_loop3A_477, %parallel_loop3A_478] {strides = array<i32>} : memref<128x64xf32, #tpu.memory_space<vmem>>, vector<16xf32>,
        %parallel_loop3A_480 = arith.constant 0 : i32
        %parallel_loop3A_481 = vector.broadcast %parallel_loop3A_480 : i32 to vector<16xi32>
        %parallel_loop3A_482 = arith.addi %iota3A, %parallel_loop3A_481 : vector<16xi32>
        %parallel_loop3A_483 = arith.constant 3 : i32
        %parallel_loop3A_484 = vector.broadcast %parallel_loop3A_483 : i32 to vector<16xi32>
        %parallel_loop3A_485 = arith.shrsi %parallel_loop3A_482, %parallel_loop3A_484 : vector<16xi32>
        %parallel_loop3A_486 = arith.constant 7 : i32
        %parallel_loop3A_487 = vector.broadcast %parallel_loop3A_486 : i32 to vector<16xi32>
        %parallel_loop3A_488 = arith.andi %parallel_loop3A_482, %parallel_loop3A_487 : vector<16xi32>
        %parallel_loop3A_489 = arith.constant 8.000000e+00 : f32
        %parallel_loop3A_490 = vector.broadcast %parallel_loop3A_489 : f32 to vector<16xf32>
        %parallel_loop3A_491 = arith.mulf %parallel_loop3A_461, %parallel_loop3A_490 : vector<16xf32>
        tpu.vector_store_idx %arg11[%parallel_loop3A_485, %parallel_loop3A_488, %parallel_loop3A_455], %parallel_loop3A_491 : memref<8x8x136xf32, #tpu.memory_space<vmem>>[vector<16xi32>, vector<16xi32>, vector<16xi32>], vector<16xf32>,
        %parallel_loop3A_492 = arith.constant 16 : i32
        %parallel_loop3A_493 = vector.broadcast %parallel_loop3A_492 : i32 to vector<16xi32>
        %parallel_loop3A_494 = arith.addi %iota3A, %parallel_loop3A_493 : vector<16xi32>
        %parallel_loop3A_495 = arith.constant 3 : i32
        %parallel_loop3A_496 = vector.broadcast %parallel_loop3A_495 : i32 to vector<16xi32>
        %parallel_loop3A_497 = arith.shrsi %parallel_loop3A_494, %parallel_loop3A_496 : vector<16xi32>
        %parallel_loop3A_498 = arith.constant 7 : i32
        %parallel_loop3A_499 = vector.broadcast %parallel_loop3A_498 : i32 to vector<16xi32>
        %parallel_loop3A_500 = arith.andi %parallel_loop3A_494, %parallel_loop3A_499 : vector<16xi32>
        %parallel_loop3A_501 = arith.constant 8.000000e+00 : f32
        %parallel_loop3A_502 = vector.broadcast %parallel_loop3A_501 : f32 to vector<16xf32>
        %parallel_loop3A_503 = arith.mulf %parallel_loop3A_467, %parallel_loop3A_502 : vector<16xf32>
        tpu.vector_store_idx %arg11[%parallel_loop3A_497, %parallel_loop3A_500, %parallel_loop3A_455], %parallel_loop3A_503 : memref<8x8x136xf32, #tpu.memory_space<vmem>>[vector<16xi32>, vector<16xi32>, vector<16xi32>], vector<16xf32>,
        %parallel_loop3A_504 = arith.constant 32 : i32
        %parallel_loop3A_505 = vector.broadcast %parallel_loop3A_504 : i32 to vector<16xi32>
        %parallel_loop3A_506 = arith.addi %iota3A, %parallel_loop3A_505 : vector<16xi32>
        %parallel_loop3A_507 = arith.constant 3 : i32
        %parallel_loop3A_508 = vector.broadcast %parallel_loop3A_507 : i32 to vector<16xi32>
        %parallel_loop3A_509 = arith.shrsi %parallel_loop3A_506, %parallel_loop3A_508 : vector<16xi32>
        %parallel_loop3A_510 = arith.constant 7 : i32
        %parallel_loop3A_511 = vector.broadcast %parallel_loop3A_510 : i32 to vector<16xi32>
        %parallel_loop3A_512 = arith.andi %parallel_loop3A_506, %parallel_loop3A_511 : vector<16xi32>
        %parallel_loop3A_513 = arith.constant 8.000000e+00 : f32
        %parallel_loop3A_514 = vector.broadcast %parallel_loop3A_513 : f32 to vector<16xf32>
        %parallel_loop3A_515 = arith.mulf %parallel_loop3A_473, %parallel_loop3A_514 : vector<16xf32>
        tpu.vector_store_idx %arg11[%parallel_loop3A_509, %parallel_loop3A_512, %parallel_loop3A_455], %parallel_loop3A_515 : memref<8x8x136xf32, #tpu.memory_space<vmem>>[vector<16xi32>, vector<16xi32>, vector<16xi32>], vector<16xf32>,
        %parallel_loop3A_516 = arith.constant 48 : i32
        %parallel_loop3A_517 = vector.broadcast %parallel_loop3A_516 : i32 to vector<16xi32>
        %parallel_loop3A_518 = arith.addi %iota3A, %parallel_loop3A_517 : vector<16xi32>
        %parallel_loop3A_519 = arith.constant 3 : i32
        %parallel_loop3A_520 = vector.broadcast %parallel_loop3A_519 : i32 to vector<16xi32>
        %parallel_loop3A_521 = arith.shrsi %parallel_loop3A_518, %parallel_loop3A_520 : vector<16xi32>
        %parallel_loop3A_522 = arith.constant 7 : i32
        %parallel_loop3A_523 = vector.broadcast %parallel_loop3A_522 : i32 to vector<16xi32>
        %parallel_loop3A_524 = arith.andi %parallel_loop3A_518, %parallel_loop3A_523 : vector<16xi32>
        %parallel_loop3A_525 = arith.constant 8.000000e+00 : f32
        %parallel_loop3A_526 = vector.broadcast %parallel_loop3A_525 : f32 to vector<16xf32>
        %parallel_loop3A_527 = arith.mulf %parallel_loop3A_479, %parallel_loop3A_526 : vector<16xf32>
        tpu.vector_store_idx %arg11[%parallel_loop3A_521, %parallel_loop3A_524, %parallel_loop3A_455], %parallel_loop3A_527 : memref<8x8x136xf32, #tpu.memory_space<vmem>>[vector<16xi32>, vector<16xi32>, vector<16xi32>], vector<16xf32>,
      } {sc.loop_unroll_factor = 8 : i64, sc.parallel_access}
      %mul3A_117 = arith.constant 2 : i32
      %mul3A_118 = arith.muli %mul3A_117, %add3A_66 : i32
      %add3A_119 = arith.addi %mul3A_2, %mul3A_118 : i32
      %add3A_120 = arith.constant 1 : i32
      %add3A_121 = arith.addi %add3A_119, %add3A_120 : i32
      %shift_right_arithmetic3A_122 = arith.constant 8 : i32
      %shift_right_arithmetic3A_123 = arith.shrsi %add3A_121, %shift_right_arithmetic3A_122 : i32
      %shift_right_arithmetic3A_124 = arith.constant 3 : i32
      %shift_right_arithmetic3A_125 = arith.shrsi %add3A_121, %shift_right_arithmetic3A_124 : i32
      %and3A_126 = arith.constant 31 : i32
      %and3A_127 = arith.andi %shift_right_arithmetic3A_125, %and3A_126 : i32
      %and3A_128 = arith.constant 7 : i32
      %and3A_129 = arith.andi %add3A_121, %and3A_128 : i32
      %mul3A_130 = arith.constant 64 : i32
      %mul3A_131 = arith.muli %shift_right_arithmetic3A_123, %mul3A_130 : i32
      %mul3A_132 = arith.constant 8 : i32
      %mul3A_133 = arith.muli %and3A_129, %mul3A_132 : i32
      %add3A_134 = arith.addi %mul3A_131, %mul3A_133 : i32
      %dma_start3A_135 = arith.constant 0 : i32
      %dma_start3A_136 = arith.constant 0 : i32
      %dma_start3A_137 = arith.constant 0 : i32
      %dma_start3A_138 = tpu.memref_slice %arg11[%dma_start3A_135, %dma_start3A_136, %dma_start3A_137] : memref<8x8x136xf32, #tpu.memory_space<vmem>> -> memref<8x8x128xf32, #tpu.memory_space<vmem>>
      %dma_start3A_139 = arith.constant 0 : i32
      %dma_start3A_140 = arith.constant 0 : i32
      %dma_start3A_141 = tpu.memref_slice %arg4[%add3A_134, %and3A_127, %dma_start3A_139, %dma_start3A_140] : memref<1600x32x8x128xf32, #tpu.memory_space<hbm>> -> memref<8x1x8x128xf32, #tpu.memory_space<hbm>>
      %dma_start3A_142 = tpu.memref_squeeze %dma_start3A_141 : memref<8x1x8x128xf32, #tpu.memory_space<hbm>> -> memref<8x8x128xf32, #tpu.memory_space<hbm>>
      %dma_start3A_143 = arith.constant 0 : i32
      %dma_start3A_144 = arith.constant 0 : i32
      %dma_start3A_145 = tpu.memref_slice %arg4[%add3A_134, %and3A_127, %dma_start3A_143, %dma_start3A_144] : memref<1600x32x8x128xf32, #tpu.memory_space<hbm>> -> memref<8x1x8x128xf32, #tpu.memory_space<hbm>>
      %dma_start3A_146 = tpu.memref_squeeze %dma_start3A_145 : memref<8x1x8x128xf32, #tpu.memory_space<hbm>> -> memref<8x8x128xf32, #tpu.memory_space<hbm>>
      %dma_start3A_147 = arith.constant 0 : i32
      %dma_start3A_148 = arith.constant 0 : i32
      %dma_start3A_149 = arith.constant 0 : i32
      %dma_start3A_150 = tpu.memref_slice %arg11[%dma_start3A_147, %dma_start3A_148, %dma_start3A_149] : memref<8x8x136xf32, #tpu.memory_space<vmem>> -> memref<8x8x128xf32, #tpu.memory_space<vmem>>
      tpu.enqueue_dma source(%dma_start3A_150 : memref<8x8x128xf32, #tpu.memory_space<vmem>>) target(%dma_start3A_146 : memref<8x8x128xf32, #tpu.memory_space<hbm>>) target_semaphore(%arg17 : memref<!tpu.dma_semaphore, #tpu.memory_space<semaphore_mem>>)
      %add3A_151 = arith.constant 3 : i32
      %add3A_152 = arith.addi %add3A_66, %add3A_151 : i32
      %lt3A = arith.constant 100 : i32
      %lt3A_153 = arith.cmpi slt, %add3A_152, %lt3A : i32
      %convert_element_type3A_154 = arith.extui %lt3A_153 : i1 to i32
      %cond3A_155 = arith.constant 0 : i32
      %cond3A_156 = arith.cmpi ne, %convert_element_type3A_154, %cond3A_155 : i32
      scf.if %cond3A_156 {
        %add3A_454 = arith.constant 3 : i32
        %add3A_455 = arith.addi %add3A_66, %add3A_454 : i32
        %mul3A_456 = arith.constant 256 : i32
        %mul3A_457 = arith.muli %add3A_455, %mul3A_456 : i32
        %dma_start3A_458 = tpu.memref_slice %arg5[%mul3A_457] : memref<25600xi32, #tpu.memory_space<vmem>> -> memref<256xi32, #tpu.memory_space<vmem>>
        %dma_start3A_459 = arith.constant 0 : i32
        %dma_start3A_460 = arith.constant 0 : i32
        %dma_start3A_461 = tpu.memref_slice %arg3[%dma_start3A_459, %dma_start3A_460] : memref<1000000x64xf32, #tpu.memory_space<hbm>> -> memref<1000000x64xf32, #tpu.memory_space<hbm>>
        tpu.enqueue_indirect_dma source(%dma_start3A_461 : memref<1000000x64xf32, #tpu.memory_space<hbm>>) target(%arg9 : memref<256x64xf32, #tpu.memory_space<vmem>>) offsets(%dma_start3A_458 : memref<256xi32, #tpu.memory_space<vmem>>) semaphore(%arg15 : memref<!tpu.dma_semaphore, #tpu.memory_space<semaphore_mem>>)
      } else {
      }
      %add3A_157 = arith.constant 1 : i32
      %add3A_158 = arith.addi %add3A_64, %add3A_157 : i32
      %dma_wait3A_159 = arith.constant 0 : i32
      %dma_wait3A_160 = arith.constant 0 : i32
      %dma_wait3A_161 = tpu.memref_slice %arg3[%dma_wait3A_159, %dma_wait3A_160] : memref<1000000x64xf32, #tpu.memory_space<hbm>> -> memref<256x64xf32, #tpu.memory_space<hbm>>
      %dma_wait3A_162 = arith.constant 0 : i32
      %dma_wait3A_163 = arith.constant 0 : i32
      %dma_wait3A_164 = tpu.memref_slice %arg3[%dma_wait3A_162, %dma_wait3A_163] : memref<1000000x64xf32, #tpu.memory_space<hbm>> -> memref<256x64xf32, #tpu.memory_space<hbm>>
      tpu.wait_dma2 semaphore(%arg13 : memref<!tpu.dma_semaphore, #tpu.memory_space<semaphore_mem>>) src(%dma_wait3A_164 : memref<256x64xf32, #tpu.memory_space<hbm>>) dst(%arg7 : memref<256x64xf32, #tpu.memory_space<vmem>>)
      %ge3A_165 = arith.constant 1 : i32
      %ge3A_166 = arith.cmpi sge, %add3A_158, %ge3A_165 : i32
      %convert_element_type3A_167 = arith.extui %ge3A_166 : i1 to i32
      %cond3A_168 = arith.constant 0 : i32
      %cond3A_169 = arith.cmpi ne, %convert_element_type3A_167, %cond3A_168 : i32
      scf.if %cond3A_169 {
        %dma_wait3A_454 = arith.constant 0 : i32
        %dma_wait3A_455 = arith.constant 0 : i32
        %dma_wait3A_456 = arith.constant 0 : i32
        %dma_wait3A_457 = arith.constant 0 : i32
        %dma_wait3A_458 = tpu.memref_slice %arg10[%dma_wait3A_455, %dma_wait3A_456, %dma_wait3A_457] : memref<8x8x136xf32, #tpu.memory_space<vmem>> -> memref<8x8x128xf32, #tpu.memory_space<vmem>>
        %dma_wait3A_459 = arith.constant 0 : i32
        %dma_wait3A_460 = arith.constant 0 : i32
        %dma_wait3A_461 = arith.constant 0 : i32
        %dma_wait3A_462 = tpu.memref_slice %arg4[%dma_wait3A_459, %dma_wait3A_454, %dma_wait3A_460, %dma_wait3A_461] : memref<1600x32x8x128xf32, #tpu.memory_space<hbm>> -> memref<8x1x8x128xf32, #tpu.memory_space<hbm>>
        %dma_wait3A_463 = tpu.memref_squeeze %dma_wait3A_462 : memref<8x1x8x128xf32, #tpu.memory_space<hbm>> -> memref<8x8x128xf32, #tpu.memory_space<hbm>>
        %dma_wait3A_464 = arith.constant 0 : i32
        %dma_wait3A_465 = arith.constant 0 : i32
        %dma_wait3A_466 = arith.constant 0 : i32
        %dma_wait3A_467 = tpu.memref_slice %arg4[%dma_wait3A_464, %dma_wait3A_454, %dma_wait3A_465, %dma_wait3A_466] : memref<1600x32x8x128xf32, #tpu.memory_space<hbm>> -> memref<8x1x8x128xf32, #tpu.memory_space<hbm>>
        %dma_wait3A_468 = tpu.memref_squeeze %dma_wait3A_467 : memref<8x1x8x128xf32, #tpu.memory_space<hbm>> -> memref<8x8x128xf32, #tpu.memory_space<hbm>>
        %dma_wait3A_469 = arith.constant 0 : i32
        %dma_wait3A_470 = arith.constant 0 : i32
        %dma_wait3A_471 = arith.constant 0 : i32
        %dma_wait3A_472 = tpu.memref_slice %arg10[%dma_wait3A_469, %dma_wait3A_470, %dma_wait3A_471] : memref<8x8x136xf32, #tpu.memory_space<vmem>> -> memref<8x8x128xf32, #tpu.memory_space<vmem>>
        tpu.wait_dma2 semaphore(%arg16 : memref<!tpu.dma_semaphore, #tpu.memory_space<semaphore_mem>>) src(%dma_wait3A_472 : memref<8x8x128xf32, #tpu.memory_space<vmem>>) dst(%dma_wait3A_468 : memref<8x8x128xf32, #tpu.memory_space<hbm>>)
      } else {
      }
      %parallel_loop3A_170 = arith.constant 0 : i32
      %parallel_loop3A_171 = arith.constant 128 : i32
      %parallel_loop3A_172 = arith.constant 1 : i32
      scf.for %parallel_loop3A_454 = %parallel_loop3A_170 to %parallel_loop3A_171 step %parallel_loop3A_172  : i32 {
        %parallel_loop3A_455 = vector.broadcast %parallel_loop3A_454 : i32 to vector<16xi32>
        %parallel_loop3A_456 = arith.constant 0 : i32
        %parallel_loop3A_457 = arith.constant 0 : i32
        %parallel_loop3A_458 = tpu.memref_slice %arg7[%parallel_loop3A_456, %parallel_loop3A_457] : memref<256x64xf32, #tpu.memory_space<vmem>> -> memref<128x64xf32, #tpu.memory_space<vmem>>
        %parallel_loop3A_459 = arith.index_cast %parallel_loop3A_454 : i32 to index
        %parallel_loop3A_460 = arith.constant 0 : index
        %parallel_loop3A_461 = tpu.vector_load %parallel_loop3A_458[%parallel_loop3A_459, %parallel_loop3A_460] {strides = array<i32>} : memref<128x64xf32, #tpu.memory_space<vmem>>, vector<16xf32>,
        %parallel_loop3A_462 = arith.constant 0 : i32
        %parallel_loop3A_463 = arith.constant 0 : i32
        %parallel_loop3A_464 = tpu.memref_slice %arg7[%parallel_loop3A_462, %parallel_loop3A_463] : memref<256x64xf32, #tpu.memory_space<vmem>> -> memref<128x64xf32, #tpu.memory_space<vmem>>
        %parallel_loop3A_465 = arith.index_cast %parallel_loop3A_454 : i32 to index
        %parallel_loop3A_466 = arith.constant 16 : index
        %parallel_loop3A_467 = tpu.vector_load %parallel_loop3A_464[%parallel_loop3A_465, %parallel_loop3A_466] {strides = array<i32>} : memref<128x64xf32, #tpu.memory_space<vmem>>, vector<16xf32>,
        %parallel_loop3A_468 = arith.constant 0 : i32
        %parallel_loop3A_469 = arith.constant 0 : i32
        %parallel_loop3A_470 = tpu.memref_slice %arg7[%parallel_loop3A_468, %parallel_loop3A_469] : memref<256x64xf32, #tpu.memory_space<vmem>> -> memref<128x64xf32, #tpu.memory_space<vmem>>
        %parallel_loop3A_471 = arith.index_cast %parallel_loop3A_454 : i32 to index
        %parallel_loop3A_472 = arith.constant 32 : index
        %parallel_loop3A_473 = tpu.vector_load %parallel_loop3A_470[%parallel_loop3A_471, %parallel_loop3A_472] {strides = array<i32>} : memref<128x64xf32, #tpu.memory_space<vmem>>, vector<16xf32>,
        %parallel_loop3A_474 = arith.constant 0 : i32
        %parallel_loop3A_475 = arith.constant 0 : i32
        %parallel_loop3A_476 = tpu.memref_slice %arg7[%parallel_loop3A_474, %parallel_loop3A_475] : memref<256x64xf32, #tpu.memory_space<vmem>> -> memref<128x64xf32, #tpu.memory_space<vmem>>
        %parallel_loop3A_477 = arith.index_cast %parallel_loop3A_454 : i32 to index
        %parallel_loop3A_478 = arith.constant 48 : index
        %parallel_loop3A_479 = tpu.vector_load %parallel_loop3A_476[%parallel_loop3A_477, %parallel_loop3A_478] {strides = array<i32>} : memref<128x64xf32, #tpu.memory_space<vmem>>, vector<16xf32>,
        %parallel_loop3A_480 = arith.constant 0 : i32
        %parallel_loop3A_481 = vector.broadcast %parallel_loop3A_480 : i32 to vector<16xi32>
        %parallel_loop3A_482 = arith.addi %iota3A, %parallel_loop3A_481 : vector<16xi32>
        %parallel_loop3A_483 = arith.constant 3 : i32
        %parallel_loop3A_484 = vector.broadcast %parallel_loop3A_483 : i32 to vector<16xi32>
        %parallel_loop3A_485 = arith.shrsi %parallel_loop3A_482, %parallel_loop3A_484 : vector<16xi32>
        %parallel_loop3A_486 = arith.constant 7 : i32
        %parallel_loop3A_487 = vector.broadcast %parallel_loop3A_486 : i32 to vector<16xi32>
        %parallel_loop3A_488 = arith.andi %parallel_loop3A_482, %parallel_loop3A_487 : vector<16xi32>
        %parallel_loop3A_489 = arith.constant 8.000000e+00 : f32
        %parallel_loop3A_490 = vector.broadcast %parallel_loop3A_489 : f32 to vector<16xf32>
        %parallel_loop3A_491 = arith.mulf %parallel_loop3A_461, %parallel_loop3A_490 : vector<16xf32>
        tpu.vector_store_idx %arg10[%parallel_loop3A_485, %parallel_loop3A_488, %parallel_loop3A_455], %parallel_loop3A_491 : memref<8x8x136xf32, #tpu.memory_space<vmem>>[vector<16xi32>, vector<16xi32>, vector<16xi32>], vector<16xf32>,
        %parallel_loop3A_492 = arith.constant 16 : i32
        %parallel_loop3A_493 = vector.broadcast %parallel_loop3A_492 : i32 to vector<16xi32>
        %parallel_loop3A_494 = arith.addi %iota3A, %parallel_loop3A_493 : vector<16xi32>
        %parallel_loop3A_495 = arith.constant 3 : i32
        %parallel_loop3A_496 = vector.broadcast %parallel_loop3A_495 : i32 to vector<16xi32>
        %parallel_loop3A_497 = arith.shrsi %parallel_loop3A_494, %parallel_loop3A_496 : vector<16xi32>
        %parallel_loop3A_498 = arith.constant 7 : i32
        %parallel_loop3A_499 = vector.broadcast %parallel_loop3A_498 : i32 to vector<16xi32>
        %parallel_loop3A_500 = arith.andi %parallel_loop3A_494, %parallel_loop3A_499 : vector<16xi32>
        %parallel_loop3A_501 = arith.constant 8.000000e+00 : f32
        %parallel_loop3A_502 = vector.broadcast %parallel_loop3A_501 : f32 to vector<16xf32>
        %parallel_loop3A_503 = arith.mulf %parallel_loop3A_467, %parallel_loop3A_502 : vector<16xf32>
        tpu.vector_store_idx %arg10[%parallel_loop3A_497, %parallel_loop3A_500, %parallel_loop3A_455], %parallel_loop3A_503 : memref<8x8x136xf32, #tpu.memory_space<vmem>>[vector<16xi32>, vector<16xi32>, vector<16xi32>], vector<16xf32>,
        %parallel_loop3A_504 = arith.constant 32 : i32
        %parallel_loop3A_505 = vector.broadcast %parallel_loop3A_504 : i32 to vector<16xi32>
        %parallel_loop3A_506 = arith.addi %iota3A, %parallel_loop3A_505 : vector<16xi32>
        %parallel_loop3A_507 = arith.constant 3 : i32
        %parallel_loop3A_508 = vector.broadcast %parallel_loop3A_507 : i32 to vector<16xi32>
        %parallel_loop3A_509 = arith.shrsi %parallel_loop3A_506, %parallel_loop3A_508 : vector<16xi32>
        %parallel_loop3A_510 = arith.constant 7 : i32
        %parallel_loop3A_511 = vector.broadcast %parallel_loop3A_510 : i32 to vector<16xi32>
        %parallel_loop3A_512 = arith.andi %parallel_loop3A_506, %parallel_loop3A_511 : vector<16xi32>
        %parallel_loop3A_513 = arith.constant 8.000000e+00 : f32
        %parallel_loop3A_514 = vector.broadcast %parallel_loop3A_513 : f32 to vector<16xf32>
        %parallel_loop3A_515 = arith.mulf %parallel_loop3A_473, %parallel_loop3A_514 : vector<16xf32>
        tpu.vector_store_idx %arg10[%parallel_loop3A_509, %parallel_loop3A_512, %parallel_loop3A_455], %parallel_loop3A_515 : memref<8x8x136xf32, #tpu.memory_space<vmem>>[vector<16xi32>, vector<16xi32>, vector<16xi32>], vector<16xf32>,
        %parallel_loop3A_516 = arith.constant 48 : i32
        %parallel_loop3A_517 = vector.broadcast %parallel_loop3A_516 : i32 to vector<16xi32>
        %parallel_loop3A_518 = arith.addi %iota3A, %parallel_loop3A_517 : vector<16xi32>
        %parallel_loop3A_519 = arith.constant 3 : i32
        %parallel_loop3A_520 = vector.broadcast %parallel_loop3A_519 : i32 to vector<16xi32>
        %parallel_loop3A_521 = arith.shrsi %parallel_loop3A_518, %parallel_loop3A_520 : vector<16xi32>
        %parallel_loop3A_522 = arith.constant 7 : i32
        %parallel_loop3A_523 = vector.broadcast %parallel_loop3A_522 : i32 to vector<16xi32>
        %parallel_loop3A_524 = arith.andi %parallel_loop3A_518, %parallel_loop3A_523 : vector<16xi32>
        %parallel_loop3A_525 = arith.constant 8.000000e+00 : f32
        %parallel_loop3A_526 = vector.broadcast %parallel_loop3A_525 : f32 to vector<16xf32>
        %parallel_loop3A_527 = arith.mulf %parallel_loop3A_479, %parallel_loop3A_526 : vector<16xf32>
        tpu.vector_store_idx %arg10[%parallel_loop3A_521, %parallel_loop3A_524, %parallel_loop3A_455], %parallel_loop3A_527 : memref<8x8x136xf32, #tpu.memory_space<vmem>>[vector<16xi32>, vector<16xi32>, vector<16xi32>], vector<16xf32>,
      } {sc.loop_unroll_factor = 8 : i64, sc.parallel_access}
      %mul3A_173 = arith.constant 2 : i32
      %mul3A_174 = arith.muli %mul3A_173, %add3A_158 : i32
      %add3A_175 = arith.addi %mul3A_2, %mul3A_174 : i32
      %add3A_176 = arith.constant 0 : i32
      %add3A_177 = arith.addi %add3A_175, %add3A_176 : i32
      %shift_right_arithmetic3A_178 = arith.constant 8 : i32
      %shift_right_arithmetic3A_179 = arith.shrsi %add3A_177, %shift_right_arithmetic3A_178 : i32
      %shift_right_arithmetic3A_180 = arith.constant 3 : i32
      %shift_right_arithmetic3A_181 = arith.shrsi %add3A_177, %shift_right_arithmetic3A_180 : i32
      %and3A_182 = arith.constant 31 : i32
      %and3A_183 = arith.andi %shift_right_arithmetic3A_181, %and3A_182 : i32
      %and3A_184 = arith.constant 7 : i32
      %and3A_185 = arith.andi %add3A_177, %and3A_184 : i32
      %mul3A_186 = arith.constant 64 : i32
      %mul3A_187 = arith.muli %shift_right_arithmetic3A_179, %mul3A_186 : i32
      %mul3A_188 = arith.constant 8 : i32
      %mul3A_189 = arith.muli %and3A_185, %mul3A_188 : i32
      %add3A_190 = arith.addi %mul3A_187, %mul3A_189 : i32
      %dma_start3A_191 = arith.constant 0 : i32
      %dma_start3A_192 = arith.constant 0 : i32
      %dma_start3A_193 = arith.constant 0 : i32
      %dma_start3A_194 = tpu.memref_slice %arg10[%dma_start3A_191, %dma_start3A_192, %dma_start3A_193] : memref<8x8x136xf32, #tpu.memory_space<vmem>> -> memref<8x8x128xf32, #tpu.memory_space<vmem>>
      %dma_start3A_195 = arith.constant 0 : i32
      %dma_start3A_196 = arith.constant 0 : i32
      %dma_start3A_197 = tpu.memref_slice %arg4[%add3A_190, %and3A_183, %dma_start3A_195, %dma_start3A_196] : memref<1600x32x8x128xf32, #tpu.memory_space<hbm>> -> memref<8x1x8x128xf32, #tpu.memory_space<hbm>>
      %dma_start3A_198 = tpu.memref_squeeze %dma_start3A_197 : memref<8x1x8x128xf32, #tpu.memory_space<hbm>> -> memref<8x8x128xf32, #tpu.memory_space<hbm>>
      %dma_start3A_199 = arith.constant 0 : i32
      %dma_start3A_200 = arith.constant 0 : i32
      %dma_start3A_201 = tpu.memref_slice %arg4[%add3A_190, %and3A_183, %dma_start3A_199, %dma_start3A_200] : memref<1600x32x8x128xf32, #tpu.memory_space<hbm>> -> memref<8x1x8x128xf32, #tpu.memory_space<hbm>>
      %dma_start3A_202 = tpu.memref_squeeze %dma_start3A_201 : memref<8x1x8x128xf32, #tpu.memory_space<hbm>> -> memref<8x8x128xf32, #tpu.memory_space<hbm>>
      %dma_start3A_203 = arith.constant 0 : i32
      %dma_start3A_204 = arith.constant 0 : i32
      %dma_start3A_205 = arith.constant 0 : i32
      %dma_start3A_206 = tpu.memref_slice %arg10[%dma_start3A_203, %dma_start3A_204, %dma_start3A_205] : memref<8x8x136xf32, #tpu.memory_space<vmem>> -> memref<8x8x128xf32, #tpu.memory_space<vmem>>
      tpu.enqueue_dma source(%dma_start3A_206 : memref<8x8x128xf32, #tpu.memory_space<vmem>>) target(%dma_start3A_202 : memref<8x8x128xf32, #tpu.memory_space<hbm>>) target_semaphore(%arg16 : memref<!tpu.dma_semaphore, #tpu.memory_space<semaphore_mem>>)
      %ge3A_207 = arith.constant 1 : i32
      %ge3A_208 = arith.cmpi sge, %add3A_158, %ge3A_207 : i32
      %convert_element_type3A_209 = arith.extui %ge3A_208 : i1 to i32
      %cond3A_210 = arith.constant 0 : i32
      %cond3A_211 = arith.cmpi ne, %convert_element_type3A_209, %cond3A_210 : i32
      scf.if %cond3A_211 {
        %dma_wait3A_454 = arith.constant 0 : i32
        %dma_wait3A_455 = arith.constant 0 : i32
        %dma_wait3A_456 = arith.constant 0 : i32
        %dma_wait3A_457 = arith.constant 0 : i32
        %dma_wait3A_458 = tpu.memref_slice %arg11[%dma_wait3A_455, %dma_wait3A_456, %dma_wait3A_457] : memref<8x8x136xf32, #tpu.memory_space<vmem>> -> memref<8x8x128xf32, #tpu.memory_space<vmem>>
        %dma_wait3A_459 = arith.constant 0 : i32
        %dma_wait3A_460 = arith.constant 0 : i32
        %dma_wait3A_461 = arith.constant 0 : i32
        %dma_wait3A_462 = tpu.memref_slice %arg4[%dma_wait3A_459, %dma_wait3A_454, %dma_wait3A_460, %dma_wait3A_461] : memref<1600x32x8x128xf32, #tpu.memory_space<hbm>> -> memref<8x1x8x128xf32, #tpu.memory_space<hbm>>
        %dma_wait3A_463 = tpu.memref_squeeze %dma_wait3A_462 : memref<8x1x8x128xf32, #tpu.memory_space<hbm>> -> memref<8x8x128xf32, #tpu.memory_space<hbm>>
        %dma_wait3A_464 = arith.constant 0 : i32
        %dma_wait3A_465 = arith.constant 0 : i32
        %dma_wait3A_466 = arith.constant 0 : i32
        %dma_wait3A_467 = tpu.memref_slice %arg4[%dma_wait3A_464, %dma_wait3A_454, %dma_wait3A_465, %dma_wait3A_466] : memref<1600x32x8x128xf32, #tpu.memory_space<hbm>> -> memref<8x1x8x128xf32, #tpu.memory_space<hbm>>
        %dma_wait3A_468 = tpu.memref_squeeze %dma_wait3A_467 : memref<8x1x8x128xf32, #tpu.memory_space<hbm>> -> memref<8x8x128xf32, #tpu.memory_space<hbm>>
        %dma_wait3A_469 = arith.constant 0 : i32
        %dma_wait3A_470 = arith.constant 0 : i32
        %dma_wait3A_471 = arith.constant 0 : i32
        %dma_wait3A_472 = tpu.memref_slice %arg11[%dma_wait3A_469, %dma_wait3A_470, %dma_wait3A_471] : memref<8x8x136xf32, #tpu.memory_space<vmem>> -> memref<8x8x128xf32, #tpu.memory_space<vmem>>
        tpu.wait_dma2 semaphore(%arg17 : memref<!tpu.dma_semaphore, #tpu.memory_space<semaphore_mem>>) src(%dma_wait3A_472 : memref<8x8x128xf32, #tpu.memory_space<vmem>>) dst(%dma_wait3A_468 : memref<8x8x128xf32, #tpu.memory_space<hbm>>)
      } else {
      }
      %parallel_loop3A_212 = arith.constant 0 : i32
      %parallel_loop3A_213 = arith.constant 128 : i32
      %parallel_loop3A_214 = arith.constant 1 : i32
      scf.for %parallel_loop3A_454 = %parallel_loop3A_212 to %parallel_loop3A_213 step %parallel_loop3A_214  : i32 {
        %parallel_loop3A_455 = vector.broadcast %parallel_loop3A_454 : i32 to vector<16xi32>
        %parallel_loop3A_456 = arith.constant 128 : i32
        %parallel_loop3A_457 = arith.constant 0 : i32
        %parallel_loop3A_458 = tpu.memref_slice %arg7[%parallel_loop3A_456, %parallel_loop3A_457] : memref<256x64xf32, #tpu.memory_space<vmem>> -> memref<128x64xf32, #tpu.memory_space<vmem>>
        %parallel_loop3A_459 = arith.index_cast %parallel_loop3A_454 : i32 to index
        %parallel_loop3A_460 = arith.constant 0 : index
        %parallel_loop3A_461 = tpu.vector_load %parallel_loop3A_458[%parallel_loop3A_459, %parallel_loop3A_460] {strides = array<i32>} : memref<128x64xf32, #tpu.memory_space<vmem>>, vector<16xf32>,
        %parallel_loop3A_462 = arith.constant 128 : i32
        %parallel_loop3A_463 = arith.constant 0 : i32
        %parallel_loop3A_464 = tpu.memref_slice %arg7[%parallel_loop3A_462, %parallel_loop3A_463] : memref<256x64xf32, #tpu.memory_space<vmem>> -> memref<128x64xf32, #tpu.memory_space<vmem>>
        %parallel_loop3A_465 = arith.index_cast %parallel_loop3A_454 : i32 to index
        %parallel_loop3A_466 = arith.constant 16 : index
        %parallel_loop3A_467 = tpu.vector_load %parallel_loop3A_464[%parallel_loop3A_465, %parallel_loop3A_466] {strides = array<i32>} : memref<128x64xf32, #tpu.memory_space<vmem>>, vector<16xf32>,
        %parallel_loop3A_468 = arith.constant 128 : i32
        %parallel_loop3A_469 = arith.constant 0 : i32
        %parallel_loop3A_470 = tpu.memref_slice %arg7[%parallel_loop3A_468, %parallel_loop3A_469] : memref<256x64xf32, #tpu.memory_space<vmem>> -> memref<128x64xf32, #tpu.memory_space<vmem>>
        %parallel_loop3A_471 = arith.index_cast %parallel_loop3A_454 : i32 to index
        %parallel_loop3A_472 = arith.constant 32 : index
        %parallel_loop3A_473 = tpu.vector_load %parallel_loop3A_470[%parallel_loop3A_471, %parallel_loop3A_472] {strides = array<i32>} : memref<128x64xf32, #tpu.memory_space<vmem>>, vector<16xf32>,
        %parallel_loop3A_474 = arith.constant 128 : i32
        %parallel_loop3A_475 = arith.constant 0 : i32
        %parallel_loop3A_476 = tpu.memref_slice %arg7[%parallel_loop3A_474, %parallel_loop3A_475] : memref<256x64xf32, #tpu.memory_space<vmem>> -> memref<128x64xf32, #tpu.memory_space<vmem>>
        %parallel_loop3A_477 = arith.index_cast %parallel_loop3A_454 : i32 to index
        %parallel_loop3A_478 = arith.constant 48 : index
        %parallel_loop3A_479 = tpu.vector_load %parallel_loop3A_476[%parallel_loop3A_477, %parallel_loop3A_478] {strides = array<i32>} : memref<128x64xf32, #tpu.memory_space<vmem>>, vector<16xf32>,
        %parallel_loop3A_480 = arith.constant 0 : i32
        %parallel_loop3A_481 = vector.broadcast %parallel_loop3A_480 : i32 to vector<16xi32>
        %parallel_loop3A_482 = arith.addi %iota3A, %parallel_loop3A_481 : vector<16xi32>
        %parallel_loop3A_483 = arith.constant 3 : i32
        %parallel_loop3A_484 = vector.broadcast %parallel_loop3A_483 : i32 to vector<16xi32>
        %parallel_loop3A_485 = arith.shrsi %parallel_loop3A_482, %parallel_loop3A_484 : vector<16xi32>
        %parallel_loop3A_486 = arith.constant 7 : i32
        %parallel_loop3A_487 = vector.broadcast %parallel_loop3A_486 : i32 to vector<16xi32>
        %parallel_loop3A_488 = arith.andi %parallel_loop3A_482, %parallel_loop3A_487 : vector<16xi32>
        %parallel_loop3A_489 = arith.constant 8.000000e+00 : f32
        %parallel_loop3A_490 = vector.broadcast %parallel_loop3A_489 : f32 to vector<16xf32>
        %parallel_loop3A_491 = arith.mulf %parallel_loop3A_461, %parallel_loop3A_490 : vector<16xf32>
        tpu.vector_store_idx %arg11[%parallel_loop3A_485, %parallel_loop3A_488, %parallel_loop3A_455], %parallel_loop3A_491 : memref<8x8x136xf32, #tpu.memory_space<vmem>>[vector<16xi32>, vector<16xi32>, vector<16xi32>], vector<16xf32>,
        %parallel_loop3A_492 = arith.constant 16 : i32
        %parallel_loop3A_493 = vector.broadcast %parallel_loop3A_492 : i32 to vector<16xi32>
        %parallel_loop3A_494 = arith.addi %iota3A, %parallel_loop3A_493 : vector<16xi32>
        %parallel_loop3A_495 = arith.constant 3 : i32
        %parallel_loop3A_496 = vector.broadcast %parallel_loop3A_495 : i32 to vector<16xi32>
        %parallel_loop3A_497 = arith.shrsi %parallel_loop3A_494, %parallel_loop3A_496 : vector<16xi32>
        %parallel_loop3A_498 = arith.constant 7 : i32
        %parallel_loop3A_499 = vector.broadcast %parallel_loop3A_498 : i32 to vector<16xi32>
        %parallel_loop3A_500 = arith.andi %parallel_loop3A_494, %parallel_loop3A_499 : vector<16xi32>
        %parallel_loop3A_501 = arith.constant 8.000000e+00 : f32
        %parallel_loop3A_502 = vector.broadcast %parallel_loop3A_501 : f32 to vector<16xf32>
        %parallel_loop3A_503 = arith.mulf %parallel_loop3A_467, %parallel_loop3A_502 : vector<16xf32>
        tpu.vector_store_idx %arg11[%parallel_loop3A_497, %parallel_loop3A_500, %parallel_loop3A_455], %parallel_loop3A_503 : memref<8x8x136xf32, #tpu.memory_space<vmem>>[vector<16xi32>, vector<16xi32>, vector<16xi32>], vector<16xf32>,
        %parallel_loop3A_504 = arith.constant 32 : i32
        %parallel_loop3A_505 = vector.broadcast %parallel_loop3A_504 : i32 to vector<16xi32>
        %parallel_loop3A_506 = arith.addi %iota3A, %parallel_loop3A_505 : vector<16xi32>
        %parallel_loop3A_507 = arith.constant 3 : i32
        %parallel_loop3A_508 = vector.broadcast %parallel_loop3A_507 : i32 to vector<16xi32>
        %parallel_loop3A_509 = arith.shrsi %parallel_loop3A_506, %parallel_loop3A_508 : vector<16xi32>
        %parallel_loop3A_510 = arith.constant 7 : i32
        %parallel_loop3A_511 = vector.broadcast %parallel_loop3A_510 : i32 to vector<16xi32>
        %parallel_loop3A_512 = arith.andi %parallel_loop3A_506, %parallel_loop3A_511 : vector<16xi32>
        %parallel_loop3A_513 = arith.constant 8.000000e+00 : f32
        %parallel_loop3A_514 = vector.broadcast %parallel_loop3A_513 : f32 to vector<16xf32>
        %parallel_loop3A_515 = arith.mulf %parallel_loop3A_473, %parallel_loop3A_514 : vector<16xf32>
        tpu.vector_store_idx %arg11[%parallel_loop3A_509, %parallel_loop3A_512, %parallel_loop3A_455], %parallel_loop3A_515 : memref<8x8x136xf32, #tpu.memory_space<vmem>>[vector<16xi32>, vector<16xi32>, vector<16xi32>], vector<16xf32>,
        %parallel_loop3A_516 = arith.constant 48 : i32
        %parallel_loop3A_517 = vector.broadcast %parallel_loop3A_516 : i32 to vector<16xi32>
        %parallel_loop3A_518 = arith.addi %iota3A, %parallel_loop3A_517 : vector<16xi32>
        %parallel_loop3A_519 = arith.constant 3 : i32
        %parallel_loop3A_520 = vector.broadcast %parallel_loop3A_519 : i32 to vector<16xi32>
        %parallel_loop3A_521 = arith.shrsi %parallel_loop3A_518, %parallel_loop3A_520 : vector<16xi32>
        %parallel_loop3A_522 = arith.constant 7 : i32
        %parallel_loop3A_523 = vector.broadcast %parallel_loop3A_522 : i32 to vector<16xi32>
        %parallel_loop3A_524 = arith.andi %parallel_loop3A_518, %parallel_loop3A_523 : vector<16xi32>
        %parallel_loop3A_525 = arith.constant 8.000000e+00 : f32
        %parallel_loop3A_526 = vector.broadcast %parallel_loop3A_525 : f32 to vector<16xf32>
        %parallel_loop3A_527 = arith.mulf %parallel_loop3A_479, %parallel_loop3A_526 : vector<16xf32>
        tpu.vector_store_idx %arg11[%parallel_loop3A_521, %parallel_loop3A_524, %parallel_loop3A_455], %parallel_loop3A_527 : memref<8x8x136xf32, #tpu.memory_space<vmem>>[vector<16xi32>, vector<16xi32>, vector<16xi32>], vector<16xf32>,
      } {sc.loop_unroll_factor = 8 : i64, sc.parallel_access}
      %mul3A_215 = arith.constant 2 : i32
      %mul3A_216 = arith.muli %mul3A_215, %add3A_158 : i32
      %add3A_217 = arith.addi %mul3A_2, %mul3A_216 : i32
      %add3A_218 = arith.constant 1 : i32
      %add3A_219 = arith.addi %add3A_217, %add3A_218 : i32
      %shift_right_arithmetic3A_220 = arith.constant 8 : i32
      %shift_right_arithmetic3A_221 = arith.shrsi %add3A_219, %shift_right_arithmetic3A_220 : i32
      %shift_right_arithmetic3A_222 = arith.constant 3 : i32
      %shift_right_arithmetic3A_223 = arith.shrsi %add3A_219, %shift_right_arithmetic3A_222 : i32
      %and3A_224 = arith.constant 31 : i32
      %and3A_225 = arith.andi %shift_right_arithmetic3A_223, %and3A_224 : i32
      %and3A_226 = arith.constant 7 : i32
      %and3A_227 = arith.andi %add3A_219, %and3A_226 : i32
      %mul3A_228 = arith.constant 64 : i32
      %mul3A_229 = arith.muli %shift_right_arithmetic3A_221, %mul3A_228 : i32
      %mul3A_230 = arith.constant 8 : i32
      %mul3A_231 = arith.muli %and3A_227, %mul3A_230 : i32
      %add3A_232 = arith.addi %mul3A_229, %mul3A_231 : i32
      %dma_start3A_233 = arith.constant 0 : i32
      %dma_start3A_234 = arith.constant 0 : i32
      %dma_start3A_235 = arith.constant 0 : i32
      %dma_start3A_236 = tpu.memref_slice %arg11[%dma_start3A_233, %dma_start3A_234, %dma_start3A_235] : memref<8x8x136xf32, #tpu.memory_space<vmem>> -> memref<8x8x128xf32, #tpu.memory_space<vmem>>
      %dma_start3A_237 = arith.constant 0 : i32
      %dma_start3A_238 = arith.constant 0 : i32
      %dma_start3A_239 = tpu.memref_slice %arg4[%add3A_232, %and3A_225, %dma_start3A_237, %dma_start3A_238] : memref<1600x32x8x128xf32, #tpu.memory_space<hbm>> -> memref<8x1x8x128xf32, #tpu.memory_space<hbm>>
      %dma_start3A_240 = tpu.memref_squeeze %dma_start3A_239 : memref<8x1x8x128xf32, #tpu.memory_space<hbm>> -> memref<8x8x128xf32, #tpu.memory_space<hbm>>
      %dma_start3A_241 = arith.constant 0 : i32
      %dma_start3A_242 = arith.constant 0 : i32
      %dma_start3A_243 = tpu.memref_slice %arg4[%add3A_232, %and3A_225, %dma_start3A_241, %dma_start3A_242] : memref<1600x32x8x128xf32, #tpu.memory_space<hbm>> -> memref<8x1x8x128xf32, #tpu.memory_space<hbm>>
      %dma_start3A_244 = tpu.memref_squeeze %dma_start3A_243 : memref<8x1x8x128xf32, #tpu.memory_space<hbm>> -> memref<8x8x128xf32, #tpu.memory_space<hbm>>
      %dma_start3A_245 = arith.constant 0 : i32
      %dma_start3A_246 = arith.constant 0 : i32
      %dma_start3A_247 = arith.constant 0 : i32
      %dma_start3A_248 = tpu.memref_slice %arg11[%dma_start3A_245, %dma_start3A_246, %dma_start3A_247] : memref<8x8x136xf32, #tpu.memory_space<vmem>> -> memref<8x8x128xf32, #tpu.memory_space<vmem>>
      tpu.enqueue_dma source(%dma_start3A_248 : memref<8x8x128xf32, #tpu.memory_space<vmem>>) target(%dma_start3A_244 : memref<8x8x128xf32, #tpu.memory_space<hbm>>) target_semaphore(%arg17 : memref<!tpu.dma_semaphore, #tpu.memory_space<semaphore_mem>>)
      %add3A_249 = arith.constant 3 : i32
      %add3A_250 = arith.addi %add3A_158, %add3A_249 : i32
      %lt3A_251 = arith.constant 100 : i32
      %lt3A_252 = arith.cmpi slt, %add3A_250, %lt3A_251 : i32
      %convert_element_type3A_253 = arith.extui %lt3A_252 : i1 to i32
      %cond3A_254 = arith.constant 0 : i32
      %cond3A_255 = arith.cmpi ne, %convert_element_type3A_253, %cond3A_254 : i32
      scf.if %cond3A_255 {
        %add3A_454 = arith.constant 3 : i32
        %add3A_455 = arith.addi %add3A_158, %add3A_454 : i32
        %mul3A_456 = arith.constant 256 : i32
        %mul3A_457 = arith.muli %add3A_455, %mul3A_456 : i32
        %dma_start3A_458 = tpu.memref_slice %arg5[%mul3A_457] : memref<25600xi32, #tpu.memory_space<vmem>> -> memref<256xi32, #tpu.memory_space<vmem>>
        %dma_start3A_459 = arith.constant 0 : i32
        %dma_start3A_460 = arith.constant 0 : i32
        %dma_start3A_461 = tpu.memref_slice %arg3[%dma_start3A_459, %dma_start3A_460] : memref<1000000x64xf32, #tpu.memory_space<hbm>> -> memref<1000000x64xf32, #tpu.memory_space<hbm>>
        tpu.enqueue_indirect_dma source(%dma_start3A_461 : memref<1000000x64xf32, #tpu.memory_space<hbm>>) target(%arg6 : memref<256x64xf32, #tpu.memory_space<vmem>>) offsets(%dma_start3A_458 : memref<256xi32, #tpu.memory_space<vmem>>) semaphore(%arg12 : memref<!tpu.dma_semaphore, #tpu.memory_space<semaphore_mem>>)
      } else {
      }
      %add3A_256 = arith.constant 2 : i32
      %add3A_257 = arith.addi %add3A_64, %add3A_256 : i32
      %dma_wait3A_258 = arith.constant 0 : i32
      %dma_wait3A_259 = arith.constant 0 : i32
      %dma_wait3A_260 = tpu.memref_slice %arg3[%dma_wait3A_258, %dma_wait3A_259] : memref<1000000x64xf32, #tpu.memory_space<hbm>> -> memref<256x64xf32, #tpu.memory_space<hbm>>
      %dma_wait3A_261 = arith.constant 0 : i32
      %dma_wait3A_262 = arith.constant 0 : i32
      %dma_wait3A_263 = tpu.memref_slice %arg3[%dma_wait3A_261, %dma_wait3A_262] : memref<1000000x64xf32, #tpu.memory_space<hbm>> -> memref<256x64xf32, #tpu.memory_space<hbm>>
      tpu.wait_dma2 semaphore(%arg14 : memref<!tpu.dma_semaphore, #tpu.memory_space<semaphore_mem>>) src(%dma_wait3A_263 : memref<256x64xf32, #tpu.memory_space<hbm>>) dst(%arg8 : memref<256x64xf32, #tpu.memory_space<vmem>>)
      %ge3A_264 = arith.constant 1 : i32
      %ge3A_265 = arith.cmpi sge, %add3A_257, %ge3A_264 : i32
      %convert_element_type3A_266 = arith.extui %ge3A_265 : i1 to i32
      %cond3A_267 = arith.constant 0 : i32
      %cond3A_268 = arith.cmpi ne, %convert_element_type3A_266, %cond3A_267 : i32
      scf.if %cond3A_268 {
        %dma_wait3A_454 = arith.constant 0 : i32
        %dma_wait3A_455 = arith.constant 0 : i32
        %dma_wait3A_456 = arith.constant 0 : i32
        %dma_wait3A_457 = arith.constant 0 : i32
        %dma_wait3A_458 = tpu.memref_slice %arg10[%dma_wait3A_455, %dma_wait3A_456, %dma_wait3A_457] : memref<8x8x136xf32, #tpu.memory_space<vmem>> -> memref<8x8x128xf32, #tpu.memory_space<vmem>>
        %dma_wait3A_459 = arith.constant 0 : i32
        %dma_wait3A_460 = arith.constant 0 : i32
        %dma_wait3A_461 = arith.constant 0 : i32
        %dma_wait3A_462 = tpu.memref_slice %arg4[%dma_wait3A_459, %dma_wait3A_454, %dma_wait3A_460, %dma_wait3A_461] : memref<1600x32x8x128xf32, #tpu.memory_space<hbm>> -> memref<8x1x8x128xf32, #tpu.memory_space<hbm>>
        %dma_wait3A_463 = tpu.memref_squeeze %dma_wait3A_462 : memref<8x1x8x128xf32, #tpu.memory_space<hbm>> -> memref<8x8x128xf32, #tpu.memory_space<hbm>>
        %dma_wait3A_464 = arith.constant 0 : i32
        %dma_wait3A_465 = arith.constant 0 : i32
        %dma_wait3A_466 = arith.constant 0 : i32
        %dma_wait3A_467 = tpu.memref_slice %arg4[%dma_wait3A_464, %dma_wait3A_454, %dma_wait3A_465, %dma_wait3A_466] : memref<1600x32x8x128xf32, #tpu.memory_space<hbm>> -> memref<8x1x8x128xf32, #tpu.memory_space<hbm>>
        %dma_wait3A_468 = tpu.memref_squeeze %dma_wait3A_467 : memref<8x1x8x128xf32, #tpu.memory_space<hbm>> -> memref<8x8x128xf32, #tpu.memory_space<hbm>>
        %dma_wait3A_469 = arith.constant 0 : i32
        %dma_wait3A_470 = arith.constant 0 : i32
        %dma_wait3A_471 = arith.constant 0 : i32
        %dma_wait3A_472 = tpu.memref_slice %arg10[%dma_wait3A_469, %dma_wait3A_470, %dma_wait3A_471] : memref<8x8x136xf32, #tpu.memory_space<vmem>> -> memref<8x8x128xf32, #tpu.memory_space<vmem>>
        tpu.wait_dma2 semaphore(%arg16 : memref<!tpu.dma_semaphore, #tpu.memory_space<semaphore_mem>>) src(%dma_wait3A_472 : memref<8x8x128xf32, #tpu.memory_space<vmem>>) dst(%dma_wait3A_468 : memref<8x8x128xf32, #tpu.memory_space<hbm>>)
      } else {
      }
      %parallel_loop3A_269 = arith.constant 0 : i32
      %parallel_loop3A_270 = arith.constant 128 : i32
      %parallel_loop3A_271 = arith.constant 1 : i32
      scf.for %parallel_loop3A_454 = %parallel_loop3A_269 to %parallel_loop3A_270 step %parallel_loop3A_271  : i32 {
        %parallel_loop3A_455 = vector.broadcast %parallel_loop3A_454 : i32 to vector<16xi32>
        %parallel_loop3A_456 = arith.constant 0 : i32
        %parallel_loop3A_457 = arith.constant 0 : i32
        %parallel_loop3A_458 = tpu.memref_slice %arg8[%parallel_loop3A_456, %parallel_loop3A_457] : memref<256x64xf32, #tpu.memory_space<vmem>> -> memref<128x64xf32, #tpu.memory_space<vmem>>
        %parallel_loop3A_459 = arith.index_cast %parallel_loop3A_454 : i32 to index
        %parallel_loop3A_460 = arith.constant 0 : index
        %parallel_loop3A_461 = tpu.vector_load %parallel_loop3A_458[%parallel_loop3A_459, %parallel_loop3A_460] {strides = array<i32>} : memref<128x64xf32, #tpu.memory_space<vmem>>, vector<16xf32>,
        %parallel_loop3A_462 = arith.constant 0 : i32
        %parallel_loop3A_463 = arith.constant 0 : i32
        %parallel_loop3A_464 = tpu.memref_slice %arg8[%parallel_loop3A_462, %parallel_loop3A_463] : memref<256x64xf32, #tpu.memory_space<vmem>> -> memref<128x64xf32, #tpu.memory_space<vmem>>
        %parallel_loop3A_465 = arith.index_cast %parallel_loop3A_454 : i32 to index
        %parallel_loop3A_466 = arith.constant 16 : index
        %parallel_loop3A_467 = tpu.vector_load %parallel_loop3A_464[%parallel_loop3A_465, %parallel_loop3A_466] {strides = array<i32>} : memref<128x64xf32, #tpu.memory_space<vmem>>, vector<16xf32>,
        %parallel_loop3A_468 = arith.constant 0 : i32
        %parallel_loop3A_469 = arith.constant 0 : i32
        %parallel_loop3A_470 = tpu.memref_slice %arg8[%parallel_loop3A_468, %parallel_loop3A_469] : memref<256x64xf32, #tpu.memory_space<vmem>> -> memref<128x64xf32, #tpu.memory_space<vmem>>
        %parallel_loop3A_471 = arith.index_cast %parallel_loop3A_454 : i32 to index
        %parallel_loop3A_472 = arith.constant 32 : index
        %parallel_loop3A_473 = tpu.vector_load %parallel_loop3A_470[%parallel_loop3A_471, %parallel_loop3A_472] {strides = array<i32>} : memref<128x64xf32, #tpu.memory_space<vmem>>, vector<16xf32>,
        %parallel_loop3A_474 = arith.constant 0 : i32
        %parallel_loop3A_475 = arith.constant 0 : i32
        %parallel_loop3A_476 = tpu.memref_slice %arg8[%parallel_loop3A_474, %parallel_loop3A_475] : memref<256x64xf32, #tpu.memory_space<vmem>> -> memref<128x64xf32, #tpu.memory_space<vmem>>
        %parallel_loop3A_477 = arith.index_cast %parallel_loop3A_454 : i32 to index
        %parallel_loop3A_478 = arith.constant 48 : index
        %parallel_loop3A_479 = tpu.vector_load %parallel_loop3A_476[%parallel_loop3A_477, %parallel_loop3A_478] {strides = array<i32>} : memref<128x64xf32, #tpu.memory_space<vmem>>, vector<16xf32>,
        %parallel_loop3A_480 = arith.constant 0 : i32
        %parallel_loop3A_481 = vector.broadcast %parallel_loop3A_480 : i32 to vector<16xi32>
        %parallel_loop3A_482 = arith.addi %iota3A, %parallel_loop3A_481 : vector<16xi32>
        %parallel_loop3A_483 = arith.constant 3 : i32
        %parallel_loop3A_484 = vector.broadcast %parallel_loop3A_483 : i32 to vector<16xi32>
        %parallel_loop3A_485 = arith.shrsi %parallel_loop3A_482, %parallel_loop3A_484 : vector<16xi32>
        %parallel_loop3A_486 = arith.constant 7 : i32
        %parallel_loop3A_487 = vector.broadcast %parallel_loop3A_486 : i32 to vector<16xi32>
        %parallel_loop3A_488 = arith.andi %parallel_loop3A_482, %parallel_loop3A_487 : vector<16xi32>
        %parallel_loop3A_489 = arith.constant 8.000000e+00 : f32
        %parallel_loop3A_490 = vector.broadcast %parallel_loop3A_489 : f32 to vector<16xf32>
        %parallel_loop3A_491 = arith.mulf %parallel_loop3A_461, %parallel_loop3A_490 : vector<16xf32>
        tpu.vector_store_idx %arg10[%parallel_loop3A_485, %parallel_loop3A_488, %parallel_loop3A_455], %parallel_loop3A_491 : memref<8x8x136xf32, #tpu.memory_space<vmem>>[vector<16xi32>, vector<16xi32>, vector<16xi32>], vector<16xf32>,
        %parallel_loop3A_492 = arith.constant 16 : i32
        %parallel_loop3A_493 = vector.broadcast %parallel_loop3A_492 : i32 to vector<16xi32>
        %parallel_loop3A_494 = arith.addi %iota3A, %parallel_loop3A_493 : vector<16xi32>
        %parallel_loop3A_495 = arith.constant 3 : i32
        %parallel_loop3A_496 = vector.broadcast %parallel_loop3A_495 : i32 to vector<16xi32>
        %parallel_loop3A_497 = arith.shrsi %parallel_loop3A_494, %parallel_loop3A_496 : vector<16xi32>
        %parallel_loop3A_498 = arith.constant 7 : i32
        %parallel_loop3A_499 = vector.broadcast %parallel_loop3A_498 : i32 to vector<16xi32>
        %parallel_loop3A_500 = arith.andi %parallel_loop3A_494, %parallel_loop3A_499 : vector<16xi32>
        %parallel_loop3A_501 = arith.constant 8.000000e+00 : f32
        %parallel_loop3A_502 = vector.broadcast %parallel_loop3A_501 : f32 to vector<16xf32>
        %parallel_loop3A_503 = arith.mulf %parallel_loop3A_467, %parallel_loop3A_502 : vector<16xf32>
        tpu.vector_store_idx %arg10[%parallel_loop3A_497, %parallel_loop3A_500, %parallel_loop3A_455], %parallel_loop3A_503 : memref<8x8x136xf32, #tpu.memory_space<vmem>>[vector<16xi32>, vector<16xi32>, vector<16xi32>], vector<16xf32>,
        %parallel_loop3A_504 = arith.constant 32 : i32
        %parallel_loop3A_505 = vector.broadcast %parallel_loop3A_504 : i32 to vector<16xi32>
        %parallel_loop3A_506 = arith.addi %iota3A, %parallel_loop3A_505 : vector<16xi32>
        %parallel_loop3A_507 = arith.constant 3 : i32
        %parallel_loop3A_508 = vector.broadcast %parallel_loop3A_507 : i32 to vector<16xi32>
        %parallel_loop3A_509 = arith.shrsi %parallel_loop3A_506, %parallel_loop3A_508 : vector<16xi32>
        %parallel_loop3A_510 = arith.constant 7 : i32
        %parallel_loop3A_511 = vector.broadcast %parallel_loop3A_510 : i32 to vector<16xi32>
        %parallel_loop3A_512 = arith.andi %parallel_loop3A_506, %parallel_loop3A_511 : vector<16xi32>
        %parallel_loop3A_513 = arith.constant 8.000000e+00 : f32
        %parallel_loop3A_514 = vector.broadcast %parallel_loop3A_513 : f32 to vector<16xf32>
        %parallel_loop3A_515 = arith.mulf %parallel_loop3A_473, %parallel_loop3A_514 : vector<16xf32>
        tpu.vector_store_idx %arg10[%parallel_loop3A_509, %parallel_loop3A_512, %parallel_loop3A_455], %parallel_loop3A_515 : memref<8x8x136xf32, #tpu.memory_space<vmem>>[vector<16xi32>, vector<16xi32>, vector<16xi32>], vector<16xf32>,
        %parallel_loop3A_516 = arith.constant 48 : i32
        %parallel_loop3A_517 = vector.broadcast %parallel_loop3A_516 : i32 to vector<16xi32>
        %parallel_loop3A_518 = arith.addi %iota3A, %parallel_loop3A_517 : vector<16xi32>
        %parallel_loop3A_519 = arith.constant 3 : i32
        %parallel_loop3A_520 = vector.broadcast %parallel_loop3A_519 : i32 to vector<16xi32>
        %parallel_loop3A_521 = arith.shrsi %parallel_loop3A_518, %parallel_loop3A_520 : vector<16xi32>
        %parallel_loop3A_522 = arith.constant 7 : i32
        %parallel_loop3A_523 = vector.broadcast %parallel_loop3A_522 : i32 to vector<16xi32>
        %parallel_loop3A_524 = arith.andi %parallel_loop3A_518, %parallel_loop3A_523 : vector<16xi32>
        %parallel_loop3A_525 = arith.constant 8.000000e+00 : f32
        %parallel_loop3A_526 = vector.broadcast %parallel_loop3A_525 : f32 to vector<16xf32>
        %parallel_loop3A_527 = arith.mulf %parallel_loop3A_479, %parallel_loop3A_526 : vector<16xf32>
        tpu.vector_store_idx %arg10[%parallel_loop3A_521, %parallel_loop3A_524, %parallel_loop3A_455], %parallel_loop3A_527 : memref<8x8x136xf32, #tpu.memory_space<vmem>>[vector<16xi32>, vector<16xi32>, vector<16xi32>], vector<16xf32>,
      } {sc.loop_unroll_factor = 8 : i64, sc.parallel_access}
      %mul3A_272 = arith.constant 2 : i32
      %mul3A_273 = arith.muli %mul3A_272, %add3A_257 : i32
      %add3A_274 = arith.addi %mul3A_2, %mul3A_273 : i32
      %add3A_275 = arith.constant 0 : i32
      %add3A_276 = arith.addi %add3A_274, %add3A_275 : i32
      %shift_right_arithmetic3A_277 = arith.constant 8 : i32
      %shift_right_arithmetic3A_278 = arith.shrsi %add3A_276, %shift_right_arithmetic3A_277 : i32
      %shift_right_arithmetic3A_279 = arith.constant 3 : i32
      %shift_right_arithmetic3A_280 = arith.shrsi %add3A_276, %shift_right_arithmetic3A_279 : i32
      %and3A_281 = arith.constant 31 : i32
      %and3A_282 = arith.andi %shift_right_arithmetic3A_280, %and3A_281 : i32
      %and3A_283 = arith.constant 7 : i32
      %and3A_284 = arith.andi %add3A_276, %and3A_283 : i32
      %mul3A_285 = arith.constant 64 : i32
      %mul3A_286 = arith.muli %shift_right_arithmetic3A_278, %mul3A_285 : i32
      %mul3A_287 = arith.constant 8 : i32
      %mul3A_288 = arith.muli %and3A_284, %mul3A_287 : i32
      %add3A_289 = arith.addi %mul3A_286, %mul3A_288 : i32
      %dma_start3A_290 = arith.constant 0 : i32
      %dma_start3A_291 = arith.constant 0 : i32
      %dma_start3A_292 = arith.constant 0 : i32
      %dma_start3A_293 = tpu.memref_slice %arg10[%dma_start3A_290, %dma_start3A_291, %dma_start3A_292] : memref<8x8x136xf32, #tpu.memory_space<vmem>> -> memref<8x8x128xf32, #tpu.memory_space<vmem>>
      %dma_start3A_294 = arith.constant 0 : i32
      %dma_start3A_295 = arith.constant 0 : i32
      %dma_start3A_296 = tpu.memref_slice %arg4[%add3A_289, %and3A_282, %dma_start3A_294, %dma_start3A_295] : memref<1600x32x8x128xf32, #tpu.memory_space<hbm>> -> memref<8x1x8x128xf32, #tpu.memory_space<hbm>>
      %dma_start3A_297 = tpu.memref_squeeze %dma_start3A_296 : memref<8x1x8x128xf32, #tpu.memory_space<hbm>> -> memref<8x8x128xf32, #tpu.memory_space<hbm>>
      %dma_start3A_298 = arith.constant 0 : i32
      %dma_start3A_299 = arith.constant 0 : i32
      %dma_start3A_300 = tpu.memref_slice %arg4[%add3A_289, %and3A_282, %dma_start3A_298, %dma_start3A_299] : memref<1600x32x8x128xf32, #tpu.memory_space<hbm>> -> memref<8x1x8x128xf32, #tpu.memory_space<hbm>>
      %dma_start3A_301 = tpu.memref_squeeze %dma_start3A_300 : memref<8x1x8x128xf32, #tpu.memory_space<hbm>> -> memref<8x8x128xf32, #tpu.memory_space<hbm>>
      %dma_start3A_302 = arith.constant 0 : i32
      %dma_start3A_303 = arith.constant 0 : i32
      %dma_start3A_304 = arith.constant 0 : i32
      %dma_start3A_305 = tpu.memref_slice %arg10[%dma_start3A_302, %dma_start3A_303, %dma_start3A_304] : memref<8x8x136xf32, #tpu.memory_space<vmem>> -> memref<8x8x128xf32, #tpu.memory_space<vmem>>
      tpu.enqueue_dma source(%dma_start3A_305 : memref<8x8x128xf32, #tpu.memory_space<vmem>>) target(%dma_start3A_301 : memref<8x8x128xf32, #tpu.memory_space<hbm>>) target_semaphore(%arg16 : memref<!tpu.dma_semaphore, #tpu.memory_space<semaphore_mem>>)
      %ge3A_306 = arith.constant 1 : i32
      %ge3A_307 = arith.cmpi sge, %add3A_257, %ge3A_306 : i32
      %convert_element_type3A_308 = arith.extui %ge3A_307 : i1 to i32
      %cond3A_309 = arith.constant 0 : i32
      %cond3A_310 = arith.cmpi ne, %convert_element_type3A_308, %cond3A_309 : i32
      scf.if %cond3A_310 {
        %dma_wait3A_454 = arith.constant 0 : i32
        %dma_wait3A_455 = arith.constant 0 : i32
        %dma_wait3A_456 = arith.constant 0 : i32
        %dma_wait3A_457 = arith.constant 0 : i32
        %dma_wait3A_458 = tpu.memref_slice %arg11[%dma_wait3A_455, %dma_wait3A_456, %dma_wait3A_457] : memref<8x8x136xf32, #tpu.memory_space<vmem>> -> memref<8x8x128xf32, #tpu.memory_space<vmem>>
        %dma_wait3A_459 = arith.constant 0 : i32
        %dma_wait3A_460 = arith.constant 0 : i32
        %dma_wait3A_461 = arith.constant 0 : i32
        %dma_wait3A_462 = tpu.memref_slice %arg4[%dma_wait3A_459, %dma_wait3A_454, %dma_wait3A_460, %dma_wait3A_461] : memref<1600x32x8x128xf32, #tpu.memory_space<hbm>> -> memref<8x1x8x128xf32, #tpu.memory_space<hbm>>
        %dma_wait3A_463 = tpu.memref_squeeze %dma_wait3A_462 : memref<8x1x8x128xf32, #tpu.memory_space<hbm>> -> memref<8x8x128xf32, #tpu.memory_space<hbm>>
        %dma_wait3A_464 = arith.constant 0 : i32
        %dma_wait3A_465 = arith.constant 0 : i32
        %dma_wait3A_466 = arith.constant 0 : i32
        %dma_wait3A_467 = tpu.memref_slice %arg4[%dma_wait3A_464, %dma_wait3A_454, %dma_wait3A_465, %dma_wait3A_466] : memref<1600x32x8x128xf32, #tpu.memory_space<hbm>> -> memref<8x1x8x128xf32, #tpu.memory_space<hbm>>
        %dma_wait3A_468 = tpu.memref_squeeze %dma_wait3A_467 : memref<8x1x8x128xf32, #tpu.memory_space<hbm>> -> memref<8x8x128xf32, #tpu.memory_space<hbm>>
        %dma_wait3A_469 = arith.constant 0 : i32
        %dma_wait3A_470 = arith.constant 0 : i32
        %dma_wait3A_471 = arith.constant 0 : i32
        %dma_wait3A_472 = tpu.memref_slice %arg11[%dma_wait3A_469, %dma_wait3A_470, %dma_wait3A_471] : memref<8x8x136xf32, #tpu.memory_space<vmem>> -> memref<8x8x128xf32, #tpu.memory_space<vmem>>
        tpu.wait_dma2 semaphore(%arg17 : memref<!tpu.dma_semaphore, #tpu.memory_space<semaphore_mem>>) src(%dma_wait3A_472 : memref<8x8x128xf32, #tpu.memory_space<vmem>>) dst(%dma_wait3A_468 : memref<8x8x128xf32, #tpu.memory_space<hbm>>)
      } else {
      }
      %parallel_loop3A_311 = arith.constant 0 : i32
      %parallel_loop3A_312 = arith.constant 128 : i32
      %parallel_loop3A_313 = arith.constant 1 : i32
      scf.for %parallel_loop3A_454 = %parallel_loop3A_311 to %parallel_loop3A_312 step %parallel_loop3A_313  : i32 {
        %parallel_loop3A_455 = vector.broadcast %parallel_loop3A_454 : i32 to vector<16xi32>
        %parallel_loop3A_456 = arith.constant 128 : i32
        %parallel_loop3A_457 = arith.constant 0 : i32
        %parallel_loop3A_458 = tpu.memref_slice %arg8[%parallel_loop3A_456, %parallel_loop3A_457] : memref<256x64xf32, #tpu.memory_space<vmem>> -> memref<128x64xf32, #tpu.memory_space<vmem>>
        %parallel_loop3A_459 = arith.index_cast %parallel_loop3A_454 : i32 to index
        %parallel_loop3A_460 = arith.constant 0 : index
        %parallel_loop3A_461 = tpu.vector_load %parallel_loop3A_458[%parallel_loop3A_459, %parallel_loop3A_460] {strides = array<i32>} : memref<128x64xf32, #tpu.memory_space<vmem>>, vector<16xf32>,
        %parallel_loop3A_462 = arith.constant 128 : i32
        %parallel_loop3A_463 = arith.constant 0 : i32
        %parallel_loop3A_464 = tpu.memref_slice %arg8[%parallel_loop3A_462, %parallel_loop3A_463] : memref<256x64xf32, #tpu.memory_space<vmem>> -> memref<128x64xf32, #tpu.memory_space<vmem>>
        %parallel_loop3A_465 = arith.index_cast %parallel_loop3A_454 : i32 to index
        %parallel_loop3A_466 = arith.constant 16 : index
        %parallel_loop3A_467 = tpu.vector_load %parallel_loop3A_464[%parallel_loop3A_465, %parallel_loop3A_466] {strides = array<i32>} : memref<128x64xf32, #tpu.memory_space<vmem>>, vector<16xf32>,
        %parallel_loop3A_468 = arith.constant 128 : i32
        %parallel_loop3A_469 = arith.constant 0 : i32
        %parallel_loop3A_470 = tpu.memref_slice %arg8[%parallel_loop3A_468, %parallel_loop3A_469] : memref<256x64xf32, #tpu.memory_space<vmem>> -> memref<128x64xf32, #tpu.memory_space<vmem>>
        %parallel_loop3A_471 = arith.index_cast %parallel_loop3A_454 : i32 to index
        %parallel_loop3A_472 = arith.constant 32 : index
        %parallel_loop3A_473 = tpu.vector_load %parallel_loop3A_470[%parallel_loop3A_471, %parallel_loop3A_472] {strides = array<i32>} : memref<128x64xf32, #tpu.memory_space<vmem>>, vector<16xf32>,
        %parallel_loop3A_474 = arith.constant 128 : i32
        %parallel_loop3A_475 = arith.constant 0 : i32
        %parallel_loop3A_476 = tpu.memref_slice %arg8[%parallel_loop3A_474, %parallel_loop3A_475] : memref<256x64xf32, #tpu.memory_space<vmem>> -> memref<128x64xf32, #tpu.memory_space<vmem>>
        %parallel_loop3A_477 = arith.index_cast %parallel_loop3A_454 : i32 to index
        %parallel_loop3A_478 = arith.constant 48 : index
        %parallel_loop3A_479 = tpu.vector_load %parallel_loop3A_476[%parallel_loop3A_477, %parallel_loop3A_478] {strides = array<i32>} : memref<128x64xf32, #tpu.memory_space<vmem>>, vector<16xf32>,
        %parallel_loop3A_480 = arith.constant 0 : i32
        %parallel_loop3A_481 = vector.broadcast %parallel_loop3A_480 : i32 to vector<16xi32>
        %parallel_loop3A_482 = arith.addi %iota3A, %parallel_loop3A_481 : vector<16xi32>
        %parallel_loop3A_483 = arith.constant 3 : i32
        %parallel_loop3A_484 = vector.broadcast %parallel_loop3A_483 : i32 to vector<16xi32>
        %parallel_loop3A_485 = arith.shrsi %parallel_loop3A_482, %parallel_loop3A_484 : vector<16xi32>
        %parallel_loop3A_486 = arith.constant 7 : i32
        %parallel_loop3A_487 = vector.broadcast %parallel_loop3A_486 : i32 to vector<16xi32>
        %parallel_loop3A_488 = arith.andi %parallel_loop3A_482, %parallel_loop3A_487 : vector<16xi32>
        %parallel_loop3A_489 = arith.constant 8.000000e+00 : f32
        %parallel_loop3A_490 = vector.broadcast %parallel_loop3A_489 : f32 to vector<16xf32>
        %parallel_loop3A_491 = arith.mulf %parallel_loop3A_461, %parallel_loop3A_490 : vector<16xf32>
        tpu.vector_store_idx %arg11[%parallel_loop3A_485, %parallel_loop3A_488, %parallel_loop3A_455], %parallel_loop3A_491 : memref<8x8x136xf32, #tpu.memory_space<vmem>>[vector<16xi32>, vector<16xi32>, vector<16xi32>], vector<16xf32>,
        %parallel_loop3A_492 = arith.constant 16 : i32
        %parallel_loop3A_493 = vector.broadcast %parallel_loop3A_492 : i32 to vector<16xi32>
        %parallel_loop3A_494 = arith.addi %iota3A, %parallel_loop3A_493 : vector<16xi32>
        %parallel_loop3A_495 = arith.constant 3 : i32
        %parallel_loop3A_496 = vector.broadcast %parallel_loop3A_495 : i32 to vector<16xi32>
        %parallel_loop3A_497 = arith.shrsi %parallel_loop3A_494, %parallel_loop3A_496 : vector<16xi32>
        %parallel_loop3A_498 = arith.constant 7 : i32
        %parallel_loop3A_499 = vector.broadcast %parallel_loop3A_498 : i32 to vector<16xi32>
        %parallel_loop3A_500 = arith.andi %parallel_loop3A_494, %parallel_loop3A_499 : vector<16xi32>
        %parallel_loop3A_501 = arith.constant 8.000000e+00 : f32
        %parallel_loop3A_502 = vector.broadcast %parallel_loop3A_501 : f32 to vector<16xf32>
        %parallel_loop3A_503 = arith.mulf %parallel_loop3A_467, %parallel_loop3A_502 : vector<16xf32>
        tpu.vector_store_idx %arg11[%parallel_loop3A_497, %parallel_loop3A_500, %parallel_loop3A_455], %parallel_loop3A_503 : memref<8x8x136xf32, #tpu.memory_space<vmem>>[vector<16xi32>, vector<16xi32>, vector<16xi32>], vector<16xf32>,
        %parallel_loop3A_504 = arith.constant 32 : i32
        %parallel_loop3A_505 = vector.broadcast %parallel_loop3A_504 : i32 to vector<16xi32>
        %parallel_loop3A_506 = arith.addi %iota3A, %parallel_loop3A_505 : vector<16xi32>
        %parallel_loop3A_507 = arith.constant 3 : i32
        %parallel_loop3A_508 = vector.broadcast %parallel_loop3A_507 : i32 to vector<16xi32>
        %parallel_loop3A_509 = arith.shrsi %parallel_loop3A_506, %parallel_loop3A_508 : vector<16xi32>
        %parallel_loop3A_510 = arith.constant 7 : i32
        %parallel_loop3A_511 = vector.broadcast %parallel_loop3A_510 : i32 to vector<16xi32>
        %parallel_loop3A_512 = arith.andi %parallel_loop3A_506, %parallel_loop3A_511 : vector<16xi32>
        %parallel_loop3A_513 = arith.constant 8.000000e+00 : f32
        %parallel_loop3A_514 = vector.broadcast %parallel_loop3A_513 : f32 to vector<16xf32>
        %parallel_loop3A_515 = arith.mulf %parallel_loop3A_473, %parallel_loop3A_514 : vector<16xf32>
        tpu.vector_store_idx %arg11[%parallel_loop3A_509, %parallel_loop3A_512, %parallel_loop3A_455], %parallel_loop3A_515 : memref<8x8x136xf32, #tpu.memory_space<vmem>>[vector<16xi32>, vector<16xi32>, vector<16xi32>], vector<16xf32>,
        %parallel_loop3A_516 = arith.constant 48 : i32
        %parallel_loop3A_517 = vector.broadcast %parallel_loop3A_516 : i32 to vector<16xi32>
        %parallel_loop3A_518 = arith.addi %iota3A, %parallel_loop3A_517 : vector<16xi32>
        %parallel_loop3A_519 = arith.constant 3 : i32
        %parallel_loop3A_520 = vector.broadcast %parallel_loop3A_519 : i32 to vector<16xi32>
        %parallel_loop3A_521 = arith.shrsi %parallel_loop3A_518, %parallel_loop3A_520 : vector<16xi32>
        %parallel_loop3A_522 = arith.constant 7 : i32
        %parallel_loop3A_523 = vector.broadcast %parallel_loop3A_522 : i32 to vector<16xi32>
        %parallel_loop3A_524 = arith.andi %parallel_loop3A_518, %parallel_loop3A_523 : vector<16xi32>
        %parallel_loop3A_525 = arith.constant 8.000000e+00 : f32
        %parallel_loop3A_526 = vector.broadcast %parallel_loop3A_525 : f32 to vector<16xf32>
        %parallel_loop3A_527 = arith.mulf %parallel_loop3A_479, %parallel_loop3A_526 : vector<16xf32>
        tpu.vector_store_idx %arg11[%parallel_loop3A_521, %parallel_loop3A_524, %parallel_loop3A_455], %parallel_loop3A_527 : memref<8x8x136xf32, #tpu.memory_space<vmem>>[vector<16xi32>, vector<16xi32>, vector<16xi32>], vector<16xf32>,
      } {sc.loop_unroll_factor = 8 : i64, sc.parallel_access}
      %mul3A_314 = arith.constant 2 : i32
      %mul3A_315 = arith.muli %mul3A_314, %add3A_257 : i32
      %add3A_316 = arith.addi %mul3A_2, %mul3A_315 : i32
      %add3A_317 = arith.constant 1 : i32
      %add3A_318 = arith.addi %add3A_316, %add3A_317 : i32
      %shift_right_arithmetic3A_319 = arith.constant 8 : i32
      %shift_right_arithmetic3A_320 = arith.shrsi %add3A_318, %shift_right_arithmetic3A_319 : i32
      %shift_right_arithmetic3A_321 = arith.constant 3 : i32
      %shift_right_arithmetic3A_322 = arith.shrsi %add3A_318, %shift_right_arithmetic3A_321 : i32
      %and3A_323 = arith.constant 31 : i32
      %and3A_324 = arith.andi %shift_right_arithmetic3A_322, %and3A_323 : i32
      %and3A_325 = arith.constant 7 : i32
      %and3A_326 = arith.andi %add3A_318, %and3A_325 : i32
      %mul3A_327 = arith.constant 64 : i32
      %mul3A_328 = arith.muli %shift_right_arithmetic3A_320, %mul3A_327 : i32
      %mul3A_329 = arith.constant 8 : i32
      %mul3A_330 = arith.muli %and3A_326, %mul3A_329 : i32
      %add3A_331 = arith.addi %mul3A_328, %mul3A_330 : i32
      %dma_start3A_332 = arith.constant 0 : i32
      %dma_start3A_333 = arith.constant 0 : i32
      %dma_start3A_334 = arith.constant 0 : i32
      %dma_start3A_335 = tpu.memref_slice %arg11[%dma_start3A_332, %dma_start3A_333, %dma_start3A_334] : memref<8x8x136xf32, #tpu.memory_space<vmem>> -> memref<8x8x128xf32, #tpu.memory_space<vmem>>
      %dma_start3A_336 = arith.constant 0 : i32
      %dma_start3A_337 = arith.constant 0 : i32
      %dma_start3A_338 = tpu.memref_slice %arg4[%add3A_331, %and3A_324, %dma_start3A_336, %dma_start3A_337] : memref<1600x32x8x128xf32, #tpu.memory_space<hbm>> -> memref<8x1x8x128xf32, #tpu.memory_space<hbm>>
      %dma_start3A_339 = tpu.memref_squeeze %dma_start3A_338 : memref<8x1x8x128xf32, #tpu.memory_space<hbm>> -> memref<8x8x128xf32, #tpu.memory_space<hbm>>
      %dma_start3A_340 = arith.constant 0 : i32
      %dma_start3A_341 = arith.constant 0 : i32
      %dma_start3A_342 = tpu.memref_slice %arg4[%add3A_331, %and3A_324, %dma_start3A_340, %dma_start3A_341] : memref<1600x32x8x128xf32, #tpu.memory_space<hbm>> -> memref<8x1x8x128xf32, #tpu.memory_space<hbm>>
      %dma_start3A_343 = tpu.memref_squeeze %dma_start3A_342 : memref<8x1x8x128xf32, #tpu.memory_space<hbm>> -> memref<8x8x128xf32, #tpu.memory_space<hbm>>
      %dma_start3A_344 = arith.constant 0 : i32
      %dma_start3A_345 = arith.constant 0 : i32
      %dma_start3A_346 = arith.constant 0 : i32
      %dma_start3A_347 = tpu.memref_slice %arg11[%dma_start3A_344, %dma_start3A_345, %dma_start3A_346] : memref<8x8x136xf32, #tpu.memory_space<vmem>> -> memref<8x8x128xf32, #tpu.memory_space<vmem>>
      tpu.enqueue_dma source(%dma_start3A_347 : memref<8x8x128xf32, #tpu.memory_space<vmem>>) target(%dma_start3A_343 : memref<8x8x128xf32, #tpu.memory_space<hbm>>) target_semaphore(%arg17 : memref<!tpu.dma_semaphore, #tpu.memory_space<semaphore_mem>>)
      %add3A_348 = arith.constant 3 : i32
      %add3A_349 = arith.addi %add3A_257, %add3A_348 : i32
      %lt3A_350 = arith.constant 100 : i32
      %lt3A_351 = arith.cmpi slt, %add3A_349, %lt3A_350 : i32
      %convert_element_type3A_352 = arith.extui %lt3A_351 : i1 to i32
      %cond3A_353 = arith.constant 0 : i32
      %cond3A_354 = arith.cmpi ne, %convert_element_type3A_352, %cond3A_353 : i32
      scf.if %cond3A_354 {
        %add3A_454 = arith.constant 3 : i32
        %add3A_455 = arith.addi %add3A_257, %add3A_454 : i32
        %mul3A_456 = arith.constant 256 : i32
        %mul3A_457 = arith.muli %add3A_455, %mul3A_456 : i32
        %dma_start3A_458 = tpu.memref_slice %arg5[%mul3A_457] : memref<25600xi32, #tpu.memory_space<vmem>> -> memref<256xi32, #tpu.memory_space<vmem>>
        %dma_start3A_459 = arith.constant 0 : i32
        %dma_start3A_460 = arith.constant 0 : i32
        %dma_start3A_461 = tpu.memref_slice %arg3[%dma_start3A_459, %dma_start3A_460] : memref<1000000x64xf32, #tpu.memory_space<hbm>> -> memref<1000000x64xf32, #tpu.memory_space<hbm>>
        tpu.enqueue_indirect_dma source(%dma_start3A_461 : memref<1000000x64xf32, #tpu.memory_space<hbm>>) target(%arg7 : memref<256x64xf32, #tpu.memory_space<vmem>>) offsets(%dma_start3A_458 : memref<256xi32, #tpu.memory_space<vmem>>) semaphore(%arg13 : memref<!tpu.dma_semaphore, #tpu.memory_space<semaphore_mem>>)
      } else {
      }
      %add3A_355 = arith.constant 3 : i32
      %add3A_356 = arith.addi %add3A_64, %add3A_355 : i32
      %dma_wait3A_357 = arith.constant 0 : i32
      %dma_wait3A_358 = arith.constant 0 : i32
      %dma_wait3A_359 = tpu.memref_slice %arg3[%dma_wait3A_357, %dma_wait3A_358] : memref<1000000x64xf32, #tpu.memory_space<hbm>> -> memref<256x64xf32, #tpu.memory_space<hbm>>
      %dma_wait3A_360 = arith.constant 0 : i32
      %dma_wait3A_361 = arith.constant 0 : i32
      %dma_wait3A_362 = tpu.memref_slice %arg3[%dma_wait3A_360, %dma_wait3A_361] : memref<1000000x64xf32, #tpu.memory_space<hbm>> -> memref<256x64xf32, #tpu.memory_space<hbm>>
      tpu.wait_dma2 semaphore(%arg15 : memref<!tpu.dma_semaphore, #tpu.memory_space<semaphore_mem>>) src(%dma_wait3A_362 : memref<256x64xf32, #tpu.memory_space<hbm>>) dst(%arg9 : memref<256x64xf32, #tpu.memory_space<vmem>>)
      %ge3A_363 = arith.constant 1 : i32
      %ge3A_364 = arith.cmpi sge, %add3A_356, %ge3A_363 : i32
      %convert_element_type3A_365 = arith.extui %ge3A_364 : i1 to i32
      %cond3A_366 = arith.constant 0 : i32
      %cond3A_367 = arith.cmpi ne, %convert_element_type3A_365, %cond3A_366 : i32
      scf.if %cond3A_367 {
        %dma_wait3A_454 = arith.constant 0 : i32
        %dma_wait3A_455 = arith.constant 0 : i32
        %dma_wait3A_456 = arith.constant 0 : i32
        %dma_wait3A_457 = arith.constant 0 : i32
        %dma_wait3A_458 = tpu.memref_slice %arg10[%dma_wait3A_455, %dma_wait3A_456, %dma_wait3A_457] : memref<8x8x136xf32, #tpu.memory_space<vmem>> -> memref<8x8x128xf32, #tpu.memory_space<vmem>>
        %dma_wait3A_459 = arith.constant 0 : i32
        %dma_wait3A_460 = arith.constant 0 : i32
        %dma_wait3A_461 = arith.constant 0 : i32
        %dma_wait3A_462 = tpu.memref_slice %arg4[%dma_wait3A_459, %dma_wait3A_454, %dma_wait3A_460, %dma_wait3A_461] : memref<1600x32x8x128xf32, #tpu.memory_space<hbm>> -> memref<8x1x8x128xf32, #tpu.memory_space<hbm>>
        %dma_wait3A_463 = tpu.memref_squeeze %dma_wait3A_462 : memref<8x1x8x128xf32, #tpu.memory_space<hbm>> -> memref<8x8x128xf32, #tpu.memory_space<hbm>>
        %dma_wait3A_464 = arith.constant 0 : i32
        %dma_wait3A_465 = arith.constant 0 : i32
        %dma_wait3A_466 = arith.constant 0 : i32
        %dma_wait3A_467 = tpu.memref_slice %arg4[%dma_wait3A_464, %dma_wait3A_454, %dma_wait3A_465, %dma_wait3A_466] : memref<1600x32x8x128xf32, #tpu.memory_space<hbm>> -> memref<8x1x8x128xf32, #tpu.memory_space<hbm>>
        %dma_wait3A_468 = tpu.memref_squeeze %dma_wait3A_467 : memref<8x1x8x128xf32, #tpu.memory_space<hbm>> -> memref<8x8x128xf32, #tpu.memory_space<hbm>>
        %dma_wait3A_469 = arith.constant 0 : i32
        %dma_wait3A_470 = arith.constant 0 : i32
        %dma_wait3A_471 = arith.constant 0 : i32
        %dma_wait3A_472 = tpu.memref_slice %arg10[%dma_wait3A_469, %dma_wait3A_470, %dma_wait3A_471] : memref<8x8x136xf32, #tpu.memory_space<vmem>> -> memref<8x8x128xf32, #tpu.memory_space<vmem>>
        tpu.wait_dma2 semaphore(%arg16 : memref<!tpu.dma_semaphore, #tpu.memory_space<semaphore_mem>>) src(%dma_wait3A_472 : memref<8x8x128xf32, #tpu.memory_space<vmem>>) dst(%dma_wait3A_468 : memref<8x8x128xf32, #tpu.memory_space<hbm>>)
      } else {
      }
      %parallel_loop3A_368 = arith.constant 0 : i32
      %parallel_loop3A_369 = arith.constant 128 : i32
      %parallel_loop3A_370 = arith.constant 1 : i32
      scf.for %parallel_loop3A_454 = %parallel_loop3A_368 to %parallel_loop3A_369 step %parallel_loop3A_370  : i32 {
        %parallel_loop3A_455 = vector.broadcast %parallel_loop3A_454 : i32 to vector<16xi32>
        %parallel_loop3A_456 = arith.constant 0 : i32
        %parallel_loop3A_457 = arith.constant 0 : i32
        %parallel_loop3A_458 = tpu.memref_slice %arg9[%parallel_loop3A_456, %parallel_loop3A_457] : memref<256x64xf32, #tpu.memory_space<vmem>> -> memref<128x64xf32, #tpu.memory_space<vmem>>
        %parallel_loop3A_459 = arith.index_cast %parallel_loop3A_454 : i32 to index
        %parallel_loop3A_460 = arith.constant 0 : index
        %parallel_loop3A_461 = tpu.vector_load %parallel_loop3A_458[%parallel_loop3A_459, %parallel_loop3A_460] {strides = array<i32>} : memref<128x64xf32, #tpu.memory_space<vmem>>, vector<16xf32>,
        %parallel_loop3A_462 = arith.constant 0 : i32
        %parallel_loop3A_463 = arith.constant 0 : i32
        %parallel_loop3A_464 = tpu.memref_slice %arg9[%parallel_loop3A_462, %parallel_loop3A_463] : memref<256x64xf32, #tpu.memory_space<vmem>> -> memref<128x64xf32, #tpu.memory_space<vmem>>
        %parallel_loop3A_465 = arith.index_cast %parallel_loop3A_454 : i32 to index
        %parallel_loop3A_466 = arith.constant 16 : index
        %parallel_loop3A_467 = tpu.vector_load %parallel_loop3A_464[%parallel_loop3A_465, %parallel_loop3A_466] {strides = array<i32>} : memref<128x64xf32, #tpu.memory_space<vmem>>, vector<16xf32>,
        %parallel_loop3A_468 = arith.constant 0 : i32
        %parallel_loop3A_469 = arith.constant 0 : i32
        %parallel_loop3A_470 = tpu.memref_slice %arg9[%parallel_loop3A_468, %parallel_loop3A_469] : memref<256x64xf32, #tpu.memory_space<vmem>> -> memref<128x64xf32, #tpu.memory_space<vmem>>
        %parallel_loop3A_471 = arith.index_cast %parallel_loop3A_454 : i32 to index
        %parallel_loop3A_472 = arith.constant 32 : index
        %parallel_loop3A_473 = tpu.vector_load %parallel_loop3A_470[%parallel_loop3A_471, %parallel_loop3A_472] {strides = array<i32>} : memref<128x64xf32, #tpu.memory_space<vmem>>, vector<16xf32>,
        %parallel_loop3A_474 = arith.constant 0 : i32
        %parallel_loop3A_475 = arith.constant 0 : i32
        %parallel_loop3A_476 = tpu.memref_slice %arg9[%parallel_loop3A_474, %parallel_loop3A_475] : memref<256x64xf32, #tpu.memory_space<vmem>> -> memref<128x64xf32, #tpu.memory_space<vmem>>
        %parallel_loop3A_477 = arith.index_cast %parallel_loop3A_454 : i32 to index
        %parallel_loop3A_478 = arith.constant 48 : index
        %parallel_loop3A_479 = tpu.vector_load %parallel_loop3A_476[%parallel_loop3A_477, %parallel_loop3A_478] {strides = array<i32>} : memref<128x64xf32, #tpu.memory_space<vmem>>, vector<16xf32>,
        %parallel_loop3A_480 = arith.constant 0 : i32
        %parallel_loop3A_481 = vector.broadcast %parallel_loop3A_480 : i32 to vector<16xi32>
        %parallel_loop3A_482 = arith.addi %iota3A, %parallel_loop3A_481 : vector<16xi32>
        %parallel_loop3A_483 = arith.constant 3 : i32
        %parallel_loop3A_484 = vector.broadcast %parallel_loop3A_483 : i32 to vector<16xi32>
        %parallel_loop3A_485 = arith.shrsi %parallel_loop3A_482, %parallel_loop3A_484 : vector<16xi32>
        %parallel_loop3A_486 = arith.constant 7 : i32
        %parallel_loop3A_487 = vector.broadcast %parallel_loop3A_486 : i32 to vector<16xi32>
        %parallel_loop3A_488 = arith.andi %parallel_loop3A_482, %parallel_loop3A_487 : vector<16xi32>
        %parallel_loop3A_489 = arith.constant 8.000000e+00 : f32
        %parallel_loop3A_490 = vector.broadcast %parallel_loop3A_489 : f32 to vector<16xf32>
        %parallel_loop3A_491 = arith.mulf %parallel_loop3A_461, %parallel_loop3A_490 : vector<16xf32>
        tpu.vector_store_idx %arg10[%parallel_loop3A_485, %parallel_loop3A_488, %parallel_loop3A_455], %parallel_loop3A_491 : memref<8x8x136xf32, #tpu.memory_space<vmem>>[vector<16xi32>, vector<16xi32>, vector<16xi32>], vector<16xf32>,
        %parallel_loop3A_492 = arith.constant 16 : i32
        %parallel_loop3A_493 = vector.broadcast %parallel_loop3A_492 : i32 to vector<16xi32>
        %parallel_loop3A_494 = arith.addi %iota3A, %parallel_loop3A_493 : vector<16xi32>
        %parallel_loop3A_495 = arith.constant 3 : i32
        %parallel_loop3A_496 = vector.broadcast %parallel_loop3A_495 : i32 to vector<16xi32>
        %parallel_loop3A_497 = arith.shrsi %parallel_loop3A_494, %parallel_loop3A_496 : vector<16xi32>
        %parallel_loop3A_498 = arith.constant 7 : i32
        %parallel_loop3A_499 = vector.broadcast %parallel_loop3A_498 : i32 to vector<16xi32>
        %parallel_loop3A_500 = arith.andi %parallel_loop3A_494, %parallel_loop3A_499 : vector<16xi32>
        %parallel_loop3A_501 = arith.constant 8.000000e+00 : f32
        %parallel_loop3A_502 = vector.broadcast %parallel_loop3A_501 : f32 to vector<16xf32>
        %parallel_loop3A_503 = arith.mulf %parallel_loop3A_467, %parallel_loop3A_502 : vector<16xf32>
        tpu.vector_store_idx %arg10[%parallel_loop3A_497, %parallel_loop3A_500, %parallel_loop3A_455], %parallel_loop3A_503 : memref<8x8x136xf32, #tpu.memory_space<vmem>>[vector<16xi32>, vector<16xi32>, vector<16xi32>], vector<16xf32>,
        %parallel_loop3A_504 = arith.constant 32 : i32
        %parallel_loop3A_505 = vector.broadcast %parallel_loop3A_504 : i32 to vector<16xi32>
        %parallel_loop3A_506 = arith.addi %iota3A, %parallel_loop3A_505 : vector<16xi32>
        %parallel_loop3A_507 = arith.constant 3 : i32
        %parallel_loop3A_508 = vector.broadcast %parallel_loop3A_507 : i32 to vector<16xi32>
        %parallel_loop3A_509 = arith.shrsi %parallel_loop3A_506, %parallel_loop3A_508 : vector<16xi32>
        %parallel_loop3A_510 = arith.constant 7 : i32
        %parallel_loop3A_511 = vector.broadcast %parallel_loop3A_510 : i32 to vector<16xi32>
        %parallel_loop3A_512 = arith.andi %parallel_loop3A_506, %parallel_loop3A_511 : vector<16xi32>
        %parallel_loop3A_513 = arith.constant 8.000000e+00 : f32
        %parallel_loop3A_514 = vector.broadcast %parallel_loop3A_513 : f32 to vector<16xf32>
        %parallel_loop3A_515 = arith.mulf %parallel_loop3A_473, %parallel_loop3A_514 : vector<16xf32>
        tpu.vector_store_idx %arg10[%parallel_loop3A_509, %parallel_loop3A_512, %parallel_loop3A_455], %parallel_loop3A_515 : memref<8x8x136xf32, #tpu.memory_space<vmem>>[vector<16xi32>, vector<16xi32>, vector<16xi32>], vector<16xf32>,
        %parallel_loop3A_516 = arith.constant 48 : i32
        %parallel_loop3A_517 = vector.broadcast %parallel_loop3A_516 : i32 to vector<16xi32>
        %parallel_loop3A_518 = arith.addi %iota3A, %parallel_loop3A_517 : vector<16xi32>
        %parallel_loop3A_519 = arith.constant 3 : i32
        %parallel_loop3A_520 = vector.broadcast %parallel_loop3A_519 : i32 to vector<16xi32>
        %parallel_loop3A_521 = arith.shrsi %parallel_loop3A_518, %parallel_loop3A_520 : vector<16xi32>
        %parallel_loop3A_522 = arith.constant 7 : i32
        %parallel_loop3A_523 = vector.broadcast %parallel_loop3A_522 : i32 to vector<16xi32>
        %parallel_loop3A_524 = arith.andi %parallel_loop3A_518, %parallel_loop3A_523 : vector<16xi32>
        %parallel_loop3A_525 = arith.constant 8.000000e+00 : f32
        %parallel_loop3A_526 = vector.broadcast %parallel_loop3A_525 : f32 to vector<16xf32>
        %parallel_loop3A_527 = arith.mulf %parallel_loop3A_479, %parallel_loop3A_526 : vector<16xf32>
        tpu.vector_store_idx %arg10[%parallel_loop3A_521, %parallel_loop3A_524, %parallel_loop3A_455], %parallel_loop3A_527 : memref<8x8x136xf32, #tpu.memory_space<vmem>>[vector<16xi32>, vector<16xi32>, vector<16xi32>], vector<16xf32>,
      } {sc.loop_unroll_factor = 8 : i64, sc.parallel_access}
      %mul3A_371 = arith.constant 2 : i32
      %mul3A_372 = arith.muli %mul3A_371, %add3A_356 : i32
      %add3A_373 = arith.addi %mul3A_2, %mul3A_372 : i32
      %add3A_374 = arith.constant 0 : i32
      %add3A_375 = arith.addi %add3A_373, %add3A_374 : i32
      %shift_right_arithmetic3A_376 = arith.constant 8 : i32
      %shift_right_arithmetic3A_377 = arith.shrsi %add3A_375, %shift_right_arithmetic3A_376 : i32
      %shift_right_arithmetic3A_378 = arith.constant 3 : i32
      %shift_right_arithmetic3A_379 = arith.shrsi %add3A_375, %shift_right_arithmetic3A_378 : i32
      %and3A_380 = arith.constant 31 : i32
      %and3A_381 = arith.andi %shift_right_arithmetic3A_379, %and3A_380 : i32
      %and3A_382 = arith.constant 7 : i32
      %and3A_383 = arith.andi %add3A_375, %and3A_382 : i32
      %mul3A_384 = arith.constant 64 : i32
      %mul3A_385 = arith.muli %shift_right_arithmetic3A_377, %mul3A_384 : i32
      %mul3A_386 = arith.constant 8 : i32
      %mul3A_387 = arith.muli %and3A_383, %mul3A_386 : i32
      %add3A_388 = arith.addi %mul3A_385, %mul3A_387 : i32
      %dma_start3A_389 = arith.constant 0 : i32
      %dma_start3A_390 = arith.constant 0 : i32
      %dma_start3A_391 = arith.constant 0 : i32
      %dma_start3A_392 = tpu.memref_slice %arg10[%dma_start3A_389, %dma_start3A_390, %dma_start3A_391] : memref<8x8x136xf32, #tpu.memory_space<vmem>> -> memref<8x8x128xf32, #tpu.memory_space<vmem>>
      %dma_start3A_393 = arith.constant 0 : i32
      %dma_start3A_394 = arith.constant 0 : i32
      %dma_start3A_395 = tpu.memref_slice %arg4[%add3A_388, %and3A_381, %dma_start3A_393, %dma_start3A_394] : memref<1600x32x8x128xf32, #tpu.memory_space<hbm>> -> memref<8x1x8x128xf32, #tpu.memory_space<hbm>>
      %dma_start3A_396 = tpu.memref_squeeze %dma_start3A_395 : memref<8x1x8x128xf32, #tpu.memory_space<hbm>> -> memref<8x8x128xf32, #tpu.memory_space<hbm>>
      %dma_start3A_397 = arith.constant 0 : i32
      %dma_start3A_398 = arith.constant 0 : i32
      %dma_start3A_399 = tpu.memref_slice %arg4[%add3A_388, %and3A_381, %dma_start3A_397, %dma_start3A_398] : memref<1600x32x8x128xf32, #tpu.memory_space<hbm>> -> memref<8x1x8x128xf32, #tpu.memory_space<hbm>>
      %dma_start3A_400 = tpu.memref_squeeze %dma_start3A_399 : memref<8x1x8x128xf32, #tpu.memory_space<hbm>> -> memref<8x8x128xf32, #tpu.memory_space<hbm>>
      %dma_start3A_401 = arith.constant 0 : i32
      %dma_start3A_402 = arith.constant 0 : i32
      %dma_start3A_403 = arith.constant 0 : i32
      %dma_start3A_404 = tpu.memref_slice %arg10[%dma_start3A_401, %dma_start3A_402, %dma_start3A_403] : memref<8x8x136xf32, #tpu.memory_space<vmem>> -> memref<8x8x128xf32, #tpu.memory_space<vmem>>
      tpu.enqueue_dma source(%dma_start3A_404 : memref<8x8x128xf32, #tpu.memory_space<vmem>>) target(%dma_start3A_400 : memref<8x8x128xf32, #tpu.memory_space<hbm>>) target_semaphore(%arg16 : memref<!tpu.dma_semaphore, #tpu.memory_space<semaphore_mem>>)
      %ge3A_405 = arith.constant 1 : i32
      %ge3A_406 = arith.cmpi sge, %add3A_356, %ge3A_405 : i32
      %convert_element_type3A_407 = arith.extui %ge3A_406 : i1 to i32
      %cond3A_408 = arith.constant 0 : i32
      %cond3A_409 = arith.cmpi ne, %convert_element_type3A_407, %cond3A_408 : i32
      scf.if %cond3A_409 {
        %dma_wait3A_454 = arith.constant 0 : i32
        %dma_wait3A_455 = arith.constant 0 : i32
        %dma_wait3A_456 = arith.constant 0 : i32
        %dma_wait3A_457 = arith.constant 0 : i32
        %dma_wait3A_458 = tpu.memref_slice %arg11[%dma_wait3A_455, %dma_wait3A_456, %dma_wait3A_457] : memref<8x8x136xf32, #tpu.memory_space<vmem>> -> memref<8x8x128xf32, #tpu.memory_space<vmem>>
        %dma_wait3A_459 = arith.constant 0 : i32
        %dma_wait3A_460 = arith.constant 0 : i32
        %dma_wait3A_461 = arith.constant 0 : i32
        %dma_wait3A_462 = tpu.memref_slice %arg4[%dma_wait3A_459, %dma_wait3A_454, %dma_wait3A_460, %dma_wait3A_461] : memref<1600x32x8x128xf32, #tpu.memory_space<hbm>> -> memref<8x1x8x128xf32, #tpu.memory_space<hbm>>
        %dma_wait3A_463 = tpu.memref_squeeze %dma_wait3A_462 : memref<8x1x8x128xf32, #tpu.memory_space<hbm>> -> memref<8x8x128xf32, #tpu.memory_space<hbm>>
        %dma_wait3A_464 = arith.constant 0 : i32
        %dma_wait3A_465 = arith.constant 0 : i32
        %dma_wait3A_466 = arith.constant 0 : i32
        %dma_wait3A_467 = tpu.memref_slice %arg4[%dma_wait3A_464, %dma_wait3A_454, %dma_wait3A_465, %dma_wait3A_466] : memref<1600x32x8x128xf32, #tpu.memory_space<hbm>> -> memref<8x1x8x128xf32, #tpu.memory_space<hbm>>
        %dma_wait3A_468 = tpu.memref_squeeze %dma_wait3A_467 : memref<8x1x8x128xf32, #tpu.memory_space<hbm>> -> memref<8x8x128xf32, #tpu.memory_space<hbm>>
        %dma_wait3A_469 = arith.constant 0 : i32
        %dma_wait3A_470 = arith.constant 0 : i32
        %dma_wait3A_471 = arith.constant 0 : i32
        %dma_wait3A_472 = tpu.memref_slice %arg11[%dma_wait3A_469, %dma_wait3A_470, %dma_wait3A_471] : memref<8x8x136xf32, #tpu.memory_space<vmem>> -> memref<8x8x128xf32, #tpu.memory_space<vmem>>
        tpu.wait_dma2 semaphore(%arg17 : memref<!tpu.dma_semaphore, #tpu.memory_space<semaphore_mem>>) src(%dma_wait3A_472 : memref<8x8x128xf32, #tpu.memory_space<vmem>>) dst(%dma_wait3A_468 : memref<8x8x128xf32, #tpu.memory_space<hbm>>)
      } else {
      }
      %parallel_loop3A_410 = arith.constant 0 : i32
      %parallel_loop3A_411 = arith.constant 128 : i32
      %parallel_loop3A_412 = arith.constant 1 : i32
      scf.for %parallel_loop3A_454 = %parallel_loop3A_410 to %parallel_loop3A_411 step %parallel_loop3A_412  : i32 {
        %parallel_loop3A_455 = vector.broadcast %parallel_loop3A_454 : i32 to vector<16xi32>
        %parallel_loop3A_456 = arith.constant 128 : i32
        %parallel_loop3A_457 = arith.constant 0 : i32
        %parallel_loop3A_458 = tpu.memref_slice %arg9[%parallel_loop3A_456, %parallel_loop3A_457] : memref<256x64xf32, #tpu.memory_space<vmem>> -> memref<128x64xf32, #tpu.memory_space<vmem>>
        %parallel_loop3A_459 = arith.index_cast %parallel_loop3A_454 : i32 to index
        %parallel_loop3A_460 = arith.constant 0 : index
        %parallel_loop3A_461 = tpu.vector_load %parallel_loop3A_458[%parallel_loop3A_459, %parallel_loop3A_460] {strides = array<i32>} : memref<128x64xf32, #tpu.memory_space<vmem>>, vector<16xf32>,
        %parallel_loop3A_462 = arith.constant 128 : i32
        %parallel_loop3A_463 = arith.constant 0 : i32
        %parallel_loop3A_464 = tpu.memref_slice %arg9[%parallel_loop3A_462, %parallel_loop3A_463] : memref<256x64xf32, #tpu.memory_space<vmem>> -> memref<128x64xf32, #tpu.memory_space<vmem>>
        %parallel_loop3A_465 = arith.index_cast %parallel_loop3A_454 : i32 to index
        %parallel_loop3A_466 = arith.constant 16 : index
        %parallel_loop3A_467 = tpu.vector_load %parallel_loop3A_464[%parallel_loop3A_465, %parallel_loop3A_466] {strides = array<i32>} : memref<128x64xf32, #tpu.memory_space<vmem>>, vector<16xf32>,
        %parallel_loop3A_468 = arith.constant 128 : i32
        %parallel_loop3A_469 = arith.constant 0 : i32
        %parallel_loop3A_470 = tpu.memref_slice %arg9[%parallel_loop3A_468, %parallel_loop3A_469] : memref<256x64xf32, #tpu.memory_space<vmem>> -> memref<128x64xf32, #tpu.memory_space<vmem>>
        %parallel_loop3A_471 = arith.index_cast %parallel_loop3A_454 : i32 to index
        %parallel_loop3A_472 = arith.constant 32 : index
        %parallel_loop3A_473 = tpu.vector_load %parallel_loop3A_470[%parallel_loop3A_471, %parallel_loop3A_472] {strides = array<i32>} : memref<128x64xf32, #tpu.memory_space<vmem>>, vector<16xf32>,
        %parallel_loop3A_474 = arith.constant 128 : i32
        %parallel_loop3A_475 = arith.constant 0 : i32
        %parallel_loop3A_476 = tpu.memref_slice %arg9[%parallel_loop3A_474, %parallel_loop3A_475] : memref<256x64xf32, #tpu.memory_space<vmem>> -> memref<128x64xf32, #tpu.memory_space<vmem>>
        %parallel_loop3A_477 = arith.index_cast %parallel_loop3A_454 : i32 to index
        %parallel_loop3A_478 = arith.constant 48 : index
        %parallel_loop3A_479 = tpu.vector_load %parallel_loop3A_476[%parallel_loop3A_477, %parallel_loop3A_478] {strides = array<i32>} : memref<128x64xf32, #tpu.memory_space<vmem>>, vector<16xf32>,
        %parallel_loop3A_480 = arith.constant 0 : i32
        %parallel_loop3A_481 = vector.broadcast %parallel_loop3A_480 : i32 to vector<16xi32>
        %parallel_loop3A_482 = arith.addi %iota3A, %parallel_loop3A_481 : vector<16xi32>
        %parallel_loop3A_483 = arith.constant 3 : i32
        %parallel_loop3A_484 = vector.broadcast %parallel_loop3A_483 : i32 to vector<16xi32>
        %parallel_loop3A_485 = arith.shrsi %parallel_loop3A_482, %parallel_loop3A_484 : vector<16xi32>
        %parallel_loop3A_486 = arith.constant 7 : i32
        %parallel_loop3A_487 = vector.broadcast %parallel_loop3A_486 : i32 to vector<16xi32>
        %parallel_loop3A_488 = arith.andi %parallel_loop3A_482, %parallel_loop3A_487 : vector<16xi32>
        %parallel_loop3A_489 = arith.constant 8.000000e+00 : f32
        %parallel_loop3A_490 = vector.broadcast %parallel_loop3A_489 : f32 to vector<16xf32>
        %parallel_loop3A_491 = arith.mulf %parallel_loop3A_461, %parallel_loop3A_490 : vector<16xf32>
        tpu.vector_store_idx %arg11[%parallel_loop3A_485, %parallel_loop3A_488, %parallel_loop3A_455], %parallel_loop3A_491 : memref<8x8x136xf32, #tpu.memory_space<vmem>>[vector<16xi32>, vector<16xi32>, vector<16xi32>], vector<16xf32>,
        %parallel_loop3A_492 = arith.constant 16 : i32
        %parallel_loop3A_493 = vector.broadcast %parallel_loop3A_492 : i32 to vector<16xi32>
        %parallel_loop3A_494 = arith.addi %iota3A, %parallel_loop3A_493 : vector<16xi32>
        %parallel_loop3A_495 = arith.constant 3 : i32
        %parallel_loop3A_496 = vector.broadcast %parallel_loop3A_495 : i32 to vector<16xi32>
        %parallel_loop3A_497 = arith.shrsi %parallel_loop3A_494, %parallel_loop3A_496 : vector<16xi32>
        %parallel_loop3A_498 = arith.constant 7 : i32
        %parallel_loop3A_499 = vector.broadcast %parallel_loop3A_498 : i32 to vector<16xi32>
        %parallel_loop3A_500 = arith.andi %parallel_loop3A_494, %parallel_loop3A_499 : vector<16xi32>
        %parallel_loop3A_501 = arith.constant 8.000000e+00 : f32
        %parallel_loop3A_502 = vector.broadcast %parallel_loop3A_501 : f32 to vector<16xf32>
        %parallel_loop3A_503 = arith.mulf %parallel_loop3A_467, %parallel_loop3A_502 : vector<16xf32>
        tpu.vector_store_idx %arg11[%parallel_loop3A_497, %parallel_loop3A_500, %parallel_loop3A_455], %parallel_loop3A_503 : memref<8x8x136xf32, #tpu.memory_space<vmem>>[vector<16xi32>, vector<16xi32>, vector<16xi32>], vector<16xf32>,
        %parallel_loop3A_504 = arith.constant 32 : i32
        %parallel_loop3A_505 = vector.broadcast %parallel_loop3A_504 : i32 to vector<16xi32>
        %parallel_loop3A_506 = arith.addi %iota3A, %parallel_loop3A_505 : vector<16xi32>
        %parallel_loop3A_507 = arith.constant 3 : i32
        %parallel_loop3A_508 = vector.broadcast %parallel_loop3A_507 : i32 to vector<16xi32>
        %parallel_loop3A_509 = arith.shrsi %parallel_loop3A_506, %parallel_loop3A_508 : vector<16xi32>
        %parallel_loop3A_510 = arith.constant 7 : i32
        %parallel_loop3A_511 = vector.broadcast %parallel_loop3A_510 : i32 to vector<16xi32>
        %parallel_loop3A_512 = arith.andi %parallel_loop3A_506, %parallel_loop3A_511 : vector<16xi32>
        %parallel_loop3A_513 = arith.constant 8.000000e+00 : f32
        %parallel_loop3A_514 = vector.broadcast %parallel_loop3A_513 : f32 to vector<16xf32>
        %parallel_loop3A_515 = arith.mulf %parallel_loop3A_473, %parallel_loop3A_514 : vector<16xf32>
        tpu.vector_store_idx %arg11[%parallel_loop3A_509, %parallel_loop3A_512, %parallel_loop3A_455], %parallel_loop3A_515 : memref<8x8x136xf32, #tpu.memory_space<vmem>>[vector<16xi32>, vector<16xi32>, vector<16xi32>], vector<16xf32>,
        %parallel_loop3A_516 = arith.constant 48 : i32
        %parallel_loop3A_517 = vector.broadcast %parallel_loop3A_516 : i32 to vector<16xi32>
        %parallel_loop3A_518 = arith.addi %iota3A, %parallel_loop3A_517 : vector<16xi32>
        %parallel_loop3A_519 = arith.constant 3 : i32
        %parallel_loop3A_520 = vector.broadcast %parallel_loop3A_519 : i32 to vector<16xi32>
        %parallel_loop3A_521 = arith.shrsi %parallel_loop3A_518, %parallel_loop3A_520 : vector<16xi32>
        %parallel_loop3A_522 = arith.constant 7 : i32
        %parallel_loop3A_523 = vector.broadcast %parallel_loop3A_522 : i32 to vector<16xi32>
        %parallel_loop3A_524 = arith.andi %parallel_loop3A_518, %parallel_loop3A_523 : vector<16xi32>
        %parallel_loop3A_525 = arith.constant 8.000000e+00 : f32
        %parallel_loop3A_526 = vector.broadcast %parallel_loop3A_525 : f32 to vector<16xf32>
        %parallel_loop3A_527 = arith.mulf %parallel_loop3A_479, %parallel_loop3A_526 : vector<16xf32>
        tpu.vector_store_idx %arg11[%parallel_loop3A_521, %parallel_loop3A_524, %parallel_loop3A_455], %parallel_loop3A_527 : memref<8x8x136xf32, #tpu.memory_space<vmem>>[vector<16xi32>, vector<16xi32>, vector<16xi32>], vector<16xf32>,
      } {sc.loop_unroll_factor = 8 : i64, sc.parallel_access}
      %mul3A_413 = arith.constant 2 : i32
      %mul3A_414 = arith.muli %mul3A_413, %add3A_356 : i32
      %add3A_415 = arith.addi %mul3A_2, %mul3A_414 : i32
      %add3A_416 = arith.constant 1 : i32
      %add3A_417 = arith.addi %add3A_415, %add3A_416 : i32
      %shift_right_arithmetic3A_418 = arith.constant 8 : i32
      %shift_right_arithmetic3A_419 = arith.shrsi %add3A_417, %shift_right_arithmetic3A_418 : i32
      %shift_right_arithmetic3A_420 = arith.constant 3 : i32
      %shift_right_arithmetic3A_421 = arith.shrsi %add3A_417, %shift_right_arithmetic3A_420 : i32
      %and3A_422 = arith.constant 31 : i32
      %and3A_423 = arith.andi %shift_right_arithmetic3A_421, %and3A_422 : i32
      %and3A_424 = arith.constant 7 : i32
      %and3A_425 = arith.andi %add3A_417, %and3A_424 : i32
      %mul3A_426 = arith.constant 64 : i32
      %mul3A_427 = arith.muli %shift_right_arithmetic3A_419, %mul3A_426 : i32
      %mul3A_428 = arith.constant 8 : i32
      %mul3A_429 = arith.muli %and3A_425, %mul3A_428 : i32
      %add3A_430 = arith.addi %mul3A_427, %mul3A_429 : i32
      %dma_start3A_431 = arith.constant 0 : i32
      %dma_start3A_432 = arith.constant 0 : i32
      %dma_start3A_433 = arith.constant 0 : i32
      %dma_start3A_434 = tpu.memref_slice %arg11[%dma_start3A_431, %dma_start3A_432, %dma_start3A_433] : memref<8x8x136xf32, #tpu.memory_space<vmem>> -> memref<8x8x128xf32, #tpu.memory_space<vmem>>
      %dma_start3A_435 = arith.constant 0 : i32
      %dma_start3A_436 = arith.constant 0 : i32
      %dma_start3A_437 = tpu.memref_slice %arg4[%add3A_430, %and3A_423, %dma_start3A_435, %dma_start3A_436] : memref<1600x32x8x128xf32, #tpu.memory_space<hbm>> -> memref<8x1x8x128xf32, #tpu.memory_space<hbm>>
      %dma_start3A_438 = tpu.memref_squeeze %dma_start3A_437 : memref<8x1x8x128xf32, #tpu.memory_space<hbm>> -> memref<8x8x128xf32, #tpu.memory_space<hbm>>
      %dma_start3A_439 = arith.constant 0 : i32
      %dma_start3A_440 = arith.constant 0 : i32
      %dma_start3A_441 = tpu.memref_slice %arg4[%add3A_430, %and3A_423, %dma_start3A_439, %dma_start3A_440] : memref<1600x32x8x128xf32, #tpu.memory_space<hbm>> -> memref<8x1x8x128xf32, #tpu.memory_space<hbm>>
      %dma_start3A_442 = tpu.memref_squeeze %dma_start3A_441 : memref<8x1x8x128xf32, #tpu.memory_space<hbm>> -> memref<8x8x128xf32, #tpu.memory_space<hbm>>
      %dma_start3A_443 = arith.constant 0 : i32
      %dma_start3A_444 = arith.constant 0 : i32
      %dma_start3A_445 = arith.constant 0 : i32
      %dma_start3A_446 = tpu.memref_slice %arg11[%dma_start3A_443, %dma_start3A_444, %dma_start3A_445] : memref<8x8x136xf32, #tpu.memory_space<vmem>> -> memref<8x8x128xf32, #tpu.memory_space<vmem>>
      tpu.enqueue_dma source(%dma_start3A_446 : memref<8x8x128xf32, #tpu.memory_space<vmem>>) target(%dma_start3A_442 : memref<8x8x128xf32, #tpu.memory_space<hbm>>) target_semaphore(%arg17 : memref<!tpu.dma_semaphore, #tpu.memory_space<semaphore_mem>>)
      %add3A_447 = arith.constant 3 : i32
      %add3A_448 = arith.addi %add3A_356, %add3A_447 : i32
      %lt3A_449 = arith.constant 100 : i32
      %lt3A_450 = arith.cmpi slt, %add3A_448, %lt3A_449 : i32
      %convert_element_type3A_451 = arith.extui %lt3A_450 : i1 to i32
      %cond3A_452 = arith.constant 0 : i32
      %cond3A_453 = arith.cmpi ne, %convert_element_type3A_451, %cond3A_452 : i32
      scf.if %cond3A_453 {
        %add3A_454 = arith.constant 3 : i32
        %add3A_455 = arith.addi %add3A_356, %add3A_454 : i32
        %mul3A_456 = arith.constant 256 : i32
        %mul3A_457 = arith.muli %add3A_455, %mul3A_456 : i32
        %dma_start3A_458 = tpu.memref_slice %arg5[%mul3A_457] : memref<25600xi32, #tpu.memory_space<vmem>> -> memref<256xi32, #tpu.memory_space<vmem>>
        %dma_start3A_459 = arith.constant 0 : i32
        %dma_start3A_460 = arith.constant 0 : i32
        %dma_start3A_461 = tpu.memref_slice %arg3[%dma_start3A_459, %dma_start3A_460] : memref<1000000x64xf32, #tpu.memory_space<hbm>> -> memref<1000000x64xf32, #tpu.memory_space<hbm>>
        tpu.enqueue_indirect_dma source(%dma_start3A_461 : memref<1000000x64xf32, #tpu.memory_space<hbm>>) target(%arg8 : memref<256x64xf32, #tpu.memory_space<vmem>>) offsets(%dma_start3A_458 : memref<256xi32, #tpu.memory_space<vmem>>) semaphore(%arg14 : memref<!tpu.dma_semaphore, #tpu.memory_space<semaphore_mem>>)
      } else {
      }
    }
    %scan3A_22 = arith.constant 25 : i32
    %dma_wait3A = arith.constant 0 : i32
    %dma_wait3A_23 = arith.constant 0 : i32
    %dma_wait3A_24 = arith.constant 0 : i32
    %dma_wait3A_25 = arith.constant 0 : i32
    %dma_wait3A_26 = tpu.memref_slice %arg10[%dma_wait3A_23, %dma_wait3A_24, %dma_wait3A_25] : memref<8x8x136xf32, #tpu.memory_space<vmem>> -> memref<8x8x128xf32, #tpu.memory_space<vmem>>
    %dma_wait3A_27 = arith.constant 0 : i32
    %dma_wait3A_28 = arith.constant 0 : i32
    %dma_wait3A_29 = arith.constant 0 : i32
    %dma_wait3A_30 = tpu.memref_slice %arg4[%dma_wait3A_27, %dma_wait3A, %dma_wait3A_28, %dma_wait3A_29] : memref<1600x32x8x128xf32, #tpu.memory_space<hbm>> -> memref<8x1x8x128xf32, #tpu.memory_space<hbm>>
    %dma_wait3A_31 = tpu.memref_squeeze %dma_wait3A_30 : memref<8x1x8x128xf32, #tpu.memory_space<hbm>> -> memref<8x8x128xf32, #tpu.memory_space<hbm>>
    %dma_wait3A_32 = arith.constant 0 : i32
    %dma_wait3A_33 = arith.constant 0 : i32
    %dma_wait3A_34 = arith.constant 0 : i32
    %dma_wait3A_35 = tpu.memref_slice %arg4[%dma_wait3A_32, %dma_wait3A, %dma_wait3A_33, %dma_wait3A_34] : memref<1600x32x8x128xf32, #tpu.memory_space<hbm>> -> memref<8x1x8x128xf32, #tpu.memory_space<hbm>>
    %dma_wait3A_36 = tpu.memref_squeeze %dma_wait3A_35 : memref<8x1x8x128xf32, #tpu.memory_space<hbm>> -> memref<8x8x128xf32, #tpu.memory_space<hbm>>
    %dma_wait3A_37 = arith.constant 0 : i32
    %dma_wait3A_38 = arith.constant 0 : i32
    %dma_wait3A_39 = arith.constant 0 : i32
    %dma_wait3A_40 = tpu.memref_slice %arg10[%dma_wait3A_37, %dma_wait3A_38, %dma_wait3A_39] : memref<8x8x136xf32, #tpu.memory_space<vmem>> -> memref<8x8x128xf32, #tpu.memory_space<vmem>>
    tpu.wait_dma2 semaphore(%arg16 : memref<!tpu.dma_semaphore, #tpu.memory_space<semaphore_mem>>) src(%dma_wait3A_40 : memref<8x8x128xf32, #tpu.memory_space<vmem>>) dst(%dma_wait3A_36 : memref<8x8x128xf32, #tpu.memory_space<hbm>>)
    %dma_wait3A_41 = arith.constant 0 : i32
    %dma_wait3A_42 = arith.constant 0 : i32
    %dma_wait3A_43 = arith.constant 0 : i32
    %dma_wait3A_44 = arith.constant 0 : i32
    %dma_wait3A_45 = tpu.memref_slice %arg11[%dma_wait3A_42, %dma_wait3A_43, %dma_wait3A_44] : memref<8x8x136xf32, #tpu.memory_space<vmem>> -> memref<8x8x128xf32, #tpu.memory_space<vmem>>
    %dma_wait3A_46 = arith.constant 0 : i32
    %dma_wait3A_47 = arith.constant 0 : i32
    %dma_wait3A_48 = arith.constant 0 : i32
    %dma_wait3A_49 = tpu.memref_slice %arg4[%dma_wait3A_46, %dma_wait3A_41, %dma_wait3A_47, %dma_wait3A_48] : memref<1600x32x8x128xf32, #tpu.memory_space<hbm>> -> memref<8x1x8x128xf32, #tpu.memory_space<hbm>>
    %dma_wait3A_50 = tpu.memref_squeeze %dma_wait3A_49 : memref<8x1x8x128xf32, #tpu.memory_space<hbm>> -> memref<8x8x128xf32, #tpu.memory_space<hbm>>
    %dma_wait3A_51 = arith.constant 0 : i32
    %dma_wait3A_52 = arith.constant 0 : i32
    %dma_wait3A_53 = arith.constant 0 : i32
    %dma_wait3A_54 = tpu.memref_slice %arg4[%dma_wait3A_51, %dma_wait3A_41, %dma_wait3A_52, %dma_wait3A_53] : memref<1600x32x8x128xf32, #tpu.memory_space<hbm>> -> memref<8x1x8x128xf32, #tpu.memory_space<hbm>>
    %dma_wait3A_55 = tpu.memref_squeeze %dma_wait3A_54 : memref<8x1x8x128xf32, #tpu.memory_space<hbm>> -> memref<8x8x128xf32, #tpu.memory_space<hbm>>
    %dma_wait3A_56 = arith.constant 0 : i32
    %dma_wait3A_57 = arith.constant 0 : i32
    %dma_wait3A_58 = arith.constant 0 : i32
    %dma_wait3A_59 = tpu.memref_slice %arg11[%dma_wait3A_56, %dma_wait3A_57, %dma_wait3A_58] : memref<8x8x136xf32, #tpu.memory_space<vmem>> -> memref<8x8x128xf32, #tpu.memory_space<vmem>>
    tpu.wait_dma2 semaphore(%arg17 : memref<!tpu.dma_semaphore, #tpu.memory_space<semaphore_mem>>) src(%dma_wait3A_59 : memref<8x8x128xf32, #tpu.memory_space<vmem>>) dst(%dma_wait3A_55 : memref<8x8x128xf32, #tpu.memory_space<hbm>>)
    return
  }
}

</mosaic_0001>

<sc_bundles>
// kernel: kernel.3.cloned.1.call-start
scs
__scs_entry_jumppad:
0x0: {  	(pc) =	sbr.rel $0x88, $3  }
0x1: {  	(tag) =	ssettag $0x0;
	lr =	simm.s32 $0x1  }
0x2: {  	[smem:$0x3F9F] =	sst lr;
	_ =	strace $0xD0000000  }
0x3: {  	_ = 	snop  }
0x4: {  	_ = 	snop  }
0x5: {  	_ = 	snop  }
0x6: {  	_ = 	snop  }
0x7: {  	_ = 	snop  }
__scs_overlays_trampoline_lowered:
0x8: {  	[smem:$0x3FAE] =	sst s0  }
0x9: {  	[smem:$0x3FAF] =	sst s1  }
0xa: {  	[smem:$0x3FB0] =	sst s2  }
0xb: {  	[smem:$0x3FB1] =	sst s3  }
0xc: {  	[smem:$0x3FB2] =	sst s4  }
0xd: {  	[smem:$0x3FB3] =	sst s5  }
0xe: {  	[smem:$0x3FB4] =	sst s6  }
0xf: {  	[smem:$0x3FB5] =	sst s7  }
0x10: {  	[smem:$0x3FB6] =	sst s8  }
0x11: {  	[smem:$0x3FB7] =	sst s9;
	s0 =	simm.s32 @!p0 $0x0  }
0x12: {  	s1 =	sld [smem:$0x3F9D];
	s0 =	simm.s32 @p0 $0x1  }
0x13: {  	[smem:$0x3FB8] =	sst s0;
	s0 =	simm.s32 @!p1 $0x0  }
0x14: {  	s2 =	sld [smem:$0x3F9C];
	s0 =	simm.s32 @p1 $0x1  }
0x15: {  	[smem:$0x3FB9] =	sst s0;
	s0 =	simm.s32 @!p2 $0x0  }
0x16: {  	s3 =	sld [smem:$0x3FDB];
	s0 =	simm.s32 @p2 $0x1  }
0x17: {  	s4 =	simm.s32 $0x1BF5;
	[smem:$0x3FBB] =	sst s0  }
0x18: {  	s0 =	sld [smem:$0x3F9E];
	_ =	swait.ge [sflag:s4], $0x0  }
0x19: {  	s7 =	sld [smem:$0x3F9F]  }
0x1a: {  	s8 =	sadd.s32 $0xFFFFE003, lr  }
0x1b: {  	s9 =	sadd.s32 $0xFFFFFEF7, lr;
	s5 =	simm.s32 $0xFFFFFFFF;
	p2 =	slt.u32 s8, $0xFFFFF086  }
0x1c: {  	p1 =	slt.u32 s9, $0xF7A;
	s5 =	simm.s32 @!p2 $0x0  }
0x1d: {  	s5 =	simm.s32 @p1 $0x1;
	p0 =	seq.s32 s7, s2  }
0x1e: {  	s7 =	smul.u32 @!p0 $0xF7A, s2;
	p2 =	seq.s32 @!p0 s5, $0x0  }
0x1f: {  	s9 =	smul.u32 $0xF7A, s1;
	s8 =	simm.s32 @!p0 $0x1BF5;
	p2 =	por !p2, p0  }
0x20: {  	[sflag:s8] =	ssyncset.s32 @!p0 $0xFFFFF086;
	s6 =	sadd.s32 @!p0 s3, s7;
	s7 =	simm.s32 @!p0 $0x108  }
0x21: {  	s3 =	sadd.s32 s3, s9;
	s6 =	sadd.s32 @!p0 $0x88, s6;
	s7 =	simm.s32 @p2 $0x1082  }
0x22: {  	[simem:s7], [sflag:s8] =	dma.local @!p0 [hbm:s6], $0xF7A  }
0x23: {  	s9 =	sor.u32 $0xD0000000, s2;
	s6 =	simm.s32 $0x108;
	_ =	swait.ge @!p0 [sflag:s8], $0x0  }
0x24: {  	s3 =	sadd.s32 $0x88, s3;
	s6 =	simm.s32 @!p1 $0x1082;
	[sflag:s4] =	ssyncset.s32 $0xFFFFF086  }
0x25: {  	[simem:s6], [sflag:s4] =	dma.local [hbm:s3], $0xF7A  }
0x26: {  	[smem:$0x3F9F] =	sst s1;
	(tag) =	ssettag s2;
	_ =	strace s9  }
0x27: {  	s1 =	sld [smem:$0x3FAF]  }
0x28: {  	s2 =	sld [smem:$0x3FB0]  }
0x29: {  	s4 =	sld [smem:$0x3FB2]  }
0x2a: {  	p0 =	seq.s32 s5, $0x0;
	s5 =	sld [smem:$0x3FB3]  }
0x2b: {  	s6 =	sld [smem:$0x3FB4]  }
0x2c: {  	s7 =	sld [smem:$0x3FB5]  }
0x2d: {  	s3 =	simm.s32 $0x108;
	s8 =	sld [smem:$0x3FB6]  }
0x2e: {  	s3 =	simm.s32 @!p0 $0x1082;
	s9 =	sld [smem:$0x3FB7]  }
0x2f: {  	lr =	sadd.s32 s0, s3;
	s0 =	sld [smem:$0x3FAE]  }
0x30: {  	s3 =	sld [smem:$0x3FB1]  }
0x31: {  	[smem:$0x3FBA] =	sst s10  }
0x32: {  	s10 =	sld [smem:$0x3FB8];
	_ =	sdelay $0x3  }
0x33: {  	p0 =	seq.s32 s10, $0x1;
	s10 =	sld [smem:$0x3FBA];
	_ =	sdelay $0x3  }
0x34: {  	[smem:$0x3FBA] =	sst s10  }
0x35: {  	s10 =	sld [smem:$0x3FB9];
	_ =	sdelay $0x3  }
0x36: {  	p1 =	seq.s32 s10, $0x1;
	s10 =	sld [smem:$0x3FBA];
	_ =	sdelay $0x3  }
0x37: {  	[smem:$0x3FBA] =	sst s10  }
0x38: {  	s10 =	sld [smem:$0x3FBB]  }
0x39: {  	_ = 	snop;
	(pc) =	sbr.ind lr, $3  }
0x3a: {  	_ = 	snop  }
0x3b: {  	_ = 	snop  }
0x3c: {  	p2 =	seq.s32 s10, $0x1;
	s10 =	sld [smem:$0x3FBA]  }
0x3d: {  	_ =	shalt  }
0x3e: {  	_ =	shalt  }
0x3f: {  	_ =	shalt  }
0x40: {  	_ =	shalt  }
0x41: {  	_ =	shalt  }
0x42: {  	_ =	shalt  }
0x43: {  	_ =	shalt  }
0x44: {  	_ =	shalt  }
0x45: {  	_ =	shalt  }
0x46: {  	_ =	shalt  }
0x47: {  	_ =	shalt  }
0x48: {  	_ =	shalt  }
0x49: {  	_ =	shalt  }
0x4a: {  	_ =	shalt  }
0x4b: {  	_ =	shalt  }
0x4c: {  	_ =	shalt  }
0x4d: {  	_ =	shalt  }
0x4e: {  	_ =	shalt  }
0x4f: {  	_ =	shalt  }
0x50: {  	_ =	shalt  }
0x51: {  	_ =	shalt  }
0x52: {  	_ =	shalt  }
0x53: {  	_ =	shalt  }
0x54: {  	_ =	shalt  }
0x55: {  	_ =	shalt  }
0x56: {  	_ =	shalt  }
0x57: {  	_ =	shalt  }
0x58: {  	_ =	shalt  }
0x59: {  	_ =	shalt  }
0x5a: {  	_ =	shalt  }
0x5b: {  	_ =	shalt  }
0x5c: {  	_ =	shalt  }
0x5d: {  	_ =	shalt  }
0x5e: {  	_ =	shalt  }
0x5f: {  	_ =	shalt  }
0x60: {  	_ =	shalt  }
0x61: {  	_ =	shalt  }
0x62: {  	_ =	shalt  }
0x63: {  	_ =	shalt  }
0x64: {  	_ =	shalt  }
0x65: {  	_ =	shalt  }
0x66: {  	_ =	shalt  }
0x67: {  	_ =	shalt  }
0x68: {  	_ =	shalt  }
0x69: {  	_ =	shalt  }
0x6a: {  	_ =	shalt  }
0x6b: {  	_ =	shalt  }
0x6c: {  	_ =	shalt  }
0x6d: {  	_ =	shalt  }
0x6e: {  	_ =	shalt  }
0x6f: {  	_ =	shalt  }
0x70: {  	_ =	shalt  }
0x71: {  	_ =	shalt  }
0x72: {  	_ =	shalt  }
0x73: {  	_ =	shalt  }
0x74: {  	_ =	shalt  }
0x75: {  	_ =	shalt  }
0x76: {  	_ =	shalt  }
0x77: {  	_ =	shalt  }
0x78: {  	_ =	shalt  }
0x79: {  	_ =	shalt  }
0x7a: {  	_ =	shalt  }
0x7b: {  	_ =	shalt  }
0x7c: {  	_ =	shalt  }
0x7d: {  	_ =	shalt  }
0x7e: {  	_ =	shalt  }
0x7f: {  	_ =	shalt  }
0x80: {  	_ =	shalt  }
0x81: {  	_ =	shalt  }
0x82: {  	_ =	shalt  }
0x83: {  	_ =	shalt  }
0x84: {  	_ =	shalt  }
0x85: {  	_ =	shalt  }
0x86: {  	_ =	shalt  }
0x87: {  	_ =	shalt  }
.Lfunc_end0:
.L_simem_size_0:
called_computation_lowered:
.L_overlay_start_0:
0x88: {  	s2 =	sld [smem:$0x3FD9]  }
0x89: {  	s3 =	sld [smem:$0x3FFE];
	_ =	sdelay $0x1  }
0x8a: {  	s1 =	srdreg.scid  }
0x8b: {  	s0 =	sand.u32 $0x1, s1  }
0x8c: {  	s17 =	sshll.u32 s0, $0xA;
	s2 =	sadd.s32 s3, s2  }
0x8d: {  	s2 =	sadd.s32 s2, s17  }
0x8e: {  	[smem:$0x3FC6] =	sst s2  }
0x8f: {  	_ = 	snop  }
0x90: {  	s2 =	sld [smem:$0x3FC9]  }
0x91: {  	s18 =	sld [smem:$0x3FD0];
	(tm) =	ssettm $0x1  }
0x92: {  	s4 =	sld [smem:$0x3FFB];
	_ =	sdelay $0x3  }
0x93: {  	_ =	strace s4  }
0x94: {  	s4 =	sld [smem:$0x3FFC];
	_ =	sdelay $0x3  }
0x95: {  	_ =	strace s4  }
0x96: {  	s4 =	sld [smem:$0x3FFD];
	_ =	sdelay $0x3  }
0x97: {  	_ =	strace s4  }
0x98: {  	_ =	strace $0x8FFFFFFF  }
0x99: {  	s19 =	sld [smem:$0x3FDB];
	_ =	sdelay $0x1  }
0x9a: {  	s5 =	simm.s32 $_scs_section_size  }
0x9b: {  	s6 =	simm.s32 $_size__tile_overlayer_lowered;
	s7 =	simm.s32 $_tile_overlayer_lowered  }
0x9c: {  	s22 =	simm.s32 $0x1BFF;
	s21 =	sshll.u32 s7, $0x1;
	s4 =	sadd.s32 s5, s19  }
0x9d: {  	s8 =	simm.s32 $0x0;
	s20 =	sshll.u32 s6, $0x1;
	s6 =	sadd.s32 s21, s4  }
0x9e: {  	[timem:s8], [sflag:s22] =	dma.local [hbm:s6], s20  }
0x9f: {  	_ =	swait.ge [sflag:s22], s20  }
0xa0: {  	s5 =	ssub.s32 $0x0, s20;
	[sflag:s22] =	ssyncset.done $0x0  }
0xa1: {  	[sflag:s22] =	ssyncadd.s32 s5;
	_ =	sdelay $0x1  }
0xa2: {  	s23 =	simm.s32 $0x1B8B  }
0xa3: {  	_ =	swait.ge [sflag:s23], $0x1  }
0xa4: {  	[sflag:s23] =	ssyncset.done $0x0  }
0xa5: {  	s25 =	simm.s32 $0x1B8E;
	s24 =	sld [smem:$0x3FFE];
	[sflag:s23] =	ssyncadd.s32 $0xFFFFFFFF  }
0xa6: {  	s26 =	simm.s32 $execute0_lowered;
	[smem:$0x3FD2] =	sst s25  }
0xa7: {  	s6 =	sshll.u32 s26, $0x1;
	_ =	strace $0x80000046;
	[dreg:$0x1] =	wrdreg $0xFFFFFFFF  }
0xa8: {  	s28 =	simm.s32 $_size_execute0_lowered;
	s4 =	sadd.s32 s4, s6;
	[dreg:$0x0] =	wrdreg $0x0  }
0xa9: {  	s6 =	sshll.u32 s28, $0x1;
	[dreg:$0x2] =	wrdreg s4  }
0xaa: {  	[dreg:$0x3] =	wrdreg s6  }
0xab: {  	[dreg:$0x4] =	wrdreg $0xC0  }
0xac: {  	_ =	task [dreg:s8], $0x5FFFF  }
0xad: {  	[dreg:$0x1] =	wrdreg $0xFFFFFFFF  }
0xae: {  	[dreg:$0x0] =	wrdreg $0x60  }
0xaf: {  	[dreg:$0x2] =	wrdreg s2  }
0xb0: {  	[dreg:$0x3] =	wrdreg s24  }
0xb1: {  	[dreg:$0x4] =	wrdreg s18  }
0xb2: {  	[dreg:$0x5] =	wrdreg $0x9  }
0xb3: {  	_ =	task.clear_ibuf [dreg:s8], $0x6FFFF;
	_ =	strace $0x90000046  }
0xb4: {  	s29 =	simm.s32 $0x9;
	_ =	strace $0x80000048  }
0xb5: {  	_ =	swait.ge [sflag:s29], $0x1  }
0xb6: {  	[sflag:s29] =	ssyncadd.s32 $0xFFFFFFFF  }
0xb7: {  	_ =	strace $0x90000048  }
0xb8: {  	_ =	sfence  }
0xb9: {  	s30 =	sld [smem:$0x0];
	_ =	sdelay $0x2  }
0xba: {  	s31 =	sshll.u32 s1, $0xD;
	s1 =	sshrl.u32 s1, $0x2  }
0xbb: {  	s3 =	sand.u32 $0x4000, s31;
	s1 =	sadd.s32 s1, s30  }
0xbc: {  	s0 =	sor.u32 s3, s0;
	s1 =	sshll.u32 s1, $0x11  }
0xbd: {  	s0 =	sor.u32 s1, s0  }
0xbe: {  	s0 =	sadd.s32 $0x8F2B, s0  }
0xbf: {  	[sflag:s0] =	ssyncadd.remote.s32 $0x1  }
0xc0: {  	_ =	sfence.sel $0xFFFF  }
0xc1: {  	[dreg:$0x0] =	wrdreg $0xFFFFFFFF;
	(pc) =	sbr.abs _section_cstart, $3  }
0xc2: {  	[dreg:$0x1] =	wrdreg $0xFFFFFFFF  }
0xc3: {  	_ =	task.clear_ibuf [dreg:s8], $0x2FFFF;
	_ =	strace $0x9FFFFFFF  }
0xc4: {  	(tm) =	ssettm $0x7FFFFFFF  }
0xc5: {  	_ =	shalt  }
tec
execute0_lowered:
.L_overlay_start_1:
0x0: {  	(tag) =	ssettag $0x1  }
0x1: {  	s0 =	rddreg [dreg:$0x0]  }
0x2: {  	s1 =	rddreg [dreg:$0x1];
	s3 =	srdreg.scid;
	v0 =	vlaneseq.u32  }
0x3: {  	s2 =	stileid.u32;
	s13 =	rddreg [dreg:$0x2];
	v0 =	vmul.u32 $0x88, v0  }
0x4: {  	v1 =	vimm.s32 $0x0;
	vm0 =	vcmask $0x300;
	s16 =	simm.s32 $0x100;
	s21 =	simm.s32 $0x1;
	s22 =	simm.s32 $0x16400  }
0x5: {  	s23 =	simm.s32 $0x18600;
	s24 =	simm.s32 $0x12400;
	s25 =	simm.s32 $0x2;
	v1 =	vsel vm0, $0x3, v1;
	v2 =	vadd.s32 $0x880, v0  }
0x6: {  	s28 =	simm.s32 $0x6;
	s29 =	simm.s32 $0x3;
	s30 =	simm.s32 $0x4;
	v3 =	vadd.s32 $0x1100, v0;
	v4 =	vadd.s32 $0x1980, v0;
	v5 =	vor.u32 $0x1, v0  }
0x7: {  	s4 =	sand.u32 $0x1, s3;
	s5 =	sshll.u32 s2, $0x1;
	s3 =	simm.s32 $0x0;
	v6 =	vadd.s32 $0x881, v0;
	v7 =	vadd.s32 $0x1101, v0;
	v8 =	vadd.s32 $0x1981, v0  }
0x8: {  	s8 =	sadd.s32 $0x10000, s13;
	s9 =	sadd.s32 $0x18000, s13;
	s10 =	sadd.s32 $0x20000, s13;
	v9 =	vor.u32 $0x2, v0;
	v10 =	vadd.s32 $0x882, v0;
	v11 =	vadd.s32 $0x1102, v0  }
0x9: {  	s11 =	sadd.s32 $0x28000, s13;
	s12 =	sadd.s32 $0x30000, s13;
	s5 =	sor.u32 s4, s5;
	v12 =	vadd.s32 $0x1982, v0;
	v13 =	vor.u32 $0x3, v0;
	v14 =	vadd.s32 $0x883, v0  }
0xa: {  	s20 =	smov.u32 s13;
	[smem:$0x7FF] =	sst s3;
	s7 =	smul.u32 $0xC80, s5;
	v15 =	vadd.s32 $0x1103, v0;
	v16 =	vadd.s32 $0x1983, v0;
	v17 =	vor.u32 $0x4, v0  }
.Ltmp0:
0xb: {  	s6 =	ssub.s32 $0x2, s4;
	s4 =	sadd.s32 $0xF42800, s1;
	v18 =	vadd.s32 $0x884, v0;
	v19 =	vadd.s32 $0x1104, v0;
	v20 =	vadd.s32 $0x1984, v0;
	(pc) =	sbr.rel .LBB2_1-.Ltmp0, $4  }
0xc: {  	_ =	strace $0x80000047;
	s26 =	sshrl.u32 s6, $0x1;
	s5 =	smul.u32 $0xC8, s5;
	v21 =	vor.u32 $0x5, v0;
	v22 =	vadd.s32 $0x885, v0;
	v23 =	vadd.s32 $0x1105, v0  }
0xd: {  	v24 =	vadd.s32 $0x1985, v0;
	v25 =	vor.u32 $0x6, v0;
	v26 =	vadd.s32 $0x886, v0;
	s1 =	ssub.s32 s6, s26;
	s26 =	simm.s32 $0x5;
	s0 =	sadd.s32 s0, s7  }
0xe: {  	v27 =	vadd.s32 $0x1106, v0;
	v28 =	vadd.s32 $0x1986, v0;
	v29 =	vor.u32 $0x7, v0;
	s7 =	sadd.s32 $0x8000, s13;
	s31 =	smax.u32 s1, $0x1;
	[dreg:$0x4] =	wrdreg s0  }
0xf: {  	v30 =	vadd.s32 $0x887, v0;
	v31 =	vadd.s32 $0x1107, v0;
	v32 =	vadd.s32 $0x1987, v0;
	s13 =	sadd.s32 $0x38000, s13;
	s1 =	simm.s32 $0x0;
	[dreg:$0x5] =	wrdreg s31  }
.LBB2_36:
0x10: {  	_ =	swait.ge [sflag:s26], $0x2000  }
0x11: {  	[sflag:s26] =	ssyncset.done $0x0  }
0x12: {  	[sflag:s26] =	ssyncadd.s32 $0xFFFFE000  }
0x13: {  	_ =	swait.ge [sflag:s28], $0x2000  }
0x14: {  	s1 =	rddreg [dreg:$0x6]  }
0x15: {  	s0 =	rddreg [dreg:$0x5];
	s1 =	sadd.s32 $0x1, s1  }
0x16: {  	p0 =	sne.s32 s1, s0  }
.Ltmp1:
0x17: {  	_ = 	snop;
	(pc) =	sbr.rel @!p0 .LBB2_37-.Ltmp1, $3  }
0x18: {  	_ =	sdelay $0x1  }
0x19: {  	[sflag:s28] =	ssyncset.done $0x0  }
0x1a: {  	[sflag:s28] =	ssyncadd.s32 $0xFFFFE000  }
.LBB2_1:
0x1b: {  	[dreg:$0x6] =	wrdreg s1  }
0x1c: {  	s0 =	rddreg [dreg:$0x4];
	s15 =	simm.s32 $0x7  }
0x1d: {  	[tilespmem:s3], [sflag:$0x7] =	stream.linear.gather [hbm4b:s0+s3], $0x6400, $0x38;
	[tilespmem:$0x1A800] =	vst v63  }
0x1e: {  	_ =	swait.ge [sflag:s15], $0x6400  }
0x1f: {  	[sflag:s15] =	ssyncset.done $0x0  }
0x20: {  	s17 =	simm.s32 $0x6400;
	[sflag:s15] =	ssyncadd.s32 $0xFFFF9C00  }
0x21: {  	[tilespmem:s17], [sflag:$0x1] =	stream.indirect.gather [hbm4b:s4+s16], $0x40, s3, s16, $0xb8;
	[tilespmem:$0x1A800] =	vst v63  }
0x22: {  	s18 =	simm.s32 $0xA400  }
0x23: {  	[tilespmem:s18], [sflag:$0x2] =	stream.indirect.gather [hbm4b:s4+s16], $0x40, s16, s16, $0xb8;
	[tilespmem:$0x1A800] =	vst v63  }
0x24: {  	s19 =	simm.s32 $0x200;
	s31 =	simm.s32 $0xE400;
	s1 =	simm.s32 $0x0  }
0x25: {  	[tilespmem:s31], [sflag:$0x3] =	stream.indirect.gather [hbm4b:s4+s16], $0x40, s19, s16, $0xb8;
	[tilespmem:$0x1A800] =	vst v63  }
.LBB2_2:
0x26: {  	_ =	swait.ge [sflag:s21], $0x4000  }
0x27: {  	p0 =	seq.s32 s1, $0x0;
	[sflag:s21] =	ssyncset.done $0x0  }
0x28: {  	s0 =	simm.s32 @!p0 $0x5;
	[sflag:s21] =	ssyncadd.s32 $0xFFFFC000  }
0x29: {  	s6 =	simm.s32 $0x7;
	_ =	swait.ge @!p0 [sflag:s0], $0x2000  }
0x2a: {  	s31 =	simm.s32 $0x0;
	v33 =	vmov s6;
	[sflag:s0] =	ssyncset.done @!p0 $0x0  }
0x2b: {  	v35 =	vmov s31;
	v33 =	vshrl.u32 v33, $0x3;
	[sflag:s0] =	ssyncadd.s32 @!p0 $0xFFFFE000;
	s0 =	simm.s32 $0x6500  }
0x2c: {  	v35 =	vshrl.u32 v35, $0x3;
	v33 =	vshll.u32 v33, v1;
	v34 =	vld [tilespmem:s0+$0xC0]  }
0x2d: {  	v35 =	vshll.u32 v35, v1;
	v33 =	vbroadcast v33, $0x0;
	v36 =	vld [tilespmem:s0+$0xD0]  }
0x2e: {  	v35 =	vbroadcast v35, $0x0;
	v41 =	vld [tilespmem:s0+$0xFFFFFF00]  }
0x2f: {  	v37 =	vld [tilespmem:s0+$0xE0];
	v38 =	vadd.s32 v29, v33  }
0x30: {  	s2 =	simm.s32 $0x1;
	s14 =	simm.s32 $0x2;
	v43 =	vld [tilespmem:s0+$0xFFFFFF10];
	v46 =	vadd.s32 v0, v35  }
0x31: {  	v44 =	vmov s2;
	v62 =	vmov s14;
	v39 =	vld [tilespmem:s0+$0xF0];
	v40 =	vadd.s32 v30, v33  }
0x32: {  	v44 =	vshrl.u32 v44, $0x3;
	v45 =	vld [tilespmem:s0+$0xFFFFFF20];
	v48 =	vadd.s32 v2, v35;
	v34 =	vmul.f32 $8.000000000e+00, v34  }
0x33: {  	v44 =	vshll.u32 v44, v1;
	v42 =	vadd.s32 v31, v33;
	v47 =	vld [tilespmem:s0+$0xFFFFFF30];
	v60 =	vmul.f32 $8.000000000e+00, v41  }
0x34: {  	v44 =	vbroadcast v44, $0x0;
	v55 =	vadd.s32 v3, v35;
	v49 =	vld [tilespmem:s0+$0xFFFFFF60];
	v36 =	vmul.f32 $8.000000000e+00, v36;
	[tilespmem:v38+s22+$0x0] =	vst.idx.msk $0xffff, v34  }
0x35: {  	v33 =	vadd.s32 v32, v33;
	v56 =	vld [tilespmem:s0+$0xFFFFFF40];
	v63 =	vmul.f32 $8.000000000e+00, v43;
	v41 =	vshrl.u32 v62, $0x3;
	[tilespmem:v46+s22+$0x0] =	vst.idx.msk $0xffff, v60  }
0x36: {  	v35 =	vadd.s32 v4, v35;
	v58 =	vld [tilespmem:s0+$0xFFFFFF70];
	v54 =	vmul.f32 $8.000000000e+00, v37;
	v41 =	vshll.u32 v41, v1;
	[tilespmem:v40+s22+$0x0] =	vst.idx.msk $0xffff, v36  }
0x37: {  	v50 =	vadd.s32 v5, v44;
	v53 =	vld [tilespmem:s0+$0xFFFFFF80];
	v57 =	vmul.f32 $8.000000000e+00, v45;
	v41 =	vbroadcast v41, $0x0;
	[tilespmem:v48+s22+$0x0] =	vst.idx.msk $0xffff, v63  }
0x38: {  	s15 =	simm.s32 $0x3;
	v61 =	vld [tilespmem:s0+$0xFFFFFF50];
	v52 =	vadd.s32 v7, v44;
	v59 =	vmul.f32 $8.000000000e+00, v39;
	v51 =	vmul.f32 $8.000000000e+00, v47;
	[tilespmem:v42+s22+$0x0] =	vst.idx.msk $0xffff, v54  }
0x39: {  	v60 =	vmov s15;
	v48 =	vmul.f32 $8.000000000e+00, v49;
	v49 =	vld [tilespmem:s0+$0xFFFFFFB0];
	[tilespmem:v55+s22+$0x0] =	vst.idx.msk $0xffff, v57;
	v63 =	vadd.s32 v9, v41  }
0x3a: {  	s17 =	simm.s32 $0x4;
	v54 =	vmul.f32 $8.000000000e+00, v56;
	v55 =	vadd.s32 v8, v44;
	[tilespmem:v33+s22+$0x0] =	vst.idx.msk $0xffff, v59;
	v59 =	vadd.s32 v6, v44  }
0x3b: {  	v56 =	vld [tilespmem:s0+$0xFFFFFF90];
	v57 =	vmul.f32 $8.000000000e+00, v58;
	v58 =	vadd.s32 v11, v41;
	[tilespmem:v35+s22+$0x0] =	vst.idx.msk $0xffff, v51;
	v51 =	vmov s17  }
0x3c: {  	v62 =	vld [tilespmem:s0+$0xFFFFFFA0];
	v44 =	vshrl.u32 v60, $0x3;
	v60 =	vmul.f32 $8.000000000e+00, v53;
	v46 =	vshrl.u32 v51, $0x3  }
0x3d: {  	v61 =	vmul.f32 $8.000000000e+00, v61;
	v53 =	vld [tilespmem:s0+$0xFFFFFFE0];
	[tilespmem:v50+s22+$0x0] =	vst.idx.msk $0xffff, v54;
	v50 =	vadd.s32 v10, v41;
	v46 =	vshll.u32 v46, v1  }
0x3e: {  	v44 =	vshll.u32 v44, v1;
	v46 =	vbroadcast v46, $0x0;
	[tilespmem:v63+s22+$0x0] =	vst.idx.msk $0xffff, v60;
	v63 =	vmul.f32 $8.000000000e+00, v49;
	v49 =	vld [tilespmem:s0+$0x0]  }
0x3f: {  	v41 =	vadd.s32 v12, v41;
	v44 =	vbroadcast v44, $0x0;
	[tilespmem:v59+s22+$0x0] =	vst.idx.msk $0xffff, v61;
	v59 =	vld [tilespmem:s0+$0xFFFFFFC0]  }
0x40: {  	v61 =	vld [tilespmem:s0+$0xFFFFFFD0];
	v45 =	vadd.s32 v17, v46;
	[tilespmem:v52+s22+$0x0] =	vst.idx.msk $0xffff, v48;
	v52 =	vmul.f32 $8.000000000e+00, v56  }
0x41: {  	v54 =	vadd.s32 v13, v44;
	[tilespmem:v55+s22+$0x0] =	vst.idx.msk $0xffff, v57;
	v55 =	vmul.f32 $8.000000000e+00, v62  }
0x42: {  	s18 =	simm.s32 $0x5;
	v60 =	vmul.f32 $8.000000000e+00, v53;
	v56 =	vld [tilespmem:s0+$0xFFFFFFF0];
	v62 =	vadd.s32 v14, v44;
	[tilespmem:v50+s22+$0x0] =	vst.idx.msk $0xffff, v52  }
0x43: {  	v48 =	vadd.s32 v15, v44;
	v57 =	vld [tilespmem:s0+$0x10];
	[tilespmem:v58+s22+$0x0] =	vst.idx.msk $0xffff, v55;
	v58 =	vmov s18;
	v53 =	vmul.f32 $8.000000000e+00, v49  }
0x44: {  	v51 =	vadd.s32 v16, v44;
	v50 =	vmul.f32 $8.000000000e+00, v59;
	[tilespmem:v41+s22+$0x0] =	vst.idx.msk $0xffff, v63;
	v41 =	vld [tilespmem:s0+$0x20];
	v44 =	vshrl.u32 v58, $0x3  }
0x45: {  	v37 =	vld [tilespmem:s0+$0x30];
	v59 =	vmul.f32 $8.000000000e+00, v61;
	v61 =	vadd.s32 v18, v46;
	v44 =	vshll.u32 v44, v1;
	[tilespmem:v45+s22+$0x0] =	vst.idx.msk $0xffff, v53  }
0x46: {  	s19 =	simm.s32 $0x6;
	v52 =	vld [tilespmem:s0+$0x40];
	v63 =	vadd.s32 v19, v46;
	[tilespmem:v54+s22+$0x0] =	vst.idx.msk $0xffff, v50;
	v44 =	vbroadcast v44, $0x0  }
0x47: {  	v55 =	vld [tilespmem:s0+$0x50];
	v54 =	vadd.s32 v20, v46;
	[tilespmem:v62+s22+$0x0] =	vst.idx.msk $0xffff, v59;
	v62 =	vmul.f32 $8.000000000e+00, v56;
	v56 =	vmov s19  }
0x48: {  	v58 =	vld [tilespmem:s0+$0x60];
	v57 =	vmul.f32 $8.000000000e+00, v57;
	[tilespmem:v48+s22+$0x0] =	vst.idx.msk $0xffff, v60;
	v49 =	vadd.s32 v21, v44;
	v59 =	vshrl.u32 v56, $0x3  }
0x49: {  	v33 =	vld [tilespmem:s0+$0x70];
	v35 =	vadd.s32 v22, v44;
	[tilespmem:v51+s22+$0x0] =	vst.idx.msk $0xffff, v62;
	v60 =	vmul.f32 $8.000000000e+00, v41;
	v36 =	vshll.u32 v59, v1  }
0x4a: {  	s31 =	simm.s32 $0xF;
	v38 =	vld [tilespmem:s0+$0x80];
	[tilespmem:v61+s22+$0x0] =	vst.idx.msk $0xffff, v57;
	v61 =	vmul.f32 $8.000000000e+00, v37;
	v37 =	vadd.s32 v23, v44;
	v36 =	vbroadcast v36, $0x0  }
0x4b: {  	v40 =	vld [tilespmem:s0+$0x90];
	v39 =	vadd.s32 v24, v44;
	v62 =	vmov s31;
	[tilespmem:v63+s22+$0x0] =	vst.idx.msk $0xffff, v60;
	v63 =	vmul.f32 $8.000000000e+00, v52  }
0x4c: {  	s6 =	simm.s32 $0x10;
	v34 =	vld [tilespmem:s0+$0xA0];
	v44 =	vmul.f32 $8.000000000e+00, v55;
	v41 =	vshrl.u32 v62, $0x3;
	[tilespmem:v54+s22+$0x0] =	vst.idx.msk $0xffff, v61;
	v42 =	vadd.s32 v25, v36  }
0x4d: {  	s17 =	sshll.u32 s1, $0x2;
	s18 =	simm.s32 $0x8;
	v45 =	vmul.f32 $8.000000000e+00, v58;
	v46 =	vshll.u32 v41, v1;
	v41 =	vld [tilespmem:s0+$0xB0];
	s0 =	simm.s32 $0x6700;
	v43 =	vadd.s32 v26, v36;
	[tilespmem:v49+s22+$0x0] =	vst.idx.msk $0xffff, v63  }
.LBB2_3:
0x4e: {  	p1 =	slt.u32 s6, $0x78;
	v47 =	vld [tilespmem:s0+$0xC0];
	v46 =	vbroadcast v46, $0x0;
	[tilespmem:v35+s22+$0x0] =	vst.idx.msk $0xffff, v44;
	v33 =	vmul.f32 $8.000000000e+00, v33;
	v35 =	vadd.s32 v27, v36  }
0x4f: {  	v44 =	vmov s18;
	v36 =	vadd.s32 v28, v36;
	v48 =	vld [tilespmem:s0+$0xD0];
	[tilespmem:v37+s22+$0x0] =	vst.idx.msk $0xffff, v45;
	v37 =	vmul.f32 $8.000000000e+00, v38  }
0x50: {  	v38 =	vshrl.u32 v44, $0x3;
	v44 =	vld [tilespmem:s0+$0xE0];
	v45 =	vadd.s32 v29, v46;
	[tilespmem:v39+s22+$0x0] =	vst.idx.msk $0xffff, v33;
	v33 =	vmul.f32 $8.000000000e+00, v40  }
0x51: {  	v38 =	vshll.u32 v38, v1;
	v40 =	vadd.s32 v30, v46;
	v39 =	vld [tilespmem:s0+$0xF0];
	[tilespmem:v42+s22+$0x0] =	vst.idx.msk $0xffff, v37;
	v34 =	vmul.f32 $8.000000000e+00, v34  }
0x52: {  	s14 =	sadd.s32 $0x1, s18;
	v38 =	vbroadcast v38, $0x0;
	v42 =	vadd.s32 v31, v46;
	v37 =	vld [tilespmem:s0+$0xFFFFFF00];
	[tilespmem:v43+s22+$0x0] =	vst.idx.msk $0xffff, v33;
	v33 =	vmul.f32 $8.000000000e+00, v41  }
0x53: {  	v46 =	vadd.s32 v32, v46;
	v43 =	vmov s14;
	v41 =	vld [tilespmem:s0+$0xFFFFFF10];
	v47 =	vmul.f32 $8.000000000e+00, v47;
	[tilespmem:v35+s22+$0x0] =	vst.idx.msk $0xffff, v34  }
0x54: {  	v35 =	vadd.s32 v0, v38;
	v43 =	vshrl.u32 v43, $0x3;
	v34 =	vld [tilespmem:s0+$0xFFFFFF20];
	v48 =	vmul.f32 $8.000000000e+00, v48;
	[tilespmem:v36+s22+$0x0] =	vst.idx.msk $0xffff, v33  }
0x55: {  	v36 =	vadd.s32 v2, v38;
	v43 =	vshll.u32 v43, v1;
	v33 =	vld [tilespmem:s0+$0xFFFFFF30];
	[tilespmem:v45+s22+$0x0] =	vst.idx.msk $0xffff, v47;
	v44 =	vmul.f32 $8.000000000e+00, v44  }
0x56: {  	s14 =	sadd.s32 $0x2, s18;
	v45 =	vadd.s32 v3, v38;
	v43 =	vbroadcast v43, $0x0;
	v47 =	vld [tilespmem:s0+$0xFFFFFF40];
	[tilespmem:v40+s22+$0x0] =	vst.idx.msk $0xffff, v48;
	v39 =	vmul.f32 $8.000000000e+00, v39  }
0x57: {  	v38 =	vadd.s32 v4, v38;
	v48 =	vmov s14;
	v37 =	vmul.f32 $8.000000000e+00, v37;
	v40 =	vld [tilespmem:s0+$0xFFFFFF50];
	[tilespmem:v42+s22+$0x0] =	vst.idx.msk $0xffff, v44  }
0x58: {  	v44 =	vadd.s32 v5, v43;
	v48 =	vshrl.u32 v48, $0x3;
	v41 =	vmul.f32 $8.000000000e+00, v41;
	v42 =	vld [tilespmem:s0+$0xFFFFFF60];
	[tilespmem:v46+s22+$0x0] =	vst.idx.msk $0xffff, v39  }
0x59: {  	v39 =	vshll.u32 v48, v1;
	[tilespmem:v35+s22+$0x0] =	vst.idx.msk $0xffff, v37;
	v34 =	vmul.f32 $8.000000000e+00, v34;
	v35 =	vld [tilespmem:s0+$0xFFFFFF70];
	v37 =	vadd.s32 v6, v43  }
0x5a: {  	s14 =	sadd.s32 $0x3, s18;
	v39 =	vbroadcast v39, $0x0;
	[tilespmem:v36+s22+$0x0] =	vst.idx.msk $0xffff, v41;
	v33 =	vmul.f32 $8.000000000e+00, v33;
	v36 =	vadd.s32 v7, v43;
	v41 =	vld [tilespmem:s0+$0xFFFFFF80]  }
0x5b: {  	v46 =	vmov s14;
	v43 =	vadd.s32 v8, v43;
	[tilespmem:v45+s22+$0x0] =	vst.idx.msk $0xffff, v34;
	v34 =	vmul.f32 $8.000000000e+00, v47;
	v45 =	vld [tilespmem:s0+$0xFFFFFF90]  }
0x5c: {  	v46 =	vshrl.u32 v46, $0x3;
	[tilespmem:v38+s22+$0x0] =	vst.idx.msk $0xffff, v33;
	v33 =	vmul.f32 $8.000000000e+00, v40;
	v38 =	vld [tilespmem:s0+$0xFFFFFFA0];
	v40 =	vadd.s32 v9, v39  }
0x5d: {  	v46 =	vshll.u32 v46, v1;
	[tilespmem:v44+s22+$0x0] =	vst.idx.msk $0xffff, v34;
	v34 =	vmul.f32 $8.000000000e+00, v42;
	v42 =	vld [tilespmem:s0+$0xFFFFFFB0];
	v44 =	vadd.s32 v10, v39  }
0x5e: {  	s14 =	sadd.s32 $0x4, s18;
	v46 =	vbroadcast v46, $0x0;
	[tilespmem:v37+s22+$0x0] =	vst.idx.msk $0xffff, v33;
	v33 =	vmul.f32 $8.000000000e+00, v35;
	v35 =	vadd.s32 v11, v39;
	v37 =	vld [tilespmem:s0+$0xFFFFFFC0]  }
0x5f: {  	[tilespmem:v36+s22+$0x0] =	vst.idx.msk $0xffff, v34;
	v34 =	vmul.f32 $8.000000000e+00, v41;
	v36 =	vadd.s32 v12, v39;
	v39 =	vld [tilespmem:s0+$0xFFFFFFD0];
	v41 =	vmov s14  }
0x60: {  	[tilespmem:v43+s22+$0x0] =	vst.idx.msk $0xffff, v33;
	v33 =	vmul.f32 $8.000000000e+00, v45;
	v43 =	vld [tilespmem:s0+$0xFFFFFFE0];
	v45 =	vadd.s32 v13, v46;
	v41 =	vshrl.u32 v41, $0x3  }
0x61: {  	[tilespmem:v40+s22+$0x0] =	vst.idx.msk $0xffff, v34;
	v34 =	vmul.f32 $8.000000000e+00, v38;
	v38 =	vld [tilespmem:s0+$0xFFFFFFF0];
	v40 =	vadd.s32 v14, v46;
	v41 =	vshll.u32 v41, v1  }
0x62: {  	s14 =	sadd.s32 $0x5, s18;
	[tilespmem:v44+s22+$0x0] =	vst.idx.msk $0xffff, v33;
	v33 =	vmul.f32 $8.000000000e+00, v42;
	v42 =	vadd.s32 v15, v46;
	v44 =	vld [tilespmem:s0+$0x0];
	v41 =	vbroadcast v41, $0x0  }
0x63: {  	[tilespmem:v35+s22+$0x0] =	vst.idx.msk $0xffff, v34;
	v34 =	vmul.f32 $8.000000000e+00, v37;
	v35 =	vadd.s32 v16, v46;
	v37 =	vld [tilespmem:s0+$0x10];
	v46 =	vmov s14  }
0x64: {  	[tilespmem:v36+s22+$0x0] =	vst.idx.msk $0xffff, v33;
	v33 =	vmul.f32 $8.000000000e+00, v39;
	v36 =	vld [tilespmem:s0+$0x20];
	v39 =	vadd.s32 v17, v41;
	v46 =	vshrl.u32 v46, $0x3  }
0x65: {  	[tilespmem:v45+s22+$0x0] =	vst.idx.msk $0xffff, v34;
	v34 =	vmul.f32 $8.000000000e+00, v43;
	v43 =	vld [tilespmem:s0+$0x30];
	v45 =	vadd.s32 v18, v41;
	v46 =	vshll.u32 v46, v1  }
0x66: {  	s14 =	sadd.s32 $0x6, s18;
	s18 =	smov.u32 s6;
	[tilespmem:v40+s22+$0x0] =	vst.idx.msk $0xffff, v33;
	v33 =	vmul.f32 $8.000000000e+00, v38;
	v40 =	vadd.s32 v19, v41;
	v47 =	vld [tilespmem:s0+$0x40];
	v46 =	vbroadcast v46, $0x0  }
0x67: {  	v41 =	vadd.s32 v20, v41;
	v38 =	vmov s14;
	[tilespmem:v42+s22+$0x0] =	vst.idx.msk $0xffff, v34;
	v34 =	vmul.f32 $8.000000000e+00, v44;
	v42 =	vld [tilespmem:s0+$0x50]  }
0x68: {  	v38 =	vshrl.u32 v38, $0x3;
	[tilespmem:v35+s22+$0x0] =	vst.idx.msk $0xffff, v33;
	v37 =	vmul.f32 $8.000000000e+00, v37;
	v48 =	vld [tilespmem:s0+$0x60];
	v49 =	vadd.s32 v21, v46  }
.Ltmp2:
0x69: {  	v35 =	vadd.s32 v22, v46;
	[tilespmem:v39+s22+$0x0] =	vst.idx.msk $0xffff, v34;
	v34 =	vmul.f32 $8.000000000e+00, v36;
	v33 =	vld [tilespmem:s0+$0x70];
	v36 =	vshll.u32 v38, v1;
	(pc) =	sbr.rel @p1 .LBB2_3-.Ltmp2, $4  }
0x6a: {  	s14 =	sadd.s32 $0x7, s6;
	[tilespmem:v45+s22+$0x0] =	vst.idx.msk $0xffff, v37;
	v43 =	vmul.f32 $8.000000000e+00, v43;
	v37 =	vadd.s32 v23, v46;
	v38 =	vld [tilespmem:s0+$0x80];
	v36 =	vbroadcast v36, $0x0  }
0x6b: {  	v44 =	vmov s14;
	v39 =	vadd.s32 v24, v46;
	[tilespmem:v40+s22+$0x0] =	vst.idx.msk $0xffff, v34;
	v45 =	vmul.f32 $8.000000000e+00, v47;
	v40 =	vld [tilespmem:s0+$0x90]  }
0x6c: {  	v46 =	vshrl.u32 v44, $0x3;
	[tilespmem:v41+s22+$0x0] =	vst.idx.msk $0xffff, v43;
	v44 =	vmul.f32 $8.000000000e+00, v42;
	v34 =	vld [tilespmem:s0+$0xA0];
	v42 =	vadd.s32 v25, v36  }
0x6d: {  	s6 =	sadd.s32 $0x8, s6;
	v46 =	vshll.u32 v46, v1;
	v43 =	vadd.s32 v26, v36;
	[tilespmem:v49+s22+$0x0] =	vst.idx.msk $0xffff, v45;
	v45 =	vmul.f32 $8.000000000e+00, v48;
	v41 =	vld [tilespmem:s0+$0xB0];
	s0 =	sadd.s32 $0x200, s0  }
0x6e: {  	_ =	sdelay $0x3  }
0x6f: {  	v47 =	vld [tilespmem:s0+$0xC0];
	v46 =	vbroadcast v46, $0x0;
	[tilespmem:v35+s22+$0x0] =	vst.idx.msk $0xffff, v44;
	v33 =	vmul.f32 $8.000000000e+00, v33;
	v35 =	vadd.s32 v27, v36  }
0x70: {  	v59 =	vmov s18;
	v48 =	vld [tilespmem:s0+$0xD0];
	v61 =	vadd.s32 v28, v36;
	[tilespmem:v37+s22+$0x0] =	vst.idx.msk $0xffff, v45;
	v60 =	vmul.f32 $8.000000000e+00, v38  }
0x71: {  	v44 =	vld [tilespmem:s0+$0xE0];
	v62 =	vshrl.u32 v59, $0x3;
	v63 =	vadd.s32 v29, v46;
	[tilespmem:v39+s22+$0x0] =	vst.idx.msk $0xffff, v33;
	v52 =	vmul.f32 $8.000000000e+00, v40  }
0x72: {  	v38 =	vshll.u32 v62, v1;
	v39 =	vld [tilespmem:s0+$0xF0];
	v53 =	vadd.s32 v30, v46;
	[tilespmem:v42+s22+$0x0] =	vst.idx.msk $0xffff, v60;
	v34 =	vmul.f32 $8.000000000e+00, v34  }
0x73: {  	v54 =	vld [tilespmem:s0+$0xFFFFFF00];
	s6 =	sadd.s32 $0x1, s18;
	v55 =	vadd.s32 v31, v46;
	v38 =	vbroadcast v38, $0x0;
	[tilespmem:v43+s22+$0x0] =	vst.idx.msk $0xffff, v52;
	v56 =	vmul.f32 $8.000000000e+00, v41  }
0x74: {  	v57 =	vld [tilespmem:s0+$0xFFFFFF10];
	v58 =	vmov s6;
	v46 =	vadd.s32 v32, v46;
	v47 =	vmul.f32 $8.000000000e+00, v47;
	[tilespmem:v35+s22+$0x0] =	vst.idx.msk $0xffff, v34  }
0x75: {  	v59 =	vld [tilespmem:s0+$0xFFFFFF20];
	v43 =	vshrl.u32 v58, $0x3;
	v60 =	vadd.s32 v0, v38;
	v48 =	vmul.f32 $8.000000000e+00, v48;
	[tilespmem:v61+s22+$0x0] =	vst.idx.msk $0xffff, v56  }
0x76: {  	v62 =	vadd.s32 v2, v38;
	v43 =	vshll.u32 v43, v1;
	v44 =	vmul.f32 $8.000000000e+00, v44;
	v61 =	vld [tilespmem:s0+$0xFFFFFF30];
	[tilespmem:v63+s22+$0x0] =	vst.idx.msk $0xffff, v47  }
0x77: {  	s14 =	sadd.s32 $0x2, s18;
	v52 =	vld [tilespmem:s0+$0xFFFFFF40];
	v43 =	vbroadcast v43, $0x0;
	v63 =	vadd.s32 v3, v38;
	v39 =	vmul.f32 $8.000000000e+00, v39;
	[tilespmem:v53+s22+$0x0] =	vst.idx.msk $0xffff, v48  }
0x78: {  	v37 =	vmul.f32 $8.000000000e+00, v54;
	v54 =	vmov s14;
	v38 =	vadd.s32 v4, v38;
	v53 =	vld [tilespmem:s0+$0xFFFFFF50];
	[tilespmem:v55+s22+$0x0] =	vst.idx.msk $0xffff, v44  }
0x79: {  	v41 =	vmul.f32 $8.000000000e+00, v57;
	v56 =	vadd.s32 v5, v43;
	v48 =	vshrl.u32 v54, $0x3;
	v55 =	vld [tilespmem:s0+$0xFFFFFF60];
	[tilespmem:v46+s22+$0x0] =	vst.idx.msk $0xffff, v39  }
0x7a: {  	v57 =	vld [tilespmem:s0+$0xFFFFFF70];
	v34 =	vmul.f32 $8.000000000e+00, v59;
	v58 =	vadd.s32 v6, v43;
	v59 =	vshll.u32 v48, v1;
	[tilespmem:v60+s22+$0x0] =	vst.idx.msk $0xffff, v37  }
0x7b: {  	s15 =	sadd.s32 $0x3, s18;
	v60 =	vadd.s32 v7, v43;
	v39 =	vbroadcast v59, $0x0;
	[tilespmem:v62+s22+$0x0] =	vst.idx.msk $0xffff, v41;
	v33 =	vmul.f32 $8.000000000e+00, v61;
	v61 =	vld [tilespmem:s0+$0xFFFFFF80]  }
0x7c: {  	v48 =	vmov s15;
	v43 =	vadd.s32 v8, v43;
	v62 =	vmul.f32 $8.000000000e+00, v52;
	[tilespmem:v63+s22+$0x0] =	vst.idx.msk $0xffff, v34;
	v63 =	vld [tilespmem:s0+$0xFFFFFF90]  }
0x7d: {  	v50 =	vld [tilespmem:s0+$0xFFFFFFA0];
	v46 =	vshrl.u32 v48, $0x3;
	v51 =	vadd.s32 v9, v39;
	[tilespmem:v38+s22+$0x0] =	vst.idx.msk $0xffff, v33;
	v49 =	vmul.f32 $8.000000000e+00, v53  }
0x7e: {  	v46 =	vshll.u32 v46, v1;
	v54 =	vadd.s32 v10, v39;
	[tilespmem:v56+s22+$0x0] =	vst.idx.msk $0xffff, v62;
	v53 =	vld [tilespmem:s0+$0xFFFFFFB0];
	v52 =	vmul.f32 $8.000000000e+00, v55  }
0x7f: {  	s19 =	sadd.s32 $0x4, s18;
	v46 =	vbroadcast v46, $0x0;
	v56 =	vadd.s32 v11, v39;
	v55 =	vmul.f32 $8.000000000e+00, v57;
	v57 =	vld [tilespmem:s0+$0xFFFFFFC0];
	[tilespmem:v58+s22+$0x0] =	vst.idx.msk $0xffff, v49  }
0x80: {  	v59 =	vadd.s32 v12, v39;
	[tilespmem:v60+s22+$0x0] =	vst.idx.msk $0xffff, v52;
	v58 =	vmul.f32 $8.000000000e+00, v61;
	v60 =	vld [tilespmem:s0+$0xFFFFFFD0];
	v61 =	vmov s19  }
0x81: {  	v48 =	vadd.s32 v13, v46;
	[tilespmem:v43+s22+$0x0] =	vst.idx.msk $0xffff, v55;
	v62 =	vmul.f32 $8.000000000e+00, v63;
	v63 =	vld [tilespmem:s0+$0xFFFFFFE0];
	v41 =	vshrl.u32 v61, $0x3  }
0x82: {  	v49 =	vmul.f32 $8.000000000e+00, v50;
	v50 =	vld [tilespmem:s0+$0xFFFFFFF0];
	[tilespmem:v51+s22+$0x0] =	vst.idx.msk $0xffff, v58;
	v51 =	vadd.s32 v14, v46;
	v41 =	vshll.u32 v41, v1  }
0x83: {  	s31 =	sadd.s32 $0x5, s18;
	v52 =	vmul.f32 $8.000000000e+00, v53;
	v53 =	vadd.s32 v15, v46;
	[tilespmem:v54+s22+$0x0] =	vst.idx.msk $0xffff, v62;
	v54 =	vld [tilespmem:s0+$0x0];
	v41 =	vbroadcast v41, $0x0  }
0x84: {  	v58 =	vmov s31;
	v55 =	vmul.f32 $8.000000000e+00, v57;
	v57 =	vld [tilespmem:s0+$0x10];
	[tilespmem:v56+s22+$0x0] =	vst.idx.msk $0xffff, v49;
	v56 =	vadd.s32 v16, v46  }
0x85: {  	v46 =	vshrl.u32 v58, $0x3;
	[tilespmem:v59+s22+$0x0] =	vst.idx.msk $0xffff, v52;
	v59 =	vmul.f32 $8.000000000e+00, v60;
	v60 =	vld [tilespmem:s0+$0x20];
	v61 =	vadd.s32 v17, v41  }
0x86: {  	[tilespmem:v48+s22+$0x0] =	vst.idx.msk $0xffff, v55;
	v48 =	vadd.s32 v18, v41;
	v46 =	vshll.u32 v46, v1;
	v62 =	vmul.f32 $8.000000000e+00, v63;
	v63 =	vld [tilespmem:s0+$0x30]  }
0x87: {  	s2 =	sadd.s32 $0x6, s18;
	v49 =	vmul.f32 $8.000000000e+00, v50;
	v50 =	vadd.s32 v19, v41;
	v46 =	vbroadcast v46, $0x0;
	[tilespmem:v51+s22+$0x0] =	vst.idx.msk $0xffff, v59;
	v51 =	vld [tilespmem:s0+$0x40]  }
0x88: {  	v41 =	vadd.s32 v20, v41;
	[tilespmem:v53+s22+$0x0] =	vst.idx.msk $0xffff, v62;
	v52 =	vmul.f32 $8.000000000e+00, v54;
	v53 =	vld [tilespmem:s0+$0x50];
	v54 =	vmov s2  }
0x89: {  	v55 =	vmul.f32 $8.000000000e+00, v57;
	v57 =	vadd.s32 v21, v46;
	[tilespmem:v56+s22+$0x0] =	vst.idx.msk $0xffff, v49;
	v56 =	vld [tilespmem:s0+$0x60];
	v44 =	vshrl.u32 v54, $0x3  }
0x8a: {  	v59 =	vld [tilespmem:s0+$0x70];
	[tilespmem:v61+s22+$0x0] =	vst.idx.msk $0xffff, v52;
	v58 =	vmul.f32 $8.000000000e+00, v60;
	v60 =	vadd.s32 v22, v46;
	v44 =	vshll.u32 v44, v1  }
0x8b: {  	v62 =	vadd.s32 v23, v46;
	[tilespmem:v48+s22+$0x0] =	vst.idx.msk $0xffff, v55;
	v61 =	vmul.f32 $8.000000000e+00, v63;
	v63 =	vld [tilespmem:s0+$0x80];
	v44 =	vbroadcast v44, $0x0  }
0x8c: {  	v49 =	vadd.s32 v24, v46;
	[tilespmem:v50+s22+$0x0] =	vst.idx.msk $0xffff, v58;
	v48 =	vmul.f32 $8.000000000e+00, v51;
	v50 =	vld [tilespmem:s0+$0x90]  }
0x8d: {  	v52 =	vld [tilespmem:s0+$0xA0];
	[tilespmem:v41+s22+$0x0] =	vst.idx.msk $0xffff, v61;
	v51 =	vmul.f32 $8.000000000e+00, v53;
	v53 =	vadd.s32 v25, v44  }
0x8e: {  	v55 =	vld [tilespmem:s0+$0xB0];
	[tilespmem:v57+s22+$0x0] =	vst.idx.msk $0xffff, v48;
	v54 =	vmul.f32 $8.000000000e+00, v56;
	v56 =	vadd.s32 v26, v44  }
0x8f: {  	v58 =	vadd.s32 v27, v44;
	v57 =	vmul.f32 $8.000000000e+00, v59;
	[tilespmem:v60+s22+$0x0] =	vst.idx.msk $0xffff, v51  }
0x90: {  	s14 =	sshll.u32 s1, $0x3;
	v60 =	vadd.s32 v28, v44;
	[tilespmem:v62+s22+$0x0] =	vst.idx.msk $0xffff, v54;
	v59 =	vmul.f32 $8.000000000e+00, v63  }
0x91: {  	s0 =	sadd.s32 s5, s14;
	[tilespmem:v49+s22+$0x0] =	vst.idx.msk $0xffff, v57;
	v61 =	vmul.f32 $8.000000000e+00, v50  }
0x92: {  	s15 =	sshll.u32 s0, $0xA;
	s0 =	sshll.u32 s0, $0x4;
	v62 =	vmul.f32 $8.000000000e+00, v52;
	[tilespmem:v53+s22+$0x0] =	vst.idx.msk $0xffff, v59  }
0x93: {  	s6 =	sand.u32 $0xFFC0000, s15;
	s0 =	sand.u32 $0xF80, s0;
	v63 =	vmul.f32 $8.000000000e+00, v55;
	[tilespmem:v56+s22+$0x0] =	vst.idx.msk $0xffff, v61  }
0x94: {  	s0 =	sor.u32 s0, s6;
	[tilespmem:v58+s22+$0x0] =	vst.idx.msk $0xffff, v62  }
0x95: {  	s18 =	simm.s32 $0x16400;
	s14 =	sadd.s32 s20, s0;
	[tilespmem:v60+s22+$0x0] =	vst.idx.msk $0xffff, v63  }
0x96: {  	[hbm4b:s14+s3] =	stream.linear.scatter [tilespmem:s18], [sflag:$0x5], $0x80, $0x38;
	[tilespmem:$0x1A800] =	vst v63  }
0x97: {  	s19 =	simm.s32 $0x16488;
	s15 =	sadd.s32 $0x10, s14  }
0x98: {  	[hbm4b:s15+s3] =	stream.linear.scatter [tilespmem:s19], [sflag:$0x5], $0x80, $0x38;
	[tilespmem:$0x1A800] =	vst v63  }
0x99: {  	s31 =	simm.s32 $0x16510;
	s2 =	sadd.s32 $0x20, s14  }
0x9a: {  	[hbm4b:s2+s3] =	stream.linear.scatter [tilespmem:s31], [sflag:$0x5], $0x80, $0x38;
	[tilespmem:$0x1A800] =	vst v63  }
0x9b: {  	s18 =	simm.s32 $0x16598;
	s19 =	sadd.s32 $0x30, s14  }
0x9c: {  	[hbm4b:s19+s3] =	stream.linear.scatter [tilespmem:s18], [sflag:$0x5], $0x80, $0x38;
	[tilespmem:$0x1A800] =	vst v63  }
0x9d: {  	s31 =	simm.s32 $0x16620;
	s2 =	sadd.s32 $0x40, s14  }
0x9e: {  	[hbm4b:s2+s3] =	stream.linear.scatter [tilespmem:s31], [sflag:$0x5], $0x80, $0x38;
	[tilespmem:$0x1A800] =	vst v63  }
0x9f: {  	s6 =	simm.s32 $0x440;
	s15 =	simm.s32 $0x166A8;
	s18 =	sadd.s32 $0x50, s14  }
0xa0: {  	[hbm4b:s18+s3] =	stream.linear.scatter [tilespmem:s15], [sflag:$0x5], $0x80, $0x38;
	[tilespmem:$0x1A800] =	vst v63  }
0xa1: {  	s19 =	simm.s32 $0x16730;
	s31 =	sadd.s32 $0x60, s14;
	s18 =	simm.s32 $0x2200  }
0xa2: {  	[hbm4b:s31+s3] =	stream.linear.scatter [tilespmem:s19], [sflag:$0x5], $0x80, $0x38;
	[tilespmem:$0x1A800] =	vst v63  }
0xa3: {  	s15 =	sadd.s32 $0x70, s14;
	s14 =	sadd.s32 $0x1000, s14;
	s19 =	simm.s32 $0x167B8  }
.LBB2_5:
0xa4: {  	[hbm4b:s15+s3] =	stream.linear.scatter [tilespmem:s19], [sflag:$0x5], $0x80, $0x38;
	[tilespmem:$0x1A800] =	vst v63  }
0xa5: {  	s15 =	smov.u32 s6;
	s6 =	smov.u32 s18  }
0xa6: {  	s31 =	sadd.s32 $0x1100, s18;
	s6 =	sshra.s32 s6, $0x2;
	s19 =	sadd.s32 $0x16400, s15  }
0xa7: {  	[hbm4b:s14+s3] =	stream.linear.scatter [tilespmem:s19], [sflag:$0x5], $0x80, $0x38;
	[tilespmem:$0x1A800] =	vst v63  }
0xa8: {  	p1 =	sne.s32 s18, $0x7700;
	s18 =	sadd.s32 $0x16488, s15;
	s19 =	sadd.s32 $0x10, s14  }
0xa9: {  	[hbm4b:s19+s3] =	stream.linear.scatter [tilespmem:s18], [sflag:$0x5], $0x80, $0x38;
	[tilespmem:$0x1A800] =	vst v63  }
0xaa: {  	s18 =	sadd.s32 $0x16510, s15;
	s19 =	sadd.s32 $0x20, s14  }
0xab: {  	[hbm4b:s19+s3] =	stream.linear.scatter [tilespmem:s18], [sflag:$0x5], $0x80, $0x38;
	[tilespmem:$0x1A800] =	vst v63  }
0xac: {  	s18 =	sadd.s32 $0x16598, s15;
	s19 =	sadd.s32 $0x30, s14  }
0xad: {  	[hbm4b:s19+s3] =	stream.linear.scatter [tilespmem:s18], [sflag:$0x5], $0x80, $0x38;
	[tilespmem:$0x1A800] =	vst v63  }
0xae: {  	s18 =	sadd.s32 $0x16620, s15;
	s19 =	sadd.s32 $0x40, s14  }
0xaf: {  	[hbm4b:s19+s3] =	stream.linear.scatter [tilespmem:s18], [sflag:$0x5], $0x80, $0x38;
	[tilespmem:$0x1A800] =	vst v63  }
0xb0: {  	s18 =	sadd.s32 $0x166A8, s15;
	s19 =	sadd.s32 $0x50, s14  }
0xb1: {  	[hbm4b:s19+s3] =	stream.linear.scatter [tilespmem:s18], [sflag:$0x5], $0x80, $0x38;
	[tilespmem:$0x1A800] =	vst v63  }
.Ltmp3:
0xb2: {  	_ = 	snop;
	(pc) =	sbr.rel @p1 .LBB2_5-.Ltmp3, $4  }
0xb3: {  	s18 =	sadd.s32 $0x16730, s15;
	s19 =	sadd.s32 $0x60, s14  }
0xb4: {  	[hbm4b:s19+s3] =	stream.linear.scatter [tilespmem:s18], [sflag:$0x5], $0x80, $0x38;
	[tilespmem:$0x1A800] =	vst v63  }
0xb5: {  	s19 =	sadd.s32 $0x167B8, s15  }
0xb6: {  	s15 =	sadd.s32 $0x70, s14;
	s14 =	sadd.s32 $0x1000, s14;
	s18 =	smov.u32 s31  }
0xb7: {  	[hbm4b:s15+s3] =	stream.linear.scatter [tilespmem:s19], [sflag:$0x5], $0x80, $0x38;
	[tilespmem:$0x1A800] =	vst v63  }
0xb8: {  	s31 =	sadd.s32 $0x16400, s6  }
0xb9: {  	[hbm4b:s14+s3] =	stream.linear.scatter [tilespmem:s31], [sflag:$0x5], $0x80, $0x38;
	[tilespmem:$0x1A800] =	vst v63  }
0xba: {  	s2 =	sadd.s32 $0x16488, s6;
	s18 =	sadd.s32 $0x10, s14  }
0xbb: {  	[hbm4b:s18+s3] =	stream.linear.scatter [tilespmem:s2], [sflag:$0x5], $0x80, $0x38;
	[tilespmem:$0x1A800] =	vst v63  }
0xbc: {  	s19 =	sadd.s32 $0x20, s14;
	s18 =	sadd.s32 $0x16510, s6  }
0xbd: {  	[hbm4b:s19+s3] =	stream.linear.scatter [tilespmem:s18], [sflag:$0x5], $0x80, $0x38;
	[tilespmem:$0x1A800] =	vst v63  }
0xbe: {  	s31 =	sadd.s32 $0x16598, s6;
	s2 =	sadd.s32 $0x30, s14  }
0xbf: {  	[hbm4b:s2+s3] =	stream.linear.scatter [tilespmem:s31], [sflag:$0x5], $0x80, $0x38;
	[tilespmem:$0x1A800] =	vst v63  }
0xc0: {  	s18 =	sadd.s32 $0x16620, s6;
	s19 =	sadd.s32 $0x40, s14  }
0xc1: {  	[hbm4b:s19+s3] =	stream.linear.scatter [tilespmem:s18], [sflag:$0x5], $0x80, $0x38;
	[tilespmem:$0x1A800] =	vst v63  }
0xc2: {  	s31 =	sadd.s32 $0x166A8, s6;
	s2 =	sadd.s32 $0x50, s14  }
0xc3: {  	[hbm4b:s2+s3] =	stream.linear.scatter [tilespmem:s31], [sflag:$0x5], $0x80, $0x38;
	[tilespmem:$0x1A800] =	vst v63  }
0xc4: {  	s15 =	simm.s32 $0x7;
	s18 =	sadd.s32 $0x16730, s6;
	s19 =	sadd.s32 $0x60, s14  }
0xc5: {  	[hbm4b:s19+s3] =	stream.linear.scatter [tilespmem:s18], [sflag:$0x5], $0x80, $0x38;
	[tilespmem:$0x1A800] =	vst v63  }
0xc6: {  	s31 =	sadd.s32 $0x167B8, s6;
	s2 =	sadd.s32 $0x70, s14;
	s6 =	simm.s32 @!p0 $0x6  }
0xc7: {  	[hbm4b:s2+s3] =	stream.linear.scatter [tilespmem:s31], [sflag:$0x5], $0x80, $0x38;
	[tilespmem:$0x1A800] =	vst v63  }
0xc8: {  	v33 =	vmov s15;
	s18 =	simm.s32 $0x0;
	_ =	swait.ge @!p0 [sflag:s6], $0x2000  }
0xc9: {  	v33 =	vshrl.u32 v33, $0x3;
	v35 =	vmov s18;
	[sflag:s6] =	ssyncset.done @!p0 $0x0  }
0xca: {  	v33 =	vshll.u32 v33, v1;
	s14 =	simm.s32 $0x85F0;
	v35 =	vshrl.u32 v35, $0x3;
	[sflag:s6] =	ssyncadd.s32 @!p0 $0xFFFFE000  }
0xcb: {  	v33 =	vbroadcast v33, $0x0;
	v35 =	vshll.u32 v35, v1;
	v34 =	vld [tilespmem:s14+$0xFFFFFFD0]  }
0xcc: {  	v35 =	vbroadcast v35, $0x0;
	v41 =	vld [tilespmem:s14+$0xFFFFFE10]  }
0xcd: {  	v38 =	vadd.s32 v29, v33;
	v36 =	vld [tilespmem:s14+$0xFFFFFFE0]  }
0xce: {  	v43 =	vld [tilespmem:s14+$0xFFFFFE20];
	v46 =	vadd.s32 v0, v35  }
0xcf: {  	v40 =	vadd.s32 v30, v33;
	s19 =	simm.s32 $0x1;
	v37 =	vld [tilespmem:s14+$0xFFFFFFF0]  }
0xd0: {  	v44 =	vmov s19;
	v45 =	vld [tilespmem:s14+$0xFFFFFE30];
	v48 =	vadd.s32 v2, v35;
	v34 =	vmul.f32 $8.000000000e+00, v34  }
0xd1: {  	v42 =	vadd.s32 v31, v33;
	v44 =	vshrl.u32 v44, $0x3;
	v39 =	vld [tilespmem:s14+$0x0];
	v50 =	vmul.f32 $8.000000000e+00, v41  }
0xd2: {  	v44 =	vshll.u32 v44, v1;
	v47 =	vld [tilespmem:s14+$0xFFFFFE40];
	v62 =	vadd.s32 v3, v35;
	v36 =	vmul.f32 $8.000000000e+00, v36;
	[tilespmem:v38+s23+$0x0] =	vst.idx.msk $0xffff, v34  }
0xd3: {  	v33 =	vadd.s32 v32, v33;
	s31 =	simm.s32 $0x2;
	v44 =	vbroadcast v44, $0x0;
	v63 =	vld [tilespmem:s14+$0xFFFFFE50];
	v53 =	vmul.f32 $8.000000000e+00, v43;
	[tilespmem:v46+s23+$0x0] =	vst.idx.msk $0xffff, v50  }
0xd4: {  	v52 =	vmov s31;
	v35 =	vadd.s32 v4, v35;
	v51 =	vld [tilespmem:s14+$0xFFFFFE60];
	v61 =	vmul.f32 $8.000000000e+00, v37;
	[tilespmem:v40+s23+$0x0] =	vst.idx.msk $0xffff, v36  }
0xd5: {  	v54 =	vld [tilespmem:s14+$0xFFFFFE70];
	v55 =	vadd.s32 v5, v44;
	v41 =	vshrl.u32 v52, $0x3;
	v56 =	vmul.f32 $8.000000000e+00, v45;
	[tilespmem:v48+s23+$0x0] =	vst.idx.msk $0xffff, v53  }
0xd6: {  	v57 =	vld [tilespmem:s14+$0xFFFFFE80];
	v58 =	vadd.s32 v6, v44;
	v49 =	vmul.f32 $8.000000000e+00, v39;
	v41 =	vshll.u32 v41, v1;
	[tilespmem:v42+s23+$0x0] =	vst.idx.msk $0xffff, v61  }
0xd7: {  	s2 =	simm.s32 $0x3;
	v60 =	vadd.s32 v7, v44;
	v59 =	vmul.f32 $8.000000000e+00, v47;
	v41 =	vbroadcast v41, $0x0;
	v61 =	vld [tilespmem:s14+$0xFFFFFE90];
	[tilespmem:v62+s23+$0x0] =	vst.idx.msk $0xffff, v56  }
0xd8: {  	v48 =	vld [tilespmem:s14+$0xFFFFFEA0];
	v62 =	vmul.f32 $8.000000000e+00, v63;
	v63 =	vadd.s32 v8, v44;
	[tilespmem:v33+s23+$0x0] =	vst.idx.msk $0xffff, v49;
	v49 =	vmov s2  }
0xd9: {  	v50 =	vmul.f32 $8.000000000e+00, v51;
	v51 =	vld [tilespmem:s14+$0xFFFFFEB0];
	v52 =	vadd.s32 v9, v41;
	[tilespmem:v35+s23+$0x0] =	vst.idx.msk $0xffff, v59;
	v44 =	vshrl.u32 v49, $0x3  }
0xda: {  	v53 =	vmul.f32 $8.000000000e+00, v54;
	v54 =	vld [tilespmem:s14+$0xFFFFFEC0];
	[tilespmem:v55+s23+$0x0] =	vst.idx.msk $0xffff, v62;
	v55 =	vadd.s32 v10, v41;
	v44 =	vshll.u32 v44, v1  }
0xdb: {  	s15 =	simm.s32 $0x4;
	v56 =	vmul.f32 $8.000000000e+00, v57;
	v57 =	vadd.s32 v11, v41;
	[tilespmem:v58+s23+$0x0] =	vst.idx.msk $0xffff, v50;
	v58 =	vld [tilespmem:s14+$0xFFFFFED0];
	v44 =	vbroadcast v44, $0x0  }
0xdc: {  	v41 =	vadd.s32 v12, v41;
	[tilespmem:v60+s23+$0x0] =	vst.idx.msk $0xffff, v53;
	v60 =	vld [tilespmem:s14+$0xFFFFFEE0];
	v59 =	vmul.f32 $8.000000000e+00, v61;
	v61 =	vmov s15  }
0xdd: {  	v62 =	vmul.f32 $8.000000000e+00, v48;
	[tilespmem:v63+s23+$0x0] =	vst.idx.msk $0xffff, v56;
	v63 =	vld [tilespmem:s14+$0xFFFFFEF0];
	v48 =	vadd.s32 v13, v44;
	v46 =	vshrl.u32 v61, $0x3  }
0xde: {  	v49 =	vmul.f32 $8.000000000e+00, v51;
	v50 =	vld [tilespmem:s14+$0xFFFFFF00];
	v51 =	vadd.s32 v14, v44;
	[tilespmem:v52+s23+$0x0] =	vst.idx.msk $0xffff, v59;
	v46 =	vshll.u32 v46, v1  }
0xdf: {  	s18 =	simm.s32 $0x5;
	v53 =	vadd.s32 v15, v44;
	v52 =	vmul.f32 $8.000000000e+00, v54;
	v54 =	vld [tilespmem:s14+$0xFFFFFF10];
	[tilespmem:v55+s23+$0x0] =	vst.idx.msk $0xffff, v62;
	v46 =	vbroadcast v46, $0x0  }
0xe0: {  	v56 =	vadd.s32 v16, v44;
	v55 =	vmul.f32 $8.000000000e+00, v58;
	v58 =	vmov s18;
	[tilespmem:v57+s23+$0x0] =	vst.idx.msk $0xffff, v49;
	v57 =	vld [tilespmem:s14+$0xFFFFFF20]  }
0xe1: {  	v59 =	vmul.f32 $8.000000000e+00, v60;
	v44 =	vshrl.u32 v58, $0x3;
	[tilespmem:v41+s23+$0x0] =	vst.idx.msk $0xffff, v52;
	v41 =	vld [tilespmem:s14+$0xFFFFFF30];
	v45 =	vadd.s32 v17, v46  }
0xe2: {  	v37 =	vld [tilespmem:s14+$0xFFFFFF40];
	v60 =	vmul.f32 $8.000000000e+00, v63;
	v61 =	vadd.s32 v18, v46;
	v44 =	vshll.u32 v44, v1;
	[tilespmem:v48+s23+$0x0] =	vst.idx.msk $0xffff, v55  }
0xe3: {  	s19 =	simm.s32 $0x6;
	v62 =	vmul.f32 $8.000000000e+00, v50;
	v35 =	vadd.s32 v19, v46;
	v63 =	vld [tilespmem:s14+$0xFFFFFF50];
	v44 =	vbroadcast v44, $0x0;
	[tilespmem:v51+s23+$0x0] =	vst.idx.msk $0xffff, v59  }
0xe4: {  	v55 =	vmov s19;
	v52 =	vmul.f32 $8.000000000e+00, v54;
	v54 =	vld [tilespmem:s14+$0xFFFFFF60];
	[tilespmem:v53+s23+$0x0] =	vst.idx.msk $0xffff, v60;
	v53 =	vadd.s32 v20, v46  }
0xe5: {  	v59 =	vshrl.u32 v55, $0x3;
	v58 =	vadd.s32 v21, v44;
	[tilespmem:v56+s23+$0x0] =	vst.idx.msk $0xffff, v62;
	v56 =	vmul.f32 $8.000000000e+00, v57;
	v57 =	vld [tilespmem:s14+$0xFFFFFF70]  }
0xe6: {  	v33 =	vld [tilespmem:s14+$0xFFFFFF80];
	v36 =	vadd.s32 v22, v44;
	v60 =	vshll.u32 v59, v1;
	[tilespmem:v45+s23+$0x0] =	vst.idx.msk $0xffff, v52;
	v41 =	vmul.f32 $8.000000000e+00, v41  }
0xe7: {  	s31 =	simm.s32 $0xF;
	v39 =	vld [tilespmem:s14+$0xFFFFFF90];
	v38 =	vadd.s32 v23, v44;
	[tilespmem:v61+s23+$0x0] =	vst.idx.msk $0xffff, v56;
	v61 =	vmul.f32 $8.000000000e+00, v37;
	v37 =	vbroadcast v60, $0x0  }
0xe8: {  	v40 =	vadd.s32 v24, v44;
	v62 =	vmov s31;
	v63 =	vmul.f32 $8.000000000e+00, v63;
	[tilespmem:v35+s23+$0x0] =	vst.idx.msk $0xffff, v41;
	v41 =	vld [tilespmem:s14+$0xFFFFFFA0]  }
0xe9: {  	v34 =	vld [tilespmem:s14+$0xFFFFFFB0];
	v45 =	vshrl.u32 v62, $0x3;
	v44 =	vmul.f32 $8.000000000e+00, v54;
	[tilespmem:v53+s23+$0x0] =	vst.idx.msk $0xffff, v61;
	v42 =	vadd.s32 v25, v37  }
0xea: {  	s6 =	simm.s32 $0x10;
	s18 =	simm.s32 $0x87F0;
	s19 =	simm.s32 $0x8;
	v46 =	vshll.u32 v45, v1;
	v35 =	vld [tilespmem:s14+$0xFFFFFFC0];
	[tilespmem:v58+s23+$0x0] =	vst.idx.msk $0xffff, v63;
	v43 =	vadd.s32 v26, v37;
	v45 =	vmul.f32 $8.000000000e+00, v57  }
.LBB2_7:
0xeb: {  	p0 =	slt.u32 s6, $0x78;
	v47 =	vld [tilespmem:s18+$0xFFFFFFD0];
	v46 =	vbroadcast v46, $0x0;
	[tilespmem:v36+s23+$0x0] =	vst.idx.msk $0xffff, v44;
	v33 =	vmul.f32 $8.000000000e+00, v33;
	v36 =	vadd.s32 v27, v37  }
0xec: {  	v44 =	vmov s19;
	v37 =	vadd.s32 v28, v37;
	v48 =	vld [tilespmem:s18+$0xFFFFFFE0];
	[tilespmem:v38+s23+$0x0] =	vst.idx.msk $0xffff, v45;
	v38 =	vmul.f32 $8.000000000e+00, v39  }
0xed: {  	v39 =	vshrl.u32 v44, $0x3;
	v44 =	vld [tilespmem:s18+$0xFFFFFFF0];
	v45 =	vadd.s32 v29, v46;
	[tilespmem:v40+s23+$0x0] =	vst.idx.msk $0xffff, v33;
	v33 =	vmul.f32 $8.000000000e+00, v41  }
0xee: {  	v39 =	vshll.u32 v39, v1;
	v41 =	vadd.s32 v30, v46;
	v40 =	vld [tilespmem:s18+$0x0];
	[tilespmem:v42+s23+$0x0] =	vst.idx.msk $0xffff, v38;
	v34 =	vmul.f32 $8.000000000e+00, v34  }
0xef: {  	s14 =	sadd.s32 $0x1, s19;
	v39 =	vbroadcast v39, $0x0;
	v42 =	vadd.s32 v31, v46;
	v38 =	vld [tilespmem:s18+$0xFFFFFE10];
	[tilespmem:v43+s23+$0x0] =	vst.idx.msk $0xffff, v33;
	v33 =	vmul.f32 $8.000000000e+00, v35  }
0xf0: {  	v46 =	vadd.s32 v32, v46;
	v43 =	vmov s14;
	v35 =	vld [tilespmem:s18+$0xFFFFFE20];
	v47 =	vmul.f32 $8.000000000e+00, v47;
	[tilespmem:v36+s23+$0x0] =	vst.idx.msk $0xffff, v34  }
0xf1: {  	v36 =	vadd.s32 v0, v39;
	v43 =	vshrl.u32 v43, $0x3;
	v34 =	vld [tilespmem:s18+$0xFFFFFE30];
	v48 =	vmul.f32 $8.000000000e+00, v48;
	[tilespmem:v37+s23+$0x0] =	vst.idx.msk $0xffff, v33  }
0xf2: {  	v37 =	vadd.s32 v2, v39;
	v43 =	vshll.u32 v43, v1;
	v33 =	vld [tilespmem:s18+$0xFFFFFE40];
	[tilespmem:v45+s23+$0x0] =	vst.idx.msk $0xffff, v47;
	v44 =	vmul.f32 $8.000000000e+00, v44  }
0xf3: {  	s14 =	sadd.s32 $0x2, s19;
	v45 =	vadd.s32 v3, v39;
	v43 =	vbroadcast v43, $0x0;
	v47 =	vld [tilespmem:s18+$0xFFFFFE50];
	[tilespmem:v41+s23+$0x0] =	vst.idx.msk $0xffff, v48;
	v40 =	vmul.f32 $8.000000000e+00, v40  }
0xf4: {  	v39 =	vadd.s32 v4, v39;
	v48 =	vmov s14;
	v38 =	vmul.f32 $8.000000000e+00, v38;
	v41 =	vld [tilespmem:s18+$0xFFFFFE60];
	[tilespmem:v42+s23+$0x0] =	vst.idx.msk $0xffff, v44  }
0xf5: {  	v44 =	vadd.s32 v5, v43;
	v48 =	vshrl.u32 v48, $0x3;
	v35 =	vmul.f32 $8.000000000e+00, v35;
	v42 =	vld [tilespmem:s18+$0xFFFFFE70];
	[tilespmem:v46+s23+$0x0] =	vst.idx.msk $0xffff, v40  }
0xf6: {  	v40 =	vshll.u32 v48, v1;
	[tilespmem:v36+s23+$0x0] =	vst.idx.msk $0xffff, v38;
	v34 =	vmul.f32 $8.000000000e+00, v34;
	v36 =	vld [tilespmem:s18+$0xFFFFFE80];
	v38 =	vadd.s32 v6, v43  }
0xf7: {  	s14 =	sadd.s32 $0x3, s19;
	v40 =	vbroadcast v40, $0x0;
	[tilespmem:v37+s23+$0x0] =	vst.idx.msk $0xffff, v35;
	v33 =	vmul.f32 $8.000000000e+00, v33;
	v35 =	vadd.s32 v7, v43;
	v37 =	vld [tilespmem:s18+$0xFFFFFE90]  }
0xf8: {  	v46 =	vmov s14;
	v43 =	vadd.s32 v8, v43;
	[tilespmem:v45+s23+$0x0] =	vst.idx.msk $0xffff, v34;
	v34 =	vmul.f32 $8.000000000e+00, v47;
	v45 =	vld [tilespmem:s18+$0xFFFFFEA0]  }
0xf9: {  	v46 =	vshrl.u32 v46, $0x3;
	[tilespmem:v39+s23+$0x0] =	vst.idx.msk $0xffff, v33;
	v33 =	vmul.f32 $8.000000000e+00, v41;
	v39 =	vld [tilespmem:s18+$0xFFFFFEB0];
	v41 =	vadd.s32 v9, v40  }
0xfa: {  	v46 =	vshll.u32 v46, v1;
	[tilespmem:v44+s23+$0x0] =	vst.idx.msk $0xffff, v34;
	v34 =	vmul.f32 $8.000000000e+00, v42;
	v42 =	vld [tilespmem:s18+$0xFFFFFEC0];
	v44 =	vadd.s32 v10, v40  }
0xfb: {  	s14 =	sadd.s32 $0x4, s19;
	v46 =	vbroadcast v46, $0x0;
	[tilespmem:v38+s23+$0x0] =	vst.idx.msk $0xffff, v33;
	v33 =	vmul.f32 $8.000000000e+00, v36;
	v36 =	vadd.s32 v11, v40;
	v38 =	vld [tilespmem:s18+$0xFFFFFED0]  }
0xfc: {  	[tilespmem:v35+s23+$0x0] =	vst.idx.msk $0xffff, v34;
	v34 =	vmul.f32 $8.000000000e+00, v37;
	v35 =	vadd.s32 v12, v40;
	v37 =	vld [tilespmem:s18+$0xFFFFFEE0];
	v40 =	vmov s14  }
0xfd: {  	[tilespmem:v43+s23+$0x0] =	vst.idx.msk $0xffff, v33;
	v33 =	vmul.f32 $8.000000000e+00, v45;
	v43 =	vld [tilespmem:s18+$0xFFFFFEF0];
	v45 =	vadd.s32 v13, v46;
	v40 =	vshrl.u32 v40, $0x3  }
0xfe: {  	[tilespmem:v41+s23+$0x0] =	vst.idx.msk $0xffff, v34;
	v34 =	vmul.f32 $8.000000000e+00, v39;
	v39 =	vld [tilespmem:s18+$0xFFFFFF00];
	v41 =	vadd.s32 v14, v46;
	v40 =	vshll.u32 v40, v1  }
0xff: {  	s14 =	sadd.s32 $0x5, s19;
	[tilespmem:v44+s23+$0x0] =	vst.idx.msk $0xffff, v33;
	v33 =	vmul.f32 $8.000000000e+00, v42;
	v42 =	vadd.s32 v15, v46;
	v44 =	vld [tilespmem:s18+$0xFFFFFF10];
	v40 =	vbroadcast v40, $0x0  }
0x100: {  	[tilespmem:v36+s23+$0x0] =	vst.idx.msk $0xffff, v34;
	v34 =	vmul.f32 $8.000000000e+00, v38;
	v36 =	vadd.s32 v16, v46;
	v38 =	vld [tilespmem:s18+$0xFFFFFF20];
	v46 =	vmov s14  }
0x101: {  	[tilespmem:v35+s23+$0x0] =	vst.idx.msk $0xffff, v33;
	v33 =	vmul.f32 $8.000000000e+00, v37;
	v35 =	vld [tilespmem:s18+$0xFFFFFF30];
	v37 =	vadd.s32 v17, v40;
	v46 =	vshrl.u32 v46, $0x3  }
0x102: {  	[tilespmem:v45+s23+$0x0] =	vst.idx.msk $0xffff, v34;
	v34 =	vmul.f32 $8.000000000e+00, v43;
	v43 =	vld [tilespmem:s18+$0xFFFFFF40];
	v45 =	vadd.s32 v18, v40;
	v46 =	vshll.u32 v46, v1  }
0x103: {  	s14 =	sadd.s32 $0x6, s19;
	s19 =	smov.u32 s6;
	[tilespmem:v41+s23+$0x0] =	vst.idx.msk $0xffff, v33;
	v33 =	vmul.f32 $8.000000000e+00, v39;
	v41 =	vadd.s32 v19, v40;
	v47 =	vld [tilespmem:s18+$0xFFFFFF50];
	v46 =	vbroadcast v46, $0x0  }
0x104: {  	v39 =	vmov s14;
	[tilespmem:v42+s23+$0x0] =	vst.idx.msk $0xffff, v34;
	v34 =	vmul.f32 $8.000000000e+00, v44;
	v42 =	vadd.s32 v20, v40;
	v44 =	vld [tilespmem:s18+$0xFFFFFF60]  }
0x105: {  	v39 =	vshrl.u32 v39, $0x3;
	[tilespmem:v36+s23+$0x0] =	vst.idx.msk $0xffff, v33;
	v38 =	vmul.f32 $8.000000000e+00, v38;
	v48 =	vld [tilespmem:s18+$0xFFFFFF70];
	v49 =	vadd.s32 v21, v46  }
.Ltmp4:
0x106: {  	v36 =	vadd.s32 v22, v46;
	[tilespmem:v37+s23+$0x0] =	vst.idx.msk $0xffff, v34;
	v34 =	vmul.f32 $8.000000000e+00, v35;
	v33 =	vld [tilespmem:s18+$0xFFFFFF80];
	v35 =	vshll.u32 v39, v1;
	(pc) =	sbr.rel @p0 .LBB2_7-.Ltmp4, $4  }
0x107: {  	s14 =	sadd.s32 $0x7, s6;
	[tilespmem:v45+s23+$0x0] =	vst.idx.msk $0xffff, v38;
	v43 =	vmul.f32 $8.000000000e+00, v43;
	v38 =	vadd.s32 v23, v46;
	v39 =	vld [tilespmem:s18+$0xFFFFFF90];
	v37 =	vbroadcast v35, $0x0  }
0x108: {  	v40 =	vadd.s32 v24, v46;
	v35 =	vmov s14;
	[tilespmem:v41+s23+$0x0] =	vst.idx.msk $0xffff, v34;
	v45 =	vmul.f32 $8.000000000e+00, v47;
	v41 =	vld [tilespmem:s18+$0xFFFFFFA0]  }
0x109: {  	v35 =	vshrl.u32 v35, $0x3;
	[tilespmem:v42+s23+$0x0] =	vst.idx.msk $0xffff, v43;
	v44 =	vmul.f32 $8.000000000e+00, v44;
	v34 =	vld [tilespmem:s18+$0xFFFFFFB0];
	v42 =	vadd.s32 v25, v37  }
0x10a: {  	s6 =	sadd.s32 $0x8, s6;
	v46 =	vshll.u32 v35, v1;
	v43 =	vadd.s32 v26, v37;
	[tilespmem:v49+s23+$0x0] =	vst.idx.msk $0xffff, v45;
	v45 =	vmul.f32 $8.000000000e+00, v48;
	v35 =	vld [tilespmem:s18+$0xFFFFFFC0];
	s18 =	sadd.s32 $0x200, s18  }
0x10b: {  	_ =	sdelay $0x3  }
0x10c: {  	v47 =	vld [tilespmem:s18+$0xFFFFFFD0];
	v46 =	vbroadcast v46, $0x0;
	[tilespmem:v36+s23+$0x0] =	vst.idx.msk $0xffff, v44;
	v33 =	vmul.f32 $8.000000000e+00, v33;
	v36 =	vadd.s32 v27, v37  }
0x10d: {  	v59 =	vmov s19;
	v48 =	vld [tilespmem:s18+$0xFFFFFFE0];
	v61 =	vadd.s32 v28, v37;
	[tilespmem:v38+s23+$0x0] =	vst.idx.msk $0xffff, v45;
	v60 =	vmul.f32 $8.000000000e+00, v39  }
0x10e: {  	v44 =	vld [tilespmem:s18+$0xFFFFFFF0];
	v62 =	vshrl.u32 v59, $0x3;
	v63 =	vadd.s32 v29, v46;
	[tilespmem:v40+s23+$0x0] =	vst.idx.msk $0xffff, v33;
	v52 =	vmul.f32 $8.000000000e+00, v41  }
0x10f: {  	v39 =	vshll.u32 v62, v1;
	v40 =	vld [tilespmem:s18+$0x0];
	v53 =	vadd.s32 v30, v46;
	[tilespmem:v42+s23+$0x0] =	vst.idx.msk $0xffff, v60;
	v34 =	vmul.f32 $8.000000000e+00, v34  }
0x110: {  	v54 =	vld [tilespmem:s18+$0xFFFFFE10];
	s6 =	sadd.s32 $0x1, s19;
	v55 =	vadd.s32 v31, v46;
	v39 =	vbroadcast v39, $0x0;
	[tilespmem:v43+s23+$0x0] =	vst.idx.msk $0xffff, v52;
	v56 =	vmul.f32 $8.000000000e+00, v35  }
0x111: {  	v57 =	vld [tilespmem:s18+$0xFFFFFE20];
	v58 =	vmov s6;
	v46 =	vadd.s32 v32, v46;
	v47 =	vmul.f32 $8.000000000e+00, v47;
	[tilespmem:v36+s23+$0x0] =	vst.idx.msk $0xffff, v34  }
0x112: {  	v59 =	vld [tilespmem:s18+$0xFFFFFE30];
	v43 =	vshrl.u32 v58, $0x3;
	v60 =	vadd.s32 v0, v39;
	v48 =	vmul.f32 $8.000000000e+00, v48;
	[tilespmem:v61+s23+$0x0] =	vst.idx.msk $0xffff, v56  }
0x113: {  	v62 =	vadd.s32 v2, v39;
	v43 =	vshll.u32 v43, v1;
	v44 =	vmul.f32 $8.000000000e+00, v44;
	v61 =	vld [tilespmem:s18+$0xFFFFFE40];
	[tilespmem:v63+s23+$0x0] =	vst.idx.msk $0xffff, v47  }
0x114: {  	s15 =	sadd.s32 $0x2, s19;
	v52 =	vld [tilespmem:s18+$0xFFFFFE50];
	v43 =	vbroadcast v43, $0x0;
	v63 =	vadd.s32 v3, v39;
	v40 =	vmul.f32 $8.000000000e+00, v40;
	[tilespmem:v53+s23+$0x0] =	vst.idx.msk $0xffff, v48  }
0x115: {  	v38 =	vmul.f32 $8.000000000e+00, v54;
	v54 =	vmov s15;
	v39 =	vadd.s32 v4, v39;
	v53 =	vld [tilespmem:s18+$0xFFFFFE60];
	[tilespmem:v55+s23+$0x0] =	vst.idx.msk $0xffff, v44  }
0x116: {  	v35 =	vmul.f32 $8.000000000e+00, v57;
	v56 =	vadd.s32 v5, v43;
	v48 =	vshrl.u32 v54, $0x3;
	v55 =	vld [tilespmem:s18+$0xFFFFFE70];
	[tilespmem:v46+s23+$0x0] =	vst.idx.msk $0xffff, v40  }
0x117: {  	v57 =	vld [tilespmem:s18+$0xFFFFFE80];
	v34 =	vmul.f32 $8.000000000e+00, v59;
	v58 =	vadd.s32 v6, v43;
	v59 =	vshll.u32 v48, v1;
	[tilespmem:v60+s23+$0x0] =	vst.idx.msk $0xffff, v38  }
0x118: {  	s31 =	sadd.s32 $0x3, s19;
	v60 =	vadd.s32 v7, v43;
	v40 =	vbroadcast v59, $0x0;
	[tilespmem:v62+s23+$0x0] =	vst.idx.msk $0xffff, v35;
	v33 =	vmul.f32 $8.000000000e+00, v61;
	v61 =	vld [tilespmem:s18+$0xFFFFFE90]  }
0x119: {  	v48 =	vmov s31;
	v43 =	vadd.s32 v8, v43;
	v62 =	vmul.f32 $8.000000000e+00, v52;
	[tilespmem:v63+s23+$0x0] =	vst.idx.msk $0xffff, v34;
	v63 =	vld [tilespmem:s18+$0xFFFFFEA0]  }
0x11a: {  	v50 =	vld [tilespmem:s18+$0xFFFFFEB0];
	v46 =	vshrl.u32 v48, $0x3;
	v51 =	vadd.s32 v9, v40;
	[tilespmem:v39+s23+$0x0] =	vst.idx.msk $0xffff, v33;
	v49 =	vmul.f32 $8.000000000e+00, v53  }
0x11b: {  	v46 =	vshll.u32 v46, v1;
	v54 =	vadd.s32 v10, v40;
	[tilespmem:v56+s23+$0x0] =	vst.idx.msk $0xffff, v62;
	v53 =	vld [tilespmem:s18+$0xFFFFFEC0];
	v52 =	vmul.f32 $8.000000000e+00, v55  }
0x11c: {  	s2 =	sadd.s32 $0x4, s19;
	v46 =	vbroadcast v46, $0x0;
	v56 =	vadd.s32 v11, v40;
	v55 =	vmul.f32 $8.000000000e+00, v57;
	v57 =	vld [tilespmem:s18+$0xFFFFFED0];
	[tilespmem:v58+s23+$0x0] =	vst.idx.msk $0xffff, v49  }
0x11d: {  	v59 =	vadd.s32 v12, v40;
	[tilespmem:v60+s23+$0x0] =	vst.idx.msk $0xffff, v52;
	v58 =	vmul.f32 $8.000000000e+00, v61;
	v60 =	vld [tilespmem:s18+$0xFFFFFEE0];
	v61 =	vmov s2  }
0x11e: {  	v48 =	vadd.s32 v13, v46;
	[tilespmem:v43+s23+$0x0] =	vst.idx.msk $0xffff, v55;
	v62 =	vmul.f32 $8.000000000e+00, v63;
	v63 =	vld [tilespmem:s18+$0xFFFFFEF0];
	v40 =	vshrl.u32 v61, $0x3  }
0x11f: {  	v49 =	vmul.f32 $8.000000000e+00, v50;
	v50 =	vld [tilespmem:s18+$0xFFFFFF00];
	[tilespmem:v51+s23+$0x0] =	vst.idx.msk $0xffff, v58;
	v51 =	vadd.s32 v14, v46;
	v40 =	vshll.u32 v40, v1  }
0x120: {  	s14 =	sadd.s32 $0x5, s19;
	v52 =	vmul.f32 $8.000000000e+00, v53;
	v53 =	vadd.s32 v15, v46;
	[tilespmem:v54+s23+$0x0] =	vst.idx.msk $0xffff, v62;
	v54 =	vld [tilespmem:s18+$0xFFFFFF10];
	v40 =	vbroadcast v40, $0x0  }
0x121: {  	v58 =	vmov s14;
	v55 =	vmul.f32 $8.000000000e+00, v57;
	v57 =	vld [tilespmem:s18+$0xFFFFFF20];
	[tilespmem:v56+s23+$0x0] =	vst.idx.msk $0xffff, v49;
	v56 =	vadd.s32 v16, v46  }
0x122: {  	v46 =	vshrl.u32 v58, $0x3;
	[tilespmem:v59+s23+$0x0] =	vst.idx.msk $0xffff, v52;
	v59 =	vmul.f32 $8.000000000e+00, v60;
	v60 =	vld [tilespmem:s18+$0xFFFFFF30];
	v61 =	vadd.s32 v17, v40  }
0x123: {  	[tilespmem:v48+s23+$0x0] =	vst.idx.msk $0xffff, v55;
	v48 =	vadd.s32 v18, v40;
	v46 =	vshll.u32 v46, v1;
	v62 =	vmul.f32 $8.000000000e+00, v63;
	v63 =	vld [tilespmem:s18+$0xFFFFFF40]  }
0x124: {  	s15 =	sadd.s32 $0x6, s19;
	v49 =	vmul.f32 $8.000000000e+00, v50;
	v50 =	vadd.s32 v19, v40;
	v46 =	vbroadcast v46, $0x0;
	[tilespmem:v51+s23+$0x0] =	vst.idx.msk $0xffff, v59;
	v51 =	vld [tilespmem:s18+$0xFFFFFF50]  }
0x125: {  	v40 =	vadd.s32 v20, v40;
	[tilespmem:v53+s23+$0x0] =	vst.idx.msk $0xffff, v62;
	v52 =	vmul.f32 $8.000000000e+00, v54;
	v53 =	vld [tilespmem:s18+$0xFFFFFF60];
	v54 =	vmov s15  }
0x126: {  	v55 =	vmul.f32 $8.000000000e+00, v57;
	v57 =	vadd.s32 v21, v46;
	[tilespmem:v56+s23+$0x0] =	vst.idx.msk $0xffff, v49;
	v56 =	vld [tilespmem:s18+$0xFFFFFF70];
	v44 =	vshrl.u32 v54, $0x3  }
0x127: {  	v59 =	vld [tilespmem:s18+$0xFFFFFF80];
	[tilespmem:v61+s23+$0x0] =	vst.idx.msk $0xffff, v52;
	v58 =	vmul.f32 $8.000000000e+00, v60;
	v60 =	vadd.s32 v22, v46;
	v44 =	vshll.u32 v44, v1  }
0x128: {  	v62 =	vadd.s32 v23, v46;
	[tilespmem:v48+s23+$0x0] =	vst.idx.msk $0xffff, v55;
	v61 =	vmul.f32 $8.000000000e+00, v63;
	v63 =	vld [tilespmem:s18+$0xFFFFFF90];
	v44 =	vbroadcast v44, $0x0  }
0x129: {  	v49 =	vadd.s32 v24, v46;
	[tilespmem:v50+s23+$0x0] =	vst.idx.msk $0xffff, v58;
	v48 =	vmul.f32 $8.000000000e+00, v51;
	v50 =	vld [tilespmem:s18+$0xFFFFFFA0]  }
0x12a: {  	v52 =	vld [tilespmem:s18+$0xFFFFFFB0];
	[tilespmem:v40+s23+$0x0] =	vst.idx.msk $0xffff, v61;
	v51 =	vmul.f32 $8.000000000e+00, v53;
	v53 =	vadd.s32 v25, v44  }
0x12b: {  	v55 =	vld [tilespmem:s18+$0xFFFFFFC0];
	[tilespmem:v57+s23+$0x0] =	vst.idx.msk $0xffff, v48;
	v54 =	vmul.f32 $8.000000000e+00, v56;
	v56 =	vadd.s32 v26, v44  }
0x12c: {  	v58 =	vadd.s32 v27, v44;
	v57 =	vmul.f32 $8.000000000e+00, v59;
	[tilespmem:v60+s23+$0x0] =	vst.idx.msk $0xffff, v51  }
0x12d: {  	v60 =	vadd.s32 v28, v44;
	[tilespmem:v62+s23+$0x0] =	vst.idx.msk $0xffff, v54;
	v59 =	vmul.f32 $8.000000000e+00, v63  }
0x12e: {  	[tilespmem:v49+s23+$0x0] =	vst.idx.msk $0xffff, v57;
	v61 =	vmul.f32 $8.000000000e+00, v50  }
0x12f: {  	v62 =	vmul.f32 $8.000000000e+00, v52;
	[tilespmem:v53+s23+$0x0] =	vst.idx.msk $0xffff, v59  }
0x130: {  	v63 =	vmul.f32 $8.000000000e+00, v55;
	[tilespmem:v56+s23+$0x0] =	vst.idx.msk $0xffff, v61  }
0x131: {  	[tilespmem:v58+s23+$0x0] =	vst.idx.msk $0xffff, v62  }
0x132: {  	s14 =	sadd.s32 s0, s7;
	s18 =	simm.s32 $0x18600;
	[tilespmem:v60+s23+$0x0] =	vst.idx.msk $0xffff, v63  }
0x133: {  	[hbm4b:s14+s3] =	stream.linear.scatter [tilespmem:s18], [sflag:$0x6], $0x80, $0x38;
	[tilespmem:$0x1A800] =	vst v63  }
0x134: {  	s19 =	simm.s32 $0x18688;
	s15 =	sadd.s32 $0x10, s14  }
0x135: {  	[hbm4b:s15+s3] =	stream.linear.scatter [tilespmem:s19], [sflag:$0x6], $0x80, $0x38;
	[tilespmem:$0x1A800] =	vst v63  }
0x136: {  	s31 =	simm.s32 $0x18710;
	s2 =	sadd.s32 $0x20, s14  }
0x137: {  	[hbm4b:s2+s3] =	stream.linear.scatter [tilespmem:s31], [sflag:$0x6], $0x80, $0x38;
	[tilespmem:$0x1A800] =	vst v63  }
0x138: {  	s18 =	simm.s32 $0x18798;
	s19 =	sadd.s32 $0x30, s14  }
0x139: {  	[hbm4b:s19+s3] =	stream.linear.scatter [tilespmem:s18], [sflag:$0x6], $0x80, $0x38;
	[tilespmem:$0x1A800] =	vst v63  }
0x13a: {  	s31 =	simm.s32 $0x18820;
	s2 =	sadd.s32 $0x40, s14  }
0x13b: {  	[hbm4b:s2+s3] =	stream.linear.scatter [tilespmem:s31], [sflag:$0x6], $0x80, $0x38;
	[tilespmem:$0x1A800] =	vst v63  }
0x13c: {  	s6 =	simm.s32 $0x440;
	s15 =	simm.s32 $0x188A8;
	s18 =	sadd.s32 $0x50, s14  }
0x13d: {  	[hbm4b:s18+s3] =	stream.linear.scatter [tilespmem:s15], [sflag:$0x6], $0x80, $0x38;
	[tilespmem:$0x1A800] =	vst v63  }
0x13e: {  	s19 =	simm.s32 $0x18930;
	s31 =	sadd.s32 $0x60, s14;
	s18 =	simm.s32 $0x2200  }
0x13f: {  	[hbm4b:s31+s3] =	stream.linear.scatter [tilespmem:s19], [sflag:$0x6], $0x80, $0x38;
	[tilespmem:$0x1A800] =	vst v63  }
0x140: {  	s15 =	sadd.s32 $0x70, s14;
	s14 =	sadd.s32 $0x1000, s14;
	s19 =	simm.s32 $0x189B8  }
.LBB2_9:
0x141: {  	[hbm4b:s15+s3] =	stream.linear.scatter [tilespmem:s19], [sflag:$0x6], $0x80, $0x38;
	[tilespmem:$0x1A800] =	vst v63  }
0x142: {  	s15 =	smov.u32 s6;
	s6 =	smov.u32 s18  }
0x143: {  	s31 =	sadd.s32 $0x1100, s18;
	s6 =	sshra.s32 s6, $0x2;
	s19 =	sadd.s32 $0x18600, s15  }
0x144: {  	[hbm4b:s14+s3] =	stream.linear.scatter [tilespmem:s19], [sflag:$0x6], $0x80, $0x38;
	[tilespmem:$0x1A800] =	vst v63  }
0x145: {  	p0 =	sne.s32 s18, $0x7700;
	s18 =	sadd.s32 $0x18688, s15;
	s19 =	sadd.s32 $0x10, s14  }
0x146: {  	[hbm4b:s19+s3] =	stream.linear.scatter [tilespmem:s18], [sflag:$0x6], $0x80, $0x38;
	[tilespmem:$0x1A800] =	vst v63  }
0x147: {  	s18 =	sadd.s32 $0x18710, s15;
	s19 =	sadd.s32 $0x20, s14  }
0x148: {  	[hbm4b:s19+s3] =	stream.linear.scatter [tilespmem:s18], [sflag:$0x6], $0x80, $0x38;
	[tilespmem:$0x1A800] =	vst v63  }
0x149: {  	s18 =	sadd.s32 $0x18798, s15;
	s19 =	sadd.s32 $0x30, s14  }
0x14a: {  	[hbm4b:s19+s3] =	stream.linear.scatter [tilespmem:s18], [sflag:$0x6], $0x80, $0x38;
	[tilespmem:$0x1A800] =	vst v63  }
0x14b: {  	s18 =	sadd.s32 $0x18820, s15;
	s19 =	sadd.s32 $0x40, s14  }
0x14c: {  	[hbm4b:s19+s3] =	stream.linear.scatter [tilespmem:s18], [sflag:$0x6], $0x80, $0x38;
	[tilespmem:$0x1A800] =	vst v63  }
0x14d: {  	s18 =	sadd.s32 $0x188A8, s15;
	s19 =	sadd.s32 $0x50, s14  }
0x14e: {  	[hbm4b:s19+s3] =	stream.linear.scatter [tilespmem:s18], [sflag:$0x6], $0x80, $0x38;
	[tilespmem:$0x1A800] =	vst v63  }
.Ltmp5:
0x14f: {  	_ = 	snop;
	(pc) =	sbr.rel @p0 .LBB2_9-.Ltmp5, $4  }
0x150: {  	s18 =	sadd.s32 $0x18930, s15;
	s19 =	sadd.s32 $0x60, s14  }
0x151: {  	[hbm4b:s19+s3] =	stream.linear.scatter [tilespmem:s18], [sflag:$0x6], $0x80, $0x38;
	[tilespmem:$0x1A800] =	vst v63  }
0x152: {  	s19 =	sadd.s32 $0x189B8, s15  }
0x153: {  	s15 =	sadd.s32 $0x70, s14;
	s14 =	sadd.s32 $0x1000, s14;
	s18 =	smov.u32 s31  }
0x154: {  	[hbm4b:s15+s3] =	stream.linear.scatter [tilespmem:s19], [sflag:$0x6], $0x80, $0x38;
	[tilespmem:$0x1A800] =	vst v63  }
0x155: {  	s31 =	sadd.s32 $0x18600, s6  }
0x156: {  	[hbm4b:s14+s3] =	stream.linear.scatter [tilespmem:s31], [sflag:$0x6], $0x80, $0x38;
	[tilespmem:$0x1A800] =	vst v63  }
0x157: {  	s2 =	sadd.s32 $0x18688, s6;
	s18 =	sadd.s32 $0x10, s14  }
0x158: {  	[hbm4b:s18+s3] =	stream.linear.scatter [tilespmem:s2], [sflag:$0x6], $0x80, $0x38;
	[tilespmem:$0x1A800] =	vst v63  }
0x159: {  	s19 =	sadd.s32 $0x20, s14;
	s18 =	sadd.s32 $0x18710, s6  }
0x15a: {  	[hbm4b:s19+s3] =	stream.linear.scatter [tilespmem:s18], [sflag:$0x6], $0x80, $0x38;
	[tilespmem:$0x1A800] =	vst v63  }
0x15b: {  	s31 =	sadd.s32 $0x18798, s6;
	s2 =	sadd.s32 $0x30, s14  }
0x15c: {  	[hbm4b:s2+s3] =	stream.linear.scatter [tilespmem:s31], [sflag:$0x6], $0x80, $0x38;
	[tilespmem:$0x1A800] =	vst v63  }
0x15d: {  	s18 =	sadd.s32 $0x18820, s6;
	s19 =	sadd.s32 $0x40, s14  }
0x15e: {  	[hbm4b:s19+s3] =	stream.linear.scatter [tilespmem:s18], [sflag:$0x6], $0x80, $0x38;
	[tilespmem:$0x1A800] =	vst v63  }
0x15f: {  	s31 =	sadd.s32 $0x188A8, s6;
	s2 =	sadd.s32 $0x50, s14  }
0x160: {  	[hbm4b:s2+s3] =	stream.linear.scatter [tilespmem:s31], [sflag:$0x6], $0x80, $0x38;
	[tilespmem:$0x1A800] =	vst v63  }
0x161: {  	s17 =	sor.u32 $0x3, s17;
	s18 =	sadd.s32 $0x18930, s6;
	s19 =	sadd.s32 $0x60, s14  }
0x162: {  	[hbm4b:s19+s3] =	stream.linear.scatter [tilespmem:s18], [sflag:$0x6], $0x80, $0x38;
	[tilespmem:$0x1A800] =	vst v63  }
0x163: {  	s31 =	sadd.s32 $0x189B8, s6;
	s2 =	sadd.s32 $0x70, s14;
	s14 =	sshll.u32 s17, $0x8  }
0x164: {  	[hbm4b:s2+s3] =	stream.linear.scatter [tilespmem:s31], [sflag:$0x6], $0x80, $0x38;
	[tilespmem:$0x1A800] =	vst v63  }
0x165: {  	s6 =	sand.u32 $0x3FFFFF00, s14  }
0x166: {  	[tilespmem:s24], [sflag:$0x4] =	stream.indirect.gather [hbm4b:s4+s16], $0x40, s6, s16, $0xb8;
	[tilespmem:$0x1A800] =	vst v63  }
0x167: {  	_ =	swait.ge [sflag:s25], $0x4000  }
0x168: {  	[sflag:s25] =	ssyncset.done $0x0  }
0x169: {  	s15 =	simm.s32 $0x7;
	[sflag:s25] =	ssyncadd.s32 $0xFFFFC000  }
0x16a: {  	v33 =	vmov s15;
	s18 =	simm.s32 $0x0;
	_ =	swait.ge [sflag:s26], $0x2000  }
0x16b: {  	v33 =	vshrl.u32 v33, $0x3;
	v35 =	vmov s18;
	[sflag:s26] =	ssyncset.done $0x0  }
0x16c: {  	v33 =	vshll.u32 v33, v1;
	s14 =	simm.s32 $0xA500;
	v35 =	vshrl.u32 v35, $0x3;
	[sflag:s26] =	ssyncadd.s32 $0xFFFFE000  }
0x16d: {  	v33 =	vbroadcast v33, $0x0;
	v35 =	vshll.u32 v35, v1;
	v34 =	vld [tilespmem:s14+$0xC0]  }
0x16e: {  	v35 =	vbroadcast v35, $0x0;
	v41 =	vld [tilespmem:s14+$0xFFFFFF00]  }
0x16f: {  	v38 =	vadd.s32 v29, v33;
	v36 =	vld [tilespmem:s14+$0xD0]  }
0x170: {  	v46 =	vadd.s32 v0, v35;
	v43 =	vld [tilespmem:s14+$0xFFFFFF10]  }
0x171: {  	v40 =	vadd.s32 v30, v33;
	s19 =	simm.s32 $0x1;
	v37 =	vld [tilespmem:s14+$0xE0]  }
0x172: {  	v44 =	vmov s19;
	v48 =	vadd.s32 v2, v35;
	v45 =	vld [tilespmem:s14+$0xFFFFFF20];
	v34 =	vmul.f32 $8.000000000e+00, v34  }
0x173: {  	v42 =	vadd.s32 v31, v33;
	v44 =	vshrl.u32 v44, $0x3;
	v39 =	vld [tilespmem:s14+$0xF0];
	v50 =	vmul.f32 $8.000000000e+00, v41  }
0x174: {  	v44 =	vshll.u32 v44, v1;
	v62 =	vadd.s32 v3, v35;
	v47 =	vld [tilespmem:s14+$0xFFFFFF30];
	v36 =	vmul.f32 $8.000000000e+00, v36;
	[tilespmem:v38+s22+$0x0] =	vst.idx.msk $0xffff, v34  }
0x175: {  	v33 =	vadd.s32 v32, v33;
	s31 =	simm.s32 $0x2;
	v44 =	vbroadcast v44, $0x0;
	v63 =	vld [tilespmem:s14+$0xFFFFFF40];
	v53 =	vmul.f32 $8.000000000e+00, v43;
	[tilespmem:v46+s22+$0x0] =	vst.idx.msk $0xffff, v50  }
0x176: {  	v52 =	vmov s31;
	v35 =	vadd.s32 v4, v35;
	v51 =	vld [tilespmem:s14+$0xFFFFFF50];
	v61 =	vmul.f32 $8.000000000e+00, v37;
	[tilespmem:v40+s22+$0x0] =	vst.idx.msk $0xffff, v36  }
0x177: {  	v55 =	vadd.s32 v5, v44;
	v54 =	vld [tilespmem:s14+$0xFFFFFF60];
	v41 =	vshrl.u32 v52, $0x3;
	v56 =	vmul.f32 $8.000000000e+00, v45;
	[tilespmem:v48+s22+$0x0] =	vst.idx.msk $0xffff, v53  }
0x178: {  	v58 =	vadd.s32 v6, v44;
	v57 =	vld [tilespmem:s14+$0xFFFFFF70];
	v49 =	vmul.f32 $8.000000000e+00, v39;
	v41 =	vshll.u32 v41, v1;
	[tilespmem:v42+s22+$0x0] =	vst.idx.msk $0xffff, v61  }
0x179: {  	s2 =	simm.s32 $0x3;
	v60 =	vadd.s32 v7, v44;
	v59 =	vmul.f32 $8.000000000e+00, v47;
	v41 =	vbroadcast v41, $0x0;
	v61 =	vld [tilespmem:s14+$0xFFFFFF80];
	[tilespmem:v62+s22+$0x0] =	vst.idx.msk $0xffff, v56  }
0x17a: {  	v48 =	vld [tilespmem:s14+$0xFFFFFF90];
	v62 =	vmul.f32 $8.000000000e+00, v63;
	v63 =	vadd.s32 v8, v44;
	[tilespmem:v33+s22+$0x0] =	vst.idx.msk $0xffff, v49;
	v49 =	vmov s2  }
0x17b: {  	v50 =	vmul.f32 $8.000000000e+00, v51;
	v51 =	vld [tilespmem:s14+$0xFFFFFFA0];
	v52 =	vadd.s32 v9, v41;
	[tilespmem:v35+s22+$0x0] =	vst.idx.msk $0xffff, v59;
	v44 =	vshrl.u32 v49, $0x3  }
0x17c: {  	v53 =	vmul.f32 $8.000000000e+00, v54;
	v54 =	vld [tilespmem:s14+$0xFFFFFFB0];
	[tilespmem:v55+s22+$0x0] =	vst.idx.msk $0xffff, v62;
	v55 =	vadd.s32 v10, v41;
	v44 =	vshll.u32 v44, v1  }
0x17d: {  	s15 =	simm.s32 $0x4;
	v56 =	vmul.f32 $8.000000000e+00, v57;
	v57 =	vadd.s32 v11, v41;
	[tilespmem:v58+s22+$0x0] =	vst.idx.msk $0xffff, v50;
	v58 =	vld [tilespmem:s14+$0xFFFFFFC0];
	v44 =	vbroadcast v44, $0x0  }
0x17e: {  	v41 =	vadd.s32 v12, v41;
	[tilespmem:v60+s22+$0x0] =	vst.idx.msk $0xffff, v53;
	v60 =	vld [tilespmem:s14+$0xFFFFFFD0];
	v59 =	vmul.f32 $8.000000000e+00, v61;
	v61 =	vmov s15  }
0x17f: {  	v62 =	vmul.f32 $8.000000000e+00, v48;
	[tilespmem:v63+s22+$0x0] =	vst.idx.msk $0xffff, v56;
	v63 =	vld [tilespmem:s14+$0xFFFFFFE0];
	v48 =	vadd.s32 v13, v44;
	v46 =	vshrl.u32 v61, $0x3  }
0x180: {  	v49 =	vmul.f32 $8.000000000e+00, v51;
	v50 =	vld [tilespmem:s14+$0xFFFFFFF0];
	v51 =	vadd.s32 v14, v44;
	[tilespmem:v52+s22+$0x0] =	vst.idx.msk $0xffff, v59;
	v46 =	vshll.u32 v46, v1  }
0x181: {  	s18 =	simm.s32 $0x5;
	v53 =	vadd.s32 v15, v44;
	v52 =	vmul.f32 $8.000000000e+00, v54;
	v54 =	vld [tilespmem:s14+$0x0];
	[tilespmem:v55+s22+$0x0] =	vst.idx.msk $0xffff, v62;
	v46 =	vbroadcast v46, $0x0  }
0x182: {  	v56 =	vadd.s32 v16, v44;
	v55 =	vmul.f32 $8.000000000e+00, v58;
	v58 =	vmov s18;
	[tilespmem:v57+s22+$0x0] =	vst.idx.msk $0xffff, v49;
	v57 =	vld [tilespmem:s14+$0x10]  }
0x183: {  	v59 =	vmul.f32 $8.000000000e+00, v60;
	v44 =	vshrl.u32 v58, $0x3;
	[tilespmem:v41+s22+$0x0] =	vst.idx.msk $0xffff, v52;
	v41 =	vld [tilespmem:s14+$0x20];
	v45 =	vadd.s32 v17, v46  }
0x184: {  	v37 =	vld [tilespmem:s14+$0x30];
	v60 =	vmul.f32 $8.000000000e+00, v63;
	v61 =	vadd.s32 v18, v46;
	v44 =	vshll.u32 v44, v1;
	[tilespmem:v48+s22+$0x0] =	vst.idx.msk $0xffff, v55  }
0x185: {  	s19 =	simm.s32 $0x6;
	v62 =	vmul.f32 $8.000000000e+00, v50;
	v35 =	vadd.s32 v19, v46;
	v63 =	vld [tilespmem:s14+$0x40];
	v44 =	vbroadcast v44, $0x0;
	[tilespmem:v51+s22+$0x0] =	vst.idx.msk $0xffff, v59  }
0x186: {  	v55 =	vmov s19;
	v52 =	vmul.f32 $8.000000000e+00, v54;
	v54 =	vld [tilespmem:s14+$0x50];
	[tilespmem:v53+s22+$0x0] =	vst.idx.msk $0xffff, v60;
	v53 =	vadd.s32 v20, v46  }
0x187: {  	v59 =	vshrl.u32 v55, $0x3;
	v58 =	vadd.s32 v21, v44;
	[tilespmem:v56+s22+$0x0] =	vst.idx.msk $0xffff, v62;
	v56 =	vmul.f32 $8.000000000e+00, v57;
	v57 =	vld [tilespmem:s14+$0x60]  }
0x188: {  	v33 =	vld [tilespmem:s14+$0x70];
	v36 =	vadd.s32 v22, v44;
	v60 =	vshll.u32 v59, v1;
	[tilespmem:v45+s22+$0x0] =	vst.idx.msk $0xffff, v52;
	v41 =	vmul.f32 $8.000000000e+00, v41  }
0x189: {  	s31 =	simm.s32 $0xF;
	v39 =	vld [tilespmem:s14+$0x80];
	v38 =	vadd.s32 v23, v44;
	[tilespmem:v61+s22+$0x0] =	vst.idx.msk $0xffff, v56;
	v61 =	vmul.f32 $8.000000000e+00, v37;
	v37 =	vbroadcast v60, $0x0  }
0x18a: {  	v40 =	vadd.s32 v24, v44;
	v62 =	vmov s31;
	v63 =	vmul.f32 $8.000000000e+00, v63;
	[tilespmem:v35+s22+$0x0] =	vst.idx.msk $0xffff, v41;
	v41 =	vld [tilespmem:s14+$0x90]  }
0x18b: {  	v34 =	vld [tilespmem:s14+$0xA0];
	v45 =	vshrl.u32 v62, $0x3;
	v44 =	vmul.f32 $8.000000000e+00, v54;
	[tilespmem:v53+s22+$0x0] =	vst.idx.msk $0xffff, v61;
	v42 =	vadd.s32 v25, v37  }
0x18c: {  	s6 =	simm.s32 $0x10;
	s18 =	simm.s32 $0xA700;
	s19 =	simm.s32 $0x8;
	v46 =	vshll.u32 v45, v1;
	v35 =	vld [tilespmem:s14+$0xB0];
	[tilespmem:v58+s22+$0x0] =	vst.idx.msk $0xffff, v63;
	v43 =	vadd.s32 v26, v37;
	v45 =	vmul.f32 $8.000000000e+00, v57  }
.LBB2_11:
0x18d: {  	p0 =	slt.u32 s6, $0x78;
	v47 =	vld [tilespmem:s18+$0xC0];
	v46 =	vbroadcast v46, $0x0;
	[tilespmem:v36+s22+$0x0] =	vst.idx.msk $0xffff, v44;
	v33 =	vmul.f32 $8.000000000e+00, v33;
	v36 =	vadd.s32 v27, v37  }
0x18e: {  	v44 =	vmov s19;
	v37 =	vadd.s32 v28, v37;
	v48 =	vld [tilespmem:s18+$0xD0];
	[tilespmem:v38+s22+$0x0] =	vst.idx.msk $0xffff, v45;
	v38 =	vmul.f32 $8.000000000e+00, v39  }
0x18f: {  	v39 =	vshrl.u32 v44, $0x3;
	v44 =	vld [tilespmem:s18+$0xE0];
	v45 =	vadd.s32 v29, v46;
	[tilespmem:v40+s22+$0x0] =	vst.idx.msk $0xffff, v33;
	v33 =	vmul.f32 $8.000000000e+00, v41  }
0x190: {  	v39 =	vshll.u32 v39, v1;
	v41 =	vadd.s32 v30, v46;
	v40 =	vld [tilespmem:s18+$0xF0];
	[tilespmem:v42+s22+$0x0] =	vst.idx.msk $0xffff, v38;
	v34 =	vmul.f32 $8.000000000e+00, v34  }
0x191: {  	s14 =	sadd.s32 $0x1, s19;
	v39 =	vbroadcast v39, $0x0;
	v42 =	vadd.s32 v31, v46;
	v38 =	vld [tilespmem:s18+$0xFFFFFF00];
	[tilespmem:v43+s22+$0x0] =	vst.idx.msk $0xffff, v33;
	v33 =	vmul.f32 $8.000000000e+00, v35  }
0x192: {  	v46 =	vadd.s32 v32, v46;
	v43 =	vmov s14;
	v35 =	vld [tilespmem:s18+$0xFFFFFF10];
	v47 =	vmul.f32 $8.000000000e+00, v47;
	[tilespmem:v36+s22+$0x0] =	vst.idx.msk $0xffff, v34  }
0x193: {  	v36 =	vadd.s32 v0, v39;
	v43 =	vshrl.u32 v43, $0x3;
	v34 =	vld [tilespmem:s18+$0xFFFFFF20];
	v48 =	vmul.f32 $8.000000000e+00, v48;
	[tilespmem:v37+s22+$0x0] =	vst.idx.msk $0xffff, v33  }
0x194: {  	v37 =	vadd.s32 v2, v39;
	v43 =	vshll.u32 v43, v1;
	v33 =	vld [tilespmem:s18+$0xFFFFFF30];
	[tilespmem:v45+s22+$0x0] =	vst.idx.msk $0xffff, v47;
	v44 =	vmul.f32 $8.000000000e+00, v44  }
0x195: {  	s14 =	sadd.s32 $0x2, s19;
	v45 =	vadd.s32 v3, v39;
	v43 =	vbroadcast v43, $0x0;
	v47 =	vld [tilespmem:s18+$0xFFFFFF40];
	[tilespmem:v41+s22+$0x0] =	vst.idx.msk $0xffff, v48;
	v40 =	vmul.f32 $8.000000000e+00, v40  }
0x196: {  	v39 =	vadd.s32 v4, v39;
	v48 =	vmov s14;
	v38 =	vmul.f32 $8.000000000e+00, v38;
	v41 =	vld [tilespmem:s18+$0xFFFFFF50];
	[tilespmem:v42+s22+$0x0] =	vst.idx.msk $0xffff, v44  }
0x197: {  	v44 =	vadd.s32 v5, v43;
	v48 =	vshrl.u32 v48, $0x3;
	v35 =	vmul.f32 $8.000000000e+00, v35;
	v42 =	vld [tilespmem:s18+$0xFFFFFF60];
	[tilespmem:v46+s22+$0x0] =	vst.idx.msk $0xffff, v40  }
0x198: {  	v40 =	vshll.u32 v48, v1;
	[tilespmem:v36+s22+$0x0] =	vst.idx.msk $0xffff, v38;
	v34 =	vmul.f32 $8.000000000e+00, v34;
	v36 =	vld [tilespmem:s18+$0xFFFFFF70];
	v38 =	vadd.s32 v6, v43  }
0x199: {  	s14 =	sadd.s32 $0x3, s19;
	v40 =	vbroadcast v40, $0x0;
	[tilespmem:v37+s22+$0x0] =	vst.idx.msk $0xffff, v35;
	v33 =	vmul.f32 $8.000000000e+00, v33;
	v35 =	vadd.s32 v7, v43;
	v37 =	vld [tilespmem:s18+$0xFFFFFF80]  }
0x19a: {  	v46 =	vmov s14;
	v43 =	vadd.s32 v8, v43;
	[tilespmem:v45+s22+$0x0] =	vst.idx.msk $0xffff, v34;
	v34 =	vmul.f32 $8.000000000e+00, v47;
	v45 =	vld [tilespmem:s18+$0xFFFFFF90]  }
0x19b: {  	v46 =	vshrl.u32 v46, $0x3;
	[tilespmem:v39+s22+$0x0] =	vst.idx.msk $0xffff, v33;
	v33 =	vmul.f32 $8.000000000e+00, v41;
	v39 =	vld [tilespmem:s18+$0xFFFFFFA0];
	v41 =	vadd.s32 v9, v40  }
0x19c: {  	v46 =	vshll.u32 v46, v1;
	[tilespmem:v44+s22+$0x0] =	vst.idx.msk $0xffff, v34;
	v34 =	vmul.f32 $8.000000000e+00, v42;
	v42 =	vld [tilespmem:s18+$0xFFFFFFB0];
	v44 =	vadd.s32 v10, v40  }
0x19d: {  	s14 =	sadd.s32 $0x4, s19;
	v46 =	vbroadcast v46, $0x0;
	[tilespmem:v38+s22+$0x0] =	vst.idx.msk $0xffff, v33;
	v33 =	vmul.f32 $8.000000000e+00, v36;
	v36 =	vadd.s32 v11, v40;
	v38 =	vld [tilespmem:s18+$0xFFFFFFC0]  }
0x19e: {  	[tilespmem:v35+s22+$0x0] =	vst.idx.msk $0xffff, v34;
	v34 =	vmul.f32 $8.000000000e+00, v37;
	v35 =	vadd.s32 v12, v40;
	v37 =	vld [tilespmem:s18+$0xFFFFFFD0];
	v40 =	vmov s14  }
0x19f: {  	[tilespmem:v43+s22+$0x0] =	vst.idx.msk $0xffff, v33;
	v33 =	vmul.f32 $8.000000000e+00, v45;
	v43 =	vld [tilespmem:s18+$0xFFFFFFE0];
	v45 =	vadd.s32 v13, v46;
	v40 =	vshrl.u32 v40, $0x3  }
0x1a0: {  	[tilespmem:v41+s22+$0x0] =	vst.idx.msk $0xffff, v34;
	v34 =	vmul.f32 $8.000000000e+00, v39;
	v39 =	vld [tilespmem:s18+$0xFFFFFFF0];
	v41 =	vadd.s32 v14, v46;
	v40 =	vshll.u32 v40, v1  }
0x1a1: {  	s14 =	sadd.s32 $0x5, s19;
	[tilespmem:v44+s22+$0x0] =	vst.idx.msk $0xffff, v33;
	v33 =	vmul.f32 $8.000000000e+00, v42;
	v42 =	vadd.s32 v15, v46;
	v44 =	vld [tilespmem:s18+$0x0];
	v40 =	vbroadcast v40, $0x0  }
0x1a2: {  	[tilespmem:v36+s22+$0x0] =	vst.idx.msk $0xffff, v34;
	v34 =	vmul.f32 $8.000000000e+00, v38;
	v36 =	vadd.s32 v16, v46;
	v38 =	vld [tilespmem:s18+$0x10];
	v46 =	vmov s14  }
0x1a3: {  	[tilespmem:v35+s22+$0x0] =	vst.idx.msk $0xffff, v33;
	v33 =	vmul.f32 $8.000000000e+00, v37;
	v35 =	vld [tilespmem:s18+$0x20];
	v37 =	vadd.s32 v17, v40;
	v46 =	vshrl.u32 v46, $0x3  }
0x1a4: {  	[tilespmem:v45+s22+$0x0] =	vst.idx.msk $0xffff, v34;
	v34 =	vmul.f32 $8.000000000e+00, v43;
	v43 =	vld [tilespmem:s18+$0x30];
	v45 =	vadd.s32 v18, v40;
	v46 =	vshll.u32 v46, v1  }
0x1a5: {  	s14 =	sadd.s32 $0x6, s19;
	s19 =	smov.u32 s6;
	[tilespmem:v41+s22+$0x0] =	vst.idx.msk $0xffff, v33;
	v33 =	vmul.f32 $8.000000000e+00, v39;
	v41 =	vadd.s32 v19, v40;
	v47 =	vld [tilespmem:s18+$0x40];
	v46 =	vbroadcast v46, $0x0  }
0x1a6: {  	v39 =	vmov s14;
	[tilespmem:v42+s22+$0x0] =	vst.idx.msk $0xffff, v34;
	v34 =	vmul.f32 $8.000000000e+00, v44;
	v42 =	vadd.s32 v20, v40;
	v44 =	vld [tilespmem:s18+$0x50]  }
0x1a7: {  	v39 =	vshrl.u32 v39, $0x3;
	[tilespmem:v36+s22+$0x0] =	vst.idx.msk $0xffff, v33;
	v38 =	vmul.f32 $8.000000000e+00, v38;
	v48 =	vld [tilespmem:s18+$0x60];
	v49 =	vadd.s32 v21, v46  }
.Ltmp6:
0x1a8: {  	v36 =	vadd.s32 v22, v46;
	[tilespmem:v37+s22+$0x0] =	vst.idx.msk $0xffff, v34;
	v34 =	vmul.f32 $8.000000000e+00, v35;
	v33 =	vld [tilespmem:s18+$0x70];
	v35 =	vshll.u32 v39, v1;
	(pc) =	sbr.rel @p0 .LBB2_11-.Ltmp6, $4  }
0x1a9: {  	s14 =	sadd.s32 $0x7, s6;
	[tilespmem:v45+s22+$0x0] =	vst.idx.msk $0xffff, v38;
	v43 =	vmul.f32 $8.000000000e+00, v43;
	v38 =	vadd.s32 v23, v46;
	v39 =	vld [tilespmem:s18+$0x80];
	v37 =	vbroadcast v35, $0x0  }
0x1aa: {  	v40 =	vadd.s32 v24, v46;
	v35 =	vmov s14;
	[tilespmem:v41+s22+$0x0] =	vst.idx.msk $0xffff, v34;
	v45 =	vmul.f32 $8.000000000e+00, v47;
	v41 =	vld [tilespmem:s18+$0x90]  }
0x1ab: {  	v35 =	vshrl.u32 v35, $0x3;
	[tilespmem:v42+s22+$0x0] =	vst.idx.msk $0xffff, v43;
	v44 =	vmul.f32 $8.000000000e+00, v44;
	v34 =	vld [tilespmem:s18+$0xA0];
	v42 =	vadd.s32 v25, v37  }
0x1ac: {  	s6 =	sadd.s32 $0x8, s6;
	v46 =	vshll.u32 v35, v1;
	v43 =	vadd.s32 v26, v37;
	[tilespmem:v49+s22+$0x0] =	vst.idx.msk $0xffff, v45;
	v45 =	vmul.f32 $8.000000000e+00, v48;
	v35 =	vld [tilespmem:s18+$0xB0];
	s18 =	sadd.s32 $0x200, s18  }
0x1ad: {  	_ =	sdelay $0x3  }
0x1ae: {  	v47 =	vld [tilespmem:s18+$0xC0];
	v46 =	vbroadcast v46, $0x0;
	[tilespmem:v36+s22+$0x0] =	vst.idx.msk $0xffff, v44;
	v33 =	vmul.f32 $8.000000000e+00, v33;
	v36 =	vadd.s32 v27, v37  }
0x1af: {  	v59 =	vmov s19;
	v48 =	vld [tilespmem:s18+$0xD0];
	v61 =	vadd.s32 v28, v37;
	[tilespmem:v38+s22+$0x0] =	vst.idx.msk $0xffff, v45;
	v60 =	vmul.f32 $8.000000000e+00, v39  }
0x1b0: {  	v44 =	vld [tilespmem:s18+$0xE0];
	v62 =	vshrl.u32 v59, $0x3;
	v63 =	vadd.s32 v29, v46;
	[tilespmem:v40+s22+$0x0] =	vst.idx.msk $0xffff, v33;
	v52 =	vmul.f32 $8.000000000e+00, v41  }
0x1b1: {  	v39 =	vshll.u32 v62, v1;
	v40 =	vld [tilespmem:s18+$0xF0];
	v53 =	vadd.s32 v30, v46;
	[tilespmem:v42+s22+$0x0] =	vst.idx.msk $0xffff, v60;
	v34 =	vmul.f32 $8.000000000e+00, v34  }
0x1b2: {  	v54 =	vld [tilespmem:s18+$0xFFFFFF00];
	s6 =	sadd.s32 $0x1, s19;
	v55 =	vadd.s32 v31, v46;
	v39 =	vbroadcast v39, $0x0;
	[tilespmem:v43+s22+$0x0] =	vst.idx.msk $0xffff, v52;
	v56 =	vmul.f32 $8.000000000e+00, v35  }
0x1b3: {  	v57 =	vld [tilespmem:s18+$0xFFFFFF10];
	v58 =	vmov s6;
	v46 =	vadd.s32 v32, v46;
	v47 =	vmul.f32 $8.000000000e+00, v47;
	[tilespmem:v36+s22+$0x0] =	vst.idx.msk $0xffff, v34  }
0x1b4: {  	v59 =	vld [tilespmem:s18+$0xFFFFFF20];
	v43 =	vshrl.u32 v58, $0x3;
	v60 =	vadd.s32 v0, v39;
	v48 =	vmul.f32 $8.000000000e+00, v48;
	[tilespmem:v61+s22+$0x0] =	vst.idx.msk $0xffff, v56  }
0x1b5: {  	v62 =	vadd.s32 v2, v39;
	v43 =	vshll.u32 v43, v1;
	v44 =	vmul.f32 $8.000000000e+00, v44;
	v61 =	vld [tilespmem:s18+$0xFFFFFF30];
	[tilespmem:v63+s22+$0x0] =	vst.idx.msk $0xffff, v47  }
0x1b6: {  	s15 =	sadd.s32 $0x2, s19;
	v52 =	vld [tilespmem:s18+$0xFFFFFF40];
	v43 =	vbroadcast v43, $0x0;
	v63 =	vadd.s32 v3, v39;
	v40 =	vmul.f32 $8.000000000e+00, v40;
	[tilespmem:v53+s22+$0x0] =	vst.idx.msk $0xffff, v48  }
0x1b7: {  	v38 =	vmul.f32 $8.000000000e+00, v54;
	v54 =	vmov s15;
	v39 =	vadd.s32 v4, v39;
	v53 =	vld [tilespmem:s18+$0xFFFFFF50];
	[tilespmem:v55+s22+$0x0] =	vst.idx.msk $0xffff, v44  }
0x1b8: {  	v35 =	vmul.f32 $8.000000000e+00, v57;
	v56 =	vadd.s32 v5, v43;
	v48 =	vshrl.u32 v54, $0x3;
	v55 =	vld [tilespmem:s18+$0xFFFFFF60];
	[tilespmem:v46+s22+$0x0] =	vst.idx.msk $0xffff, v40  }
0x1b9: {  	v57 =	vld [tilespmem:s18+$0xFFFFFF70];
	v34 =	vmul.f32 $8.000000000e+00, v59;
	v58 =	vadd.s32 v6, v43;
	v59 =	vshll.u32 v48, v1;
	[tilespmem:v60+s22+$0x0] =	vst.idx.msk $0xffff, v38  }
0x1ba: {  	s31 =	sadd.s32 $0x3, s19;
	v60 =	vadd.s32 v7, v43;
	v40 =	vbroadcast v59, $0x0;
	[tilespmem:v62+s22+$0x0] =	vst.idx.msk $0xffff, v35;
	v33 =	vmul.f32 $8.000000000e+00, v61;
	v61 =	vld [tilespmem:s18+$0xFFFFFF80]  }
0x1bb: {  	v48 =	vmov s31;
	v43 =	vadd.s32 v8, v43;
	v62 =	vmul.f32 $8.000000000e+00, v52;
	[tilespmem:v63+s22+$0x0] =	vst.idx.msk $0xffff, v34;
	v63 =	vld [tilespmem:s18+$0xFFFFFF90]  }
0x1bc: {  	v50 =	vld [tilespmem:s18+$0xFFFFFFA0];
	v46 =	vshrl.u32 v48, $0x3;
	v51 =	vadd.s32 v9, v40;
	[tilespmem:v39+s22+$0x0] =	vst.idx.msk $0xffff, v33;
	v49 =	vmul.f32 $8.000000000e+00, v53  }
0x1bd: {  	v46 =	vshll.u32 v46, v1;
	v54 =	vadd.s32 v10, v40;
	[tilespmem:v56+s22+$0x0] =	vst.idx.msk $0xffff, v62;
	v53 =	vld [tilespmem:s18+$0xFFFFFFB0];
	v52 =	vmul.f32 $8.000000000e+00, v55  }
0x1be: {  	s2 =	sadd.s32 $0x4, s19;
	v46 =	vbroadcast v46, $0x0;
	v56 =	vadd.s32 v11, v40;
	v55 =	vmul.f32 $8.000000000e+00, v57;
	v57 =	vld [tilespmem:s18+$0xFFFFFFC0];
	[tilespmem:v58+s22+$0x0] =	vst.idx.msk $0xffff, v49  }
0x1bf: {  	v59 =	vadd.s32 v12, v40;
	[tilespmem:v60+s22+$0x0] =	vst.idx.msk $0xffff, v52;
	v58 =	vmul.f32 $8.000000000e+00, v61;
	v60 =	vld [tilespmem:s18+$0xFFFFFFD0];
	v61 =	vmov s2  }
0x1c0: {  	v48 =	vadd.s32 v13, v46;
	[tilespmem:v43+s22+$0x0] =	vst.idx.msk $0xffff, v55;
	v62 =	vmul.f32 $8.000000000e+00, v63;
	v63 =	vld [tilespmem:s18+$0xFFFFFFE0];
	v40 =	vshrl.u32 v61, $0x3  }
0x1c1: {  	v49 =	vmul.f32 $8.000000000e+00, v50;
	v50 =	vld [tilespmem:s18+$0xFFFFFFF0];
	[tilespmem:v51+s22+$0x0] =	vst.idx.msk $0xffff, v58;
	v51 =	vadd.s32 v14, v46;
	v40 =	vshll.u32 v40, v1  }
0x1c2: {  	s14 =	sadd.s32 $0x5, s19;
	v52 =	vmul.f32 $8.000000000e+00, v53;
	v53 =	vadd.s32 v15, v46;
	[tilespmem:v54+s22+$0x0] =	vst.idx.msk $0xffff, v62;
	v54 =	vld [tilespmem:s18+$0x0];
	v40 =	vbroadcast v40, $0x0  }
0x1c3: {  	v58 =	vmov s14;
	v55 =	vmul.f32 $8.000000000e+00, v57;
	v57 =	vld [tilespmem:s18+$0x10];
	[tilespmem:v56+s22+$0x0] =	vst.idx.msk $0xffff, v49;
	v56 =	vadd.s32 v16, v46  }
0x1c4: {  	v46 =	vshrl.u32 v58, $0x3;
	[tilespmem:v59+s22+$0x0] =	vst.idx.msk $0xffff, v52;
	v59 =	vmul.f32 $8.000000000e+00, v60;
	v60 =	vld [tilespmem:s18+$0x20];
	v61 =	vadd.s32 v17, v40  }
0x1c5: {  	[tilespmem:v48+s22+$0x0] =	vst.idx.msk $0xffff, v55;
	v48 =	vadd.s32 v18, v40;
	v46 =	vshll.u32 v46, v1;
	v62 =	vmul.f32 $8.000000000e+00, v63;
	v63 =	vld [tilespmem:s18+$0x30]  }
0x1c6: {  	s15 =	sadd.s32 $0x6, s19;
	v49 =	vmul.f32 $8.000000000e+00, v50;
	v50 =	vadd.s32 v19, v40;
	v46 =	vbroadcast v46, $0x0;
	[tilespmem:v51+s22+$0x0] =	vst.idx.msk $0xffff, v59;
	v51 =	vld [tilespmem:s18+$0x40]  }
0x1c7: {  	v40 =	vadd.s32 v20, v40;
	[tilespmem:v53+s22+$0x0] =	vst.idx.msk $0xffff, v62;
	v52 =	vmul.f32 $8.000000000e+00, v54;
	v53 =	vld [tilespmem:s18+$0x50];
	v54 =	vmov s15  }
0x1c8: {  	v55 =	vmul.f32 $8.000000000e+00, v57;
	v57 =	vadd.s32 v21, v46;
	[tilespmem:v56+s22+$0x0] =	vst.idx.msk $0xffff, v49;
	v56 =	vld [tilespmem:s18+$0x60];
	v44 =	vshrl.u32 v54, $0x3  }
0x1c9: {  	v59 =	vld [tilespmem:s18+$0x70];
	[tilespmem:v61+s22+$0x0] =	vst.idx.msk $0xffff, v52;
	v58 =	vmul.f32 $8.000000000e+00, v60;
	v60 =	vadd.s32 v22, v46;
	v44 =	vshll.u32 v44, v1  }
0x1ca: {  	v62 =	vadd.s32 v23, v46;
	[tilespmem:v48+s22+$0x0] =	vst.idx.msk $0xffff, v55;
	v61 =	vmul.f32 $8.000000000e+00, v63;
	v63 =	vld [tilespmem:s18+$0x80];
	v44 =	vbroadcast v44, $0x0  }
0x1cb: {  	v49 =	vadd.s32 v24, v46;
	[tilespmem:v50+s22+$0x0] =	vst.idx.msk $0xffff, v58;
	v48 =	vmul.f32 $8.000000000e+00, v51;
	v50 =	vld [tilespmem:s18+$0x90]  }
0x1cc: {  	v52 =	vld [tilespmem:s18+$0xA0];
	[tilespmem:v40+s22+$0x0] =	vst.idx.msk $0xffff, v61;
	v51 =	vmul.f32 $8.000000000e+00, v53;
	v53 =	vadd.s32 v25, v44  }
0x1cd: {  	v55 =	vld [tilespmem:s18+$0xB0];
	[tilespmem:v57+s22+$0x0] =	vst.idx.msk $0xffff, v48;
	v54 =	vmul.f32 $8.000000000e+00, v56;
	v56 =	vadd.s32 v26, v44  }
0x1ce: {  	v58 =	vadd.s32 v27, v44;
	v57 =	vmul.f32 $8.000000000e+00, v59;
	[tilespmem:v60+s22+$0x0] =	vst.idx.msk $0xffff, v51  }
0x1cf: {  	v60 =	vadd.s32 v28, v44;
	[tilespmem:v62+s22+$0x0] =	vst.idx.msk $0xffff, v54;
	v59 =	vmul.f32 $8.000000000e+00, v63  }
0x1d0: {  	[tilespmem:v49+s22+$0x0] =	vst.idx.msk $0xffff, v57;
	v61 =	vmul.f32 $8.000000000e+00, v50  }
0x1d1: {  	v62 =	vmul.f32 $8.000000000e+00, v52;
	[tilespmem:v53+s22+$0x0] =	vst.idx.msk $0xffff, v59  }
0x1d2: {  	v63 =	vmul.f32 $8.000000000e+00, v55;
	[tilespmem:v56+s22+$0x0] =	vst.idx.msk $0xffff, v61  }
0x1d3: {  	[tilespmem:v58+s22+$0x0] =	vst.idx.msk $0xffff, v62  }
0x1d4: {  	s14 =	sadd.s32 s0, s8;
	s18 =	simm.s32 $0x16400;
	[tilespmem:v60+s22+$0x0] =	vst.idx.msk $0xffff, v63  }
0x1d5: {  	[hbm4b:s14+s3] =	stream.linear.scatter [tilespmem:s18], [sflag:$0x5], $0x80, $0x38;
	[tilespmem:$0x1A800] =	vst v63  }
0x1d6: {  	s19 =	simm.s32 $0x16488;
	s15 =	sadd.s32 $0x10, s14  }
0x1d7: {  	[hbm4b:s15+s3] =	stream.linear.scatter [tilespmem:s19], [sflag:$0x5], $0x80, $0x38;
	[tilespmem:$0x1A800] =	vst v63  }
0x1d8: {  	s31 =	simm.s32 $0x16510;
	s2 =	sadd.s32 $0x20, s14  }
0x1d9: {  	[hbm4b:s2+s3] =	stream.linear.scatter [tilespmem:s31], [sflag:$0x5], $0x80, $0x38;
	[tilespmem:$0x1A800] =	vst v63  }
0x1da: {  	s18 =	simm.s32 $0x16598;
	s19 =	sadd.s32 $0x30, s14  }
0x1db: {  	[hbm4b:s19+s3] =	stream.linear.scatter [tilespmem:s18], [sflag:$0x5], $0x80, $0x38;
	[tilespmem:$0x1A800] =	vst v63  }
0x1dc: {  	s31 =	simm.s32 $0x16620;
	s2 =	sadd.s32 $0x40, s14  }
0x1dd: {  	[hbm4b:s2+s3] =	stream.linear.scatter [tilespmem:s31], [sflag:$0x5], $0x80, $0x38;
	[tilespmem:$0x1A800] =	vst v63  }
0x1de: {  	s6 =	simm.s32 $0x440;
	s15 =	simm.s32 $0x166A8;
	s18 =	sadd.s32 $0x50, s14  }
0x1df: {  	[hbm4b:s18+s3] =	stream.linear.scatter [tilespmem:s15], [sflag:$0x5], $0x80, $0x38;
	[tilespmem:$0x1A800] =	vst v63  }
0x1e0: {  	s19 =	simm.s32 $0x16730;
	s31 =	sadd.s32 $0x60, s14;
	s18 =	simm.s32 $0x2200  }
0x1e1: {  	[hbm4b:s31+s3] =	stream.linear.scatter [tilespmem:s19], [sflag:$0x5], $0x80, $0x38;
	[tilespmem:$0x1A800] =	vst v63  }
0x1e2: {  	s15 =	sadd.s32 $0x70, s14;
	s14 =	sadd.s32 $0x1000, s14;
	s19 =	simm.s32 $0x167B8  }
.LBB2_13:
0x1e3: {  	[hbm4b:s15+s3] =	stream.linear.scatter [tilespmem:s19], [sflag:$0x5], $0x80, $0x38;
	[tilespmem:$0x1A800] =	vst v63  }
0x1e4: {  	s15 =	smov.u32 s6;
	s6 =	smov.u32 s18  }
0x1e5: {  	s31 =	sadd.s32 $0x1100, s18;
	s6 =	sshra.s32 s6, $0x2;
	s19 =	sadd.s32 $0x16400, s15  }
0x1e6: {  	[hbm4b:s14+s3] =	stream.linear.scatter [tilespmem:s19], [sflag:$0x5], $0x80, $0x38;
	[tilespmem:$0x1A800] =	vst v63  }
0x1e7: {  	p0 =	sne.s32 s18, $0x7700;
	s18 =	sadd.s32 $0x16488, s15;
	s19 =	sadd.s32 $0x10, s14  }
0x1e8: {  	[hbm4b:s19+s3] =	stream.linear.scatter [tilespmem:s18], [sflag:$0x5], $0x80, $0x38;
	[tilespmem:$0x1A800] =	vst v63  }
0x1e9: {  	s18 =	sadd.s32 $0x16510, s15;
	s19 =	sadd.s32 $0x20, s14  }
0x1ea: {  	[hbm4b:s19+s3] =	stream.linear.scatter [tilespmem:s18], [sflag:$0x5], $0x80, $0x38;
	[tilespmem:$0x1A800] =	vst v63  }
0x1eb: {  	s18 =	sadd.s32 $0x16598, s15;
	s19 =	sadd.s32 $0x30, s14  }
0x1ec: {  	[hbm4b:s19+s3] =	stream.linear.scatter [tilespmem:s18], [sflag:$0x5], $0x80, $0x38;
	[tilespmem:$0x1A800] =	vst v63  }
0x1ed: {  	s18 =	sadd.s32 $0x16620, s15;
	s19 =	sadd.s32 $0x40, s14  }
0x1ee: {  	[hbm4b:s19+s3] =	stream.linear.scatter [tilespmem:s18], [sflag:$0x5], $0x80, $0x38;
	[tilespmem:$0x1A800] =	vst v63  }
0x1ef: {  	s18 =	sadd.s32 $0x166A8, s15;
	s19 =	sadd.s32 $0x50, s14  }
0x1f0: {  	[hbm4b:s19+s3] =	stream.linear.scatter [tilespmem:s18], [sflag:$0x5], $0x80, $0x38;
	[tilespmem:$0x1A800] =	vst v63  }
.Ltmp7:
0x1f1: {  	_ = 	snop;
	(pc) =	sbr.rel @p0 .LBB2_13-.Ltmp7, $4  }
0x1f2: {  	s18 =	sadd.s32 $0x16730, s15;
	s19 =	sadd.s32 $0x60, s14  }
0x1f3: {  	[hbm4b:s19+s3] =	stream.linear.scatter [tilespmem:s18], [sflag:$0x5], $0x80, $0x38;
	[tilespmem:$0x1A800] =	vst v63  }
0x1f4: {  	s19 =	sadd.s32 $0x167B8, s15  }
0x1f5: {  	s15 =	sadd.s32 $0x70, s14;
	s14 =	sadd.s32 $0x1000, s14;
	s18 =	smov.u32 s31  }
0x1f6: {  	[hbm4b:s15+s3] =	stream.linear.scatter [tilespmem:s19], [sflag:$0x5], $0x80, $0x38;
	[tilespmem:$0x1A800] =	vst v63  }
0x1f7: {  	s31 =	sadd.s32 $0x16400, s6  }
0x1f8: {  	[hbm4b:s14+s3] =	stream.linear.scatter [tilespmem:s31], [sflag:$0x5], $0x80, $0x38;
	[tilespmem:$0x1A800] =	vst v63  }
0x1f9: {  	s2 =	sadd.s32 $0x16488, s6;
	s18 =	sadd.s32 $0x10, s14  }
0x1fa: {  	[hbm4b:s18+s3] =	stream.linear.scatter [tilespmem:s2], [sflag:$0x5], $0x80, $0x38;
	[tilespmem:$0x1A800] =	vst v63  }
0x1fb: {  	s19 =	sadd.s32 $0x20, s14;
	s18 =	sadd.s32 $0x16510, s6  }
0x1fc: {  	[hbm4b:s19+s3] =	stream.linear.scatter [tilespmem:s18], [sflag:$0x5], $0x80, $0x38;
	[tilespmem:$0x1A800] =	vst v63  }
0x1fd: {  	s31 =	sadd.s32 $0x16598, s6;
	s2 =	sadd.s32 $0x30, s14  }
0x1fe: {  	[hbm4b:s2+s3] =	stream.linear.scatter [tilespmem:s31], [sflag:$0x5], $0x80, $0x38;
	[tilespmem:$0x1A800] =	vst v63  }
0x1ff: {  	s18 =	sadd.s32 $0x16620, s6;
	s19 =	sadd.s32 $0x40, s14  }
0x200: {  	[hbm4b:s19+s3] =	stream.linear.scatter [tilespmem:s18], [sflag:$0x5], $0x80, $0x38;
	[tilespmem:$0x1A800] =	vst v63  }
0x201: {  	s31 =	sadd.s32 $0x166A8, s6;
	s2 =	sadd.s32 $0x50, s14  }
0x202: {  	[hbm4b:s2+s3] =	stream.linear.scatter [tilespmem:s31], [sflag:$0x5], $0x80, $0x38;
	[tilespmem:$0x1A800] =	vst v63  }
0x203: {  	s18 =	sadd.s32 $0x16730, s6;
	s19 =	sadd.s32 $0x60, s14  }
0x204: {  	[hbm4b:s19+s3] =	stream.linear.scatter [tilespmem:s18], [sflag:$0x5], $0x80, $0x38;
	[tilespmem:$0x1A800] =	vst v63  }
0x205: {  	s15 =	simm.s32 $0x7;
	s31 =	sadd.s32 $0x167B8, s6;
	s2 =	sadd.s32 $0x70, s14  }
0x206: {  	[hbm4b:s2+s3] =	stream.linear.scatter [tilespmem:s31], [sflag:$0x5], $0x80, $0x38;
	[tilespmem:$0x1A800] =	vst v63  }
0x207: {  	v33 =	vmov s15;
	s18 =	simm.s32 $0x0;
	_ =	swait.ge [sflag:s28], $0x2000  }
0x208: {  	v33 =	vshrl.u32 v33, $0x3;
	v35 =	vmov s18;
	[sflag:s28] =	ssyncset.done $0x0  }
0x209: {  	v33 =	vshll.u32 v33, v1;
	s14 =	simm.s32 $0xC5F0;
	v35 =	vshrl.u32 v35, $0x3;
	[sflag:s28] =	ssyncadd.s32 $0xFFFFE000  }
0x20a: {  	v33 =	vbroadcast v33, $0x0;
	v35 =	vshll.u32 v35, v1;
	v34 =	vld [tilespmem:s14+$0xFFFFFFD0]  }
0x20b: {  	v35 =	vbroadcast v35, $0x0;
	v41 =	vld [tilespmem:s14+$0xFFFFFE10]  }
0x20c: {  	v38 =	vadd.s32 v29, v33;
	v36 =	vld [tilespmem:s14+$0xFFFFFFE0]  }
0x20d: {  	v43 =	vld [tilespmem:s14+$0xFFFFFE20];
	v46 =	vadd.s32 v0, v35  }
0x20e: {  	v40 =	vadd.s32 v30, v33;
	s19 =	simm.s32 $0x1;
	v37 =	vld [tilespmem:s14+$0xFFFFFFF0]  }
0x20f: {  	v44 =	vmov s19;
	v45 =	vld [tilespmem:s14+$0xFFFFFE30];
	v48 =	vadd.s32 v2, v35;
	v34 =	vmul.f32 $8.000000000e+00, v34  }
0x210: {  	v42 =	vadd.s32 v31, v33;
	v44 =	vshrl.u32 v44, $0x3;
	v39 =	vld [tilespmem:s14+$0x0];
	v50 =	vmul.f32 $8.000000000e+00, v41  }
0x211: {  	v44 =	vshll.u32 v44, v1;
	v47 =	vld [tilespmem:s14+$0xFFFFFE40];
	v62 =	vadd.s32 v3, v35;
	v36 =	vmul.f32 $8.000000000e+00, v36;
	[tilespmem:v38+s23+$0x0] =	vst.idx.msk $0xffff, v34  }
0x212: {  	v33 =	vadd.s32 v32, v33;
	s31 =	simm.s32 $0x2;
	v44 =	vbroadcast v44, $0x0;
	v63 =	vld [tilespmem:s14+$0xFFFFFE50];
	v53 =	vmul.f32 $8.000000000e+00, v43;
	[tilespmem:v46+s23+$0x0] =	vst.idx.msk $0xffff, v50  }
0x213: {  	v52 =	vmov s31;
	v35 =	vadd.s32 v4, v35;
	v51 =	vld [tilespmem:s14+$0xFFFFFE60];
	v61 =	vmul.f32 $8.000000000e+00, v37;
	[tilespmem:v40+s23+$0x0] =	vst.idx.msk $0xffff, v36  }
0x214: {  	v54 =	vld [tilespmem:s14+$0xFFFFFE70];
	v55 =	vadd.s32 v5, v44;
	v41 =	vshrl.u32 v52, $0x3;
	v56 =	vmul.f32 $8.000000000e+00, v45;
	[tilespmem:v48+s23+$0x0] =	vst.idx.msk $0xffff, v53  }
0x215: {  	v57 =	vld [tilespmem:s14+$0xFFFFFE80];
	v58 =	vadd.s32 v6, v44;
	v49 =	vmul.f32 $8.000000000e+00, v39;
	v41 =	vshll.u32 v41, v1;
	[tilespmem:v42+s23+$0x0] =	vst.idx.msk $0xffff, v61  }
0x216: {  	s2 =	simm.s32 $0x3;
	v60 =	vadd.s32 v7, v44;
	v59 =	vmul.f32 $8.000000000e+00, v47;
	v41 =	vbroadcast v41, $0x0;
	v61 =	vld [tilespmem:s14+$0xFFFFFE90];
	[tilespmem:v62+s23+$0x0] =	vst.idx.msk $0xffff, v56  }
0x217: {  	v48 =	vld [tilespmem:s14+$0xFFFFFEA0];
	v62 =	vmul.f32 $8.000000000e+00, v63;
	v63 =	vadd.s32 v8, v44;
	[tilespmem:v33+s23+$0x0] =	vst.idx.msk $0xffff, v49;
	v49 =	vmov s2  }
0x218: {  	v50 =	vmul.f32 $8.000000000e+00, v51;
	v51 =	vld [tilespmem:s14+$0xFFFFFEB0];
	v52 =	vadd.s32 v9, v41;
	[tilespmem:v35+s23+$0x0] =	vst.idx.msk $0xffff, v59;
	v44 =	vshrl.u32 v49, $0x3  }
0x219: {  	v53 =	vmul.f32 $8.000000000e+00, v54;
	v54 =	vld [tilespmem:s14+$0xFFFFFEC0];
	[tilespmem:v55+s23+$0x0] =	vst.idx.msk $0xffff, v62;
	v55 =	vadd.s32 v10, v41;
	v44 =	vshll.u32 v44, v1  }
0x21a: {  	s15 =	simm.s32 $0x4;
	v56 =	vmul.f32 $8.000000000e+00, v57;
	v57 =	vadd.s32 v11, v41;
	[tilespmem:v58+s23+$0x0] =	vst.idx.msk $0xffff, v50;
	v58 =	vld [tilespmem:s14+$0xFFFFFED0];
	v44 =	vbroadcast v44, $0x0  }
0x21b: {  	v41 =	vadd.s32 v12, v41;
	[tilespmem:v60+s23+$0x0] =	vst.idx.msk $0xffff, v53;
	v60 =	vld [tilespmem:s14+$0xFFFFFEE0];
	v59 =	vmul.f32 $8.000000000e+00, v61;
	v61 =	vmov s15  }
0x21c: {  	v62 =	vmul.f32 $8.000000000e+00, v48;
	[tilespmem:v63+s23+$0x0] =	vst.idx.msk $0xffff, v56;
	v63 =	vld [tilespmem:s14+$0xFFFFFEF0];
	v48 =	vadd.s32 v13, v44;
	v46 =	vshrl.u32 v61, $0x3  }
0x21d: {  	v49 =	vmul.f32 $8.000000000e+00, v51;
	v50 =	vld [tilespmem:s14+$0xFFFFFF00];
	v51 =	vadd.s32 v14, v44;
	[tilespmem:v52+s23+$0x0] =	vst.idx.msk $0xffff, v59;
	v46 =	vshll.u32 v46, v1  }
0x21e: {  	s18 =	simm.s32 $0x5;
	v53 =	vadd.s32 v15, v44;
	v52 =	vmul.f32 $8.000000000e+00, v54;
	v54 =	vld [tilespmem:s14+$0xFFFFFF10];
	[tilespmem:v55+s23+$0x0] =	vst.idx.msk $0xffff, v62;
	v46 =	vbroadcast v46, $0x0  }
0x21f: {  	v56 =	vadd.s32 v16, v44;
	v55 =	vmul.f32 $8.000000000e+00, v58;
	v58 =	vmov s18;
	[tilespmem:v57+s23+$0x0] =	vst.idx.msk $0xffff, v49;
	v57 =	vld [tilespmem:s14+$0xFFFFFF20]  }
0x220: {  	v59 =	vmul.f32 $8.000000000e+00, v60;
	v44 =	vshrl.u32 v58, $0x3;
	[tilespmem:v41+s23+$0x0] =	vst.idx.msk $0xffff, v52;
	v41 =	vld [tilespmem:s14+$0xFFFFFF30];
	v45 =	vadd.s32 v17, v46  }
0x221: {  	v37 =	vld [tilespmem:s14+$0xFFFFFF40];
	v60 =	vmul.f32 $8.000000000e+00, v63;
	v61 =	vadd.s32 v18, v46;
	v44 =	vshll.u32 v44, v1;
	[tilespmem:v48+s23+$0x0] =	vst.idx.msk $0xffff, v55  }
0x222: {  	s19 =	simm.s32 $0x6;
	v62 =	vmul.f32 $8.000000000e+00, v50;
	v35 =	vadd.s32 v19, v46;
	v63 =	vld [tilespmem:s14+$0xFFFFFF50];
	v44 =	vbroadcast v44, $0x0;
	[tilespmem:v51+s23+$0x0] =	vst.idx.msk $0xffff, v59  }
0x223: {  	v55 =	vmov s19;
	v52 =	vmul.f32 $8.000000000e+00, v54;
	v54 =	vld [tilespmem:s14+$0xFFFFFF60];
	[tilespmem:v53+s23+$0x0] =	vst.idx.msk $0xffff, v60;
	v53 =	vadd.s32 v20, v46  }
0x224: {  	v59 =	vshrl.u32 v55, $0x3;
	v58 =	vadd.s32 v21, v44;
	[tilespmem:v56+s23+$0x0] =	vst.idx.msk $0xffff, v62;
	v56 =	vmul.f32 $8.000000000e+00, v57;
	v57 =	vld [tilespmem:s14+$0xFFFFFF70]  }
0x225: {  	v33 =	vld [tilespmem:s14+$0xFFFFFF80];
	v36 =	vadd.s32 v22, v44;
	v60 =	vshll.u32 v59, v1;
	[tilespmem:v45+s23+$0x0] =	vst.idx.msk $0xffff, v52;
	v41 =	vmul.f32 $8.000000000e+00, v41  }
0x226: {  	s31 =	simm.s32 $0xF;
	v39 =	vld [tilespmem:s14+$0xFFFFFF90];
	v38 =	vadd.s32 v23, v44;
	[tilespmem:v61+s23+$0x0] =	vst.idx.msk $0xffff, v56;
	v61 =	vmul.f32 $8.000000000e+00, v37;
	v37 =	vbroadcast v60, $0x0  }
0x227: {  	v40 =	vadd.s32 v24, v44;
	v62 =	vmov s31;
	v63 =	vmul.f32 $8.000000000e+00, v63;
	[tilespmem:v35+s23+$0x0] =	vst.idx.msk $0xffff, v41;
	v41 =	vld [tilespmem:s14+$0xFFFFFFA0]  }
0x228: {  	v34 =	vld [tilespmem:s14+$0xFFFFFFB0];
	v45 =	vshrl.u32 v62, $0x3;
	v44 =	vmul.f32 $8.000000000e+00, v54;
	[tilespmem:v53+s23+$0x0] =	vst.idx.msk $0xffff, v61;
	v42 =	vadd.s32 v25, v37  }
0x229: {  	s6 =	simm.s32 $0x10;
	s18 =	simm.s32 $0xC7F0;
	s19 =	simm.s32 $0x8;
	v46 =	vshll.u32 v45, v1;
	v35 =	vld [tilespmem:s14+$0xFFFFFFC0];
	[tilespmem:v58+s23+$0x0] =	vst.idx.msk $0xffff, v63;
	v43 =	vadd.s32 v26, v37;
	v45 =	vmul.f32 $8.000000000e+00, v57  }
.LBB2_15:
0x22a: {  	p0 =	slt.u32 s6, $0x78;
	v47 =	vld [tilespmem:s18+$0xFFFFFFD0];
	v46 =	vbroadcast v46, $0x0;
	[tilespmem:v36+s23+$0x0] =	vst.idx.msk $0xffff, v44;
	v33 =	vmul.f32 $8.000000000e+00, v33;
	v36 =	vadd.s32 v27, v37  }
0x22b: {  	v44 =	vmov s19;
	v37 =	vadd.s32 v28, v37;
	v48 =	vld [tilespmem:s18+$0xFFFFFFE0];
	[tilespmem:v38+s23+$0x0] =	vst.idx.msk $0xffff, v45;
	v38 =	vmul.f32 $8.000000000e+00, v39  }
0x22c: {  	v39 =	vshrl.u32 v44, $0x3;
	v44 =	vld [tilespmem:s18+$0xFFFFFFF0];
	v45 =	vadd.s32 v29, v46;
	[tilespmem:v40+s23+$0x0] =	vst.idx.msk $0xffff, v33;
	v33 =	vmul.f32 $8.000000000e+00, v41  }
0x22d: {  	v39 =	vshll.u32 v39, v1;
	v41 =	vadd.s32 v30, v46;
	v40 =	vld [tilespmem:s18+$0x0];
	[tilespmem:v42+s23+$0x0] =	vst.idx.msk $0xffff, v38;
	v34 =	vmul.f32 $8.000000000e+00, v34  }
0x22e: {  	s14 =	sadd.s32 $0x1, s19;
	v39 =	vbroadcast v39, $0x0;
	v42 =	vadd.s32 v31, v46;
	v38 =	vld [tilespmem:s18+$0xFFFFFE10];
	[tilespmem:v43+s23+$0x0] =	vst.idx.msk $0xffff, v33;
	v33 =	vmul.f32 $8.000000000e+00, v35  }
0x22f: {  	v46 =	vadd.s32 v32, v46;
	v43 =	vmov s14;
	v35 =	vld [tilespmem:s18+$0xFFFFFE20];
	v47 =	vmul.f32 $8.000000000e+00, v47;
	[tilespmem:v36+s23+$0x0] =	vst.idx.msk $0xffff, v34  }
0x230: {  	v36 =	vadd.s32 v0, v39;
	v43 =	vshrl.u32 v43, $0x3;
	v34 =	vld [tilespmem:s18+$0xFFFFFE30];
	v48 =	vmul.f32 $8.000000000e+00, v48;
	[tilespmem:v37+s23+$0x0] =	vst.idx.msk $0xffff, v33  }
0x231: {  	v37 =	vadd.s32 v2, v39;
	v43 =	vshll.u32 v43, v1;
	v33 =	vld [tilespmem:s18+$0xFFFFFE40];
	[tilespmem:v45+s23+$0x0] =	vst.idx.msk $0xffff, v47;
	v44 =	vmul.f32 $8.000000000e+00, v44  }
0x232: {  	s14 =	sadd.s32 $0x2, s19;
	v45 =	vadd.s32 v3, v39;
	v43 =	vbroadcast v43, $0x0;
	v47 =	vld [tilespmem:s18+$0xFFFFFE50];
	[tilespmem:v41+s23+$0x0] =	vst.idx.msk $0xffff, v48;
	v40 =	vmul.f32 $8.000000000e+00, v40  }
0x233: {  	v39 =	vadd.s32 v4, v39;
	v48 =	vmov s14;
	v38 =	vmul.f32 $8.000000000e+00, v38;
	v41 =	vld [tilespmem:s18+$0xFFFFFE60];
	[tilespmem:v42+s23+$0x0] =	vst.idx.msk $0xffff, v44  }
0x234: {  	v44 =	vadd.s32 v5, v43;
	v48 =	vshrl.u32 v48, $0x3;
	v35 =	vmul.f32 $8.000000000e+00, v35;
	v42 =	vld [tilespmem:s18+$0xFFFFFE70];
	[tilespmem:v46+s23+$0x0] =	vst.idx.msk $0xffff, v40  }
0x235: {  	v40 =	vshll.u32 v48, v1;
	[tilespmem:v36+s23+$0x0] =	vst.idx.msk $0xffff, v38;
	v34 =	vmul.f32 $8.000000000e+00, v34;
	v36 =	vld [tilespmem:s18+$0xFFFFFE80];
	v38 =	vadd.s32 v6, v43  }
0x236: {  	s14 =	sadd.s32 $0x3, s19;
	v40 =	vbroadcast v40, $0x0;
	[tilespmem:v37+s23+$0x0] =	vst.idx.msk $0xffff, v35;
	v33 =	vmul.f32 $8.000000000e+00, v33;
	v35 =	vadd.s32 v7, v43;
	v37 =	vld [tilespmem:s18+$0xFFFFFE90]  }
0x237: {  	v46 =	vmov s14;
	v43 =	vadd.s32 v8, v43;
	[tilespmem:v45+s23+$0x0] =	vst.idx.msk $0xffff, v34;
	v34 =	vmul.f32 $8.000000000e+00, v47;
	v45 =	vld [tilespmem:s18+$0xFFFFFEA0]  }
0x238: {  	v46 =	vshrl.u32 v46, $0x3;
	[tilespmem:v39+s23+$0x0] =	vst.idx.msk $0xffff, v33;
	v33 =	vmul.f32 $8.000000000e+00, v41;
	v39 =	vld [tilespmem:s18+$0xFFFFFEB0];
	v41 =	vadd.s32 v9, v40  }
0x239: {  	v46 =	vshll.u32 v46, v1;
	[tilespmem:v44+s23+$0x0] =	vst.idx.msk $0xffff, v34;
	v34 =	vmul.f32 $8.000000000e+00, v42;
	v42 =	vld [tilespmem:s18+$0xFFFFFEC0];
	v44 =	vadd.s32 v10, v40  }
0x23a: {  	s14 =	sadd.s32 $0x4, s19;
	v46 =	vbroadcast v46, $0x0;
	[tilespmem:v38+s23+$0x0] =	vst.idx.msk $0xffff, v33;
	v33 =	vmul.f32 $8.000000000e+00, v36;
	v36 =	vadd.s32 v11, v40;
	v38 =	vld [tilespmem:s18+$0xFFFFFED0]  }
0x23b: {  	[tilespmem:v35+s23+$0x0] =	vst.idx.msk $0xffff, v34;
	v34 =	vmul.f32 $8.000000000e+00, v37;
	v35 =	vadd.s32 v12, v40;
	v37 =	vld [tilespmem:s18+$0xFFFFFEE0];
	v40 =	vmov s14  }
0x23c: {  	[tilespmem:v43+s23+$0x0] =	vst.idx.msk $0xffff, v33;
	v33 =	vmul.f32 $8.000000000e+00, v45;
	v43 =	vld [tilespmem:s18+$0xFFFFFEF0];
	v45 =	vadd.s32 v13, v46;
	v40 =	vshrl.u32 v40, $0x3  }
0x23d: {  	[tilespmem:v41+s23+$0x0] =	vst.idx.msk $0xffff, v34;
	v34 =	vmul.f32 $8.000000000e+00, v39;
	v39 =	vld [tilespmem:s18+$0xFFFFFF00];
	v41 =	vadd.s32 v14, v46;
	v40 =	vshll.u32 v40, v1  }
0x23e: {  	s14 =	sadd.s32 $0x5, s19;
	[tilespmem:v44+s23+$0x0] =	vst.idx.msk $0xffff, v33;
	v33 =	vmul.f32 $8.000000000e+00, v42;
	v42 =	vadd.s32 v15, v46;
	v44 =	vld [tilespmem:s18+$0xFFFFFF10];
	v40 =	vbroadcast v40, $0x0  }
0x23f: {  	[tilespmem:v36+s23+$0x0] =	vst.idx.msk $0xffff, v34;
	v34 =	vmul.f32 $8.000000000e+00, v38;
	v36 =	vadd.s32 v16, v46;
	v38 =	vld [tilespmem:s18+$0xFFFFFF20];
	v46 =	vmov s14  }
0x240: {  	[tilespmem:v35+s23+$0x0] =	vst.idx.msk $0xffff, v33;
	v33 =	vmul.f32 $8.000000000e+00, v37;
	v35 =	vld [tilespmem:s18+$0xFFFFFF30];
	v37 =	vadd.s32 v17, v40;
	v46 =	vshrl.u32 v46, $0x3  }
0x241: {  	[tilespmem:v45+s23+$0x0] =	vst.idx.msk $0xffff, v34;
	v34 =	vmul.f32 $8.000000000e+00, v43;
	v43 =	vld [tilespmem:s18+$0xFFFFFF40];
	v45 =	vadd.s32 v18, v40;
	v46 =	vshll.u32 v46, v1  }
0x242: {  	s14 =	sadd.s32 $0x6, s19;
	s19 =	smov.u32 s6;
	[tilespmem:v41+s23+$0x0] =	vst.idx.msk $0xffff, v33;
	v33 =	vmul.f32 $8.000000000e+00, v39;
	v41 =	vadd.s32 v19, v40;
	v47 =	vld [tilespmem:s18+$0xFFFFFF50];
	v46 =	vbroadcast v46, $0x0  }
0x243: {  	v39 =	vmov s14;
	[tilespmem:v42+s23+$0x0] =	vst.idx.msk $0xffff, v34;
	v34 =	vmul.f32 $8.000000000e+00, v44;
	v42 =	vadd.s32 v20, v40;
	v44 =	vld [tilespmem:s18+$0xFFFFFF60]  }
0x244: {  	v39 =	vshrl.u32 v39, $0x3;
	[tilespmem:v36+s23+$0x0] =	vst.idx.msk $0xffff, v33;
	v38 =	vmul.f32 $8.000000000e+00, v38;
	v48 =	vld [tilespmem:s18+$0xFFFFFF70];
	v49 =	vadd.s32 v21, v46  }
.Ltmp8:
0x245: {  	v36 =	vadd.s32 v22, v46;
	[tilespmem:v37+s23+$0x0] =	vst.idx.msk $0xffff, v34;
	v34 =	vmul.f32 $8.000000000e+00, v35;
	v33 =	vld [tilespmem:s18+$0xFFFFFF80];
	v35 =	vshll.u32 v39, v1;
	(pc) =	sbr.rel @p0 .LBB2_15-.Ltmp8, $4  }
0x246: {  	s14 =	sadd.s32 $0x7, s6;
	[tilespmem:v45+s23+$0x0] =	vst.idx.msk $0xffff, v38;
	v43 =	vmul.f32 $8.000000000e+00, v43;
	v38 =	vadd.s32 v23, v46;
	v39 =	vld [tilespmem:s18+$0xFFFFFF90];
	v37 =	vbroadcast v35, $0x0  }
0x247: {  	v40 =	vadd.s32 v24, v46;
	v35 =	vmov s14;
	[tilespmem:v41+s23+$0x0] =	vst.idx.msk $0xffff, v34;
	v45 =	vmul.f32 $8.000000000e+00, v47;
	v41 =	vld [tilespmem:s18+$0xFFFFFFA0]  }
0x248: {  	v35 =	vshrl.u32 v35, $0x3;
	[tilespmem:v42+s23+$0x0] =	vst.idx.msk $0xffff, v43;
	v44 =	vmul.f32 $8.000000000e+00, v44;
	v34 =	vld [tilespmem:s18+$0xFFFFFFB0];
	v42 =	vadd.s32 v25, v37  }
0x249: {  	s6 =	sadd.s32 $0x8, s6;
	v46 =	vshll.u32 v35, v1;
	v43 =	vadd.s32 v26, v37;
	[tilespmem:v49+s23+$0x0] =	vst.idx.msk $0xffff, v45;
	v45 =	vmul.f32 $8.000000000e+00, v48;
	v35 =	vld [tilespmem:s18+$0xFFFFFFC0];
	s18 =	sadd.s32 $0x200, s18  }
0x24a: {  	_ =	sdelay $0x3  }
0x24b: {  	v47 =	vld [tilespmem:s18+$0xFFFFFFD0];
	v46 =	vbroadcast v46, $0x0;
	[tilespmem:v36+s23+$0x0] =	vst.idx.msk $0xffff, v44;
	v33 =	vmul.f32 $8.000000000e+00, v33;
	v36 =	vadd.s32 v27, v37  }
0x24c: {  	v59 =	vmov s19;
	v48 =	vld [tilespmem:s18+$0xFFFFFFE0];
	v61 =	vadd.s32 v28, v37;
	[tilespmem:v38+s23+$0x0] =	vst.idx.msk $0xffff, v45;
	v60 =	vmul.f32 $8.000000000e+00, v39  }
0x24d: {  	v44 =	vld [tilespmem:s18+$0xFFFFFFF0];
	v62 =	vshrl.u32 v59, $0x3;
	v63 =	vadd.s32 v29, v46;
	[tilespmem:v40+s23+$0x0] =	vst.idx.msk $0xffff, v33;
	v52 =	vmul.f32 $8.000000000e+00, v41  }
0x24e: {  	v39 =	vshll.u32 v62, v1;
	v40 =	vld [tilespmem:s18+$0x0];
	v53 =	vadd.s32 v30, v46;
	[tilespmem:v42+s23+$0x0] =	vst.idx.msk $0xffff, v60;
	v34 =	vmul.f32 $8.000000000e+00, v34  }
0x24f: {  	v54 =	vld [tilespmem:s18+$0xFFFFFE10];
	s6 =	sadd.s32 $0x1, s19;
	v55 =	vadd.s32 v31, v46;
	v39 =	vbroadcast v39, $0x0;
	[tilespmem:v43+s23+$0x0] =	vst.idx.msk $0xffff, v52;
	v56 =	vmul.f32 $8.000000000e+00, v35  }
0x250: {  	v57 =	vld [tilespmem:s18+$0xFFFFFE20];
	v58 =	vmov s6;
	v46 =	vadd.s32 v32, v46;
	v47 =	vmul.f32 $8.000000000e+00, v47;
	[tilespmem:v36+s23+$0x0] =	vst.idx.msk $0xffff, v34  }
0x251: {  	v59 =	vld [tilespmem:s18+$0xFFFFFE30];
	v43 =	vshrl.u32 v58, $0x3;
	v60 =	vadd.s32 v0, v39;
	v48 =	vmul.f32 $8.000000000e+00, v48;
	[tilespmem:v61+s23+$0x0] =	vst.idx.msk $0xffff, v56  }
0x252: {  	v62 =	vadd.s32 v2, v39;
	v43 =	vshll.u32 v43, v1;
	v44 =	vmul.f32 $8.000000000e+00, v44;
	v61 =	vld [tilespmem:s18+$0xFFFFFE40];
	[tilespmem:v63+s23+$0x0] =	vst.idx.msk $0xffff, v47  }
0x253: {  	s15 =	sadd.s32 $0x2, s19;
	v52 =	vld [tilespmem:s18+$0xFFFFFE50];
	v43 =	vbroadcast v43, $0x0;
	v63 =	vadd.s32 v3, v39;
	v40 =	vmul.f32 $8.000000000e+00, v40;
	[tilespmem:v53+s23+$0x0] =	vst.idx.msk $0xffff, v48  }
0x254: {  	v38 =	vmul.f32 $8.000000000e+00, v54;
	v54 =	vmov s15;
	v39 =	vadd.s32 v4, v39;
	v53 =	vld [tilespmem:s18+$0xFFFFFE60];
	[tilespmem:v55+s23+$0x0] =	vst.idx.msk $0xffff, v44  }
0x255: {  	v35 =	vmul.f32 $8.000000000e+00, v57;
	v56 =	vadd.s32 v5, v43;
	v48 =	vshrl.u32 v54, $0x3;
	v55 =	vld [tilespmem:s18+$0xFFFFFE70];
	[tilespmem:v46+s23+$0x0] =	vst.idx.msk $0xffff, v40  }
0x256: {  	v57 =	vld [tilespmem:s18+$0xFFFFFE80];
	v34 =	vmul.f32 $8.000000000e+00, v59;
	v58 =	vadd.s32 v6, v43;
	v59 =	vshll.u32 v48, v1;
	[tilespmem:v60+s23+$0x0] =	vst.idx.msk $0xffff, v38  }
0x257: {  	s31 =	sadd.s32 $0x3, s19;
	v60 =	vadd.s32 v7, v43;
	v40 =	vbroadcast v59, $0x0;
	[tilespmem:v62+s23+$0x0] =	vst.idx.msk $0xffff, v35;
	v33 =	vmul.f32 $8.000000000e+00, v61;
	v61 =	vld [tilespmem:s18+$0xFFFFFE90]  }
0x258: {  	v48 =	vmov s31;
	v43 =	vadd.s32 v8, v43;
	v62 =	vmul.f32 $8.000000000e+00, v52;
	[tilespmem:v63+s23+$0x0] =	vst.idx.msk $0xffff, v34;
	v63 =	vld [tilespmem:s18+$0xFFFFFEA0]  }
0x259: {  	v50 =	vld [tilespmem:s18+$0xFFFFFEB0];
	v46 =	vshrl.u32 v48, $0x3;
	v51 =	vadd.s32 v9, v40;
	[tilespmem:v39+s23+$0x0] =	vst.idx.msk $0xffff, v33;
	v49 =	vmul.f32 $8.000000000e+00, v53  }
0x25a: {  	v46 =	vshll.u32 v46, v1;
	v54 =	vadd.s32 v10, v40;
	[tilespmem:v56+s23+$0x0] =	vst.idx.msk $0xffff, v62;
	v53 =	vld [tilespmem:s18+$0xFFFFFEC0];
	v52 =	vmul.f32 $8.000000000e+00, v55  }
0x25b: {  	s2 =	sadd.s32 $0x4, s19;
	v46 =	vbroadcast v46, $0x0;
	v56 =	vadd.s32 v11, v40;
	v55 =	vmul.f32 $8.000000000e+00, v57;
	v57 =	vld [tilespmem:s18+$0xFFFFFED0];
	[tilespmem:v58+s23+$0x0] =	vst.idx.msk $0xffff, v49  }
0x25c: {  	v59 =	vadd.s32 v12, v40;
	[tilespmem:v60+s23+$0x0] =	vst.idx.msk $0xffff, v52;
	v58 =	vmul.f32 $8.000000000e+00, v61;
	v60 =	vld [tilespmem:s18+$0xFFFFFEE0];
	v61 =	vmov s2  }
0x25d: {  	v48 =	vadd.s32 v13, v46;
	[tilespmem:v43+s23+$0x0] =	vst.idx.msk $0xffff, v55;
	v62 =	vmul.f32 $8.000000000e+00, v63;
	v63 =	vld [tilespmem:s18+$0xFFFFFEF0];
	v40 =	vshrl.u32 v61, $0x3  }
0x25e: {  	v49 =	vmul.f32 $8.000000000e+00, v50;
	v50 =	vld [tilespmem:s18+$0xFFFFFF00];
	[tilespmem:v51+s23+$0x0] =	vst.idx.msk $0xffff, v58;
	v51 =	vadd.s32 v14, v46;
	v40 =	vshll.u32 v40, v1  }
0x25f: {  	s14 =	sadd.s32 $0x5, s19;
	v52 =	vmul.f32 $8.000000000e+00, v53;
	v53 =	vadd.s32 v15, v46;
	[tilespmem:v54+s23+$0x0] =	vst.idx.msk $0xffff, v62;
	v54 =	vld [tilespmem:s18+$0xFFFFFF10];
	v40 =	vbroadcast v40, $0x0  }
0x260: {  	v58 =	vmov s14;
	v55 =	vmul.f32 $8.000000000e+00, v57;
	v57 =	vld [tilespmem:s18+$0xFFFFFF20];
	[tilespmem:v56+s23+$0x0] =	vst.idx.msk $0xffff, v49;
	v56 =	vadd.s32 v16, v46  }
0x261: {  	v46 =	vshrl.u32 v58, $0x3;
	[tilespmem:v59+s23+$0x0] =	vst.idx.msk $0xffff, v52;
	v59 =	vmul.f32 $8.000000000e+00, v60;
	v60 =	vld [tilespmem:s18+$0xFFFFFF30];
	v61 =	vadd.s32 v17, v40  }
0x262: {  	[tilespmem:v48+s23+$0x0] =	vst.idx.msk $0xffff, v55;
	v48 =	vadd.s32 v18, v40;
	v46 =	vshll.u32 v46, v1;
	v62 =	vmul.f32 $8.000000000e+00, v63;
	v63 =	vld [tilespmem:s18+$0xFFFFFF40]  }
0x263: {  	s15 =	sadd.s32 $0x6, s19;
	v49 =	vmul.f32 $8.000000000e+00, v50;
	v50 =	vadd.s32 v19, v40;
	v46 =	vbroadcast v46, $0x0;
	[tilespmem:v51+s23+$0x0] =	vst.idx.msk $0xffff, v59;
	v51 =	vld [tilespmem:s18+$0xFFFFFF50]  }
0x264: {  	v40 =	vadd.s32 v20, v40;
	[tilespmem:v53+s23+$0x0] =	vst.idx.msk $0xffff, v62;
	v52 =	vmul.f32 $8.000000000e+00, v54;
	v53 =	vld [tilespmem:s18+$0xFFFFFF60];
	v54 =	vmov s15  }
0x265: {  	v55 =	vmul.f32 $8.000000000e+00, v57;
	v57 =	vadd.s32 v21, v46;
	[tilespmem:v56+s23+$0x0] =	vst.idx.msk $0xffff, v49;
	v56 =	vld [tilespmem:s18+$0xFFFFFF70];
	v44 =	vshrl.u32 v54, $0x3  }
0x266: {  	v59 =	vld [tilespmem:s18+$0xFFFFFF80];
	[tilespmem:v61+s23+$0x0] =	vst.idx.msk $0xffff, v52;
	v58 =	vmul.f32 $8.000000000e+00, v60;
	v60 =	vadd.s32 v22, v46;
	v44 =	vshll.u32 v44, v1  }
0x267: {  	v62 =	vadd.s32 v23, v46;
	[tilespmem:v48+s23+$0x0] =	vst.idx.msk $0xffff, v55;
	v61 =	vmul.f32 $8.000000000e+00, v63;
	v63 =	vld [tilespmem:s18+$0xFFFFFF90];
	v44 =	vbroadcast v44, $0x0  }
0x268: {  	v49 =	vadd.s32 v24, v46;
	[tilespmem:v50+s23+$0x0] =	vst.idx.msk $0xffff, v58;
	v48 =	vmul.f32 $8.000000000e+00, v51;
	v50 =	vld [tilespmem:s18+$0xFFFFFFA0]  }
0x269: {  	v52 =	vld [tilespmem:s18+$0xFFFFFFB0];
	[tilespmem:v40+s23+$0x0] =	vst.idx.msk $0xffff, v61;
	v51 =	vmul.f32 $8.000000000e+00, v53;
	v53 =	vadd.s32 v25, v44  }
0x26a: {  	v55 =	vld [tilespmem:s18+$0xFFFFFFC0];
	[tilespmem:v57+s23+$0x0] =	vst.idx.msk $0xffff, v48;
	v54 =	vmul.f32 $8.000000000e+00, v56;
	v56 =	vadd.s32 v26, v44  }
0x26b: {  	v58 =	vadd.s32 v27, v44;
	v57 =	vmul.f32 $8.000000000e+00, v59;
	[tilespmem:v60+s23+$0x0] =	vst.idx.msk $0xffff, v51  }
0x26c: {  	v60 =	vadd.s32 v28, v44;
	[tilespmem:v62+s23+$0x0] =	vst.idx.msk $0xffff, v54;
	v59 =	vmul.f32 $8.000000000e+00, v63  }
0x26d: {  	[tilespmem:v49+s23+$0x0] =	vst.idx.msk $0xffff, v57;
	v61 =	vmul.f32 $8.000000000e+00, v50  }
0x26e: {  	v62 =	vmul.f32 $8.000000000e+00, v52;
	[tilespmem:v53+s23+$0x0] =	vst.idx.msk $0xffff, v59  }
0x26f: {  	v63 =	vmul.f32 $8.000000000e+00, v55;
	[tilespmem:v56+s23+$0x0] =	vst.idx.msk $0xffff, v61  }
0x270: {  	[tilespmem:v58+s23+$0x0] =	vst.idx.msk $0xffff, v62  }
0x271: {  	s14 =	sadd.s32 s0, s9;
	s18 =	simm.s32 $0x18600;
	[tilespmem:v60+s23+$0x0] =	vst.idx.msk $0xffff, v63  }
0x272: {  	[hbm4b:s14+s3] =	stream.linear.scatter [tilespmem:s18], [sflag:$0x6], $0x80, $0x38;
	[tilespmem:$0x1A800] =	vst v63  }
0x273: {  	s19 =	simm.s32 $0x18688;
	s15 =	sadd.s32 $0x10, s14  }
0x274: {  	[hbm4b:s15+s3] =	stream.linear.scatter [tilespmem:s19], [sflag:$0x6], $0x80, $0x38;
	[tilespmem:$0x1A800] =	vst v63  }
0x275: {  	s31 =	simm.s32 $0x18710;
	s2 =	sadd.s32 $0x20, s14  }
0x276: {  	[hbm4b:s2+s3] =	stream.linear.scatter [tilespmem:s31], [sflag:$0x6], $0x80, $0x38;
	[tilespmem:$0x1A800] =	vst v63  }
0x277: {  	s18 =	simm.s32 $0x18798;
	s19 =	sadd.s32 $0x30, s14  }
0x278: {  	[hbm4b:s19+s3] =	stream.linear.scatter [tilespmem:s18], [sflag:$0x6], $0x80, $0x38;
	[tilespmem:$0x1A800] =	vst v63  }
0x279: {  	s31 =	simm.s32 $0x18820;
	s2 =	sadd.s32 $0x40, s14  }
0x27a: {  	[hbm4b:s2+s3] =	stream.linear.scatter [tilespmem:s31], [sflag:$0x6], $0x80, $0x38;
	[tilespmem:$0x1A800] =	vst v63  }
0x27b: {  	s6 =	simm.s32 $0x440;
	s15 =	simm.s32 $0x188A8;
	s18 =	sadd.s32 $0x50, s14  }
0x27c: {  	[hbm4b:s18+s3] =	stream.linear.scatter [tilespmem:s15], [sflag:$0x6], $0x80, $0x38;
	[tilespmem:$0x1A800] =	vst v63  }
0x27d: {  	s19 =	simm.s32 $0x18930;
	s31 =	sadd.s32 $0x60, s14;
	s18 =	simm.s32 $0x2200  }
0x27e: {  	[hbm4b:s31+s3] =	stream.linear.scatter [tilespmem:s19], [sflag:$0x6], $0x80, $0x38;
	[tilespmem:$0x1A800] =	vst v63  }
0x27f: {  	s15 =	sadd.s32 $0x70, s14;
	s14 =	sadd.s32 $0x1000, s14;
	s19 =	simm.s32 $0x189B8  }
.LBB2_17:
0x280: {  	[hbm4b:s15+s3] =	stream.linear.scatter [tilespmem:s19], [sflag:$0x6], $0x80, $0x38;
	[tilespmem:$0x1A800] =	vst v63  }
0x281: {  	s15 =	smov.u32 s6;
	s6 =	smov.u32 s18  }
0x282: {  	s31 =	sadd.s32 $0x1100, s18;
	s6 =	sshra.s32 s6, $0x2;
	s19 =	sadd.s32 $0x18600, s15  }
0x283: {  	[hbm4b:s14+s3] =	stream.linear.scatter [tilespmem:s19], [sflag:$0x6], $0x80, $0x38;
	[tilespmem:$0x1A800] =	vst v63  }
0x284: {  	p0 =	sne.s32 s18, $0x7700;
	s18 =	sadd.s32 $0x18688, s15;
	s19 =	sadd.s32 $0x10, s14  }
0x285: {  	[hbm4b:s19+s3] =	stream.linear.scatter [tilespmem:s18], [sflag:$0x6], $0x80, $0x38;
	[tilespmem:$0x1A800] =	vst v63  }
0x286: {  	s18 =	sadd.s32 $0x18710, s15;
	s19 =	sadd.s32 $0x20, s14  }
0x287: {  	[hbm4b:s19+s3] =	stream.linear.scatter [tilespmem:s18], [sflag:$0x6], $0x80, $0x38;
	[tilespmem:$0x1A800] =	vst v63  }
0x288: {  	s18 =	sadd.s32 $0x18798, s15;
	s19 =	sadd.s32 $0x30, s14  }
0x289: {  	[hbm4b:s19+s3] =	stream.linear.scatter [tilespmem:s18], [sflag:$0x6], $0x80, $0x38;
	[tilespmem:$0x1A800] =	vst v63  }
0x28a: {  	s18 =	sadd.s32 $0x18820, s15;
	s19 =	sadd.s32 $0x40, s14  }
0x28b: {  	[hbm4b:s19+s3] =	stream.linear.scatter [tilespmem:s18], [sflag:$0x6], $0x80, $0x38;
	[tilespmem:$0x1A800] =	vst v63  }
0x28c: {  	s18 =	sadd.s32 $0x188A8, s15;
	s19 =	sadd.s32 $0x50, s14  }
0x28d: {  	[hbm4b:s19+s3] =	stream.linear.scatter [tilespmem:s18], [sflag:$0x6], $0x80, $0x38;
	[tilespmem:$0x1A800] =	vst v63  }
.Ltmp9:
0x28e: {  	_ = 	snop;
	(pc) =	sbr.rel @p0 .LBB2_17-.Ltmp9, $4  }
0x28f: {  	s18 =	sadd.s32 $0x18930, s15;
	s19 =	sadd.s32 $0x60, s14  }
0x290: {  	[hbm4b:s19+s3] =	stream.linear.scatter [tilespmem:s18], [sflag:$0x6], $0x80, $0x38;
	[tilespmem:$0x1A800] =	vst v63  }
0x291: {  	s19 =	sadd.s32 $0x189B8, s15  }
0x292: {  	s15 =	sadd.s32 $0x70, s14;
	s14 =	sadd.s32 $0x1000, s14;
	s18 =	smov.u32 s31  }
0x293: {  	[hbm4b:s15+s3] =	stream.linear.scatter [tilespmem:s19], [sflag:$0x6], $0x80, $0x38;
	[tilespmem:$0x1A800] =	vst v63  }
0x294: {  	s18 =	sadd.s32 $0x18600, s6  }
0x295: {  	[hbm4b:s14+s3] =	stream.linear.scatter [tilespmem:s18], [sflag:$0x6], $0x80, $0x38;
	[tilespmem:$0x1A800] =	vst v63  }
0x296: {  	s19 =	sadd.s32 $0x18688, s6;
	s18 =	sadd.s32 $0x10, s14  }
0x297: {  	[hbm4b:s18+s3] =	stream.linear.scatter [tilespmem:s19], [sflag:$0x6], $0x80, $0x38;
	[tilespmem:$0x1A800] =	vst v63  }
0x298: {  	s31 =	sadd.s32 $0x18710, s6;
	s2 =	sadd.s32 $0x20, s14  }
0x299: {  	[hbm4b:s2+s3] =	stream.linear.scatter [tilespmem:s31], [sflag:$0x6], $0x80, $0x38;
	[tilespmem:$0x1A800] =	vst v63  }
0x29a: {  	s18 =	sadd.s32 $0x18798, s6;
	s19 =	sadd.s32 $0x30, s14  }
0x29b: {  	[hbm4b:s19+s3] =	stream.linear.scatter [tilespmem:s18], [sflag:$0x6], $0x80, $0x38;
	[tilespmem:$0x1A800] =	vst v63  }
0x29c: {  	s31 =	sadd.s32 $0x18820, s6;
	s2 =	sadd.s32 $0x40, s14  }
0x29d: {  	[hbm4b:s2+s3] =	stream.linear.scatter [tilespmem:s31], [sflag:$0x6], $0x80, $0x38;
	[tilespmem:$0x1A800] =	vst v63  }
0x29e: {  	s18 =	sadd.s32 $0x188A8, s6;
	s19 =	sadd.s32 $0x50, s14  }
0x29f: {  	[hbm4b:s19+s3] =	stream.linear.scatter [tilespmem:s18], [sflag:$0x6], $0x80, $0x38;
	[tilespmem:$0x1A800] =	vst v63  }
0x2a0: {  	p0 =	seq.s32 s1, $0x18;
	s31 =	sadd.s32 $0x18930, s6;
	s2 =	sadd.s32 $0x60, s14  }
0x2a1: {  	[hbm4b:s2+s3] =	stream.linear.scatter [tilespmem:s31], [sflag:$0x6], $0x80, $0x38;
	[tilespmem:$0x1A800] =	vst v63  }
0x2a2: {  	s18 =	sadd.s32 $0x189B8, s6;
	s19 =	sadd.s32 $0x70, s14;
	s6 =	sshll.u32 @!p0 s1, $0xA  }
0x2a3: {  	[hbm4b:s19+s3] =	stream.linear.scatter [tilespmem:s18], [sflag:$0x6], $0x80, $0x38;
	[tilespmem:$0x1A800] =	vst v63  }
0x2a4: {  	s18 =	sand.u32 @!p0 $0x3FFFFC00, s6  }
0x2a5: {  	s15 =	simm.s32 @!p0 $0x6400;
	s14 =	simm.s32 @!p0 $0x100;
	s6 =	sadd.s32 @!p0 $0x400, s18  }
0x2a6: {  	[tilespmem:s15], [sflag:$0x1] =	stream.indirect.gather @!p0 [hbm4b:s4+s14], $0x40, s6, s14, $0xb8;
	[tilespmem:$0x1A800] =	vst v63  }
0x2a7: {  	_ =	swait.ge [sflag:s29], $0x4000  }
0x2a8: {  	[sflag:s29] =	ssyncset.done $0x0  }
0x2a9: {  	s31 =	simm.s32 $0x7;
	[sflag:s29] =	ssyncadd.s32 $0xFFFFC000  }
0x2aa: {  	s2 =	simm.s32 $0x0;
	v33 =	vmov s31;
	_ =	swait.ge [sflag:s26], $0x2000  }
0x2ab: {  	v35 =	vmov s2;
	v33 =	vshrl.u32 v33, $0x3;
	[sflag:s26] =	ssyncset.done $0x0  }
0x2ac: {  	s19 =	simm.s32 $0xE500;
	v35 =	vshrl.u32 v35, $0x3;
	v33 =	vshll.u32 v33, v1;
	[sflag:s26] =	ssyncadd.s32 $0xFFFFE000  }
0x2ad: {  	v35 =	vshll.u32 v35, v1;
	v33 =	vbroadcast v33, $0x0;
	v34 =	vld [tilespmem:s19+$0xC0]  }
0x2ae: {  	v35 =	vbroadcast v35, $0x0;
	v41 =	vld [tilespmem:s19+$0xFFFFFF00]  }
0x2af: {  	v38 =	vadd.s32 v29, v33;
	v36 =	vld [tilespmem:s19+$0xD0]  }
0x2b0: {  	v46 =	vadd.s32 v0, v35;
	v43 =	vld [tilespmem:s19+$0xFFFFFF10]  }
0x2b1: {  	s14 =	simm.s32 $0x1;
	v40 =	vadd.s32 v30, v33;
	v37 =	vld [tilespmem:s19+$0xE0]  }
0x2b2: {  	v44 =	vmov s14;
	v48 =	vadd.s32 v2, v35;
	v45 =	vld [tilespmem:s19+$0xFFFFFF20];
	v34 =	vmul.f32 $8.000000000e+00, v34  }
0x2b3: {  	v42 =	vadd.s32 v31, v33;
	v44 =	vshrl.u32 v44, $0x3;
	v39 =	vld [tilespmem:s19+$0xF0];
	v50 =	vmul.f32 $8.000000000e+00, v41  }
0x2b4: {  	v62 =	vadd.s32 v3, v35;
	v44 =	vshll.u32 v44, v1;
	v47 =	vld [tilespmem:s19+$0xFFFFFF30];
	v36 =	vmul.f32 $8.000000000e+00, v36;
	[tilespmem:v38+s22+$0x0] =	vst.idx.msk $0xffff, v34  }
0x2b5: {  	s15 =	simm.s32 $0x2;
	v33 =	vadd.s32 v32, v33;
	v44 =	vbroadcast v44, $0x0;
	v63 =	vld [tilespmem:s19+$0xFFFFFF40];
	v53 =	vmul.f32 $8.000000000e+00, v43;
	[tilespmem:v46+s22+$0x0] =	vst.idx.msk $0xffff, v50  }
0x2b6: {  	v52 =	vmov s15;
	v35 =	vadd.s32 v4, v35;
	v51 =	vld [tilespmem:s19+$0xFFFFFF50];
	v61 =	vmul.f32 $8.000000000e+00, v37;
	[tilespmem:v40+s22+$0x0] =	vst.idx.msk $0xffff, v36  }
0x2b7: {  	v55 =	vadd.s32 v5, v44;
	v54 =	vld [tilespmem:s19+$0xFFFFFF60];
	v41 =	vshrl.u32 v52, $0x3;
	v56 =	vmul.f32 $8.000000000e+00, v45;
	[tilespmem:v48+s22+$0x0] =	vst.idx.msk $0xffff, v53  }
0x2b8: {  	v58 =	vadd.s32 v6, v44;
	v57 =	vld [tilespmem:s19+$0xFFFFFF70];
	v49 =	vmul.f32 $8.000000000e+00, v39;
	v41 =	vshll.u32 v41, v1;
	[tilespmem:v42+s22+$0x0] =	vst.idx.msk $0xffff, v61  }
0x2b9: {  	s31 =	simm.s32 $0x3;
	v60 =	vadd.s32 v7, v44;
	v59 =	vmul.f32 $8.000000000e+00, v47;
	v41 =	vbroadcast v41, $0x0;
	v61 =	vld [tilespmem:s19+$0xFFFFFF80];
	[tilespmem:v62+s22+$0x0] =	vst.idx.msk $0xffff, v56  }
0x2ba: {  	v48 =	vld [tilespmem:s19+$0xFFFFFF90];
	v62 =	vmul.f32 $8.000000000e+00, v63;
	v63 =	vadd.s32 v8, v44;
	[tilespmem:v33+s22+$0x0] =	vst.idx.msk $0xffff, v49;
	v49 =	vmov s31  }
0x2bb: {  	v50 =	vmul.f32 $8.000000000e+00, v51;
	v51 =	vld [tilespmem:s19+$0xFFFFFFA0];
	v52 =	vadd.s32 v9, v41;
	[tilespmem:v35+s22+$0x0] =	vst.idx.msk $0xffff, v59;
	v44 =	vshrl.u32 v49, $0x3  }
0x2bc: {  	v53 =	vmul.f32 $8.000000000e+00, v54;
	v54 =	vld [tilespmem:s19+$0xFFFFFFB0];
	[tilespmem:v55+s22+$0x0] =	vst.idx.msk $0xffff, v62;
	v55 =	vadd.s32 v10, v41;
	v44 =	vshll.u32 v44, v1  }
0x2bd: {  	s2 =	simm.s32 $0x4;
	v56 =	vmul.f32 $8.000000000e+00, v57;
	v57 =	vadd.s32 v11, v41;
	[tilespmem:v58+s22+$0x0] =	vst.idx.msk $0xffff, v50;
	v58 =	vld [tilespmem:s19+$0xFFFFFFC0];
	v44 =	vbroadcast v44, $0x0  }
0x2be: {  	v41 =	vadd.s32 v12, v41;
	[tilespmem:v60+s22+$0x0] =	vst.idx.msk $0xffff, v53;
	v60 =	vld [tilespmem:s19+$0xFFFFFFD0];
	v59 =	vmul.f32 $8.000000000e+00, v61;
	v61 =	vmov s2  }
0x2bf: {  	v62 =	vmul.f32 $8.000000000e+00, v48;
	[tilespmem:v63+s22+$0x0] =	vst.idx.msk $0xffff, v56;
	v63 =	vld [tilespmem:s19+$0xFFFFFFE0];
	v48 =	vadd.s32 v13, v44;
	v46 =	vshrl.u32 v61, $0x3  }
0x2c0: {  	v49 =	vmul.f32 $8.000000000e+00, v51;
	v50 =	vld [tilespmem:s19+$0xFFFFFFF0];
	v51 =	vadd.s32 v14, v44;
	[tilespmem:v52+s22+$0x0] =	vst.idx.msk $0xffff, v59;
	v46 =	vshll.u32 v46, v1  }
0x2c1: {  	s14 =	simm.s32 $0x5;
	v53 =	vadd.s32 v15, v44;
	v52 =	vmul.f32 $8.000000000e+00, v54;
	v54 =	vld [tilespmem:s19+$0x0];
	[tilespmem:v55+s22+$0x0] =	vst.idx.msk $0xffff, v62;
	v46 =	vbroadcast v46, $0x0  }
0x2c2: {  	v56 =	vadd.s32 v16, v44;
	v55 =	vmul.f32 $8.000000000e+00, v58;
	v58 =	vmov s14;
	[tilespmem:v57+s22+$0x0] =	vst.idx.msk $0xffff, v49;
	v57 =	vld [tilespmem:s19+$0x10]  }
0x2c3: {  	v59 =	vmul.f32 $8.000000000e+00, v60;
	v44 =	vshrl.u32 v58, $0x3;
	[tilespmem:v41+s22+$0x0] =	vst.idx.msk $0xffff, v52;
	v41 =	vld [tilespmem:s19+$0x20];
	v45 =	vadd.s32 v17, v46  }
0x2c4: {  	v37 =	vld [tilespmem:s19+$0x30];
	v60 =	vmul.f32 $8.000000000e+00, v63;
	v61 =	vadd.s32 v18, v46;
	v44 =	vshll.u32 v44, v1;
	[tilespmem:v48+s22+$0x0] =	vst.idx.msk $0xffff, v55  }
0x2c5: {  	s15 =	simm.s32 $0x6;
	v62 =	vmul.f32 $8.000000000e+00, v50;
	v35 =	vadd.s32 v19, v46;
	v63 =	vld [tilespmem:s19+$0x40];
	v44 =	vbroadcast v44, $0x0;
	[tilespmem:v51+s22+$0x0] =	vst.idx.msk $0xffff, v59  }
0x2c6: {  	v55 =	vmov s15;
	v52 =	vmul.f32 $8.000000000e+00, v54;
	v54 =	vld [tilespmem:s19+$0x50];
	[tilespmem:v53+s22+$0x0] =	vst.idx.msk $0xffff, v60;
	v53 =	vadd.s32 v20, v46  }
0x2c7: {  	v59 =	vshrl.u32 v55, $0x3;
	v58 =	vadd.s32 v21, v44;
	[tilespmem:v56+s22+$0x0] =	vst.idx.msk $0xffff, v62;
	v56 =	vmul.f32 $8.000000000e+00, v57;
	v57 =	vld [tilespmem:s19+$0x60]  }
0x2c8: {  	v33 =	vld [tilespmem:s19+$0x70];
	v36 =	vadd.s32 v22, v44;
	v60 =	vshll.u32 v59, v1;
	[tilespmem:v45+s22+$0x0] =	vst.idx.msk $0xffff, v52;
	v41 =	vmul.f32 $8.000000000e+00, v41  }
0x2c9: {  	v39 =	vld [tilespmem:s19+$0x80];
	s31 =	simm.s32 $0xF;
	v38 =	vadd.s32 v23, v44;
	[tilespmem:v61+s22+$0x0] =	vst.idx.msk $0xffff, v56;
	v61 =	vmul.f32 $8.000000000e+00, v37;
	v37 =	vbroadcast v60, $0x0  }
0x2ca: {  	v40 =	vadd.s32 v24, v44;
	v62 =	vmov s31;
	v63 =	vmul.f32 $8.000000000e+00, v63;
	[tilespmem:v35+s22+$0x0] =	vst.idx.msk $0xffff, v41;
	v41 =	vld [tilespmem:s19+$0x90]  }
0x2cb: {  	v34 =	vld [tilespmem:s19+$0xA0];
	v45 =	vshrl.u32 v62, $0x3;
	v44 =	vmul.f32 $8.000000000e+00, v54;
	[tilespmem:v53+s22+$0x0] =	vst.idx.msk $0xffff, v61;
	v42 =	vadd.s32 v25, v37  }
0x2cc: {  	s6 =	simm.s32 $0x8;
	s14 =	simm.s32 $0x10;
	v46 =	vshll.u32 v45, v1;
	v35 =	vld [tilespmem:s19+$0xB0];
	s19 =	simm.s32 $0xE700;
	[tilespmem:v58+s22+$0x0] =	vst.idx.msk $0xffff, v63;
	v43 =	vadd.s32 v26, v37;
	v45 =	vmul.f32 $8.000000000e+00, v57  }
.LBB2_19:
0x2cd: {  	p1 =	slt.u32 s14, $0x78;
	v47 =	vld [tilespmem:s19+$0xC0];
	v46 =	vbroadcast v46, $0x0;
	[tilespmem:v36+s22+$0x0] =	vst.idx.msk $0xffff, v44;
	v33 =	vmul.f32 $8.000000000e+00, v33;
	v36 =	vadd.s32 v27, v37  }
0x2ce: {  	v44 =	vmov s6;
	v37 =	vadd.s32 v28, v37;
	v48 =	vld [tilespmem:s19+$0xD0];
	[tilespmem:v38+s22+$0x0] =	vst.idx.msk $0xffff, v45;
	v38 =	vmul.f32 $8.000000000e+00, v39  }
0x2cf: {  	v39 =	vshrl.u32 v44, $0x3;
	v44 =	vld [tilespmem:s19+$0xE0];
	v45 =	vadd.s32 v29, v46;
	[tilespmem:v40+s22+$0x0] =	vst.idx.msk $0xffff, v33;
	v33 =	vmul.f32 $8.000000000e+00, v41  }
0x2d0: {  	v39 =	vshll.u32 v39, v1;
	v41 =	vadd.s32 v30, v46;
	v40 =	vld [tilespmem:s19+$0xF0];
	[tilespmem:v42+s22+$0x0] =	vst.idx.msk $0xffff, v38;
	v34 =	vmul.f32 $8.000000000e+00, v34  }
0x2d1: {  	s15 =	sadd.s32 $0x1, s6;
	v39 =	vbroadcast v39, $0x0;
	v42 =	vadd.s32 v31, v46;
	v38 =	vld [tilespmem:s19+$0xFFFFFF00];
	[tilespmem:v43+s22+$0x0] =	vst.idx.msk $0xffff, v33;
	v33 =	vmul.f32 $8.000000000e+00, v35  }
0x2d2: {  	v46 =	vadd.s32 v32, v46;
	v43 =	vmov s15;
	v35 =	vld [tilespmem:s19+$0xFFFFFF10];
	v47 =	vmul.f32 $8.000000000e+00, v47;
	[tilespmem:v36+s22+$0x0] =	vst.idx.msk $0xffff, v34  }
0x2d3: {  	v36 =	vadd.s32 v0, v39;
	v43 =	vshrl.u32 v43, $0x3;
	v34 =	vld [tilespmem:s19+$0xFFFFFF20];
	v48 =	vmul.f32 $8.000000000e+00, v48;
	[tilespmem:v37+s22+$0x0] =	vst.idx.msk $0xffff, v33  }
0x2d4: {  	v37 =	vadd.s32 v2, v39;
	v43 =	vshll.u32 v43, v1;
	v33 =	vld [tilespmem:s19+$0xFFFFFF30];
	[tilespmem:v45+s22+$0x0] =	vst.idx.msk $0xffff, v47;
	v44 =	vmul.f32 $8.000000000e+00, v44  }
0x2d5: {  	s15 =	sadd.s32 $0x2, s6;
	v45 =	vadd.s32 v3, v39;
	v43 =	vbroadcast v43, $0x0;
	v47 =	vld [tilespmem:s19+$0xFFFFFF40];
	[tilespmem:v41+s22+$0x0] =	vst.idx.msk $0xffff, v48;
	v40 =	vmul.f32 $8.000000000e+00, v40  }
0x2d6: {  	v39 =	vadd.s32 v4, v39;
	v48 =	vmov s15;
	v38 =	vmul.f32 $8.000000000e+00, v38;
	v41 =	vld [tilespmem:s19+$0xFFFFFF50];
	[tilespmem:v42+s22+$0x0] =	vst.idx.msk $0xffff, v44  }
0x2d7: {  	v44 =	vadd.s32 v5, v43;
	v48 =	vshrl.u32 v48, $0x3;
	v35 =	vmul.f32 $8.000000000e+00, v35;
	v42 =	vld [tilespmem:s19+$0xFFFFFF60];
	[tilespmem:v46+s22+$0x0] =	vst.idx.msk $0xffff, v40  }
0x2d8: {  	v40 =	vshll.u32 v48, v1;
	[tilespmem:v36+s22+$0x0] =	vst.idx.msk $0xffff, v38;
	v34 =	vmul.f32 $8.000000000e+00, v34;
	v36 =	vld [tilespmem:s19+$0xFFFFFF70];
	v38 =	vadd.s32 v6, v43  }
0x2d9: {  	s15 =	sadd.s32 $0x3, s6;
	v40 =	vbroadcast v40, $0x0;
	[tilespmem:v37+s22+$0x0] =	vst.idx.msk $0xffff, v35;
	v33 =	vmul.f32 $8.000000000e+00, v33;
	v35 =	vadd.s32 v7, v43;
	v37 =	vld [tilespmem:s19+$0xFFFFFF80]  }
0x2da: {  	v46 =	vmov s15;
	v43 =	vadd.s32 v8, v43;
	[tilespmem:v45+s22+$0x0] =	vst.idx.msk $0xffff, v34;
	v34 =	vmul.f32 $8.000000000e+00, v47;
	v45 =	vld [tilespmem:s19+$0xFFFFFF90]  }
0x2db: {  	v46 =	vshrl.u32 v46, $0x3;
	[tilespmem:v39+s22+$0x0] =	vst.idx.msk $0xffff, v33;
	v33 =	vmul.f32 $8.000000000e+00, v41;
	v39 =	vld [tilespmem:s19+$0xFFFFFFA0];
	v41 =	vadd.s32 v9, v40  }
0x2dc: {  	v46 =	vshll.u32 v46, v1;
	[tilespmem:v44+s22+$0x0] =	vst.idx.msk $0xffff, v34;
	v34 =	vmul.f32 $8.000000000e+00, v42;
	v42 =	vld [tilespmem:s19+$0xFFFFFFB0];
	v44 =	vadd.s32 v10, v40  }
0x2dd: {  	s15 =	sadd.s32 $0x4, s6;
	v46 =	vbroadcast v46, $0x0;
	[tilespmem:v38+s22+$0x0] =	vst.idx.msk $0xffff, v33;
	v33 =	vmul.f32 $8.000000000e+00, v36;
	v36 =	vadd.s32 v11, v40;
	v38 =	vld [tilespmem:s19+$0xFFFFFFC0]  }
0x2de: {  	[tilespmem:v35+s22+$0x0] =	vst.idx.msk $0xffff, v34;
	v34 =	vmul.f32 $8.000000000e+00, v37;
	v35 =	vadd.s32 v12, v40;
	v37 =	vld [tilespmem:s19+$0xFFFFFFD0];
	v40 =	vmov s15  }
0x2df: {  	[tilespmem:v43+s22+$0x0] =	vst.idx.msk $0xffff, v33;
	v33 =	vmul.f32 $8.000000000e+00, v45;
	v43 =	vld [tilespmem:s19+$0xFFFFFFE0];
	v45 =	vadd.s32 v13, v46;
	v40 =	vshrl.u32 v40, $0x3  }
0x2e0: {  	[tilespmem:v41+s22+$0x0] =	vst.idx.msk $0xffff, v34;
	v34 =	vmul.f32 $8.000000000e+00, v39;
	v39 =	vld [tilespmem:s19+$0xFFFFFFF0];
	v41 =	vadd.s32 v14, v46;
	v40 =	vshll.u32 v40, v1  }
0x2e1: {  	s15 =	sadd.s32 $0x5, s6;
	[tilespmem:v44+s22+$0x0] =	vst.idx.msk $0xffff, v33;
	v33 =	vmul.f32 $8.000000000e+00, v42;
	v42 =	vadd.s32 v15, v46;
	v44 =	vld [tilespmem:s19+$0x0];
	v40 =	vbroadcast v40, $0x0  }
0x2e2: {  	[tilespmem:v36+s22+$0x0] =	vst.idx.msk $0xffff, v34;
	v34 =	vmul.f32 $8.000000000e+00, v38;
	v36 =	vadd.s32 v16, v46;
	v38 =	vld [tilespmem:s19+$0x10];
	v46 =	vmov s15  }
0x2e3: {  	[tilespmem:v35+s22+$0x0] =	vst.idx.msk $0xffff, v33;
	v33 =	vmul.f32 $8.000000000e+00, v37;
	v35 =	vld [tilespmem:s19+$0x20];
	v37 =	vadd.s32 v17, v40;
	v46 =	vshrl.u32 v46, $0x3  }
0x2e4: {  	[tilespmem:v45+s22+$0x0] =	vst.idx.msk $0xffff, v34;
	v34 =	vmul.f32 $8.000000000e+00, v43;
	v43 =	vld [tilespmem:s19+$0x30];
	v45 =	vadd.s32 v18, v40;
	v46 =	vshll.u32 v46, v1  }
0x2e5: {  	s15 =	sadd.s32 $0x6, s6;
	s6 =	smov.u32 s14;
	[tilespmem:v41+s22+$0x0] =	vst.idx.msk $0xffff, v33;
	v33 =	vmul.f32 $8.000000000e+00, v39;
	v41 =	vadd.s32 v19, v40;
	v47 =	vld [tilespmem:s19+$0x40];
	v46 =	vbroadcast v46, $0x0  }
0x2e6: {  	v39 =	vmov s15;
	[tilespmem:v42+s22+$0x0] =	vst.idx.msk $0xffff, v34;
	v34 =	vmul.f32 $8.000000000e+00, v44;
	v42 =	vadd.s32 v20, v40;
	v44 =	vld [tilespmem:s19+$0x50]  }
0x2e7: {  	v39 =	vshrl.u32 v39, $0x3;
	[tilespmem:v36+s22+$0x0] =	vst.idx.msk $0xffff, v33;
	v38 =	vmul.f32 $8.000000000e+00, v38;
	v48 =	vld [tilespmem:s19+$0x60];
	v49 =	vadd.s32 v21, v46  }
.Ltmp10:
0x2e8: {  	v36 =	vadd.s32 v22, v46;
	[tilespmem:v37+s22+$0x0] =	vst.idx.msk $0xffff, v34;
	v34 =	vmul.f32 $8.000000000e+00, v35;
	v33 =	vld [tilespmem:s19+$0x70];
	v35 =	vshll.u32 v39, v1;
	(pc) =	sbr.rel @p1 .LBB2_19-.Ltmp10, $4  }
0x2e9: {  	s15 =	sadd.s32 $0x7, s14;
	[tilespmem:v45+s22+$0x0] =	vst.idx.msk $0xffff, v38;
	v43 =	vmul.f32 $8.000000000e+00, v43;
	v38 =	vadd.s32 v23, v46;
	v39 =	vld [tilespmem:s19+$0x80];
	v37 =	vbroadcast v35, $0x0  }
0x2ea: {  	v40 =	vadd.s32 v24, v46;
	v35 =	vmov s15;
	[tilespmem:v41+s22+$0x0] =	vst.idx.msk $0xffff, v34;
	v45 =	vmul.f32 $8.000000000e+00, v47;
	v41 =	vld [tilespmem:s19+$0x90]  }
0x2eb: {  	v35 =	vshrl.u32 v35, $0x3;
	[tilespmem:v42+s22+$0x0] =	vst.idx.msk $0xffff, v43;
	v44 =	vmul.f32 $8.000000000e+00, v44;
	v34 =	vld [tilespmem:s19+$0xA0];
	v42 =	vadd.s32 v25, v37  }
0x2ec: {  	s14 =	sadd.s32 $0x8, s14;
	v46 =	vshll.u32 v35, v1;
	v43 =	vadd.s32 v26, v37;
	[tilespmem:v49+s22+$0x0] =	vst.idx.msk $0xffff, v45;
	v45 =	vmul.f32 $8.000000000e+00, v48;
	v35 =	vld [tilespmem:s19+$0xB0];
	s19 =	sadd.s32 $0x200, s19  }
0x2ed: {  	_ =	sdelay $0x3  }
0x2ee: {  	v47 =	vld [tilespmem:s19+$0xC0];
	v46 =	vbroadcast v46, $0x0;
	[tilespmem:v36+s22+$0x0] =	vst.idx.msk $0xffff, v44;
	v33 =	vmul.f32 $8.000000000e+00, v33;
	v36 =	vadd.s32 v27, v37  }
0x2ef: {  	v59 =	vmov s6;
	v48 =	vld [tilespmem:s19+$0xD0];
	v61 =	vadd.s32 v28, v37;
	[tilespmem:v38+s22+$0x0] =	vst.idx.msk $0xffff, v45;
	v60 =	vmul.f32 $8.000000000e+00, v39  }
0x2f0: {  	v44 =	vld [tilespmem:s19+$0xE0];
	v62 =	vshrl.u32 v59, $0x3;
	v63 =	vadd.s32 v29, v46;
	[tilespmem:v40+s22+$0x0] =	vst.idx.msk $0xffff, v33;
	v52 =	vmul.f32 $8.000000000e+00, v41  }
0x2f1: {  	v39 =	vshll.u32 v62, v1;
	v40 =	vld [tilespmem:s19+$0xF0];
	v53 =	vadd.s32 v30, v46;
	[tilespmem:v42+s22+$0x0] =	vst.idx.msk $0xffff, v60;
	v34 =	vmul.f32 $8.000000000e+00, v34  }
0x2f2: {  	v54 =	vld [tilespmem:s19+$0xFFFFFF00];
	s14 =	sadd.s32 $0x1, s6;
	v55 =	vadd.s32 v31, v46;
	v39 =	vbroadcast v39, $0x0;
	[tilespmem:v43+s22+$0x0] =	vst.idx.msk $0xffff, v52;
	v56 =	vmul.f32 $8.000000000e+00, v35  }
0x2f3: {  	v57 =	vld [tilespmem:s19+$0xFFFFFF10];
	v58 =	vmov s14;
	v46 =	vadd.s32 v32, v46;
	v47 =	vmul.f32 $8.000000000e+00, v47;
	[tilespmem:v36+s22+$0x0] =	vst.idx.msk $0xffff, v34  }
0x2f4: {  	v59 =	vld [tilespmem:s19+$0xFFFFFF20];
	v43 =	vshrl.u32 v58, $0x3;
	v60 =	vadd.s32 v0, v39;
	v48 =	vmul.f32 $8.000000000e+00, v48;
	[tilespmem:v61+s22+$0x0] =	vst.idx.msk $0xffff, v56  }
0x2f5: {  	v62 =	vadd.s32 v2, v39;
	v43 =	vshll.u32 v43, v1;
	v44 =	vmul.f32 $8.000000000e+00, v44;
	v61 =	vld [tilespmem:s19+$0xFFFFFF30];
	[tilespmem:v63+s22+$0x0] =	vst.idx.msk $0xffff, v47  }
0x2f6: {  	s15 =	sadd.s32 $0x2, s6;
	v52 =	vld [tilespmem:s19+$0xFFFFFF40];
	v43 =	vbroadcast v43, $0x0;
	v63 =	vadd.s32 v3, v39;
	v40 =	vmul.f32 $8.000000000e+00, v40;
	[tilespmem:v53+s22+$0x0] =	vst.idx.msk $0xffff, v48  }
0x2f7: {  	v38 =	vmul.f32 $8.000000000e+00, v54;
	v54 =	vmov s15;
	v39 =	vadd.s32 v4, v39;
	v53 =	vld [tilespmem:s19+$0xFFFFFF50];
	[tilespmem:v55+s22+$0x0] =	vst.idx.msk $0xffff, v44  }
0x2f8: {  	v35 =	vmul.f32 $8.000000000e+00, v57;
	v56 =	vadd.s32 v5, v43;
	v48 =	vshrl.u32 v54, $0x3;
	v55 =	vld [tilespmem:s19+$0xFFFFFF60];
	[tilespmem:v46+s22+$0x0] =	vst.idx.msk $0xffff, v40  }
0x2f9: {  	v57 =	vld [tilespmem:s19+$0xFFFFFF70];
	v34 =	vmul.f32 $8.000000000e+00, v59;
	v58 =	vadd.s32 v6, v43;
	v59 =	vshll.u32 v48, v1;
	[tilespmem:v60+s22+$0x0] =	vst.idx.msk $0xffff, v38  }
0x2fa: {  	s2 =	sadd.s32 $0x3, s6;
	v60 =	vadd.s32 v7, v43;
	v40 =	vbroadcast v59, $0x0;
	[tilespmem:v62+s22+$0x0] =	vst.idx.msk $0xffff, v35;
	v33 =	vmul.f32 $8.000000000e+00, v61;
	v61 =	vld [tilespmem:s19+$0xFFFFFF80]  }
0x2fb: {  	v48 =	vmov s2;
	v43 =	vadd.s32 v8, v43;
	v62 =	vmul.f32 $8.000000000e+00, v52;
	[tilespmem:v63+s22+$0x0] =	vst.idx.msk $0xffff, v34;
	v63 =	vld [tilespmem:s19+$0xFFFFFF90]  }
0x2fc: {  	v50 =	vld [tilespmem:s19+$0xFFFFFFA0];
	v46 =	vshrl.u32 v48, $0x3;
	v51 =	vadd.s32 v9, v40;
	[tilespmem:v39+s22+$0x0] =	vst.idx.msk $0xffff, v33;
	v49 =	vmul.f32 $8.000000000e+00, v53  }
0x2fd: {  	v46 =	vshll.u32 v46, v1;
	v54 =	vadd.s32 v10, v40;
	[tilespmem:v56+s22+$0x0] =	vst.idx.msk $0xffff, v62;
	v53 =	vld [tilespmem:s19+$0xFFFFFFB0];
	v52 =	vmul.f32 $8.000000000e+00, v55  }
0x2fe: {  	s15 =	sadd.s32 $0x4, s6;
	v46 =	vbroadcast v46, $0x0;
	v56 =	vadd.s32 v11, v40;
	v55 =	vmul.f32 $8.000000000e+00, v57;
	v57 =	vld [tilespmem:s19+$0xFFFFFFC0];
	[tilespmem:v58+s22+$0x0] =	vst.idx.msk $0xffff, v49  }
0x2ff: {  	v59 =	vadd.s32 v12, v40;
	[tilespmem:v60+s22+$0x0] =	vst.idx.msk $0xffff, v52;
	v58 =	vmul.f32 $8.000000000e+00, v61;
	v60 =	vld [tilespmem:s19+$0xFFFFFFD0];
	v61 =	vmov s15  }
0x300: {  	v48 =	vadd.s32 v13, v46;
	[tilespmem:v43+s22+$0x0] =	vst.idx.msk $0xffff, v55;
	v62 =	vmul.f32 $8.000000000e+00, v63;
	v63 =	vld [tilespmem:s19+$0xFFFFFFE0];
	v40 =	vshrl.u32 v61, $0x3  }
0x301: {  	v49 =	vmul.f32 $8.000000000e+00, v50;
	v50 =	vld [tilespmem:s19+$0xFFFFFFF0];
	[tilespmem:v51+s22+$0x0] =	vst.idx.msk $0xffff, v58;
	v51 =	vadd.s32 v14, v46;
	v40 =	vshll.u32 v40, v1  }
0x302: {  	s2 =	sadd.s32 $0x5, s6;
	v52 =	vmul.f32 $8.000000000e+00, v53;
	v53 =	vadd.s32 v15, v46;
	[tilespmem:v54+s22+$0x0] =	vst.idx.msk $0xffff, v62;
	v54 =	vld [tilespmem:s19+$0x0];
	v40 =	vbroadcast v40, $0x0  }
0x303: {  	v58 =	vmov s2;
	v55 =	vmul.f32 $8.000000000e+00, v57;
	v57 =	vld [tilespmem:s19+$0x10];
	[tilespmem:v56+s22+$0x0] =	vst.idx.msk $0xffff, v49;
	v56 =	vadd.s32 v16, v46  }
0x304: {  	v46 =	vshrl.u32 v58, $0x3;
	[tilespmem:v59+s22+$0x0] =	vst.idx.msk $0xffff, v52;
	v59 =	vmul.f32 $8.000000000e+00, v60;
	v60 =	vld [tilespmem:s19+$0x20];
	v61 =	vadd.s32 v17, v40  }
0x305: {  	[tilespmem:v48+s22+$0x0] =	vst.idx.msk $0xffff, v55;
	v48 =	vadd.s32 v18, v40;
	v46 =	vshll.u32 v46, v1;
	v62 =	vmul.f32 $8.000000000e+00, v63;
	v63 =	vld [tilespmem:s19+$0x30]  }
0x306: {  	s15 =	sadd.s32 $0x6, s6;
	v49 =	vmul.f32 $8.000000000e+00, v50;
	v50 =	vadd.s32 v19, v40;
	v46 =	vbroadcast v46, $0x0;
	[tilespmem:v51+s22+$0x0] =	vst.idx.msk $0xffff, v59;
	v51 =	vld [tilespmem:s19+$0x40]  }
0x307: {  	v40 =	vadd.s32 v20, v40;
	[tilespmem:v53+s22+$0x0] =	vst.idx.msk $0xffff, v62;
	v52 =	vmul.f32 $8.000000000e+00, v54;
	v53 =	vld [tilespmem:s19+$0x50];
	v54 =	vmov s15  }
0x308: {  	v55 =	vmul.f32 $8.000000000e+00, v57;
	v57 =	vadd.s32 v21, v46;
	[tilespmem:v56+s22+$0x0] =	vst.idx.msk $0xffff, v49;
	v56 =	vld [tilespmem:s19+$0x60];
	v44 =	vshrl.u32 v54, $0x3  }
0x309: {  	v59 =	vld [tilespmem:s19+$0x70];
	[tilespmem:v61+s22+$0x0] =	vst.idx.msk $0xffff, v52;
	v58 =	vmul.f32 $8.000000000e+00, v60;
	v60 =	vadd.s32 v22, v46;
	v44 =	vshll.u32 v44, v1  }
0x30a: {  	v62 =	vadd.s32 v23, v46;
	[tilespmem:v48+s22+$0x0] =	vst.idx.msk $0xffff, v55;
	v61 =	vmul.f32 $8.000000000e+00, v63;
	v63 =	vld [tilespmem:s19+$0x80];
	v44 =	vbroadcast v44, $0x0  }
0x30b: {  	v49 =	vadd.s32 v24, v46;
	[tilespmem:v50+s22+$0x0] =	vst.idx.msk $0xffff, v58;
	v48 =	vmul.f32 $8.000000000e+00, v51;
	v50 =	vld [tilespmem:s19+$0x90]  }
0x30c: {  	v52 =	vld [tilespmem:s19+$0xA0];
	[tilespmem:v40+s22+$0x0] =	vst.idx.msk $0xffff, v61;
	v51 =	vmul.f32 $8.000000000e+00, v53;
	v53 =	vadd.s32 v25, v44  }
0x30d: {  	v55 =	vld [tilespmem:s19+$0xB0];
	[tilespmem:v57+s22+$0x0] =	vst.idx.msk $0xffff, v48;
	v54 =	vmul.f32 $8.000000000e+00, v56;
	v56 =	vadd.s32 v26, v44  }
0x30e: {  	v58 =	vadd.s32 v27, v44;
	v57 =	vmul.f32 $8.000000000e+00, v59;
	[tilespmem:v60+s22+$0x0] =	vst.idx.msk $0xffff, v51  }
0x30f: {  	v60 =	vadd.s32 v28, v44;
	[tilespmem:v62+s22+$0x0] =	vst.idx.msk $0xffff, v54;
	v59 =	vmul.f32 $8.000000000e+00, v63  }
0x310: {  	[tilespmem:v49+s22+$0x0] =	vst.idx.msk $0xffff, v57;
	v61 =	vmul.f32 $8.000000000e+00, v50  }
0x311: {  	v62 =	vmul.f32 $8.000000000e+00, v52;
	[tilespmem:v53+s22+$0x0] =	vst.idx.msk $0xffff, v59  }
0x312: {  	v63 =	vmul.f32 $8.000000000e+00, v55;
	[tilespmem:v56+s22+$0x0] =	vst.idx.msk $0xffff, v61  }
0x313: {  	[tilespmem:v58+s22+$0x0] =	vst.idx.msk $0xffff, v62  }
0x314: {  	s14 =	sadd.s32 s0, s10;
	s19 =	simm.s32 $0x16400;
	[tilespmem:v60+s22+$0x0] =	vst.idx.msk $0xffff, v63  }
0x315: {  	[hbm4b:s14+s3] =	stream.linear.scatter [tilespmem:s19], [sflag:$0x5], $0x80, $0x38;
	[tilespmem:$0x1A800] =	vst v63  }
0x316: {  	s2 =	simm.s32 $0x16488;
	s15 =	sadd.s32 $0x10, s14  }
0x317: {  	[hbm4b:s15+s3] =	stream.linear.scatter [tilespmem:s2], [sflag:$0x5], $0x80, $0x38;
	[tilespmem:$0x1A800] =	vst v63  }
0x318: {  	s19 =	simm.s32 $0x16510;
	s2 =	sadd.s32 $0x20, s14  }
0x319: {  	[hbm4b:s2+s3] =	stream.linear.scatter [tilespmem:s19], [sflag:$0x5], $0x80, $0x38;
	[tilespmem:$0x1A800] =	vst v63  }
0x31a: {  	s19 =	simm.s32 $0x16598;
	s2 =	sadd.s32 $0x30, s14  }
0x31b: {  	[hbm4b:s2+s3] =	stream.linear.scatter [tilespmem:s19], [sflag:$0x5], $0x80, $0x38;
	[tilespmem:$0x1A800] =	vst v63  }
0x31c: {  	s19 =	simm.s32 $0x16620;
	s2 =	sadd.s32 $0x40, s14  }
0x31d: {  	[hbm4b:s2+s3] =	stream.linear.scatter [tilespmem:s19], [sflag:$0x5], $0x80, $0x38;
	[tilespmem:$0x1A800] =	vst v63  }
0x31e: {  	s31 =	sadd.s32 $0x70, s14;
	s19 =	simm.s32 $0x166A8;
	s2 =	sadd.s32 $0x50, s14  }
0x31f: {  	[hbm4b:s2+s3] =	stream.linear.scatter [tilespmem:s19], [sflag:$0x5], $0x80, $0x38;
	[tilespmem:$0x1A800] =	vst v63  }
0x320: {  	s6 =	simm.s32 $0x440;
	s15 =	simm.s32 $0x16730;
	s19 =	sadd.s32 $0x60, s14  }
0x321: {  	[hbm4b:s19+s3] =	stream.linear.scatter [tilespmem:s15], [sflag:$0x5], $0x80, $0x38;
	[tilespmem:$0x1A800] =	vst v63  }
0x322: {  	s14 =	sadd.s32 $0x1000, s14;
	s19 =	simm.s32 $0x2200;
	s15 =	simm.s32 $0x167B8  }
.LBB2_21:
0x323: {  	[hbm4b:s31+s3] =	stream.linear.scatter [tilespmem:s15], [sflag:$0x5], $0x80, $0x38;
	[tilespmem:$0x1A800] =	vst v63  }
0x324: {  	s15 =	smov.u32 s6;
	s6 =	smov.u32 s19  }
0x325: {  	s2 =	sadd.s32 $0x1100, s19;
	s6 =	sshra.s32 s6, $0x2;
	s31 =	sadd.s32 $0x16400, s15  }
0x326: {  	[hbm4b:s14+s3] =	stream.linear.scatter [tilespmem:s31], [sflag:$0x5], $0x80, $0x38;
	[tilespmem:$0x1A800] =	vst v63  }
0x327: {  	p1 =	sne.s32 s19, $0x7700;
	s19 =	sadd.s32 $0x16488, s15;
	s31 =	sadd.s32 $0x10, s14  }
0x328: {  	[hbm4b:s31+s3] =	stream.linear.scatter [tilespmem:s19], [sflag:$0x5], $0x80, $0x38;
	[tilespmem:$0x1A800] =	vst v63  }
0x329: {  	s19 =	sadd.s32 $0x16510, s15;
	s31 =	sadd.s32 $0x20, s14  }
0x32a: {  	[hbm4b:s31+s3] =	stream.linear.scatter [tilespmem:s19], [sflag:$0x5], $0x80, $0x38;
	[tilespmem:$0x1A800] =	vst v63  }
0x32b: {  	s19 =	sadd.s32 $0x16598, s15;
	s31 =	sadd.s32 $0x30, s14  }
0x32c: {  	[hbm4b:s31+s3] =	stream.linear.scatter [tilespmem:s19], [sflag:$0x5], $0x80, $0x38;
	[tilespmem:$0x1A800] =	vst v63  }
0x32d: {  	s19 =	sadd.s32 $0x16620, s15;
	s31 =	sadd.s32 $0x40, s14  }
0x32e: {  	[hbm4b:s31+s3] =	stream.linear.scatter [tilespmem:s19], [sflag:$0x5], $0x80, $0x38;
	[tilespmem:$0x1A800] =	vst v63  }
.Ltmp11:
0x32f: {  	s19 =	sadd.s32 $0x166A8, s15;
	s31 =	sadd.s32 $0x50, s14;
	(pc) =	sbr.rel @p1 .LBB2_21-.Ltmp11, $4  }
0x330: {  	[hbm4b:s31+s3] =	stream.linear.scatter [tilespmem:s19], [sflag:$0x5], $0x80, $0x38;
	[tilespmem:$0x1A800] =	vst v63  }
0x331: {  	s19 =	sadd.s32 $0x16730, s15;
	s31 =	sadd.s32 $0x60, s14;
	s15 =	sadd.s32 $0x167B8, s15  }
0x332: {  	[hbm4b:s31+s3] =	stream.linear.scatter [tilespmem:s19], [sflag:$0x5], $0x80, $0x38;
	[tilespmem:$0x1A800] =	vst v63  }
0x333: {  	s31 =	sadd.s32 $0x70, s14;
	s14 =	sadd.s32 $0x1000, s14;
	s19 =	smov.u32 s2  }
0x334: {  	[hbm4b:s31+s3] =	stream.linear.scatter [tilespmem:s15], [sflag:$0x5], $0x80, $0x38;
	[tilespmem:$0x1A800] =	vst v63  }
0x335: {  	s2 =	sadd.s32 $0x16400, s6  }
0x336: {  	[hbm4b:s14+s3] =	stream.linear.scatter [tilespmem:s2], [sflag:$0x5], $0x80, $0x38;
	[tilespmem:$0x1A800] =	vst v63  }
0x337: {  	s19 =	sadd.s32 $0x16488, s6;
	s31 =	sadd.s32 $0x10, s14  }
0x338: {  	[hbm4b:s31+s3] =	stream.linear.scatter [tilespmem:s19], [sflag:$0x5], $0x80, $0x38;
	[tilespmem:$0x1A800] =	vst v63  }
0x339: {  	s19 =	sadd.s32 $0x16510, s6;
	s31 =	sadd.s32 $0x20, s14  }
0x33a: {  	[hbm4b:s31+s3] =	stream.linear.scatter [tilespmem:s19], [sflag:$0x5], $0x80, $0x38;
	[tilespmem:$0x1A800] =	vst v63  }
0x33b: {  	s19 =	sadd.s32 $0x16598, s6;
	s31 =	sadd.s32 $0x30, s14  }
0x33c: {  	[hbm4b:s31+s3] =	stream.linear.scatter [tilespmem:s19], [sflag:$0x5], $0x80, $0x38;
	[tilespmem:$0x1A800] =	vst v63  }
0x33d: {  	s19 =	sadd.s32 $0x16620, s6;
	s31 =	sadd.s32 $0x40, s14  }
0x33e: {  	[hbm4b:s31+s3] =	stream.linear.scatter [tilespmem:s19], [sflag:$0x5], $0x80, $0x38;
	[tilespmem:$0x1A800] =	vst v63  }
0x33f: {  	s19 =	sadd.s32 $0x166A8, s6;
	s31 =	sadd.s32 $0x50, s14  }
0x340: {  	[hbm4b:s31+s3] =	stream.linear.scatter [tilespmem:s19], [sflag:$0x5], $0x80, $0x38;
	[tilespmem:$0x1A800] =	vst v63  }
0x341: {  	s19 =	sadd.s32 $0x16730, s6;
	s31 =	sadd.s32 $0x60, s14  }
0x342: {  	[hbm4b:s31+s3] =	stream.linear.scatter [tilespmem:s19], [sflag:$0x5], $0x80, $0x38;
	[tilespmem:$0x1A800] =	vst v63  }
0x343: {  	s15 =	sadd.s32 $0x167B8, s6;
	s19 =	sadd.s32 $0x70, s14;
	s31 =	simm.s32 $0x7  }
0x344: {  	[hbm4b:s19+s3] =	stream.linear.scatter [tilespmem:s15], [sflag:$0x5], $0x80, $0x38;
	[tilespmem:$0x1A800] =	vst v63  }
0x345: {  	s6 =	simm.s32 $0x0;
	v33 =	vmov s31;
	_ =	swait.ge [sflag:s28], $0x2000  }
0x346: {  	v35 =	vmov s6;
	v33 =	vshrl.u32 v33, $0x3;
	[sflag:s28] =	ssyncset.done $0x0  }
0x347: {  	v35 =	vshrl.u32 v35, $0x3;
	s19 =	simm.s32 $0x105F0;
	v33 =	vshll.u32 v33, v1;
	[sflag:s28] =	ssyncadd.s32 $0xFFFFE000  }
0x348: {  	v35 =	vshll.u32 v35, v1;
	v33 =	vbroadcast v33, $0x0;
	v34 =	vld [tilespmem:s19+$0xFFFFFFD0]  }
0x349: {  	v35 =	vbroadcast v35, $0x0;
	v41 =	vld [tilespmem:s19+$0xFFFFFE10]  }
0x34a: {  	v36 =	vld [tilespmem:s19+$0xFFFFFFE0];
	v38 =	vadd.s32 v29, v33  }
0x34b: {  	v46 =	vadd.s32 v0, v35;
	v43 =	vld [tilespmem:s19+$0xFFFFFE20]  }
0x34c: {  	s14 =	simm.s32 $0x1;
	v37 =	vld [tilespmem:s19+$0xFFFFFFF0];
	v40 =	vadd.s32 v30, v33  }
0x34d: {  	v44 =	vmov s14;
	v48 =	vadd.s32 v2, v35;
	v45 =	vld [tilespmem:s19+$0xFFFFFE30];
	v34 =	vmul.f32 $8.000000000e+00, v34  }
0x34e: {  	v44 =	vshrl.u32 v44, $0x3;
	v39 =	vld [tilespmem:s19+$0x0];
	v42 =	vadd.s32 v31, v33;
	v50 =	vmul.f32 $8.000000000e+00, v41  }
0x34f: {  	v44 =	vshll.u32 v44, v1;
	v62 =	vadd.s32 v3, v35;
	v47 =	vld [tilespmem:s19+$0xFFFFFE40];
	v36 =	vmul.f32 $8.000000000e+00, v36;
	[tilespmem:v38+s23+$0x0] =	vst.idx.msk $0xffff, v34  }
0x350: {  	s15 =	simm.s32 $0x2;
	v44 =	vbroadcast v44, $0x0;
	v33 =	vadd.s32 v32, v33;
	v63 =	vld [tilespmem:s19+$0xFFFFFE50];
	v53 =	vmul.f32 $8.000000000e+00, v43;
	[tilespmem:v46+s23+$0x0] =	vst.idx.msk $0xffff, v50  }
0x351: {  	v52 =	vmov s15;
	v35 =	vadd.s32 v4, v35;
	v51 =	vld [tilespmem:s19+$0xFFFFFE60];
	v61 =	vmul.f32 $8.000000000e+00, v37;
	[tilespmem:v40+s23+$0x0] =	vst.idx.msk $0xffff, v36  }
0x352: {  	v54 =	vld [tilespmem:s19+$0xFFFFFE70];
	v55 =	vadd.s32 v5, v44;
	v41 =	vshrl.u32 v52, $0x3;
	v56 =	vmul.f32 $8.000000000e+00, v45;
	[tilespmem:v48+s23+$0x0] =	vst.idx.msk $0xffff, v53  }
0x353: {  	v57 =	vld [tilespmem:s19+$0xFFFFFE80];
	v58 =	vadd.s32 v6, v44;
	v49 =	vmul.f32 $8.000000000e+00, v39;
	v41 =	vshll.u32 v41, v1;
	[tilespmem:v42+s23+$0x0] =	vst.idx.msk $0xffff, v61  }
0x354: {  	s31 =	simm.s32 $0x3;
	v60 =	vadd.s32 v7, v44;
	v59 =	vmul.f32 $8.000000000e+00, v47;
	v41 =	vbroadcast v41, $0x0;
	v61 =	vld [tilespmem:s19+$0xFFFFFE90];
	[tilespmem:v62+s23+$0x0] =	vst.idx.msk $0xffff, v56  }
0x355: {  	v48 =	vld [tilespmem:s19+$0xFFFFFEA0];
	v62 =	vmul.f32 $8.000000000e+00, v63;
	v63 =	vadd.s32 v8, v44;
	[tilespmem:v33+s23+$0x0] =	vst.idx.msk $0xffff, v49;
	v49 =	vmov s31  }
0x356: {  	v50 =	vmul.f32 $8.000000000e+00, v51;
	v51 =	vld [tilespmem:s19+$0xFFFFFEB0];
	v52 =	vadd.s32 v9, v41;
	[tilespmem:v35+s23+$0x0] =	vst.idx.msk $0xffff, v59;
	v44 =	vshrl.u32 v49, $0x3  }
0x357: {  	v53 =	vmul.f32 $8.000000000e+00, v54;
	v54 =	vld [tilespmem:s19+$0xFFFFFEC0];
	[tilespmem:v55+s23+$0x0] =	vst.idx.msk $0xffff, v62;
	v55 =	vadd.s32 v10, v41;
	v44 =	vshll.u32 v44, v1  }
0x358: {  	s6 =	simm.s32 $0x4;
	v56 =	vmul.f32 $8.000000000e+00, v57;
	v57 =	vadd.s32 v11, v41;
	[tilespmem:v58+s23+$0x0] =	vst.idx.msk $0xffff, v50;
	v58 =	vld [tilespmem:s19+$0xFFFFFED0];
	v44 =	vbroadcast v44, $0x0  }
0x359: {  	v41 =	vadd.s32 v12, v41;
	[tilespmem:v60+s23+$0x0] =	vst.idx.msk $0xffff, v53;
	v60 =	vld [tilespmem:s19+$0xFFFFFEE0];
	v59 =	vmul.f32 $8.000000000e+00, v61;
	v61 =	vmov s6  }
0x35a: {  	v62 =	vmul.f32 $8.000000000e+00, v48;
	[tilespmem:v63+s23+$0x0] =	vst.idx.msk $0xffff, v56;
	v63 =	vld [tilespmem:s19+$0xFFFFFEF0];
	v48 =	vadd.s32 v13, v44;
	v46 =	vshrl.u32 v61, $0x3  }
0x35b: {  	v49 =	vmul.f32 $8.000000000e+00, v51;
	v50 =	vld [tilespmem:s19+$0xFFFFFF00];
	v51 =	vadd.s32 v14, v44;
	[tilespmem:v52+s23+$0x0] =	vst.idx.msk $0xffff, v59;
	v46 =	vshll.u32 v46, v1  }
0x35c: {  	s14 =	simm.s32 $0x5;
	v53 =	vadd.s32 v15, v44;
	v52 =	vmul.f32 $8.000000000e+00, v54;
	v54 =	vld [tilespmem:s19+$0xFFFFFF10];
	[tilespmem:v55+s23+$0x0] =	vst.idx.msk $0xffff, v62;
	v46 =	vbroadcast v46, $0x0  }
0x35d: {  	v56 =	vadd.s32 v16, v44;
	v55 =	vmul.f32 $8.000000000e+00, v58;
	v58 =	vmov s14;
	[tilespmem:v57+s23+$0x0] =	vst.idx.msk $0xffff, v49;
	v57 =	vld [tilespmem:s19+$0xFFFFFF20]  }
0x35e: {  	v59 =	vmul.f32 $8.000000000e+00, v60;
	v44 =	vshrl.u32 v58, $0x3;
	[tilespmem:v41+s23+$0x0] =	vst.idx.msk $0xffff, v52;
	v41 =	vld [tilespmem:s19+$0xFFFFFF30];
	v45 =	vadd.s32 v17, v46  }
0x35f: {  	v37 =	vld [tilespmem:s19+$0xFFFFFF40];
	v60 =	vmul.f32 $8.000000000e+00, v63;
	v61 =	vadd.s32 v18, v46;
	v44 =	vshll.u32 v44, v1;
	[tilespmem:v48+s23+$0x0] =	vst.idx.msk $0xffff, v55  }
0x360: {  	s15 =	simm.s32 $0x6;
	v62 =	vmul.f32 $8.000000000e+00, v50;
	v35 =	vadd.s32 v19, v46;
	v63 =	vld [tilespmem:s19+$0xFFFFFF50];
	v44 =	vbroadcast v44, $0x0;
	[tilespmem:v51+s23+$0x0] =	vst.idx.msk $0xffff, v59  }
0x361: {  	v55 =	vmov s15;
	v52 =	vmul.f32 $8.000000000e+00, v54;
	v54 =	vld [tilespmem:s19+$0xFFFFFF60];
	[tilespmem:v53+s23+$0x0] =	vst.idx.msk $0xffff, v60;
	v53 =	vadd.s32 v20, v46  }
0x362: {  	v59 =	vshrl.u32 v55, $0x3;
	v58 =	vadd.s32 v21, v44;
	[tilespmem:v56+s23+$0x0] =	vst.idx.msk $0xffff, v62;
	v56 =	vmul.f32 $8.000000000e+00, v57;
	v57 =	vld [tilespmem:s19+$0xFFFFFF70]  }
0x363: {  	v33 =	vld [tilespmem:s19+$0xFFFFFF80];
	v36 =	vadd.s32 v22, v44;
	v60 =	vshll.u32 v59, v1;
	[tilespmem:v45+s23+$0x0] =	vst.idx.msk $0xffff, v52;
	v41 =	vmul.f32 $8.000000000e+00, v41  }
0x364: {  	v39 =	vld [tilespmem:s19+$0xFFFFFF90];
	s31 =	simm.s32 $0xF;
	v38 =	vadd.s32 v23, v44;
	[tilespmem:v61+s23+$0x0] =	vst.idx.msk $0xffff, v56;
	v61 =	vmul.f32 $8.000000000e+00, v37;
	v37 =	vbroadcast v60, $0x0  }
0x365: {  	v40 =	vadd.s32 v24, v44;
	v62 =	vmov s31;
	v63 =	vmul.f32 $8.000000000e+00, v63;
	[tilespmem:v35+s23+$0x0] =	vst.idx.msk $0xffff, v41;
	v41 =	vld [tilespmem:s19+$0xFFFFFFA0]  }
0x366: {  	v34 =	vld [tilespmem:s19+$0xFFFFFFB0];
	v45 =	vshrl.u32 v62, $0x3;
	v44 =	vmul.f32 $8.000000000e+00, v54;
	[tilespmem:v53+s23+$0x0] =	vst.idx.msk $0xffff, v61;
	v42 =	vadd.s32 v25, v37  }
0x367: {  	s6 =	simm.s32 $0x8;
	s14 =	simm.s32 $0x10;
	v46 =	vshll.u32 v45, v1;
	v35 =	vld [tilespmem:s19+$0xFFFFFFC0];
	s19 =	simm.s32 $0x107F0;
	[tilespmem:v58+s23+$0x0] =	vst.idx.msk $0xffff, v63;
	v43 =	vadd.s32 v26, v37;
	v45 =	vmul.f32 $8.000000000e+00, v57  }
.LBB2_23:
0x368: {  	p1 =	slt.u32 s14, $0x78;
	v47 =	vld [tilespmem:s19+$0xFFFFFFD0];
	v46 =	vbroadcast v46, $0x0;
	[tilespmem:v36+s23+$0x0] =	vst.idx.msk $0xffff, v44;
	v33 =	vmul.f32 $8.000000000e+00, v33;
	v36 =	vadd.s32 v27, v37  }
0x369: {  	v44 =	vmov s6;
	v37 =	vadd.s32 v28, v37;
	v48 =	vld [tilespmem:s19+$0xFFFFFFE0];
	[tilespmem:v38+s23+$0x0] =	vst.idx.msk $0xffff, v45;
	v38 =	vmul.f32 $8.000000000e+00, v39  }
0x36a: {  	v39 =	vshrl.u32 v44, $0x3;
	v44 =	vld [tilespmem:s19+$0xFFFFFFF0];
	v45 =	vadd.s32 v29, v46;
	[tilespmem:v40+s23+$0x0] =	vst.idx.msk $0xffff, v33;
	v33 =	vmul.f32 $8.000000000e+00, v41  }
0x36b: {  	v39 =	vshll.u32 v39, v1;
	v41 =	vadd.s32 v30, v46;
	v40 =	vld [tilespmem:s19+$0x0];
	[tilespmem:v42+s23+$0x0] =	vst.idx.msk $0xffff, v38;
	v34 =	vmul.f32 $8.000000000e+00, v34  }
0x36c: {  	s2 =	sadd.s32 $0x1, s6;
	v39 =	vbroadcast v39, $0x0;
	v42 =	vadd.s32 v31, v46;
	v38 =	vld [tilespmem:s19+$0xFFFFFE10];
	[tilespmem:v43+s23+$0x0] =	vst.idx.msk $0xffff, v33;
	v33 =	vmul.f32 $8.000000000e+00, v35  }
0x36d: {  	v46 =	vadd.s32 v32, v46;
	v43 =	vmov s2;
	v35 =	vld [tilespmem:s19+$0xFFFFFE20];
	v47 =	vmul.f32 $8.000000000e+00, v47;
	[tilespmem:v36+s23+$0x0] =	vst.idx.msk $0xffff, v34  }
0x36e: {  	v36 =	vadd.s32 v0, v39;
	v43 =	vshrl.u32 v43, $0x3;
	v34 =	vld [tilespmem:s19+$0xFFFFFE30];
	v48 =	vmul.f32 $8.000000000e+00, v48;
	[tilespmem:v37+s23+$0x0] =	vst.idx.msk $0xffff, v33  }
0x36f: {  	v37 =	vadd.s32 v2, v39;
	v43 =	vshll.u32 v43, v1;
	v33 =	vld [tilespmem:s19+$0xFFFFFE40];
	[tilespmem:v45+s23+$0x0] =	vst.idx.msk $0xffff, v47;
	v44 =	vmul.f32 $8.000000000e+00, v44  }
0x370: {  	s2 =	sadd.s32 $0x2, s6;
	v45 =	vadd.s32 v3, v39;
	v43 =	vbroadcast v43, $0x0;
	v47 =	vld [tilespmem:s19+$0xFFFFFE50];
	[tilespmem:v41+s23+$0x0] =	vst.idx.msk $0xffff, v48;
	v40 =	vmul.f32 $8.000000000e+00, v40  }
0x371: {  	v39 =	vadd.s32 v4, v39;
	v48 =	vmov s2;
	v38 =	vmul.f32 $8.000000000e+00, v38;
	v41 =	vld [tilespmem:s19+$0xFFFFFE60];
	[tilespmem:v42+s23+$0x0] =	vst.idx.msk $0xffff, v44  }
0x372: {  	v44 =	vadd.s32 v5, v43;
	v48 =	vshrl.u32 v48, $0x3;
	v35 =	vmul.f32 $8.000000000e+00, v35;
	v42 =	vld [tilespmem:s19+$0xFFFFFE70];
	[tilespmem:v46+s23+$0x0] =	vst.idx.msk $0xffff, v40  }
0x373: {  	v40 =	vshll.u32 v48, v1;
	[tilespmem:v36+s23+$0x0] =	vst.idx.msk $0xffff, v38;
	v34 =	vmul.f32 $8.000000000e+00, v34;
	v36 =	vld [tilespmem:s19+$0xFFFFFE80];
	v38 =	vadd.s32 v6, v43  }
0x374: {  	s2 =	sadd.s32 $0x3, s6;
	v40 =	vbroadcast v40, $0x0;
	[tilespmem:v37+s23+$0x0] =	vst.idx.msk $0xffff, v35;
	v33 =	vmul.f32 $8.000000000e+00, v33;
	v35 =	vadd.s32 v7, v43;
	v37 =	vld [tilespmem:s19+$0xFFFFFE90]  }
0x375: {  	v46 =	vmov s2;
	v43 =	vadd.s32 v8, v43;
	[tilespmem:v45+s23+$0x0] =	vst.idx.msk $0xffff, v34;
	v34 =	vmul.f32 $8.000000000e+00, v47;
	v45 =	vld [tilespmem:s19+$0xFFFFFEA0]  }
0x376: {  	v46 =	vshrl.u32 v46, $0x3;
	[tilespmem:v39+s23+$0x0] =	vst.idx.msk $0xffff, v33;
	v33 =	vmul.f32 $8.000000000e+00, v41;
	v39 =	vld [tilespmem:s19+$0xFFFFFEB0];
	v41 =	vadd.s32 v9, v40  }
0x377: {  	v46 =	vshll.u32 v46, v1;
	[tilespmem:v44+s23+$0x0] =	vst.idx.msk $0xffff, v34;
	v34 =	vmul.f32 $8.000000000e+00, v42;
	v42 =	vld [tilespmem:s19+$0xFFFFFEC0];
	v44 =	vadd.s32 v10, v40  }
0x378: {  	s2 =	sadd.s32 $0x4, s6;
	v46 =	vbroadcast v46, $0x0;
	[tilespmem:v38+s23+$0x0] =	vst.idx.msk $0xffff, v33;
	v33 =	vmul.f32 $8.000000000e+00, v36;
	v36 =	vadd.s32 v11, v40;
	v38 =	vld [tilespmem:s19+$0xFFFFFED0]  }
0x379: {  	[tilespmem:v35+s23+$0x0] =	vst.idx.msk $0xffff, v34;
	v34 =	vmul.f32 $8.000000000e+00, v37;
	v35 =	vadd.s32 v12, v40;
	v37 =	vld [tilespmem:s19+$0xFFFFFEE0];
	v40 =	vmov s2  }
0x37a: {  	[tilespmem:v43+s23+$0x0] =	vst.idx.msk $0xffff, v33;
	v33 =	vmul.f32 $8.000000000e+00, v45;
	v43 =	vld [tilespmem:s19+$0xFFFFFEF0];
	v45 =	vadd.s32 v13, v46;
	v40 =	vshrl.u32 v40, $0x3  }
0x37b: {  	[tilespmem:v41+s23+$0x0] =	vst.idx.msk $0xffff, v34;
	v34 =	vmul.f32 $8.000000000e+00, v39;
	v39 =	vld [tilespmem:s19+$0xFFFFFF00];
	v41 =	vadd.s32 v14, v46;
	v40 =	vshll.u32 v40, v1  }
0x37c: {  	s2 =	sadd.s32 $0x5, s6;
	[tilespmem:v44+s23+$0x0] =	vst.idx.msk $0xffff, v33;
	v33 =	vmul.f32 $8.000000000e+00, v42;
	v42 =	vadd.s32 v15, v46;
	v44 =	vld [tilespmem:s19+$0xFFFFFF10];
	v40 =	vbroadcast v40, $0x0  }
0x37d: {  	[tilespmem:v36+s23+$0x0] =	vst.idx.msk $0xffff, v34;
	v34 =	vmul.f32 $8.000000000e+00, v38;
	v36 =	vadd.s32 v16, v46;
	v38 =	vld [tilespmem:s19+$0xFFFFFF20];
	v46 =	vmov s2  }
0x37e: {  	[tilespmem:v35+s23+$0x0] =	vst.idx.msk $0xffff, v33;
	v33 =	vmul.f32 $8.000000000e+00, v37;
	v35 =	vld [tilespmem:s19+$0xFFFFFF30];
	v37 =	vadd.s32 v17, v40;
	v46 =	vshrl.u32 v46, $0x3  }
0x37f: {  	[tilespmem:v45+s23+$0x0] =	vst.idx.msk $0xffff, v34;
	v34 =	vmul.f32 $8.000000000e+00, v43;
	v43 =	vld [tilespmem:s19+$0xFFFFFF40];
	v45 =	vadd.s32 v18, v40;
	v46 =	vshll.u32 v46, v1  }
0x380: {  	s2 =	sadd.s32 $0x6, s6;
	s6 =	smov.u32 s14;
	[tilespmem:v41+s23+$0x0] =	vst.idx.msk $0xffff, v33;
	v33 =	vmul.f32 $8.000000000e+00, v39;
	v41 =	vadd.s32 v19, v40;
	v47 =	vld [tilespmem:s19+$0xFFFFFF50];
	v46 =	vbroadcast v46, $0x0  }
0x381: {  	v39 =	vmov s2;
	[tilespmem:v42+s23+$0x0] =	vst.idx.msk $0xffff, v34;
	v34 =	vmul.f32 $8.000000000e+00, v44;
	v42 =	vadd.s32 v20, v40;
	v44 =	vld [tilespmem:s19+$0xFFFFFF60]  }
0x382: {  	v39 =	vshrl.u32 v39, $0x3;
	[tilespmem:v36+s23+$0x0] =	vst.idx.msk $0xffff, v33;
	v38 =	vmul.f32 $8.000000000e+00, v38;
	v48 =	vld [tilespmem:s19+$0xFFFFFF70];
	v49 =	vadd.s32 v21, v46  }
.Ltmp12:
0x383: {  	v36 =	vadd.s32 v22, v46;
	[tilespmem:v37+s23+$0x0] =	vst.idx.msk $0xffff, v34;
	v34 =	vmul.f32 $8.000000000e+00, v35;
	v33 =	vld [tilespmem:s19+$0xFFFFFF80];
	v35 =	vshll.u32 v39, v1;
	(pc) =	sbr.rel @p1 .LBB2_23-.Ltmp12, $4  }
0x384: {  	s2 =	sadd.s32 $0x7, s14;
	[tilespmem:v45+s23+$0x0] =	vst.idx.msk $0xffff, v38;
	v43 =	vmul.f32 $8.000000000e+00, v43;
	v38 =	vadd.s32 v23, v46;
	v39 =	vld [tilespmem:s19+$0xFFFFFF90];
	v37 =	vbroadcast v35, $0x0  }
0x385: {  	v40 =	vadd.s32 v24, v46;
	v35 =	vmov s2;
	[tilespmem:v41+s23+$0x0] =	vst.idx.msk $0xffff, v34;
	v45 =	vmul.f32 $8.000000000e+00, v47;
	v41 =	vld [tilespmem:s19+$0xFFFFFFA0]  }
0x386: {  	v35 =	vshrl.u32 v35, $0x3;
	[tilespmem:v42+s23+$0x0] =	vst.idx.msk $0xffff, v43;
	v44 =	vmul.f32 $8.000000000e+00, v44;
	v34 =	vld [tilespmem:s19+$0xFFFFFFB0];
	v42 =	vadd.s32 v25, v37  }
0x387: {  	s14 =	sadd.s32 $0x8, s14;
	v46 =	vshll.u32 v35, v1;
	v43 =	vadd.s32 v26, v37;
	[tilespmem:v49+s23+$0x0] =	vst.idx.msk $0xffff, v45;
	v45 =	vmul.f32 $8.000000000e+00, v48;
	v35 =	vld [tilespmem:s19+$0xFFFFFFC0];
	s19 =	sadd.s32 $0x200, s19  }
0x388: {  	_ =	sdelay $0x3  }
0x389: {  	v47 =	vld [tilespmem:s19+$0xFFFFFFD0];
	v46 =	vbroadcast v46, $0x0;
	[tilespmem:v36+s23+$0x0] =	vst.idx.msk $0xffff, v44;
	v33 =	vmul.f32 $8.000000000e+00, v33;
	v36 =	vadd.s32 v27, v37  }
0x38a: {  	v59 =	vmov s6;
	v48 =	vld [tilespmem:s19+$0xFFFFFFE0];
	v61 =	vadd.s32 v28, v37;
	[tilespmem:v38+s23+$0x0] =	vst.idx.msk $0xffff, v45;
	v60 =	vmul.f32 $8.000000000e+00, v39  }
0x38b: {  	v44 =	vld [tilespmem:s19+$0xFFFFFFF0];
	v62 =	vshrl.u32 v59, $0x3;
	v63 =	vadd.s32 v29, v46;
	[tilespmem:v40+s23+$0x0] =	vst.idx.msk $0xffff, v33;
	v52 =	vmul.f32 $8.000000000e+00, v41  }
0x38c: {  	v39 =	vshll.u32 v62, v1;
	v40 =	vld [tilespmem:s19+$0x0];
	v53 =	vadd.s32 v30, v46;
	[tilespmem:v42+s23+$0x0] =	vst.idx.msk $0xffff, v60;
	v34 =	vmul.f32 $8.000000000e+00, v34  }
0x38d: {  	v54 =	vld [tilespmem:s19+$0xFFFFFE10];
	s2 =	sadd.s32 $0x1, s6;
	v55 =	vadd.s32 v31, v46;
	v39 =	vbroadcast v39, $0x0;
	[tilespmem:v43+s23+$0x0] =	vst.idx.msk $0xffff, v52;
	v56 =	vmul.f32 $8.000000000e+00, v35  }
0x38e: {  	v57 =	vld [tilespmem:s19+$0xFFFFFE20];
	v58 =	vmov s2;
	v46 =	vadd.s32 v32, v46;
	v47 =	vmul.f32 $8.000000000e+00, v47;
	[tilespmem:v36+s23+$0x0] =	vst.idx.msk $0xffff, v34  }
0x38f: {  	v59 =	vld [tilespmem:s19+$0xFFFFFE30];
	v43 =	vshrl.u32 v58, $0x3;
	v60 =	vadd.s32 v0, v39;
	v48 =	vmul.f32 $8.000000000e+00, v48;
	[tilespmem:v61+s23+$0x0] =	vst.idx.msk $0xffff, v56  }
0x390: {  	v62 =	vadd.s32 v2, v39;
	v43 =	vshll.u32 v43, v1;
	v44 =	vmul.f32 $8.000000000e+00, v44;
	v61 =	vld [tilespmem:s19+$0xFFFFFE40];
	[tilespmem:v63+s23+$0x0] =	vst.idx.msk $0xffff, v47  }
0x391: {  	s15 =	sadd.s32 $0x2, s6;
	v52 =	vld [tilespmem:s19+$0xFFFFFE50];
	v43 =	vbroadcast v43, $0x0;
	v63 =	vadd.s32 v3, v39;
	v40 =	vmul.f32 $8.000000000e+00, v40;
	[tilespmem:v53+s23+$0x0] =	vst.idx.msk $0xffff, v48  }
0x392: {  	v38 =	vmul.f32 $8.000000000e+00, v54;
	v54 =	vmov s15;
	v39 =	vadd.s32 v4, v39;
	v53 =	vld [tilespmem:s19+$0xFFFFFE60];
	[tilespmem:v55+s23+$0x0] =	vst.idx.msk $0xffff, v44  }
0x393: {  	v35 =	vmul.f32 $8.000000000e+00, v57;
	v56 =	vadd.s32 v5, v43;
	v48 =	vshrl.u32 v54, $0x3;
	v55 =	vld [tilespmem:s19+$0xFFFFFE70];
	[tilespmem:v46+s23+$0x0] =	vst.idx.msk $0xffff, v40  }
0x394: {  	v57 =	vld [tilespmem:s19+$0xFFFFFE80];
	v34 =	vmul.f32 $8.000000000e+00, v59;
	v58 =	vadd.s32 v6, v43;
	v59 =	vshll.u32 v48, v1;
	[tilespmem:v60+s23+$0x0] =	vst.idx.msk $0xffff, v38  }
0x395: {  	s31 =	sadd.s32 $0x3, s6;
	v60 =	vadd.s32 v7, v43;
	v40 =	vbroadcast v59, $0x0;
	[tilespmem:v62+s23+$0x0] =	vst.idx.msk $0xffff, v35;
	v33 =	vmul.f32 $8.000000000e+00, v61;
	v61 =	vld [tilespmem:s19+$0xFFFFFE90]  }
0x396: {  	v48 =	vmov s31;
	v43 =	vadd.s32 v8, v43;
	v62 =	vmul.f32 $8.000000000e+00, v52;
	[tilespmem:v63+s23+$0x0] =	vst.idx.msk $0xffff, v34;
	v63 =	vld [tilespmem:s19+$0xFFFFFEA0]  }
0x397: {  	v50 =	vld [tilespmem:s19+$0xFFFFFEB0];
	v46 =	vshrl.u32 v48, $0x3;
	v51 =	vadd.s32 v9, v40;
	[tilespmem:v39+s23+$0x0] =	vst.idx.msk $0xffff, v33;
	v49 =	vmul.f32 $8.000000000e+00, v53  }
0x398: {  	v46 =	vshll.u32 v46, v1;
	v54 =	vadd.s32 v10, v40;
	[tilespmem:v56+s23+$0x0] =	vst.idx.msk $0xffff, v62;
	v53 =	vld [tilespmem:s19+$0xFFFFFEC0];
	v52 =	vmul.f32 $8.000000000e+00, v55  }
0x399: {  	s14 =	sadd.s32 $0x4, s6;
	v46 =	vbroadcast v46, $0x0;
	v56 =	vadd.s32 v11, v40;
	v55 =	vmul.f32 $8.000000000e+00, v57;
	v57 =	vld [tilespmem:s19+$0xFFFFFED0];
	[tilespmem:v58+s23+$0x0] =	vst.idx.msk $0xffff, v49  }
0x39a: {  	v59 =	vadd.s32 v12, v40;
	[tilespmem:v60+s23+$0x0] =	vst.idx.msk $0xffff, v52;
	v58 =	vmul.f32 $8.000000000e+00, v61;
	v60 =	vld [tilespmem:s19+$0xFFFFFEE0];
	v61 =	vmov s14  }
0x39b: {  	v48 =	vadd.s32 v13, v46;
	[tilespmem:v43+s23+$0x0] =	vst.idx.msk $0xffff, v55;
	v62 =	vmul.f32 $8.000000000e+00, v63;
	v63 =	vld [tilespmem:s19+$0xFFFFFEF0];
	v40 =	vshrl.u32 v61, $0x3  }
0x39c: {  	v49 =	vmul.f32 $8.000000000e+00, v50;
	v50 =	vld [tilespmem:s19+$0xFFFFFF00];
	[tilespmem:v51+s23+$0x0] =	vst.idx.msk $0xffff, v58;
	v51 =	vadd.s32 v14, v46;
	v40 =	vshll.u32 v40, v1  }
0x39d: {  	s15 =	sadd.s32 $0x5, s6;
	v52 =	vmul.f32 $8.000000000e+00, v53;
	v53 =	vadd.s32 v15, v46;
	[tilespmem:v54+s23+$0x0] =	vst.idx.msk $0xffff, v62;
	v54 =	vld [tilespmem:s19+$0xFFFFFF10];
	v40 =	vbroadcast v40, $0x0  }
0x39e: {  	v58 =	vmov s15;
	v55 =	vmul.f32 $8.000000000e+00, v57;
	v57 =	vld [tilespmem:s19+$0xFFFFFF20];
	[tilespmem:v56+s23+$0x0] =	vst.idx.msk $0xffff, v49;
	v56 =	vadd.s32 v16, v46  }
0x39f: {  	v46 =	vshrl.u32 v58, $0x3;
	[tilespmem:v59+s23+$0x0] =	vst.idx.msk $0xffff, v52;
	v59 =	vmul.f32 $8.000000000e+00, v60;
	v60 =	vld [tilespmem:s19+$0xFFFFFF30];
	v61 =	vadd.s32 v17, v40  }
0x3a0: {  	[tilespmem:v48+s23+$0x0] =	vst.idx.msk $0xffff, v55;
	v48 =	vadd.s32 v18, v40;
	v46 =	vshll.u32 v46, v1;
	v62 =	vmul.f32 $8.000000000e+00, v63;
	v63 =	vld [tilespmem:s19+$0xFFFFFF40]  }
0x3a1: {  	s31 =	sadd.s32 $0x6, s6;
	v49 =	vmul.f32 $8.000000000e+00, v50;
	v50 =	vadd.s32 v19, v40;
	v46 =	vbroadcast v46, $0x0;
	[tilespmem:v51+s23+$0x0] =	vst.idx.msk $0xffff, v59;
	v51 =	vld [tilespmem:s19+$0xFFFFFF50]  }
0x3a2: {  	v40 =	vadd.s32 v20, v40;
	[tilespmem:v53+s23+$0x0] =	vst.idx.msk $0xffff, v62;
	v52 =	vmul.f32 $8.000000000e+00, v54;
	v53 =	vld [tilespmem:s19+$0xFFFFFF60];
	v54 =	vmov s31  }
0x3a3: {  	v55 =	vmul.f32 $8.000000000e+00, v57;
	v57 =	vadd.s32 v21, v46;
	[tilespmem:v56+s23+$0x0] =	vst.idx.msk $0xffff, v49;
	v56 =	vld [tilespmem:s19+$0xFFFFFF70];
	v44 =	vshrl.u32 v54, $0x3  }
0x3a4: {  	v59 =	vld [tilespmem:s19+$0xFFFFFF80];
	[tilespmem:v61+s23+$0x0] =	vst.idx.msk $0xffff, v52;
	v58 =	vmul.f32 $8.000000000e+00, v60;
	v60 =	vadd.s32 v22, v46;
	v44 =	vshll.u32 v44, v1  }
0x3a5: {  	v62 =	vadd.s32 v23, v46;
	[tilespmem:v48+s23+$0x0] =	vst.idx.msk $0xffff, v55;
	v61 =	vmul.f32 $8.000000000e+00, v63;
	v63 =	vld [tilespmem:s19+$0xFFFFFF90];
	v44 =	vbroadcast v44, $0x0  }
0x3a6: {  	v49 =	vadd.s32 v24, v46;
	[tilespmem:v50+s23+$0x0] =	vst.idx.msk $0xffff, v58;
	v48 =	vmul.f32 $8.000000000e+00, v51;
	v50 =	vld [tilespmem:s19+$0xFFFFFFA0]  }
0x3a7: {  	v52 =	vld [tilespmem:s19+$0xFFFFFFB0];
	[tilespmem:v40+s23+$0x0] =	vst.idx.msk $0xffff, v61;
	v51 =	vmul.f32 $8.000000000e+00, v53;
	v53 =	vadd.s32 v25, v44  }
0x3a8: {  	v55 =	vld [tilespmem:s19+$0xFFFFFFC0];
	[tilespmem:v57+s23+$0x0] =	vst.idx.msk $0xffff, v48;
	v54 =	vmul.f32 $8.000000000e+00, v56;
	v56 =	vadd.s32 v26, v44  }
0x3a9: {  	v58 =	vadd.s32 v27, v44;
	v57 =	vmul.f32 $8.000000000e+00, v59;
	[tilespmem:v60+s23+$0x0] =	vst.idx.msk $0xffff, v51  }
0x3aa: {  	v60 =	vadd.s32 v28, v44;
	[tilespmem:v62+s23+$0x0] =	vst.idx.msk $0xffff, v54;
	v59 =	vmul.f32 $8.000000000e+00, v63  }
0x3ab: {  	[tilespmem:v49+s23+$0x0] =	vst.idx.msk $0xffff, v57;
	v61 =	vmul.f32 $8.000000000e+00, v50  }
0x3ac: {  	v62 =	vmul.f32 $8.000000000e+00, v52;
	[tilespmem:v53+s23+$0x0] =	vst.idx.msk $0xffff, v59  }
0x3ad: {  	v63 =	vmul.f32 $8.000000000e+00, v55;
	[tilespmem:v56+s23+$0x0] =	vst.idx.msk $0xffff, v61  }
0x3ae: {  	[tilespmem:v58+s23+$0x0] =	vst.idx.msk $0xffff, v62  }
0x3af: {  	s2 =	sadd.s32 s0, s11;
	s6 =	simm.s32 $0x18600;
	[tilespmem:v60+s23+$0x0] =	vst.idx.msk $0xffff, v63  }
0x3b0: {  	[hbm4b:s2+s3] =	stream.linear.scatter [tilespmem:s6], [sflag:$0x6], $0x80, $0x38;
	[tilespmem:$0x1A800] =	vst v63  }
0x3b1: {  	s14 =	simm.s32 $0x18688;
	s15 =	sadd.s32 $0x10, s2  }
0x3b2: {  	[hbm4b:s15+s3] =	stream.linear.scatter [tilespmem:s14], [sflag:$0x6], $0x80, $0x38;
	[tilespmem:$0x1A800] =	vst v63  }
0x3b3: {  	s31 =	sadd.s32 $0x20, s2;
	s19 =	simm.s32 $0x18710  }
0x3b4: {  	[hbm4b:s31+s3] =	stream.linear.scatter [tilespmem:s19], [sflag:$0x6], $0x80, $0x38;
	[tilespmem:$0x1A800] =	vst v63  }
0x3b5: {  	s14 =	simm.s32 $0x18798;
	s15 =	sadd.s32 $0x30, s2  }
0x3b6: {  	[hbm4b:s15+s3] =	stream.linear.scatter [tilespmem:s14], [sflag:$0x6], $0x80, $0x38;
	[tilespmem:$0x1A800] =	vst v63  }
0x3b7: {  	s19 =	simm.s32 $0x18820;
	s31 =	sadd.s32 $0x40, s2  }
0x3b8: {  	[hbm4b:s31+s3] =	stream.linear.scatter [tilespmem:s19], [sflag:$0x6], $0x80, $0x38;
	[tilespmem:$0x1A800] =	vst v63  }
0x3b9: {  	s0 =	simm.s32 $0x440;
	s14 =	simm.s32 $0x188A8;
	s15 =	sadd.s32 $0x50, s2  }
0x3ba: {  	[hbm4b:s15+s3] =	stream.linear.scatter [tilespmem:s14], [sflag:$0x6], $0x80, $0x38;
	[tilespmem:$0x1A800] =	vst v63  }
0x3bb: {  	s6 =	sadd.s32 $0x1000, s2;
	s19 =	simm.s32 $0x18930;
	s31 =	sadd.s32 $0x60, s2  }
0x3bc: {  	[hbm4b:s31+s3] =	stream.linear.scatter [tilespmem:s19], [sflag:$0x6], $0x80, $0x38;
	[tilespmem:$0x1A800] =	vst v63  }
0x3bd: {  	s14 =	simm.s32 $0x2200;
	s15 =	simm.s32 $0x189B8;
	s19 =	sadd.s32 $0x70, s2  }
.LBB2_25:
0x3be: {  	[hbm4b:s19+s3] =	stream.linear.scatter [tilespmem:s15], [sflag:$0x6], $0x80, $0x38;
	[tilespmem:$0x1A800] =	vst v63  }
0x3bf: {  	s2 =	smov.u32 s0;
	s0 =	smov.u32 s14  }
0x3c0: {  	s31 =	sadd.s32 $0x1100, s14;
	s0 =	sshra.s32 s0, $0x2;
	s15 =	sadd.s32 $0x18600, s2  }
0x3c1: {  	[hbm4b:s6+s3] =	stream.linear.scatter [tilespmem:s15], [sflag:$0x6], $0x80, $0x38;
	[tilespmem:$0x1A800] =	vst v63  }
0x3c2: {  	p1 =	sne.s32 s14, $0x7700;
	s14 =	sadd.s32 $0x18688, s2;
	s15 =	sadd.s32 $0x10, s6  }
0x3c3: {  	[hbm4b:s15+s3] =	stream.linear.scatter [tilespmem:s14], [sflag:$0x6], $0x80, $0x38;
	[tilespmem:$0x1A800] =	vst v63  }
0x3c4: {  	s14 =	sadd.s32 $0x18710, s2;
	s15 =	sadd.s32 $0x20, s6  }
0x3c5: {  	[hbm4b:s15+s3] =	stream.linear.scatter [tilespmem:s14], [sflag:$0x6], $0x80, $0x38;
	[tilespmem:$0x1A800] =	vst v63  }
0x3c6: {  	s14 =	sadd.s32 $0x18798, s2;
	s15 =	sadd.s32 $0x30, s6  }
0x3c7: {  	[hbm4b:s15+s3] =	stream.linear.scatter [tilespmem:s14], [sflag:$0x6], $0x80, $0x38;
	[tilespmem:$0x1A800] =	vst v63  }
0x3c8: {  	s14 =	sadd.s32 $0x18820, s2;
	s15 =	sadd.s32 $0x40, s6  }
0x3c9: {  	[hbm4b:s15+s3] =	stream.linear.scatter [tilespmem:s14], [sflag:$0x6], $0x80, $0x38;
	[tilespmem:$0x1A800] =	vst v63  }
.Ltmp13:
0x3ca: {  	s14 =	sadd.s32 $0x188A8, s2;
	s15 =	sadd.s32 $0x50, s6;
	(pc) =	sbr.rel @p1 .LBB2_25-.Ltmp13, $4  }
0x3cb: {  	[hbm4b:s15+s3] =	stream.linear.scatter [tilespmem:s14], [sflag:$0x6], $0x80, $0x38;
	[tilespmem:$0x1A800] =	vst v63  }
0x3cc: {  	s19 =	sadd.s32 $0x70, s6;
	s14 =	sadd.s32 $0x18930, s2;
	s15 =	sadd.s32 $0x60, s6  }
0x3cd: {  	[hbm4b:s15+s3] =	stream.linear.scatter [tilespmem:s14], [sflag:$0x6], $0x80, $0x38;
	[tilespmem:$0x1A800] =	vst v63  }
0x3ce: {  	s6 =	sadd.s32 $0x1000, s6;
	s15 =	sadd.s32 $0x189B8, s2;
	s14 =	smov.u32 s31  }
0x3cf: {  	[hbm4b:s19+s3] =	stream.linear.scatter [tilespmem:s15], [sflag:$0x6], $0x80, $0x38;
	[tilespmem:$0x1A800] =	vst v63  }
0x3d0: {  	s2 =	sadd.s32 $0x18600, s0  }
0x3d1: {  	[hbm4b:s6+s3] =	stream.linear.scatter [tilespmem:s2], [sflag:$0x6], $0x80, $0x38;
	[tilespmem:$0x1A800] =	vst v63  }
0x3d2: {  	s15 =	sadd.s32 $0x18688, s0;
	s14 =	sadd.s32 $0x10, s6  }
0x3d3: {  	[hbm4b:s14+s3] =	stream.linear.scatter [tilespmem:s15], [sflag:$0x6], $0x80, $0x38;
	[tilespmem:$0x1A800] =	vst v63  }
0x3d4: {  	s19 =	sadd.s32 $0x18710, s0;
	s31 =	sadd.s32 $0x20, s6  }
0x3d5: {  	[hbm4b:s31+s3] =	stream.linear.scatter [tilespmem:s19], [sflag:$0x6], $0x80, $0x38;
	[tilespmem:$0x1A800] =	vst v63  }
0x3d6: {  	s14 =	sadd.s32 $0x18798, s0;
	s15 =	sadd.s32 $0x30, s6  }
0x3d7: {  	[hbm4b:s15+s3] =	stream.linear.scatter [tilespmem:s14], [sflag:$0x6], $0x80, $0x38;
	[tilespmem:$0x1A800] =	vst v63  }
0x3d8: {  	s19 =	sadd.s32 $0x18820, s0;
	s31 =	sadd.s32 $0x40, s6  }
0x3d9: {  	[hbm4b:s31+s3] =	stream.linear.scatter [tilespmem:s19], [sflag:$0x6], $0x80, $0x38;
	[tilespmem:$0x1A800] =	vst v63  }
0x3da: {  	s14 =	sadd.s32 $0x188A8, s0;
	s15 =	sadd.s32 $0x50, s6  }
0x3db: {  	[hbm4b:s15+s3] =	stream.linear.scatter [tilespmem:s14], [sflag:$0x6], $0x80, $0x38;
	[tilespmem:$0x1A800] =	vst v63  }
0x3dc: {  	s19 =	sadd.s32 $0x18930, s0;
	s31 =	sadd.s32 $0x60, s6  }
0x3dd: {  	[hbm4b:s31+s3] =	stream.linear.scatter [tilespmem:s19], [sflag:$0x6], $0x80, $0x38;
	[tilespmem:$0x1A800] =	vst v63  }
0x3de: {  	s14 =	sadd.s32 $0x189B8, s0;
	s15 =	sadd.s32 $0x70, s6  }
0x3df: {  	[hbm4b:s15+s3] =	stream.linear.scatter [tilespmem:s14], [sflag:$0x6], $0x80, $0x38;
	[tilespmem:$0x1A800] =	vst v63  }
0x3e0: {  	s2 =	simm.s32 @!p0 $0x100;
	s0 =	sadd.s32 @!p0 $0x500, s18;
	s6 =	simm.s32 @!p0 $0xA400  }
0x3e1: {  	[tilespmem:s6], [sflag:$0x2] =	stream.indirect.gather @!p0 [hbm4b:s4+s2], $0x40, s0, s2, $0xb8;
	[tilespmem:$0x1A800] =	vst v63  }
0x3e2: {  	_ =	swait.ge [sflag:s30], $0x4000  }
0x3e3: {  	[sflag:s30] =	ssyncset.done $0x0  }
0x3e4: {  	s18 =	simm.s32 $0x7;
	[sflag:s30] =	ssyncadd.s32 $0xFFFFC000  }
0x3e5: {  	v33 =	vmov s18;
	s19 =	simm.s32 $0x0;
	_ =	swait.ge [sflag:s26], $0x2000  }
0x3e6: {  	v33 =	vshrl.u32 v33, $0x3;
	v35 =	vmov s19;
	[sflag:s26] =	ssyncset.done $0x0  }
0x3e7: {  	v33 =	vshll.u32 v33, v1;
	v35 =	vshrl.u32 v35, $0x3;
	s0 =	simm.s32 $0x12500;
	[sflag:s26] =	ssyncadd.s32 $0xFFFFE000  }
0x3e8: {  	v33 =	vbroadcast v33, $0x0;
	v35 =	vshll.u32 v35, v1;
	v34 =	vld [tilespmem:s0+$0xC0]  }
0x3e9: {  	v35 =	vbroadcast v35, $0x0;
	v41 =	vld [tilespmem:s0+$0xFFFFFF00]  }
0x3ea: {  	v38 =	vadd.s32 v29, v33;
	v36 =	vld [tilespmem:s0+$0xD0]  }
0x3eb: {  	v46 =	vadd.s32 v0, v35;
	v43 =	vld [tilespmem:s0+$0xFFFFFF10]  }
0x3ec: {  	s31 =	simm.s32 $0x1;
	v40 =	vadd.s32 v30, v33;
	v37 =	vld [tilespmem:s0+$0xE0]  }
0x3ed: {  	v44 =	vmov s31;
	v48 =	vadd.s32 v2, v35;
	v45 =	vld [tilespmem:s0+$0xFFFFFF20];
	v34 =	vmul.f32 $8.000000000e+00, v34  }
0x3ee: {  	v44 =	vshrl.u32 v44, $0x3;
	v42 =	vadd.s32 v31, v33;
	v39 =	vld [tilespmem:s0+$0xF0];
	v50 =	vmul.f32 $8.000000000e+00, v41  }
0x3ef: {  	v44 =	vshll.u32 v44, v1;
	v62 =	vadd.s32 v3, v35;
	v47 =	vld [tilespmem:s0+$0xFFFFFF30];
	v36 =	vmul.f32 $8.000000000e+00, v36;
	[tilespmem:v38+s22+$0x0] =	vst.idx.msk $0xffff, v34  }
0x3f0: {  	v33 =	vadd.s32 v32, v33;
	v44 =	vbroadcast v44, $0x0;
	s6 =	simm.s32 $0x2;
	v63 =	vld [tilespmem:s0+$0xFFFFFF40];
	v53 =	vmul.f32 $8.000000000e+00, v43;
	[tilespmem:v46+s22+$0x0] =	vst.idx.msk $0xffff, v50  }
0x3f1: {  	v52 =	vmov s6;
	v35 =	vadd.s32 v4, v35;
	v51 =	vld [tilespmem:s0+$0xFFFFFF50];
	v61 =	vmul.f32 $8.000000000e+00, v37;
	[tilespmem:v40+s22+$0x0] =	vst.idx.msk $0xffff, v36  }
0x3f2: {  	v55 =	vadd.s32 v5, v44;
	v54 =	vld [tilespmem:s0+$0xFFFFFF60];
	v41 =	vshrl.u32 v52, $0x3;
	v56 =	vmul.f32 $8.000000000e+00, v45;
	[tilespmem:v48+s22+$0x0] =	vst.idx.msk $0xffff, v53  }
0x3f3: {  	v58 =	vadd.s32 v6, v44;
	v57 =	vld [tilespmem:s0+$0xFFFFFF70];
	v49 =	vmul.f32 $8.000000000e+00, v39;
	v41 =	vshll.u32 v41, v1;
	[tilespmem:v42+s22+$0x0] =	vst.idx.msk $0xffff, v61  }
0x3f4: {  	s14 =	simm.s32 $0x3;
	v60 =	vadd.s32 v7, v44;
	v59 =	vmul.f32 $8.000000000e+00, v47;
	v41 =	vbroadcast v41, $0x0;
	v61 =	vld [tilespmem:s0+$0xFFFFFF80];
	[tilespmem:v62+s22+$0x0] =	vst.idx.msk $0xffff, v56  }
0x3f5: {  	v48 =	vld [tilespmem:s0+$0xFFFFFF90];
	v62 =	vmul.f32 $8.000000000e+00, v63;
	v63 =	vadd.s32 v8, v44;
	[tilespmem:v33+s22+$0x0] =	vst.idx.msk $0xffff, v49;
	v49 =	vmov s14  }
0x3f6: {  	v50 =	vmul.f32 $8.000000000e+00, v51;
	v51 =	vld [tilespmem:s0+$0xFFFFFFA0];
	v52 =	vadd.s32 v9, v41;
	[tilespmem:v35+s22+$0x0] =	vst.idx.msk $0xffff, v59;
	v44 =	vshrl.u32 v49, $0x3  }
0x3f7: {  	v53 =	vmul.f32 $8.000000000e+00, v54;
	v54 =	vld [tilespmem:s0+$0xFFFFFFB0];
	[tilespmem:v55+s22+$0x0] =	vst.idx.msk $0xffff, v62;
	v55 =	vadd.s32 v10, v41;
	v44 =	vshll.u32 v44, v1  }
0x3f8: {  	s15 =	simm.s32 $0x4;
	v56 =	vmul.f32 $8.000000000e+00, v57;
	v57 =	vadd.s32 v11, v41;
	[tilespmem:v58+s22+$0x0] =	vst.idx.msk $0xffff, v50;
	v58 =	vld [tilespmem:s0+$0xFFFFFFC0];
	v44 =	vbroadcast v44, $0x0  }
0x3f9: {  	v41 =	vadd.s32 v12, v41;
	[tilespmem:v60+s22+$0x0] =	vst.idx.msk $0xffff, v53;
	v60 =	vld [tilespmem:s0+$0xFFFFFFD0];
	v59 =	vmul.f32 $8.000000000e+00, v61;
	v61 =	vmov s15  }
0x3fa: {  	v62 =	vmul.f32 $8.000000000e+00, v48;
	[tilespmem:v63+s22+$0x0] =	vst.idx.msk $0xffff, v56;
	v63 =	vld [tilespmem:s0+$0xFFFFFFE0];
	v48 =	vadd.s32 v13, v44;
	v46 =	vshrl.u32 v61, $0x3  }
0x3fb: {  	v49 =	vmul.f32 $8.000000000e+00, v51;
	v50 =	vld [tilespmem:s0+$0xFFFFFFF0];
	v51 =	vadd.s32 v14, v44;
	[tilespmem:v52+s22+$0x0] =	vst.idx.msk $0xffff, v59;
	v46 =	vshll.u32 v46, v1  }
0x3fc: {  	s18 =	simm.s32 $0x5;
	v53 =	vadd.s32 v15, v44;
	v52 =	vmul.f32 $8.000000000e+00, v54;
	v54 =	vld [tilespmem:s0+$0x0];
	[tilespmem:v55+s22+$0x0] =	vst.idx.msk $0xffff, v62;
	v46 =	vbroadcast v46, $0x0  }
0x3fd: {  	v56 =	vadd.s32 v16, v44;
	v55 =	vmul.f32 $8.000000000e+00, v58;
	v58 =	vmov s18;
	[tilespmem:v57+s22+$0x0] =	vst.idx.msk $0xffff, v49;
	v57 =	vld [tilespmem:s0+$0x10]  }
0x3fe: {  	v59 =	vmul.f32 $8.000000000e+00, v60;
	v44 =	vshrl.u32 v58, $0x3;
	[tilespmem:v41+s22+$0x0] =	vst.idx.msk $0xffff, v52;
	v41 =	vld [tilespmem:s0+$0x20];
	v45 =	vadd.s32 v17, v46  }
0x3ff: {  	v37 =	vld [tilespmem:s0+$0x30];
	v60 =	vmul.f32 $8.000000000e+00, v63;
	v61 =	vadd.s32 v18, v46;
	v44 =	vshll.u32 v44, v1;
	[tilespmem:v48+s22+$0x0] =	vst.idx.msk $0xffff, v55  }
0x400: {  	s19 =	simm.s32 $0x6;
	v62 =	vmul.f32 $8.000000000e+00, v50;
	v35 =	vadd.s32 v19, v46;
	v63 =	vld [tilespmem:s0+$0x40];
	v44 =	vbroadcast v44, $0x0;
	[tilespmem:v51+s22+$0x0] =	vst.idx.msk $0xffff, v59  }
0x401: {  	v55 =	vmov s19;
	v52 =	vmul.f32 $8.000000000e+00, v54;
	v54 =	vld [tilespmem:s0+$0x50];
	[tilespmem:v53+s22+$0x0] =	vst.idx.msk $0xffff, v60;
	v53 =	vadd.s32 v20, v46  }
0x402: {  	v59 =	vshrl.u32 v55, $0x3;
	v58 =	vadd.s32 v21, v44;
	[tilespmem:v56+s22+$0x0] =	vst.idx.msk $0xffff, v62;
	v56 =	vmul.f32 $8.000000000e+00, v57;
	v57 =	vld [tilespmem:s0+$0x60]  }
0x403: {  	v33 =	vld [tilespmem:s0+$0x70];
	v36 =	vadd.s32 v22, v44;
	v60 =	vshll.u32 v59, v1;
	[tilespmem:v45+s22+$0x0] =	vst.idx.msk $0xffff, v52;
	v41 =	vmul.f32 $8.000000000e+00, v41  }
0x404: {  	s31 =	simm.s32 $0xF;
	v39 =	vld [tilespmem:s0+$0x80];
	v38 =	vadd.s32 v23, v44;
	[tilespmem:v61+s22+$0x0] =	vst.idx.msk $0xffff, v56;
	v61 =	vmul.f32 $8.000000000e+00, v37;
	v37 =	vbroadcast v60, $0x0  }
0x405: {  	v40 =	vadd.s32 v24, v44;
	v62 =	vmov s31;
	v63 =	vmul.f32 $8.000000000e+00, v63;
	[tilespmem:v35+s22+$0x0] =	vst.idx.msk $0xffff, v41;
	v41 =	vld [tilespmem:s0+$0x90]  }
0x406: {  	v34 =	vld [tilespmem:s0+$0xA0];
	v45 =	vshrl.u32 v62, $0x3;
	v44 =	vmul.f32 $8.000000000e+00, v54;
	[tilespmem:v53+s22+$0x0] =	vst.idx.msk $0xffff, v61;
	v42 =	vadd.s32 v25, v37  }
0x407: {  	s6 =	simm.s32 $0x8;
	s14 =	simm.s32 $0x10;
	v46 =	vshll.u32 v45, v1;
	v35 =	vld [tilespmem:s0+$0xB0];
	s0 =	simm.s32 $0x12700;
	[tilespmem:v58+s22+$0x0] =	vst.idx.msk $0xffff, v63;
	v43 =	vadd.s32 v26, v37;
	v45 =	vmul.f32 $8.000000000e+00, v57  }
.LBB2_27:
0x408: {  	p1 =	slt.u32 s14, $0x78;
	v47 =	vld [tilespmem:s0+$0xC0];
	v46 =	vbroadcast v46, $0x0;
	[tilespmem:v36+s22+$0x0] =	vst.idx.msk $0xffff, v44;
	v33 =	vmul.f32 $8.000000000e+00, v33;
	v36 =	vadd.s32 v27, v37  }
0x409: {  	v44 =	vmov s6;
	v37 =	vadd.s32 v28, v37;
	v48 =	vld [tilespmem:s0+$0xD0];
	[tilespmem:v38+s22+$0x0] =	vst.idx.msk $0xffff, v45;
	v38 =	vmul.f32 $8.000000000e+00, v39  }
0x40a: {  	v39 =	vshrl.u32 v44, $0x3;
	v44 =	vld [tilespmem:s0+$0xE0];
	v45 =	vadd.s32 v29, v46;
	[tilespmem:v40+s22+$0x0] =	vst.idx.msk $0xffff, v33;
	v33 =	vmul.f32 $8.000000000e+00, v41  }
0x40b: {  	v39 =	vshll.u32 v39, v1;
	v41 =	vadd.s32 v30, v46;
	v40 =	vld [tilespmem:s0+$0xF0];
	[tilespmem:v42+s22+$0x0] =	vst.idx.msk $0xffff, v38;
	v34 =	vmul.f32 $8.000000000e+00, v34  }
0x40c: {  	s2 =	sadd.s32 $0x1, s6;
	v39 =	vbroadcast v39, $0x0;
	v42 =	vadd.s32 v31, v46;
	v38 =	vld [tilespmem:s0+$0xFFFFFF00];
	[tilespmem:v43+s22+$0x0] =	vst.idx.msk $0xffff, v33;
	v33 =	vmul.f32 $8.000000000e+00, v35  }
0x40d: {  	v46 =	vadd.s32 v32, v46;
	v43 =	vmov s2;
	v35 =	vld [tilespmem:s0+$0xFFFFFF10];
	v47 =	vmul.f32 $8.000000000e+00, v47;
	[tilespmem:v36+s22+$0x0] =	vst.idx.msk $0xffff, v34  }
0x40e: {  	v36 =	vadd.s32 v0, v39;
	v43 =	vshrl.u32 v43, $0x3;
	v34 =	vld [tilespmem:s0+$0xFFFFFF20];
	v48 =	vmul.f32 $8.000000000e+00, v48;
	[tilespmem:v37+s22+$0x0] =	vst.idx.msk $0xffff, v33  }
0x40f: {  	v37 =	vadd.s32 v2, v39;
	v43 =	vshll.u32 v43, v1;
	v33 =	vld [tilespmem:s0+$0xFFFFFF30];
	[tilespmem:v45+s22+$0x0] =	vst.idx.msk $0xffff, v47;
	v44 =	vmul.f32 $8.000000000e+00, v44  }
0x410: {  	s2 =	sadd.s32 $0x2, s6;
	v45 =	vadd.s32 v3, v39;
	v43 =	vbroadcast v43, $0x0;
	v47 =	vld [tilespmem:s0+$0xFFFFFF40];
	[tilespmem:v41+s22+$0x0] =	vst.idx.msk $0xffff, v48;
	v40 =	vmul.f32 $8.000000000e+00, v40  }
0x411: {  	v39 =	vadd.s32 v4, v39;
	v48 =	vmov s2;
	v38 =	vmul.f32 $8.000000000e+00, v38;
	v41 =	vld [tilespmem:s0+$0xFFFFFF50];
	[tilespmem:v42+s22+$0x0] =	vst.idx.msk $0xffff, v44  }
0x412: {  	v44 =	vadd.s32 v5, v43;
	v48 =	vshrl.u32 v48, $0x3;
	v35 =	vmul.f32 $8.000000000e+00, v35;
	v42 =	vld [tilespmem:s0+$0xFFFFFF60];
	[tilespmem:v46+s22+$0x0] =	vst.idx.msk $0xffff, v40  }
0x413: {  	v40 =	vshll.u32 v48, v1;
	[tilespmem:v36+s22+$0x0] =	vst.idx.msk $0xffff, v38;
	v34 =	vmul.f32 $8.000000000e+00, v34;
	v36 =	vld [tilespmem:s0+$0xFFFFFF70];
	v38 =	vadd.s32 v6, v43  }
0x414: {  	s2 =	sadd.s32 $0x3, s6;
	v40 =	vbroadcast v40, $0x0;
	[tilespmem:v37+s22+$0x0] =	vst.idx.msk $0xffff, v35;
	v33 =	vmul.f32 $8.000000000e+00, v33;
	v35 =	vadd.s32 v7, v43;
	v37 =	vld [tilespmem:s0+$0xFFFFFF80]  }
0x415: {  	v46 =	vmov s2;
	v43 =	vadd.s32 v8, v43;
	[tilespmem:v45+s22+$0x0] =	vst.idx.msk $0xffff, v34;
	v34 =	vmul.f32 $8.000000000e+00, v47;
	v45 =	vld [tilespmem:s0+$0xFFFFFF90]  }
0x416: {  	v46 =	vshrl.u32 v46, $0x3;
	[tilespmem:v39+s22+$0x0] =	vst.idx.msk $0xffff, v33;
	v33 =	vmul.f32 $8.000000000e+00, v41;
	v39 =	vld [tilespmem:s0+$0xFFFFFFA0];
	v41 =	vadd.s32 v9, v40  }
0x417: {  	v46 =	vshll.u32 v46, v1;
	[tilespmem:v44+s22+$0x0] =	vst.idx.msk $0xffff, v34;
	v34 =	vmul.f32 $8.000000000e+00, v42;
	v42 =	vld [tilespmem:s0+$0xFFFFFFB0];
	v44 =	vadd.s32 v10, v40  }
0x418: {  	s2 =	sadd.s32 $0x4, s6;
	v46 =	vbroadcast v46, $0x0;
	[tilespmem:v38+s22+$0x0] =	vst.idx.msk $0xffff, v33;
	v33 =	vmul.f32 $8.000000000e+00, v36;
	v36 =	vadd.s32 v11, v40;
	v38 =	vld [tilespmem:s0+$0xFFFFFFC0]  }
0x419: {  	[tilespmem:v35+s22+$0x0] =	vst.idx.msk $0xffff, v34;
	v34 =	vmul.f32 $8.000000000e+00, v37;
	v35 =	vadd.s32 v12, v40;
	v37 =	vld [tilespmem:s0+$0xFFFFFFD0];
	v40 =	vmov s2  }
0x41a: {  	[tilespmem:v43+s22+$0x0] =	vst.idx.msk $0xffff, v33;
	v33 =	vmul.f32 $8.000000000e+00, v45;
	v43 =	vld [tilespmem:s0+$0xFFFFFFE0];
	v45 =	vadd.s32 v13, v46;
	v40 =	vshrl.u32 v40, $0x3  }
0x41b: {  	[tilespmem:v41+s22+$0x0] =	vst.idx.msk $0xffff, v34;
	v34 =	vmul.f32 $8.000000000e+00, v39;
	v39 =	vld [tilespmem:s0+$0xFFFFFFF0];
	v41 =	vadd.s32 v14, v46;
	v40 =	vshll.u32 v40, v1  }
0x41c: {  	s2 =	sadd.s32 $0x5, s6;
	[tilespmem:v44+s22+$0x0] =	vst.idx.msk $0xffff, v33;
	v33 =	vmul.f32 $8.000000000e+00, v42;
	v42 =	vadd.s32 v15, v46;
	v44 =	vld [tilespmem:s0+$0x0];
	v40 =	vbroadcast v40, $0x0  }
0x41d: {  	[tilespmem:v36+s22+$0x0] =	vst.idx.msk $0xffff, v34;
	v34 =	vmul.f32 $8.000000000e+00, v38;
	v36 =	vadd.s32 v16, v46;
	v38 =	vld [tilespmem:s0+$0x10];
	v46 =	vmov s2  }
0x41e: {  	[tilespmem:v35+s22+$0x0] =	vst.idx.msk $0xffff, v33;
	v33 =	vmul.f32 $8.000000000e+00, v37;
	v35 =	vld [tilespmem:s0+$0x20];
	v37 =	vadd.s32 v17, v40;
	v46 =	vshrl.u32 v46, $0x3  }
0x41f: {  	[tilespmem:v45+s22+$0x0] =	vst.idx.msk $0xffff, v34;
	v34 =	vmul.f32 $8.000000000e+00, v43;
	v43 =	vld [tilespmem:s0+$0x30];
	v45 =	vadd.s32 v18, v40;
	v46 =	vshll.u32 v46, v1  }
0x420: {  	s2 =	sadd.s32 $0x6, s6;
	s6 =	smov.u32 s14;
	[tilespmem:v41+s22+$0x0] =	vst.idx.msk $0xffff, v33;
	v33 =	vmul.f32 $8.000000000e+00, v39;
	v41 =	vadd.s32 v19, v40;
	v47 =	vld [tilespmem:s0+$0x40];
	v46 =	vbroadcast v46, $0x0  }
0x421: {  	v39 =	vmov s2;
	[tilespmem:v42+s22+$0x0] =	vst.idx.msk $0xffff, v34;
	v34 =	vmul.f32 $8.000000000e+00, v44;
	v42 =	vadd.s32 v20, v40;
	v44 =	vld [tilespmem:s0+$0x50]  }
0x422: {  	v39 =	vshrl.u32 v39, $0x3;
	[tilespmem:v36+s22+$0x0] =	vst.idx.msk $0xffff, v33;
	v38 =	vmul.f32 $8.000000000e+00, v38;
	v48 =	vld [tilespmem:s0+$0x60];
	v49 =	vadd.s32 v21, v46  }
.Ltmp14:
0x423: {  	v36 =	vadd.s32 v22, v46;
	[tilespmem:v37+s22+$0x0] =	vst.idx.msk $0xffff, v34;
	v34 =	vmul.f32 $8.000000000e+00, v35;
	v33 =	vld [tilespmem:s0+$0x70];
	v35 =	vshll.u32 v39, v1;
	(pc) =	sbr.rel @p1 .LBB2_27-.Ltmp14, $4  }
0x424: {  	s2 =	sadd.s32 $0x7, s14;
	[tilespmem:v45+s22+$0x0] =	vst.idx.msk $0xffff, v38;
	v43 =	vmul.f32 $8.000000000e+00, v43;
	v38 =	vadd.s32 v23, v46;
	v39 =	vld [tilespmem:s0+$0x80];
	v37 =	vbroadcast v35, $0x0  }
0x425: {  	v40 =	vadd.s32 v24, v46;
	v35 =	vmov s2;
	[tilespmem:v41+s22+$0x0] =	vst.idx.msk $0xffff, v34;
	v45 =	vmul.f32 $8.000000000e+00, v47;
	v41 =	vld [tilespmem:s0+$0x90]  }
0x426: {  	v35 =	vshrl.u32 v35, $0x3;
	[tilespmem:v42+s22+$0x0] =	vst.idx.msk $0xffff, v43;
	v44 =	vmul.f32 $8.000000000e+00, v44;
	v34 =	vld [tilespmem:s0+$0xA0];
	v42 =	vadd.s32 v25, v37  }
0x427: {  	s14 =	sadd.s32 $0x8, s14;
	v46 =	vshll.u32 v35, v1;
	v43 =	vadd.s32 v26, v37;
	[tilespmem:v49+s22+$0x0] =	vst.idx.msk $0xffff, v45;
	v45 =	vmul.f32 $8.000000000e+00, v48;
	v35 =	vld [tilespmem:s0+$0xB0];
	s0 =	sadd.s32 $0x200, s0  }
0x428: {  	_ =	sdelay $0x3  }
0x429: {  	v47 =	vld [tilespmem:s0+$0xC0];
	v46 =	vbroadcast v46, $0x0;
	[tilespmem:v36+s22+$0x0] =	vst.idx.msk $0xffff, v44;
	v33 =	vmul.f32 $8.000000000e+00, v33;
	v36 =	vadd.s32 v27, v37  }
0x42a: {  	v59 =	vmov s6;
	v48 =	vld [tilespmem:s0+$0xD0];
	v61 =	vadd.s32 v28, v37;
	[tilespmem:v38+s22+$0x0] =	vst.idx.msk $0xffff, v45;
	v60 =	vmul.f32 $8.000000000e+00, v39  }
0x42b: {  	v44 =	vld [tilespmem:s0+$0xE0];
	v62 =	vshrl.u32 v59, $0x3;
	v63 =	vadd.s32 v29, v46;
	[tilespmem:v40+s22+$0x0] =	vst.idx.msk $0xffff, v33;
	v52 =	vmul.f32 $8.000000000e+00, v41  }
0x42c: {  	v39 =	vshll.u32 v62, v1;
	v40 =	vld [tilespmem:s0+$0xF0];
	v53 =	vadd.s32 v30, v46;
	[tilespmem:v42+s22+$0x0] =	vst.idx.msk $0xffff, v60;
	v34 =	vmul.f32 $8.000000000e+00, v34  }
0x42d: {  	v54 =	vld [tilespmem:s0+$0xFFFFFF00];
	s2 =	sadd.s32 $0x1, s6;
	v55 =	vadd.s32 v31, v46;
	v39 =	vbroadcast v39, $0x0;
	[tilespmem:v43+s22+$0x0] =	vst.idx.msk $0xffff, v52;
	v56 =	vmul.f32 $8.000000000e+00, v35  }
0x42e: {  	v57 =	vld [tilespmem:s0+$0xFFFFFF10];
	v58 =	vmov s2;
	v46 =	vadd.s32 v32, v46;
	v47 =	vmul.f32 $8.000000000e+00, v47;
	[tilespmem:v36+s22+$0x0] =	vst.idx.msk $0xffff, v34  }
0x42f: {  	v59 =	vld [tilespmem:s0+$0xFFFFFF20];
	v43 =	vshrl.u32 v58, $0x3;
	v60 =	vadd.s32 v0, v39;
	v48 =	vmul.f32 $8.000000000e+00, v48;
	[tilespmem:v61+s22+$0x0] =	vst.idx.msk $0xffff, v56  }
0x430: {  	v62 =	vadd.s32 v2, v39;
	v43 =	vshll.u32 v43, v1;
	v44 =	vmul.f32 $8.000000000e+00, v44;
	v61 =	vld [tilespmem:s0+$0xFFFFFF30];
	[tilespmem:v63+s22+$0x0] =	vst.idx.msk $0xffff, v47  }
0x431: {  	s14 =	sadd.s32 $0x2, s6;
	v52 =	vld [tilespmem:s0+$0xFFFFFF40];
	v43 =	vbroadcast v43, $0x0;
	v63 =	vadd.s32 v3, v39;
	v40 =	vmul.f32 $8.000000000e+00, v40;
	[tilespmem:v53+s22+$0x0] =	vst.idx.msk $0xffff, v48  }
0x432: {  	v38 =	vmul.f32 $8.000000000e+00, v54;
	v54 =	vmov s14;
	v39 =	vadd.s32 v4, v39;
	v53 =	vld [tilespmem:s0+$0xFFFFFF50];
	[tilespmem:v55+s22+$0x0] =	vst.idx.msk $0xffff, v44  }
0x433: {  	v35 =	vmul.f32 $8.000000000e+00, v57;
	v56 =	vadd.s32 v5, v43;
	v48 =	vshrl.u32 v54, $0x3;
	v55 =	vld [tilespmem:s0+$0xFFFFFF60];
	[tilespmem:v46+s22+$0x0] =	vst.idx.msk $0xffff, v40  }
0x434: {  	v57 =	vld [tilespmem:s0+$0xFFFFFF70];
	v34 =	vmul.f32 $8.000000000e+00, v59;
	v58 =	vadd.s32 v6, v43;
	v59 =	vshll.u32 v48, v1;
	[tilespmem:v60+s22+$0x0] =	vst.idx.msk $0xffff, v38  }
0x435: {  	s15 =	sadd.s32 $0x3, s6;
	v60 =	vadd.s32 v7, v43;
	v40 =	vbroadcast v59, $0x0;
	[tilespmem:v62+s22+$0x0] =	vst.idx.msk $0xffff, v35;
	v33 =	vmul.f32 $8.000000000e+00, v61;
	v61 =	vld [tilespmem:s0+$0xFFFFFF80]  }
0x436: {  	v48 =	vmov s15;
	v43 =	vadd.s32 v8, v43;
	v62 =	vmul.f32 $8.000000000e+00, v52;
	[tilespmem:v63+s22+$0x0] =	vst.idx.msk $0xffff, v34;
	v63 =	vld [tilespmem:s0+$0xFFFFFF90]  }
0x437: {  	v50 =	vld [tilespmem:s0+$0xFFFFFFA0];
	v46 =	vshrl.u32 v48, $0x3;
	v51 =	vadd.s32 v9, v40;
	[tilespmem:v39+s22+$0x0] =	vst.idx.msk $0xffff, v33;
	v49 =	vmul.f32 $8.000000000e+00, v53  }
0x438: {  	v46 =	vshll.u32 v46, v1;
	v54 =	vadd.s32 v10, v40;
	[tilespmem:v56+s22+$0x0] =	vst.idx.msk $0xffff, v62;
	v53 =	vld [tilespmem:s0+$0xFFFFFFB0];
	v52 =	vmul.f32 $8.000000000e+00, v55  }
0x439: {  	s18 =	sadd.s32 $0x4, s6;
	v46 =	vbroadcast v46, $0x0;
	v56 =	vadd.s32 v11, v40;
	v55 =	vmul.f32 $8.000000000e+00, v57;
	v57 =	vld [tilespmem:s0+$0xFFFFFFC0];
	[tilespmem:v58+s22+$0x0] =	vst.idx.msk $0xffff, v49  }
0x43a: {  	v59 =	vadd.s32 v12, v40;
	[tilespmem:v60+s22+$0x0] =	vst.idx.msk $0xffff, v52;
	v58 =	vmul.f32 $8.000000000e+00, v61;
	v60 =	vld [tilespmem:s0+$0xFFFFFFD0];
	v61 =	vmov s18  }
0x43b: {  	v48 =	vadd.s32 v13, v46;
	[tilespmem:v43+s22+$0x0] =	vst.idx.msk $0xffff, v55;
	v62 =	vmul.f32 $8.000000000e+00, v63;
	v63 =	vld [tilespmem:s0+$0xFFFFFFE0];
	v40 =	vshrl.u32 v61, $0x3  }
0x43c: {  	v49 =	vmul.f32 $8.000000000e+00, v50;
	v50 =	vld [tilespmem:s0+$0xFFFFFFF0];
	[tilespmem:v51+s22+$0x0] =	vst.idx.msk $0xffff, v58;
	v51 =	vadd.s32 v14, v46;
	v40 =	vshll.u32 v40, v1  }
0x43d: {  	s19 =	sadd.s32 $0x5, s6;
	v52 =	vmul.f32 $8.000000000e+00, v53;
	v53 =	vadd.s32 v15, v46;
	[tilespmem:v54+s22+$0x0] =	vst.idx.msk $0xffff, v62;
	v54 =	vld [tilespmem:s0+$0x0];
	v40 =	vbroadcast v40, $0x0  }
0x43e: {  	v58 =	vmov s19;
	v55 =	vmul.f32 $8.000000000e+00, v57;
	v57 =	vld [tilespmem:s0+$0x10];
	[tilespmem:v56+s22+$0x0] =	vst.idx.msk $0xffff, v49;
	v56 =	vadd.s32 v16, v46  }
0x43f: {  	v46 =	vshrl.u32 v58, $0x3;
	[tilespmem:v59+s22+$0x0] =	vst.idx.msk $0xffff, v52;
	v59 =	vmul.f32 $8.000000000e+00, v60;
	v60 =	vld [tilespmem:s0+$0x20];
	v61 =	vadd.s32 v17, v40  }
0x440: {  	[tilespmem:v48+s22+$0x0] =	vst.idx.msk $0xffff, v55;
	v48 =	vadd.s32 v18, v40;
	v46 =	vshll.u32 v46, v1;
	v62 =	vmul.f32 $8.000000000e+00, v63;
	v63 =	vld [tilespmem:s0+$0x30]  }
0x441: {  	s31 =	sadd.s32 $0x6, s6;
	v49 =	vmul.f32 $8.000000000e+00, v50;
	v50 =	vadd.s32 v19, v40;
	v46 =	vbroadcast v46, $0x0;
	[tilespmem:v51+s22+$0x0] =	vst.idx.msk $0xffff, v59;
	v51 =	vld [tilespmem:s0+$0x40]  }
0x442: {  	v40 =	vadd.s32 v20, v40;
	[tilespmem:v53+s22+$0x0] =	vst.idx.msk $0xffff, v62;
	v52 =	vmul.f32 $8.000000000e+00, v54;
	v53 =	vld [tilespmem:s0+$0x50];
	v54 =	vmov s31  }
0x443: {  	v55 =	vmul.f32 $8.000000000e+00, v57;
	v57 =	vadd.s32 v21, v46;
	[tilespmem:v56+s22+$0x0] =	vst.idx.msk $0xffff, v49;
	v56 =	vld [tilespmem:s0+$0x60];
	v44 =	vshrl.u32 v54, $0x3  }
0x444: {  	v59 =	vld [tilespmem:s0+$0x70];
	[tilespmem:v61+s22+$0x0] =	vst.idx.msk $0xffff, v52;
	v58 =	vmul.f32 $8.000000000e+00, v60;
	v60 =	vadd.s32 v22, v46;
	v44 =	vshll.u32 v44, v1  }
0x445: {  	v62 =	vadd.s32 v23, v46;
	[tilespmem:v48+s22+$0x0] =	vst.idx.msk $0xffff, v55;
	v61 =	vmul.f32 $8.000000000e+00, v63;
	v63 =	vld [tilespmem:s0+$0x80];
	v44 =	vbroadcast v44, $0x0  }
0x446: {  	v49 =	vadd.s32 v24, v46;
	[tilespmem:v50+s22+$0x0] =	vst.idx.msk $0xffff, v58;
	v48 =	vmul.f32 $8.000000000e+00, v51;
	v50 =	vld [tilespmem:s0+$0x90]  }
0x447: {  	v52 =	vld [tilespmem:s0+$0xA0];
	[tilespmem:v40+s22+$0x0] =	vst.idx.msk $0xffff, v61;
	v51 =	vmul.f32 $8.000000000e+00, v53;
	v53 =	vadd.s32 v25, v44  }
0x448: {  	v55 =	vld [tilespmem:s0+$0xB0];
	[tilespmem:v57+s22+$0x0] =	vst.idx.msk $0xffff, v48;
	v54 =	vmul.f32 $8.000000000e+00, v56;
	v56 =	vadd.s32 v26, v44  }
0x449: {  	v58 =	vadd.s32 v27, v44;
	v57 =	vmul.f32 $8.000000000e+00, v59;
	[tilespmem:v60+s22+$0x0] =	vst.idx.msk $0xffff, v51  }
0x44a: {  	s2 =	sshll.u32 s17, $0x1;
	v60 =	vadd.s32 v28, v44;
	[tilespmem:v62+s22+$0x0] =	vst.idx.msk $0xffff, v54;
	v59 =	vmul.f32 $8.000000000e+00, v63  }
0x44b: {  	s0 =	sadd.s32 s5, s2;
	[tilespmem:v49+s22+$0x0] =	vst.idx.msk $0xffff, v57;
	v61 =	vmul.f32 $8.000000000e+00, v50  }
0x44c: {  	s6 =	sshll.u32 s0, $0xA;
	s0 =	sshll.u32 s0, $0x4;
	v62 =	vmul.f32 $8.000000000e+00, v52;
	[tilespmem:v53+s22+$0x0] =	vst.idx.msk $0xffff, v59  }
0x44d: {  	s2 =	sand.u32 $0xFFC0000, s6;
	s0 =	sand.u32 $0xF80, s0;
	v63 =	vmul.f32 $8.000000000e+00, v55;
	[tilespmem:v56+s22+$0x0] =	vst.idx.msk $0xffff, v61  }
0x44e: {  	s0 =	sor.u32 s0, s2;
	[tilespmem:v58+s22+$0x0] =	vst.idx.msk $0xffff, v62  }
0x44f: {  	s14 =	simm.s32 $0x16400;
	s2 =	sadd.s32 s0, s12;
	[tilespmem:v60+s22+$0x0] =	vst.idx.msk $0xffff, v63  }
0x450: {  	[hbm4b:s2+s3] =	stream.linear.scatter [tilespmem:s14], [sflag:$0x5], $0x80, $0x38;
	[tilespmem:$0x1A800] =	vst v63  }
0x451: {  	s15 =	simm.s32 $0x16488;
	s14 =	sadd.s32 $0x10, s2  }
0x452: {  	[hbm4b:s14+s3] =	stream.linear.scatter [tilespmem:s15], [sflag:$0x5], $0x80, $0x38;
	[tilespmem:$0x1A800] =	vst v63  }
0x453: {  	s17 =	simm.s32 $0x16510;
	s19 =	simm.s32 $0x16598;
	s18 =	sadd.s32 $0x20, s2  }
0x454: {  	[hbm4b:s18+s3] =	stream.linear.scatter [tilespmem:s17], [sflag:$0x5], $0x80, $0x38;
	[tilespmem:$0x1A800] =	vst v63  }
0x455: {  	s6 =	simm.s32 $0x440;
	s31 =	sadd.s32 $0x30, s2;
	s14 =	simm.s32 $0x16620  }
0x456: {  	[hbm4b:s31+s3] =	stream.linear.scatter [tilespmem:s19], [sflag:$0x5], $0x80, $0x38;
	[tilespmem:$0x1A800] =	vst v63  }
0x457: {  	s15 =	sadd.s32 $0x40, s2;
	s17 =	simm.s32 $0x166A8;
	s18 =	sadd.s32 $0x50, s2  }
0x458: {  	[hbm4b:s15+s3] =	stream.linear.scatter [tilespmem:s14], [sflag:$0x5], $0x80, $0x38;
	[tilespmem:$0x1A800] =	vst v63  }
0x459: {  	s19 =	simm.s32 $0x16730;
	s31 =	sadd.s32 $0x60, s2;
	s15 =	simm.s32 $0x167B8  }
0x45a: {  	[hbm4b:s18+s3] =	stream.linear.scatter [tilespmem:s17], [sflag:$0x5], $0x80, $0x38;
	[tilespmem:$0x1A800] =	vst v63  }
0x45b: {  	s14 =	sadd.s32 $0x1000, s2;
	s17 =	simm.s32 $0x2200;
	s18 =	sadd.s32 $0x70, s2  }
0x45c: {  	[hbm4b:s31+s3] =	stream.linear.scatter [tilespmem:s19], [sflag:$0x5], $0x80, $0x38;
	[tilespmem:$0x1A800] =	vst v63  }
.LBB2_29:
0x45d: {  	[hbm4b:s18+s3] =	stream.linear.scatter [tilespmem:s15], [sflag:$0x5], $0x80, $0x38;
	[tilespmem:$0x1A800] =	vst v63  }
0x45e: {  	s2 =	smov.u32 s6;
	s6 =	smov.u32 s17  }
0x45f: {  	s19 =	sadd.s32 $0x1100, s17;
	s6 =	sshra.s32 s6, $0x2;
	s15 =	sadd.s32 $0x16400, s2  }
0x460: {  	[hbm4b:s14+s3] =	stream.linear.scatter [tilespmem:s15], [sflag:$0x5], $0x80, $0x38;
	[tilespmem:$0x1A800] =	vst v63  }
0x461: {  	p1 =	sne.s32 s17, $0x7700;
	s17 =	sadd.s32 $0x10, s14;
	s15 =	sadd.s32 $0x16488, s2  }
0x462: {  	[hbm4b:s17+s3] =	stream.linear.scatter [tilespmem:s15], [sflag:$0x5], $0x80, $0x38;
	[tilespmem:$0x1A800] =	vst v63  }
0x463: {  	s15 =	sadd.s32 $0x16510, s2;
	s17 =	sadd.s32 $0x20, s14  }
0x464: {  	[hbm4b:s17+s3] =	stream.linear.scatter [tilespmem:s15], [sflag:$0x5], $0x80, $0x38;
	[tilespmem:$0x1A800] =	vst v63  }
0x465: {  	s15 =	sadd.s32 $0x16598, s2;
	s17 =	sadd.s32 $0x30, s14  }
0x466: {  	[hbm4b:s17+s3] =	stream.linear.scatter [tilespmem:s15], [sflag:$0x5], $0x80, $0x38;
	[tilespmem:$0x1A800] =	vst v63  }
0x467: {  	s15 =	sadd.s32 $0x16620, s2;
	s17 =	sadd.s32 $0x40, s14  }
0x468: {  	[hbm4b:s17+s3] =	stream.linear.scatter [tilespmem:s15], [sflag:$0x5], $0x80, $0x38;
	[tilespmem:$0x1A800] =	vst v63  }
.Ltmp15:
0x469: {  	s15 =	sadd.s32 $0x166A8, s2;
	s17 =	sadd.s32 $0x50, s14;
	(pc) =	sbr.rel @p1 .LBB2_29-.Ltmp15, $4  }
0x46a: {  	[hbm4b:s17+s3] =	stream.linear.scatter [tilespmem:s15], [sflag:$0x5], $0x80, $0x38;
	[tilespmem:$0x1A800] =	vst v63  }
0x46b: {  	s18 =	sadd.s32 $0x70, s14;
	s15 =	sadd.s32 $0x16730, s2;
	s17 =	sadd.s32 $0x60, s14  }
0x46c: {  	[hbm4b:s17+s3] =	stream.linear.scatter [tilespmem:s15], [sflag:$0x5], $0x80, $0x38;
	[tilespmem:$0x1A800] =	vst v63  }
0x46d: {  	s14 =	sadd.s32 $0x1000, s14;
	s15 =	sadd.s32 $0x167B8, s2;
	s17 =	smov.u32 s19  }
0x46e: {  	[hbm4b:s18+s3] =	stream.linear.scatter [tilespmem:s15], [sflag:$0x5], $0x80, $0x38;
	[tilespmem:$0x1A800] =	vst v63  }
0x46f: {  	s2 =	sadd.s32 $0x16400, s6  }
0x470: {  	[hbm4b:s14+s3] =	stream.linear.scatter [tilespmem:s2], [sflag:$0x5], $0x80, $0x38;
	[tilespmem:$0x1A800] =	vst v63  }
0x471: {  	s17 =	sadd.s32 $0x16488, s6;
	s18 =	sadd.s32 $0x10, s14  }
0x472: {  	[hbm4b:s18+s3] =	stream.linear.scatter [tilespmem:s17], [sflag:$0x5], $0x80, $0x38;
	[tilespmem:$0x1A800] =	vst v63  }
0x473: {  	s19 =	sadd.s32 $0x16510, s6;
	s31 =	sadd.s32 $0x20, s14  }
0x474: {  	[hbm4b:s31+s3] =	stream.linear.scatter [tilespmem:s19], [sflag:$0x5], $0x80, $0x38;
	[tilespmem:$0x1A800] =	vst v63  }
0x475: {  	s17 =	sadd.s32 $0x16598, s6;
	s18 =	sadd.s32 $0x30, s14  }
0x476: {  	[hbm4b:s18+s3] =	stream.linear.scatter [tilespmem:s17], [sflag:$0x5], $0x80, $0x38;
	[tilespmem:$0x1A800] =	vst v63  }
0x477: {  	s19 =	sadd.s32 $0x16620, s6;
	s31 =	sadd.s32 $0x40, s14  }
0x478: {  	[hbm4b:s31+s3] =	stream.linear.scatter [tilespmem:s19], [sflag:$0x5], $0x80, $0x38;
	[tilespmem:$0x1A800] =	vst v63  }
0x479: {  	s17 =	sadd.s32 $0x166A8, s6;
	s18 =	sadd.s32 $0x50, s14  }
0x47a: {  	[hbm4b:s18+s3] =	stream.linear.scatter [tilespmem:s17], [sflag:$0x5], $0x80, $0x38;
	[tilespmem:$0x1A800] =	vst v63  }
0x47b: {  	s19 =	sadd.s32 $0x16730, s6;
	s31 =	sadd.s32 $0x60, s14  }
0x47c: {  	[hbm4b:s31+s3] =	stream.linear.scatter [tilespmem:s19], [sflag:$0x5], $0x80, $0x38;
	[tilespmem:$0x1A800] =	vst v63  }
0x47d: {  	s15 =	sadd.s32 $0x167B8, s6;
	s17 =	sadd.s32 $0x70, s14;
	s18 =	simm.s32 $0x7  }
0x47e: {  	[hbm4b:s17+s3] =	stream.linear.scatter [tilespmem:s15], [sflag:$0x5], $0x80, $0x38;
	[tilespmem:$0x1A800] =	vst v63  }
0x47f: {  	v33 =	vmov s18;
	s19 =	simm.s32 $0x0;
	_ =	swait.ge [sflag:s28], $0x2000  }
0x480: {  	v33 =	vshrl.u32 v33, $0x3;
	v35 =	vmov s19;
	[sflag:s28] =	ssyncset.done $0x0  }
0x481: {  	v33 =	vshll.u32 v33, v1;
	s17 =	simm.s32 $0x145F0;
	v35 =	vshrl.u32 v35, $0x3;
	[sflag:s28] =	ssyncadd.s32 $0xFFFFE000  }
0x482: {  	v33 =	vbroadcast v33, $0x0;
	v35 =	vshll.u32 v35, v1;
	v34 =	vld [tilespmem:s17+$0xFFFFFFD0]  }
0x483: {  	v35 =	vbroadcast v35, $0x0;
	v41 =	vld [tilespmem:s17+$0xFFFFFE10]  }
0x484: {  	v38 =	vadd.s32 v29, v33;
	v36 =	vld [tilespmem:s17+$0xFFFFFFE0]  }
0x485: {  	v43 =	vld [tilespmem:s17+$0xFFFFFE20];
	v46 =	vadd.s32 v0, v35  }
0x486: {  	s31 =	simm.s32 $0x1;
	v40 =	vadd.s32 v30, v33;
	v37 =	vld [tilespmem:s17+$0xFFFFFFF0]  }
0x487: {  	v44 =	vmov s31;
	v45 =	vld [tilespmem:s17+$0xFFFFFE30];
	v48 =	vadd.s32 v2, v35;
	v34 =	vmul.f32 $8.000000000e+00, v34  }
0x488: {  	v44 =	vshrl.u32 v44, $0x3;
	v42 =	vadd.s32 v31, v33;
	v39 =	vld [tilespmem:s17+$0x0];
	v50 =	vmul.f32 $8.000000000e+00, v41  }
0x489: {  	v44 =	vshll.u32 v44, v1;
	v47 =	vld [tilespmem:s17+$0xFFFFFE40];
	v62 =	vadd.s32 v3, v35;
	v36 =	vmul.f32 $8.000000000e+00, v36;
	[tilespmem:v38+s23+$0x0] =	vst.idx.msk $0xffff, v34  }
0x48a: {  	s6 =	simm.s32 $0x2;
	v33 =	vadd.s32 v32, v33;
	v44 =	vbroadcast v44, $0x0;
	v63 =	vld [tilespmem:s17+$0xFFFFFE50];
	v53 =	vmul.f32 $8.000000000e+00, v43;
	[tilespmem:v46+s23+$0x0] =	vst.idx.msk $0xffff, v50  }
0x48b: {  	v52 =	vmov s6;
	v35 =	vadd.s32 v4, v35;
	v51 =	vld [tilespmem:s17+$0xFFFFFE60];
	v61 =	vmul.f32 $8.000000000e+00, v37;
	[tilespmem:v40+s23+$0x0] =	vst.idx.msk $0xffff, v36  }
0x48c: {  	v54 =	vld [tilespmem:s17+$0xFFFFFE70];
	v55 =	vadd.s32 v5, v44;
	v41 =	vshrl.u32 v52, $0x3;
	v56 =	vmul.f32 $8.000000000e+00, v45;
	[tilespmem:v48+s23+$0x0] =	vst.idx.msk $0xffff, v53  }
0x48d: {  	v57 =	vld [tilespmem:s17+$0xFFFFFE80];
	v58 =	vadd.s32 v6, v44;
	v49 =	vmul.f32 $8.000000000e+00, v39;
	v41 =	vshll.u32 v41, v1;
	[tilespmem:v42+s23+$0x0] =	vst.idx.msk $0xffff, v61  }
0x48e: {  	s14 =	simm.s32 $0x3;
	v60 =	vadd.s32 v7, v44;
	v59 =	vmul.f32 $8.000000000e+00, v47;
	v41 =	vbroadcast v41, $0x0;
	v61 =	vld [tilespmem:s17+$0xFFFFFE90];
	[tilespmem:v62+s23+$0x0] =	vst.idx.msk $0xffff, v56  }
0x48f: {  	v48 =	vld [tilespmem:s17+$0xFFFFFEA0];
	v62 =	vmul.f32 $8.000000000e+00, v63;
	v63 =	vadd.s32 v8, v44;
	[tilespmem:v33+s23+$0x0] =	vst.idx.msk $0xffff, v49;
	v49 =	vmov s14  }
0x490: {  	v50 =	vmul.f32 $8.000000000e+00, v51;
	v51 =	vld [tilespmem:s17+$0xFFFFFEB0];
	v52 =	vadd.s32 v9, v41;
	[tilespmem:v35+s23+$0x0] =	vst.idx.msk $0xffff, v59;
	v44 =	vshrl.u32 v49, $0x3  }
0x491: {  	v53 =	vmul.f32 $8.000000000e+00, v54;
	v54 =	vld [tilespmem:s17+$0xFFFFFEC0];
	[tilespmem:v55+s23+$0x0] =	vst.idx.msk $0xffff, v62;
	v55 =	vadd.s32 v10, v41;
	v44 =	vshll.u32 v44, v1  }
0x492: {  	s15 =	simm.s32 $0x4;
	v56 =	vmul.f32 $8.000000000e+00, v57;
	v57 =	vadd.s32 v11, v41;
	[tilespmem:v58+s23+$0x0] =	vst.idx.msk $0xffff, v50;
	v58 =	vld [tilespmem:s17+$0xFFFFFED0];
	v44 =	vbroadcast v44, $0x0  }
0x493: {  	v41 =	vadd.s32 v12, v41;
	[tilespmem:v60+s23+$0x0] =	vst.idx.msk $0xffff, v53;
	v60 =	vld [tilespmem:s17+$0xFFFFFEE0];
	v59 =	vmul.f32 $8.000000000e+00, v61;
	v61 =	vmov s15  }
0x494: {  	v62 =	vmul.f32 $8.000000000e+00, v48;
	[tilespmem:v63+s23+$0x0] =	vst.idx.msk $0xffff, v56;
	v63 =	vld [tilespmem:s17+$0xFFFFFEF0];
	v48 =	vadd.s32 v13, v44;
	v46 =	vshrl.u32 v61, $0x3  }
0x495: {  	v49 =	vmul.f32 $8.000000000e+00, v51;
	v50 =	vld [tilespmem:s17+$0xFFFFFF00];
	v51 =	vadd.s32 v14, v44;
	[tilespmem:v52+s23+$0x0] =	vst.idx.msk $0xffff, v59;
	v46 =	vshll.u32 v46, v1  }
0x496: {  	s18 =	simm.s32 $0x5;
	v53 =	vadd.s32 v15, v44;
	v52 =	vmul.f32 $8.000000000e+00, v54;
	v54 =	vld [tilespmem:s17+$0xFFFFFF10];
	[tilespmem:v55+s23+$0x0] =	vst.idx.msk $0xffff, v62;
	v46 =	vbroadcast v46, $0x0  }
0x497: {  	v56 =	vadd.s32 v16, v44;
	v55 =	vmul.f32 $8.000000000e+00, v58;
	v58 =	vmov s18;
	[tilespmem:v57+s23+$0x0] =	vst.idx.msk $0xffff, v49;
	v57 =	vld [tilespmem:s17+$0xFFFFFF20]  }
0x498: {  	v59 =	vmul.f32 $8.000000000e+00, v60;
	v44 =	vshrl.u32 v58, $0x3;
	[tilespmem:v41+s23+$0x0] =	vst.idx.msk $0xffff, v52;
	v41 =	vld [tilespmem:s17+$0xFFFFFF30];
	v45 =	vadd.s32 v17, v46  }
0x499: {  	v37 =	vld [tilespmem:s17+$0xFFFFFF40];
	v60 =	vmul.f32 $8.000000000e+00, v63;
	v61 =	vadd.s32 v18, v46;
	v44 =	vshll.u32 v44, v1;
	[tilespmem:v48+s23+$0x0] =	vst.idx.msk $0xffff, v55  }
0x49a: {  	s19 =	simm.s32 $0x6;
	v62 =	vmul.f32 $8.000000000e+00, v50;
	v35 =	vadd.s32 v19, v46;
	v63 =	vld [tilespmem:s17+$0xFFFFFF50];
	v44 =	vbroadcast v44, $0x0;
	[tilespmem:v51+s23+$0x0] =	vst.idx.msk $0xffff, v59  }
0x49b: {  	v55 =	vmov s19;
	v52 =	vmul.f32 $8.000000000e+00, v54;
	v54 =	vld [tilespmem:s17+$0xFFFFFF60];
	[tilespmem:v53+s23+$0x0] =	vst.idx.msk $0xffff, v60;
	v53 =	vadd.s32 v20, v46  }
0x49c: {  	v59 =	vshrl.u32 v55, $0x3;
	v58 =	vadd.s32 v21, v44;
	[tilespmem:v56+s23+$0x0] =	vst.idx.msk $0xffff, v62;
	v56 =	vmul.f32 $8.000000000e+00, v57;
	v57 =	vld [tilespmem:s17+$0xFFFFFF70]  }
0x49d: {  	v33 =	vld [tilespmem:s17+$0xFFFFFF80];
	v36 =	vadd.s32 v22, v44;
	v60 =	vshll.u32 v59, v1;
	[tilespmem:v45+s23+$0x0] =	vst.idx.msk $0xffff, v52;
	v41 =	vmul.f32 $8.000000000e+00, v41  }
0x49e: {  	s31 =	simm.s32 $0xF;
	v39 =	vld [tilespmem:s17+$0xFFFFFF90];
	v38 =	vadd.s32 v23, v44;
	[tilespmem:v61+s23+$0x0] =	vst.idx.msk $0xffff, v56;
	v61 =	vmul.f32 $8.000000000e+00, v37;
	v37 =	vbroadcast v60, $0x0  }
0x49f: {  	v40 =	vadd.s32 v24, v44;
	v62 =	vmov s31;
	v63 =	vmul.f32 $8.000000000e+00, v63;
	[tilespmem:v35+s23+$0x0] =	vst.idx.msk $0xffff, v41;
	v41 =	vld [tilespmem:s17+$0xFFFFFFA0]  }
0x4a0: {  	v34 =	vld [tilespmem:s17+$0xFFFFFFB0];
	v45 =	vshrl.u32 v62, $0x3;
	v44 =	vmul.f32 $8.000000000e+00, v54;
	[tilespmem:v53+s23+$0x0] =	vst.idx.msk $0xffff, v61;
	v42 =	vadd.s32 v25, v37  }
0x4a1: {  	s6 =	simm.s32 $0x8;
	s14 =	simm.s32 $0x10;
	v46 =	vshll.u32 v45, v1;
	v35 =	vld [tilespmem:s17+$0xFFFFFFC0];
	s17 =	simm.s32 $0x147F0;
	[tilespmem:v58+s23+$0x0] =	vst.idx.msk $0xffff, v63;
	v43 =	vadd.s32 v26, v37;
	v45 =	vmul.f32 $8.000000000e+00, v57  }
.LBB2_31:
0x4a2: {  	p1 =	slt.u32 s14, $0x78;
	v47 =	vld [tilespmem:s17+$0xFFFFFFD0];
	v46 =	vbroadcast v46, $0x0;
	[tilespmem:v36+s23+$0x0] =	vst.idx.msk $0xffff, v44;
	v33 =	vmul.f32 $8.000000000e+00, v33;
	v36 =	vadd.s32 v27, v37  }
0x4a3: {  	v44 =	vmov s6;
	v37 =	vadd.s32 v28, v37;
	v48 =	vld [tilespmem:s17+$0xFFFFFFE0];
	[tilespmem:v38+s23+$0x0] =	vst.idx.msk $0xffff, v45;
	v38 =	vmul.f32 $8.000000000e+00, v39  }
0x4a4: {  	v39 =	vshrl.u32 v44, $0x3;
	v44 =	vld [tilespmem:s17+$0xFFFFFFF0];
	v45 =	vadd.s32 v29, v46;
	[tilespmem:v40+s23+$0x0] =	vst.idx.msk $0xffff, v33;
	v33 =	vmul.f32 $8.000000000e+00, v41  }
0x4a5: {  	v39 =	vshll.u32 v39, v1;
	v41 =	vadd.s32 v30, v46;
	v40 =	vld [tilespmem:s17+$0x0];
	[tilespmem:v42+s23+$0x0] =	vst.idx.msk $0xffff, v38;
	v34 =	vmul.f32 $8.000000000e+00, v34  }
0x4a6: {  	s2 =	sadd.s32 $0x1, s6;
	v39 =	vbroadcast v39, $0x0;
	v42 =	vadd.s32 v31, v46;
	v38 =	vld [tilespmem:s17+$0xFFFFFE10];
	[tilespmem:v43+s23+$0x0] =	vst.idx.msk $0xffff, v33;
	v33 =	vmul.f32 $8.000000000e+00, v35  }
0x4a7: {  	v46 =	vadd.s32 v32, v46;
	v43 =	vmov s2;
	v35 =	vld [tilespmem:s17+$0xFFFFFE20];
	v47 =	vmul.f32 $8.000000000e+00, v47;
	[tilespmem:v36+s23+$0x0] =	vst.idx.msk $0xffff, v34  }
0x4a8: {  	v36 =	vadd.s32 v0, v39;
	v43 =	vshrl.u32 v43, $0x3;
	v34 =	vld [tilespmem:s17+$0xFFFFFE30];
	v48 =	vmul.f32 $8.000000000e+00, v48;
	[tilespmem:v37+s23+$0x0] =	vst.idx.msk $0xffff, v33  }
0x4a9: {  	v37 =	vadd.s32 v2, v39;
	v43 =	vshll.u32 v43, v1;
	v33 =	vld [tilespmem:s17+$0xFFFFFE40];
	[tilespmem:v45+s23+$0x0] =	vst.idx.msk $0xffff, v47;
	v44 =	vmul.f32 $8.000000000e+00, v44  }
0x4aa: {  	s2 =	sadd.s32 $0x2, s6;
	v45 =	vadd.s32 v3, v39;
	v43 =	vbroadcast v43, $0x0;
	v47 =	vld [tilespmem:s17+$0xFFFFFE50];
	[tilespmem:v41+s23+$0x0] =	vst.idx.msk $0xffff, v48;
	v40 =	vmul.f32 $8.000000000e+00, v40  }
0x4ab: {  	v39 =	vadd.s32 v4, v39;
	v48 =	vmov s2;
	v38 =	vmul.f32 $8.000000000e+00, v38;
	v41 =	vld [tilespmem:s17+$0xFFFFFE60];
	[tilespmem:v42+s23+$0x0] =	vst.idx.msk $0xffff, v44  }
0x4ac: {  	v44 =	vadd.s32 v5, v43;
	v48 =	vshrl.u32 v48, $0x3;
	v35 =	vmul.f32 $8.000000000e+00, v35;
	v42 =	vld [tilespmem:s17+$0xFFFFFE70];
	[tilespmem:v46+s23+$0x0] =	vst.idx.msk $0xffff, v40  }
0x4ad: {  	v40 =	vshll.u32 v48, v1;
	[tilespmem:v36+s23+$0x0] =	vst.idx.msk $0xffff, v38;
	v34 =	vmul.f32 $8.000000000e+00, v34;
	v36 =	vld [tilespmem:s17+$0xFFFFFE80];
	v38 =	vadd.s32 v6, v43  }
0x4ae: {  	s2 =	sadd.s32 $0x3, s6;
	v40 =	vbroadcast v40, $0x0;
	[tilespmem:v37+s23+$0x0] =	vst.idx.msk $0xffff, v35;
	v33 =	vmul.f32 $8.000000000e+00, v33;
	v35 =	vadd.s32 v7, v43;
	v37 =	vld [tilespmem:s17+$0xFFFFFE90]  }
0x4af: {  	v46 =	vmov s2;
	v43 =	vadd.s32 v8, v43;
	[tilespmem:v45+s23+$0x0] =	vst.idx.msk $0xffff, v34;
	v34 =	vmul.f32 $8.000000000e+00, v47;
	v45 =	vld [tilespmem:s17+$0xFFFFFEA0]  }
0x4b0: {  	v46 =	vshrl.u32 v46, $0x3;
	[tilespmem:v39+s23+$0x0] =	vst.idx.msk $0xffff, v33;
	v33 =	vmul.f32 $8.000000000e+00, v41;
	v39 =	vld [tilespmem:s17+$0xFFFFFEB0];
	v41 =	vadd.s32 v9, v40  }
0x4b1: {  	v46 =	vshll.u32 v46, v1;
	[tilespmem:v44+s23+$0x0] =	vst.idx.msk $0xffff, v34;
	v34 =	vmul.f32 $8.000000000e+00, v42;
	v42 =	vld [tilespmem:s17+$0xFFFFFEC0];
	v44 =	vadd.s32 v10, v40  }
0x4b2: {  	s2 =	sadd.s32 $0x4, s6;
	v46 =	vbroadcast v46, $0x0;
	[tilespmem:v38+s23+$0x0] =	vst.idx.msk $0xffff, v33;
	v33 =	vmul.f32 $8.000000000e+00, v36;
	v36 =	vadd.s32 v11, v40;
	v38 =	vld [tilespmem:s17+$0xFFFFFED0]  }
0x4b3: {  	[tilespmem:v35+s23+$0x0] =	vst.idx.msk $0xffff, v34;
	v34 =	vmul.f32 $8.000000000e+00, v37;
	v35 =	vadd.s32 v12, v40;
	v37 =	vld [tilespmem:s17+$0xFFFFFEE0];
	v40 =	vmov s2  }
0x4b4: {  	[tilespmem:v43+s23+$0x0] =	vst.idx.msk $0xffff, v33;
	v33 =	vmul.f32 $8.000000000e+00, v45;
	v43 =	vld [tilespmem:s17+$0xFFFFFEF0];
	v45 =	vadd.s32 v13, v46;
	v40 =	vshrl.u32 v40, $0x3  }
0x4b5: {  	[tilespmem:v41+s23+$0x0] =	vst.idx.msk $0xffff, v34;
	v34 =	vmul.f32 $8.000000000e+00, v39;
	v39 =	vld [tilespmem:s17+$0xFFFFFF00];
	v41 =	vadd.s32 v14, v46;
	v40 =	vshll.u32 v40, v1  }
0x4b6: {  	s2 =	sadd.s32 $0x5, s6;
	[tilespmem:v44+s23+$0x0] =	vst.idx.msk $0xffff, v33;
	v33 =	vmul.f32 $8.000000000e+00, v42;
	v42 =	vadd.s32 v15, v46;
	v44 =	vld [tilespmem:s17+$0xFFFFFF10];
	v40 =	vbroadcast v40, $0x0  }
0x4b7: {  	[tilespmem:v36+s23+$0x0] =	vst.idx.msk $0xffff, v34;
	v34 =	vmul.f32 $8.000000000e+00, v38;
	v36 =	vadd.s32 v16, v46;
	v38 =	vld [tilespmem:s17+$0xFFFFFF20];
	v46 =	vmov s2  }
0x4b8: {  	[tilespmem:v35+s23+$0x0] =	vst.idx.msk $0xffff, v33;
	v33 =	vmul.f32 $8.000000000e+00, v37;
	v35 =	vld [tilespmem:s17+$0xFFFFFF30];
	v37 =	vadd.s32 v17, v40;
	v46 =	vshrl.u32 v46, $0x3  }
0x4b9: {  	[tilespmem:v45+s23+$0x0] =	vst.idx.msk $0xffff, v34;
	v34 =	vmul.f32 $8.000000000e+00, v43;
	v43 =	vld [tilespmem:s17+$0xFFFFFF40];
	v45 =	vadd.s32 v18, v40;
	v46 =	vshll.u32 v46, v1  }
0x4ba: {  	s2 =	sadd.s32 $0x6, s6;
	s6 =	smov.u32 s14;
	[tilespmem:v41+s23+$0x0] =	vst.idx.msk $0xffff, v33;
	v33 =	vmul.f32 $8.000000000e+00, v39;
	v41 =	vadd.s32 v19, v40;
	v47 =	vld [tilespmem:s17+$0xFFFFFF50];
	v46 =	vbroadcast v46, $0x0  }
0x4bb: {  	v39 =	vmov s2;
	[tilespmem:v42+s23+$0x0] =	vst.idx.msk $0xffff, v34;
	v34 =	vmul.f32 $8.000000000e+00, v44;
	v42 =	vadd.s32 v20, v40;
	v44 =	vld [tilespmem:s17+$0xFFFFFF60]  }
0x4bc: {  	v39 =	vshrl.u32 v39, $0x3;
	[tilespmem:v36+s23+$0x0] =	vst.idx.msk $0xffff, v33;
	v38 =	vmul.f32 $8.000000000e+00, v38;
	v48 =	vld [tilespmem:s17+$0xFFFFFF70];
	v49 =	vadd.s32 v21, v46  }
.Ltmp16:
0x4bd: {  	v36 =	vadd.s32 v22, v46;
	[tilespmem:v37+s23+$0x0] =	vst.idx.msk $0xffff, v34;
	v34 =	vmul.f32 $8.000000000e+00, v35;
	v33 =	vld [tilespmem:s17+$0xFFFFFF80];
	v35 =	vshll.u32 v39, v1;
	(pc) =	sbr.rel @p1 .LBB2_31-.Ltmp16, $4  }
0x4be: {  	s2 =	sadd.s32 $0x7, s14;
	[tilespmem:v45+s23+$0x0] =	vst.idx.msk $0xffff, v38;
	v43 =	vmul.f32 $8.000000000e+00, v43;
	v38 =	vadd.s32 v23, v46;
	v39 =	vld [tilespmem:s17+$0xFFFFFF90];
	v37 =	vbroadcast v35, $0x0  }
0x4bf: {  	v40 =	vadd.s32 v24, v46;
	v35 =	vmov s2;
	[tilespmem:v41+s23+$0x0] =	vst.idx.msk $0xffff, v34;
	v45 =	vmul.f32 $8.000000000e+00, v47;
	v41 =	vld [tilespmem:s17+$0xFFFFFFA0]  }
0x4c0: {  	v35 =	vshrl.u32 v35, $0x3;
	[tilespmem:v42+s23+$0x0] =	vst.idx.msk $0xffff, v43;
	v44 =	vmul.f32 $8.000000000e+00, v44;
	v34 =	vld [tilespmem:s17+$0xFFFFFFB0];
	v42 =	vadd.s32 v25, v37  }
0x4c1: {  	s14 =	sadd.s32 $0x8, s14;
	v46 =	vshll.u32 v35, v1;
	v43 =	vadd.s32 v26, v37;
	[tilespmem:v49+s23+$0x0] =	vst.idx.msk $0xffff, v45;
	v45 =	vmul.f32 $8.000000000e+00, v48;
	v35 =	vld [tilespmem:s17+$0xFFFFFFC0];
	s17 =	sadd.s32 $0x200, s17  }
0x4c2: {  	_ =	sdelay $0x3  }
0x4c3: {  	v47 =	vld [tilespmem:s17+$0xFFFFFFD0];
	v46 =	vbroadcast v46, $0x0;
	[tilespmem:v36+s23+$0x0] =	vst.idx.msk $0xffff, v44;
	v33 =	vmul.f32 $8.000000000e+00, v33;
	v36 =	vadd.s32 v27, v37  }
0x4c4: {  	v59 =	vmov s6;
	v48 =	vld [tilespmem:s17+$0xFFFFFFE0];
	v61 =	vadd.s32 v28, v37;
	[tilespmem:v38+s23+$0x0] =	vst.idx.msk $0xffff, v45;
	v60 =	vmul.f32 $8.000000000e+00, v39  }
0x4c5: {  	v44 =	vld [tilespmem:s17+$0xFFFFFFF0];
	v62 =	vshrl.u32 v59, $0x3;
	v63 =	vadd.s32 v29, v46;
	[tilespmem:v40+s23+$0x0] =	vst.idx.msk $0xffff, v33;
	v52 =	vmul.f32 $8.000000000e+00, v41  }
0x4c6: {  	v39 =	vshll.u32 v62, v1;
	v40 =	vld [tilespmem:s17+$0x0];
	v53 =	vadd.s32 v30, v46;
	[tilespmem:v42+s23+$0x0] =	vst.idx.msk $0xffff, v60;
	v34 =	vmul.f32 $8.000000000e+00, v34  }
0x4c7: {  	v54 =	vld [tilespmem:s17+$0xFFFFFE10];
	s2 =	sadd.s32 $0x1, s6;
	v55 =	vadd.s32 v31, v46;
	v39 =	vbroadcast v39, $0x0;
	[tilespmem:v43+s23+$0x0] =	vst.idx.msk $0xffff, v52;
	v56 =	vmul.f32 $8.000000000e+00, v35  }
0x4c8: {  	v57 =	vld [tilespmem:s17+$0xFFFFFE20];
	v58 =	vmov s2;
	v46 =	vadd.s32 v32, v46;
	v47 =	vmul.f32 $8.000000000e+00, v47;
	[tilespmem:v36+s23+$0x0] =	vst.idx.msk $0xffff, v34  }
0x4c9: {  	v59 =	vld [tilespmem:s17+$0xFFFFFE30];
	v43 =	vshrl.u32 v58, $0x3;
	v60 =	vadd.s32 v0, v39;
	v48 =	vmul.f32 $8.000000000e+00, v48;
	[tilespmem:v61+s23+$0x0] =	vst.idx.msk $0xffff, v56  }
0x4ca: {  	v62 =	vadd.s32 v2, v39;
	v43 =	vshll.u32 v43, v1;
	v44 =	vmul.f32 $8.000000000e+00, v44;
	v61 =	vld [tilespmem:s17+$0xFFFFFE40];
	[tilespmem:v63+s23+$0x0] =	vst.idx.msk $0xffff, v47  }
0x4cb: {  	s14 =	sadd.s32 $0x2, s6;
	v52 =	vld [tilespmem:s17+$0xFFFFFE50];
	v43 =	vbroadcast v43, $0x0;
	v63 =	vadd.s32 v3, v39;
	v40 =	vmul.f32 $8.000000000e+00, v40;
	[tilespmem:v53+s23+$0x0] =	vst.idx.msk $0xffff, v48  }
0x4cc: {  	v38 =	vmul.f32 $8.000000000e+00, v54;
	v54 =	vmov s14;
	v39 =	vadd.s32 v4, v39;
	v53 =	vld [tilespmem:s17+$0xFFFFFE60];
	[tilespmem:v55+s23+$0x0] =	vst.idx.msk $0xffff, v44  }
0x4cd: {  	v35 =	vmul.f32 $8.000000000e+00, v57;
	v56 =	vadd.s32 v5, v43;
	v48 =	vshrl.u32 v54, $0x3;
	v55 =	vld [tilespmem:s17+$0xFFFFFE70];
	[tilespmem:v46+s23+$0x0] =	vst.idx.msk $0xffff, v40  }
0x4ce: {  	v57 =	vld [tilespmem:s17+$0xFFFFFE80];
	v34 =	vmul.f32 $8.000000000e+00, v59;
	v58 =	vadd.s32 v6, v43;
	v59 =	vshll.u32 v48, v1;
	[tilespmem:v60+s23+$0x0] =	vst.idx.msk $0xffff, v38  }
0x4cf: {  	s15 =	sadd.s32 $0x3, s6;
	v60 =	vadd.s32 v7, v43;
	v40 =	vbroadcast v59, $0x0;
	[tilespmem:v62+s23+$0x0] =	vst.idx.msk $0xffff, v35;
	v33 =	vmul.f32 $8.000000000e+00, v61;
	v61 =	vld [tilespmem:s17+$0xFFFFFE90]  }
0x4d0: {  	v48 =	vmov s15;
	v43 =	vadd.s32 v8, v43;
	v62 =	vmul.f32 $8.000000000e+00, v52;
	[tilespmem:v63+s23+$0x0] =	vst.idx.msk $0xffff, v34;
	v63 =	vld [tilespmem:s17+$0xFFFFFEA0]  }
0x4d1: {  	v50 =	vld [tilespmem:s17+$0xFFFFFEB0];
	v46 =	vshrl.u32 v48, $0x3;
	v51 =	vadd.s32 v9, v40;
	[tilespmem:v39+s23+$0x0] =	vst.idx.msk $0xffff, v33;
	v49 =	vmul.f32 $8.000000000e+00, v53  }
0x4d2: {  	v46 =	vshll.u32 v46, v1;
	v54 =	vadd.s32 v10, v40;
	[tilespmem:v56+s23+$0x0] =	vst.idx.msk $0xffff, v62;
	v53 =	vld [tilespmem:s17+$0xFFFFFEC0];
	v52 =	vmul.f32 $8.000000000e+00, v55  }
0x4d3: {  	s18 =	sadd.s32 $0x4, s6;
	v46 =	vbroadcast v46, $0x0;
	v56 =	vadd.s32 v11, v40;
	v55 =	vmul.f32 $8.000000000e+00, v57;
	v57 =	vld [tilespmem:s17+$0xFFFFFED0];
	[tilespmem:v58+s23+$0x0] =	vst.idx.msk $0xffff, v49  }
0x4d4: {  	v59 =	vadd.s32 v12, v40;
	[tilespmem:v60+s23+$0x0] =	vst.idx.msk $0xffff, v52;
	v58 =	vmul.f32 $8.000000000e+00, v61;
	v60 =	vld [tilespmem:s17+$0xFFFFFEE0];
	v61 =	vmov s18  }
0x4d5: {  	v48 =	vadd.s32 v13, v46;
	[tilespmem:v43+s23+$0x0] =	vst.idx.msk $0xffff, v55;
	v62 =	vmul.f32 $8.000000000e+00, v63;
	v63 =	vld [tilespmem:s17+$0xFFFFFEF0];
	v40 =	vshrl.u32 v61, $0x3  }
0x4d6: {  	v49 =	vmul.f32 $8.000000000e+00, v50;
	v50 =	vld [tilespmem:s17+$0xFFFFFF00];
	[tilespmem:v51+s23+$0x0] =	vst.idx.msk $0xffff, v58;
	v51 =	vadd.s32 v14, v46;
	v40 =	vshll.u32 v40, v1  }
0x4d7: {  	s19 =	sadd.s32 $0x5, s6;
	v52 =	vmul.f32 $8.000000000e+00, v53;
	v53 =	vadd.s32 v15, v46;
	[tilespmem:v54+s23+$0x0] =	vst.idx.msk $0xffff, v62;
	v54 =	vld [tilespmem:s17+$0xFFFFFF10];
	v40 =	vbroadcast v40, $0x0  }
0x4d8: {  	v58 =	vmov s19;
	v55 =	vmul.f32 $8.000000000e+00, v57;
	v57 =	vld [tilespmem:s17+$0xFFFFFF20];
	[tilespmem:v56+s23+$0x0] =	vst.idx.msk $0xffff, v49;
	v56 =	vadd.s32 v16, v46  }
0x4d9: {  	v46 =	vshrl.u32 v58, $0x3;
	[tilespmem:v59+s23+$0x0] =	vst.idx.msk $0xffff, v52;
	v59 =	vmul.f32 $8.000000000e+00, v60;
	v60 =	vld [tilespmem:s17+$0xFFFFFF30];
	v61 =	vadd.s32 v17, v40  }
0x4da: {  	[tilespmem:v48+s23+$0x0] =	vst.idx.msk $0xffff, v55;
	v48 =	vadd.s32 v18, v40;
	v46 =	vshll.u32 v46, v1;
	v62 =	vmul.f32 $8.000000000e+00, v63;
	v63 =	vld [tilespmem:s17+$0xFFFFFF40]  }
0x4db: {  	s31 =	sadd.s32 $0x6, s6;
	v49 =	vmul.f32 $8.000000000e+00, v50;
	v50 =	vadd.s32 v19, v40;
	v46 =	vbroadcast v46, $0x0;
	[tilespmem:v51+s23+$0x0] =	vst.idx.msk $0xffff, v59;
	v51 =	vld [tilespmem:s17+$0xFFFFFF50]  }
0x4dc: {  	v40 =	vadd.s32 v20, v40;
	[tilespmem:v53+s23+$0x0] =	vst.idx.msk $0xffff, v62;
	v52 =	vmul.f32 $8.000000000e+00, v54;
	v53 =	vld [tilespmem:s17+$0xFFFFFF60];
	v54 =	vmov s31  }
0x4dd: {  	v55 =	vmul.f32 $8.000000000e+00, v57;
	v57 =	vadd.s32 v21, v46;
	[tilespmem:v56+s23+$0x0] =	vst.idx.msk $0xffff, v49;
	v56 =	vld [tilespmem:s17+$0xFFFFFF70];
	v44 =	vshrl.u32 v54, $0x3  }
0x4de: {  	v59 =	vld [tilespmem:s17+$0xFFFFFF80];
	[tilespmem:v61+s23+$0x0] =	vst.idx.msk $0xffff, v52;
	v58 =	vmul.f32 $8.000000000e+00, v60;
	v60 =	vadd.s32 v22, v46;
	v44 =	vshll.u32 v44, v1  }
0x4df: {  	v62 =	vadd.s32 v23, v46;
	[tilespmem:v48+s23+$0x0] =	vst.idx.msk $0xffff, v55;
	v61 =	vmul.f32 $8.000000000e+00, v63;
	v63 =	vld [tilespmem:s17+$0xFFFFFF90];
	v44 =	vbroadcast v44, $0x0  }
0x4e0: {  	v49 =	vadd.s32 v24, v46;
	[tilespmem:v50+s23+$0x0] =	vst.idx.msk $0xffff, v58;
	v48 =	vmul.f32 $8.000000000e+00, v51;
	v50 =	vld [tilespmem:s17+$0xFFFFFFA0]  }
0x4e1: {  	v52 =	vld [tilespmem:s17+$0xFFFFFFB0];
	[tilespmem:v40+s23+$0x0] =	vst.idx.msk $0xffff, v61;
	v51 =	vmul.f32 $8.000000000e+00, v53;
	v53 =	vadd.s32 v25, v44  }
0x4e2: {  	v55 =	vld [tilespmem:s17+$0xFFFFFFC0];
	[tilespmem:v57+s23+$0x0] =	vst.idx.msk $0xffff, v48;
	v54 =	vmul.f32 $8.000000000e+00, v56;
	v56 =	vadd.s32 v26, v44  }
0x4e3: {  	v58 =	vadd.s32 v27, v44;
	v57 =	vmul.f32 $8.000000000e+00, v59;
	[tilespmem:v60+s23+$0x0] =	vst.idx.msk $0xffff, v51  }
0x4e4: {  	v60 =	vadd.s32 v28, v44;
	[tilespmem:v62+s23+$0x0] =	vst.idx.msk $0xffff, v54;
	v59 =	vmul.f32 $8.000000000e+00, v63  }
0x4e5: {  	[tilespmem:v49+s23+$0x0] =	vst.idx.msk $0xffff, v57;
	v61 =	vmul.f32 $8.000000000e+00, v50  }
0x4e6: {  	v62 =	vmul.f32 $8.000000000e+00, v52;
	[tilespmem:v53+s23+$0x0] =	vst.idx.msk $0xffff, v59  }
0x4e7: {  	v63 =	vmul.f32 $8.000000000e+00, v55;
	[tilespmem:v56+s23+$0x0] =	vst.idx.msk $0xffff, v61  }
0x4e8: {  	[tilespmem:v58+s23+$0x0] =	vst.idx.msk $0xffff, v62  }
0x4e9: {  	s6 =	simm.s32 $0x18600;
	s2 =	sadd.s32 s0, s13;
	[tilespmem:v60+s23+$0x0] =	vst.idx.msk $0xffff, v63  }
0x4ea: {  	[hbm4b:s2+s3] =	stream.linear.scatter [tilespmem:s6], [sflag:$0x6], $0x80, $0x38;
	[tilespmem:$0x1A800] =	vst v63  }
0x4eb: {  	s14 =	simm.s32 $0x18688;
	s15 =	sadd.s32 $0x10, s2  }
0x4ec: {  	[hbm4b:s15+s3] =	stream.linear.scatter [tilespmem:s14], [sflag:$0x6], $0x80, $0x38;
	[tilespmem:$0x1A800] =	vst v63  }
0x4ed: {  	s0 =	simm.s32 $0x440;
	s18 =	sadd.s32 $0x20, s2;
	s17 =	simm.s32 $0x18710  }
0x4ee: {  	[hbm4b:s18+s3] =	stream.linear.scatter [tilespmem:s17], [sflag:$0x6], $0x80, $0x38;
	[tilespmem:$0x1A800] =	vst v63  }
0x4ef: {  	s19 =	simm.s32 $0x18798;
	s31 =	sadd.s32 $0x30, s2;
	s6 =	sadd.s32 $0x1000, s2  }
0x4f0: {  	[hbm4b:s31+s3] =	stream.linear.scatter [tilespmem:s19], [sflag:$0x6], $0x80, $0x38;
	[tilespmem:$0x1A800] =	vst v63  }
0x4f1: {  	s14 =	simm.s32 $0x18820;
	s15 =	sadd.s32 $0x40, s2;
	s17 =	simm.s32 $0x188A8  }
0x4f2: {  	[hbm4b:s15+s3] =	stream.linear.scatter [tilespmem:s14], [sflag:$0x6], $0x80, $0x38;
	[tilespmem:$0x1A800] =	vst v63  }
0x4f3: {  	s18 =	sadd.s32 $0x50, s2;
	s19 =	simm.s32 $0x18930;
	s31 =	sadd.s32 $0x60, s2  }
0x4f4: {  	[hbm4b:s18+s3] =	stream.linear.scatter [tilespmem:s17], [sflag:$0x6], $0x80, $0x38;
	[tilespmem:$0x1A800] =	vst v63  }
0x4f5: {  	s14 =	simm.s32 $0x2200;
	s15 =	simm.s32 $0x189B8;
	s17 =	sadd.s32 $0x70, s2  }
0x4f6: {  	[hbm4b:s31+s3] =	stream.linear.scatter [tilespmem:s19], [sflag:$0x6], $0x80, $0x38;
	[tilespmem:$0x1A800] =	vst v63  }
.LBB2_33:
0x4f7: {  	[hbm4b:s17+s3] =	stream.linear.scatter [tilespmem:s15], [sflag:$0x6], $0x80, $0x38;
	[tilespmem:$0x1A800] =	vst v63  }
0x4f8: {  	s2 =	smov.u32 s0;
	s0 =	smov.u32 s14  }
0x4f9: {  	s18 =	sadd.s32 $0x1100, s14;
	s0 =	sshra.s32 s0, $0x2;
	s15 =	sadd.s32 $0x18600, s2  }
0x4fa: {  	[hbm4b:s6+s3] =	stream.linear.scatter [tilespmem:s15], [sflag:$0x6], $0x80, $0x38;
	[tilespmem:$0x1A800] =	vst v63  }
0x4fb: {  	p1 =	sne.s32 s14, $0x7700;
	s14 =	sadd.s32 $0x18688, s2;
	s15 =	sadd.s32 $0x10, s6  }
0x4fc: {  	[hbm4b:s15+s3] =	stream.linear.scatter [tilespmem:s14], [sflag:$0x6], $0x80, $0x38;
	[tilespmem:$0x1A800] =	vst v63  }
0x4fd: {  	s14 =	sadd.s32 $0x18710, s2;
	s15 =	sadd.s32 $0x20, s6  }
0x4fe: {  	[hbm4b:s15+s3] =	stream.linear.scatter [tilespmem:s14], [sflag:$0x6], $0x80, $0x38;
	[tilespmem:$0x1A800] =	vst v63  }
0x4ff: {  	s14 =	sadd.s32 $0x18798, s2;
	s15 =	sadd.s32 $0x30, s6  }
0x500: {  	[hbm4b:s15+s3] =	stream.linear.scatter [tilespmem:s14], [sflag:$0x6], $0x80, $0x38;
	[tilespmem:$0x1A800] =	vst v63  }
0x501: {  	s14 =	sadd.s32 $0x18820, s2;
	s15 =	sadd.s32 $0x40, s6  }
0x502: {  	[hbm4b:s15+s3] =	stream.linear.scatter [tilespmem:s14], [sflag:$0x6], $0x80, $0x38;
	[tilespmem:$0x1A800] =	vst v63  }
.Ltmp17:
0x503: {  	s14 =	sadd.s32 $0x188A8, s2;
	s15 =	sadd.s32 $0x50, s6;
	(pc) =	sbr.rel @p1 .LBB2_33-.Ltmp17, $4  }
0x504: {  	[hbm4b:s15+s3] =	stream.linear.scatter [tilespmem:s14], [sflag:$0x6], $0x80, $0x38;
	[tilespmem:$0x1A800] =	vst v63  }
0x505: {  	s17 =	sadd.s32 $0x70, s6;
	s14 =	sadd.s32 $0x18930, s2;
	s15 =	sadd.s32 $0x60, s6  }
0x506: {  	[hbm4b:s15+s3] =	stream.linear.scatter [tilespmem:s14], [sflag:$0x6], $0x80, $0x38;
	[tilespmem:$0x1A800] =	vst v63  }
0x507: {  	s6 =	sadd.s32 $0x1000, s6;
	s15 =	sadd.s32 $0x189B8, s2;
	s14 =	smov.u32 s18  }
0x508: {  	[hbm4b:s17+s3] =	stream.linear.scatter [tilespmem:s15], [sflag:$0x6], $0x80, $0x38;
	[tilespmem:$0x1A800] =	vst v63  }
0x509: {  	s2 =	sadd.s32 $0x18600, s0  }
0x50a: {  	[hbm4b:s6+s3] =	stream.linear.scatter [tilespmem:s2], [sflag:$0x6], $0x80, $0x38;
	[tilespmem:$0x1A800] =	vst v63  }
0x50b: {  	s31 =	sadd.s32 $0x18688, s0;
	s14 =	sadd.s32 $0x10, s6  }
0x50c: {  	[hbm4b:s14+s3] =	stream.linear.scatter [tilespmem:s31], [sflag:$0x6], $0x80, $0x38;
	[tilespmem:$0x1A800] =	vst v63  }
0x50d: {  	s15 =	sadd.s32 $0x20, s6;
	s14 =	sadd.s32 $0x18710, s0  }
0x50e: {  	[hbm4b:s15+s3] =	stream.linear.scatter [tilespmem:s14], [sflag:$0x6], $0x80, $0x38;
	[tilespmem:$0x1A800] =	vst v63  }
0x50f: {  	s17 =	sadd.s32 $0x18798, s0;
	s18 =	sadd.s32 $0x30, s6  }
0x510: {  	[hbm4b:s18+s3] =	stream.linear.scatter [tilespmem:s17], [sflag:$0x6], $0x80, $0x38;
	[tilespmem:$0x1A800] =	vst v63  }
0x511: {  	s19 =	sadd.s32 $0x18820, s0;
	s31 =	sadd.s32 $0x40, s6  }
0x512: {  	[hbm4b:s31+s3] =	stream.linear.scatter [tilespmem:s19], [sflag:$0x6], $0x80, $0x38;
	[tilespmem:$0x1A800] =	vst v63  }
0x513: {  	s14 =	sadd.s32 $0x188A8, s0;
	s15 =	sadd.s32 $0x50, s6  }
0x514: {  	[hbm4b:s15+s3] =	stream.linear.scatter [tilespmem:s14], [sflag:$0x6], $0x80, $0x38;
	[tilespmem:$0x1A800] =	vst v63  }
.Ltmp18:
0x515: {  	_ = 	snop;
	(pc) =	sbr.rel @p0 .LBB2_36-.Ltmp18, $4  }
0x516: {  	s17 =	sadd.s32 $0x18930, s0;
	s18 =	sadd.s32 $0x60, s6  }
0x517: {  	[hbm4b:s18+s3] =	stream.linear.scatter [tilespmem:s17], [sflag:$0x6], $0x80, $0x38;
	[tilespmem:$0x1A800] =	vst v63  }
0x518: {  	s19 =	sadd.s32 $0x189B8, s0;
	s31 =	sadd.s32 $0x70, s6  }
0x519: {  	[hbm4b:s31+s3] =	stream.linear.scatter [tilespmem:s19], [sflag:$0x6], $0x80, $0x38;
	[tilespmem:$0x1A800] =	vst v63  }
.Ltmp19:
0x51a: {  	(pc) =	sbr.rel .LBB2_2-.Ltmp19, $4  }
0x51b: {  	s0 =	sshll.u32 s1, $0xA  }
0x51c: {  	s0 =	sand.u32 $0x3FFFFC00, s0  }
0x51d: {  	s2 =	simm.s32 $0xE400;
	s1 =	sadd.s32 $0x1, s1;
	s0 =	sadd.s32 $0x600, s0  }
0x51e: {  	[tilespmem:s2], [sflag:$0x3] =	stream.indirect.gather [hbm4b:s4+s16], $0x40, s0, s16, $0xb8;
	[tilespmem:$0x1A800] =	vst v63  }
.LBB2_37:
0x51f: {  	_ =	sfence.sel $0x180000  }
0x520: {  	[bflag:$0x0] =	sbarrier.arrive $0xFFFF  }
0x521: {  	_ =	strace $0x90000047  }
0x522: {  	s0 =	stileid.u32;
	[bflag:$0x2] =	sbarrier.arrive $0xFFFF  }
0x523: {  	p0 =	sne.s32 s0, $0x0;
	s0 =	rddreg [dreg:$0x3]  }
0x524: {  	s0 =	sadd.s32 @!p0 $0x100000, s0  }
0x525: {  	[sflag:s0] =	ssyncadd.tile.s32 @!p0 $0x1;
	_ =	shalt  }
.Lfunc_end2:
_tile_overlayer_lowered:
.L_overlay_start_2:
0x526: {  	(tag) =	ssettag $0x2  }
0x527: {  	s0 =	rddreg [dreg:$0x0];
	s2 =	stileid.u32  }
0x528: {  	s1 =	rddreg [dreg:$0x1];
	p0 =	sne.s32 s2, $0x0  }
0x529: {  	s3 =	rddreg [dreg:$0x2];
	[bflag:$0x3] =	sbarrier.arrive $0xFFFF;
	s2 =	simm.s32 @!p0 $0x1C07  }
0x52a: {  	[timem:s3], [sflag:s2] =	dma.local @!p0 [hbm:s0], s1  }
0x52b: {  	s0 =	simm.s32 @!p0 $0x7  }
0x52c: {  	_ =	swait.ge @!p0 [sflag:s0], s1  }
0x52d: {  	s1 =	ssub.s32 @!p0 $0x0, s1;
	[sflag:s0] =	ssyncset.done @!p0 $0x0  }
0x52e: {  	[sflag:s0] =	ssyncadd.s32 @!p0 s1  }
0x52f: {  	[bflag:$0x3] =	sbarrier.arrive $0xFFFF  }
0x530: {  	_ =	shalt  }

</sc_bundles>
